<compile_context>
chip_gen: v7x
topology: tpu7x:2x2x1
jax: 0.10.2.dev20260603
libtpu: 0.0.44.dev20260713+nightly
codegen_flags: <defaults>
</compile_context>

<pallas_src>
import functools

import jax
import jax.numpy as jnp
from jax import lax
from jax.experimental import pallas as pl
from jax.experimental.pallas import tpu as pltpu
from jax.experimental.pallas import tpu_sc as plsc

NC = 2
NS = 16
NW = NC * NS
L = 16
NPER = 128


def _make_kernel(B, D, NM):
    bpw = B // NW
    n_chunk = bpw // NPER
    grp_per_chunk = NPER // L

    mesh = plsc.VectorSubcoreMesh(core_axis_name="c", subcore_axis_name="s")

    @functools.partial(
        pl.kernel,
        out_type=jax.ShapeDtypeStruct((B, 3), jnp.float32),
        mesh=mesh,
        compiler_params=pltpu.CompilerParams(
            needs_layout_passes=False, use_tc_tiling_on_sc=False),
        scratch_types=[
            pltpu.VMEM((n_chunk, 3, NPER), jnp.int32),
            pltpu.VMEM((bpw, D), jnp.float32),
            pltpu.VMEM((NM, D), jnp.float32),
            pltpu.VMEM_SHARED((NM, D), jnp.float32),
            pltpu.VMEM((n_chunk, NPER), jnp.float32),
            pltpu.VMEM((bpw, 3), jnp.float32),
            pltpu.SemaphoreType.DMA((4,)),
        ],
    )
    def btd_kernel(idx_hbm, u_hbm, v_hbm, ll_hbm, out_hbm,
                   idx_v, u_r, v_l, v_sh, ll_v, out_v, sems):
        cid = lax.axis_index("c")
        sid = lax.axis_index("s")
        wid = sid * NC + cid
        base = wid * bpw

        @pl.when(sid == 0)
        def _():
            pltpu.sync_copy(v_hbm, v_sh)

        pltpu.sync_copy(idx_hbm.at[pl.ds(wid * n_chunk, n_chunk)], idx_v)

        copies = []
        for ch in range(n_chunk):
            dsl = pl.ds(ch * NPER, NPER)
            copies.append(
                (pltpu.async_copy(u_hbm.at[idx_v.at[ch, 0]],
                                  u_r.at[dsl], sems.at[ch]),
                 pltpu.async_copy(ll_hbm.at[idx_v.at[ch, 0]],
                                  ll_v.at[ch], sems.at[ch])))

        plsc.subcore_barrier()
        pltpu.sync_copy(v_sh, v_l)

        one16 = jnp.full((L,), 1, jnp.int32)
        two16 = jnp.full((L,), 2, jnp.int32)

        for ch in range(n_chunk):
            for cp in copies[ch]:
                cp.wait()

            @pl.loop(0, grp_per_chunk)
            def _(gg, _ch=ch):
                chv = jnp.full((L,), _ch, jnp.int32)
                pos = gg * L + lax.iota(jnp.int32, L)
                rows = _ch * NPER + pos
                jv = plsc.load_gather(idx_v, [chv, one16, pos])
                kv = plsc.load_gather(idx_v, [chv, two16, pos])
                llv = plsc.load_gather(ll_v, [chv, pos])
                accj = jnp.zeros((L,), jnp.float32)
                acck = jnp.zeros((L,), jnp.float32)
                for d in range(D):
                    dv = jnp.full((L,), d, jnp.int32)
                    uu = plsc.load_gather(u_r, [rows, dv])
                    vj = plsc.load_gather(v_l, [jv, dv])
                    vk = plsc.load_gather(v_l, [kv, dv])
                    accj = accj + uu * vj
                    acck = acck + uu * vk
                tie = llv + 0.5 * (accj + acck)
                zero16 = jnp.zeros((L,), jnp.int32)
                plsc.store_scatter(out_v, [rows, zero16], tie)
                plsc.store_scatter(out_v, [rows, zero16 + 1], accj)
                plsc.store_scatter(out_v, [rows, zero16 + 2], acck)

        pltpu.sync_copy(out_v, out_hbm.at[pl.ds(base, bpw)])

    return btd_kernel


@jax.jit
def kernel(c, i, j, k, u, v, log_lambda):
    B = c.shape[0]
    D = u.shape[1]
    NM = v.shape[0]
    run = _make_kernel(B, D, NM)
    row_idx = c.astype(jnp.int32) * NM + i.astype(jnp.int32)
    idx = jnp.stack([row_idx.reshape(B // NPER, NPER),
                     j.astype(jnp.int32).reshape(B // NPER, NPER),
                     k.astype(jnp.int32).reshape(B // NPER, NPER)], axis=1)
    return run(idx, u, v, log_lambda.reshape(-1))

# --- scband reference (transcript-rebuilt; emitter-appended) ---
"""Pipeline reference for scband-criteria-vector-btd-38122129719993 (READ-ONLY COPY).

The authoritative reference and input builder live on the scoring server;
editing this copy changes nothing except your own understanding.
"""

import jax, jax.numpy as jnp
import numpy as np

NUM_CRITERIA = 100
NUM_MODELS = 1000
D = 64
B = 16384


def setup_inputs(seed: int = 0) -> dict:
    key = jax.random.key(seed)
    k1, k2, k3, k4, k5, k6 = jax.random.split(key, 6)
    c = jax.random.randint(k1, (B,), 0, NUM_CRITERIA)
    i = jax.random.randint(k2, (B,), 0, NUM_MODELS)
    j = jax.random.randint(k3, (B,), 0, NUM_MODELS)
    kk = jax.random.randint(k4, (B,), 0, NUM_MODELS)
    u = jax.random.normal(k5, (NUM_CRITERIA * NUM_MODELS, D), dtype=jnp.float32) * 0.1
    v = jax.random.normal(k6, (NUM_MODELS, D), dtype=jnp.float32) * 0.1
    log_lambda = jnp.zeros((NUM_CRITERIA * NUM_MODELS, 1), dtype=jnp.float32)
    return {"c": c, "i": i, "j": j, "k": kk, "u": u, "v": v, "log_lambda": log_lambda}


def reference(c, i, j, k, u, v, log_lambda):
    num_models = v.shape[0]
    row_idx = c * num_models + i
    u_i = jnp.take(u, row_idx, axis=0)
    v_j = jnp.take(v, j, axis=0)
    v_k = jnp.take(v, k, axis=0)
    score_j = jnp.sum(u_i * v_j, axis=-1)
    score_k = jnp.sum(u_i * v_k, axis=-1)
    log_lambda_i = jnp.take(log_lambda, row_idx, axis=0).squeeze(-1)
    tie_logit = log_lambda_i + 0.5 * (score_j + score_k)
    logits = jnp.stack([tie_logit, score_j, score_k], axis=1)
    return logits

if __name__ == "__main__":
    import jax
    _d = setup_inputs()
    print(jax.jit(kernel)(*tuple(_d.values())))

</pallas_src>

<mosaic_0001>
#map = affine_map<(d0, d1) -> (0, 0, 0)>
#map1 = affine_map<(d0, d1) -> (0, 0)>
#map2 = affine_map<(d0, d1) -> (0)>
module attributes {stable_mosaic.version = 14 : i64} {
  func.func @btd_kernel(%arg0: i32, %arg1: i32, %arg2: memref<128x3x128xi32, #tpu.memory_space<hbm>>, %arg3: memref<100000x64xf32, #tpu.memory_space<hbm>>, %arg4: memref<1000x64xf32, #tpu.memory_space<hbm>>, %arg5: memref<100000xf32, #tpu.memory_space<hbm>>, %arg6: memref<16384x3xf32, #tpu.memory_space<hbm>>, %arg7: memref<4x3x128xi32, #tpu.memory_space<vmem>>, %arg8: memref<512x64xf32, #tpu.memory_space<vmem>>, %arg9: memref<1000x64xf32, #tpu.memory_space<vmem>>, %arg10: memref<1000x64xf32, #tpu.memory_space<vmem_shared>>, %arg11: memref<4x128xf32, #tpu.memory_space<vmem>>, %arg12: memref<512x3xf32, #tpu.memory_space<vmem>>, %arg13: memref<4x!tpu.dma_semaphore, #tpu.memory_space<semaphore_mem>>) attributes {dimension_semantics = [#tpu.dimension_semantics<core_parallel>, #tpu.dimension_semantics<subcore_parallel>], iteration_bounds = array<i64: 2, 16>, scalar_prefetch = 0 : i64, scratch_operands = 7 : i64, tpu.core_type = #tpu.core_type<sc_vector_subcore>, window_params = [{transform_indices = #map}, {transform_indices = #map1}, {transform_indices = #map1}, {transform_indices = #map2}, {transform_indices = #map1}]} {
    %mul3A = arith.constant 2 : i32
    %mul3A_0 = arith.muli %arg1, %mul3A : i32
    %add3A = arith.addi %mul3A_0, %arg0 : i32
    %mul3A_1 = arith.constant 512 : i32
    %mul3A_2 = arith.muli %add3A, %mul3A_1 : i32
    %eq3A = arith.constant 0 : i32
    %eq3A_3 = arith.cmpi eq, %arg1, %eq3A : i32
    %convert_element_type3A = arith.extui %eq3A_3 : i1 to i32
    %cond3A = arith.constant 0 : i32
    %cond3A_4 = arith.cmpi ne, %convert_element_type3A, %cond3A : i32
    scf.if %cond3A_4 {
      "tpu.region"() ({
        %run_scoped3A = tpu.sem_alloc : memref<!tpu.dma_semaphore, #tpu.memory_space<semaphore_mem>>
        tpu.enqueue_dma source(%arg4 : memref<1000x64xf32, #tpu.memory_space<hbm>>) target(%arg10 : memref<1000x64xf32, #tpu.memory_space<vmem_shared>>) target_semaphore(%run_scoped3A : memref<!tpu.dma_semaphore, #tpu.memory_space<semaphore_mem>>)
        tpu.wait_dma2 semaphore(%run_scoped3A : memref<!tpu.dma_semaphore, #tpu.memory_space<semaphore_mem>>) src(%arg4 : memref<1000x64xf32, #tpu.memory_space<hbm>>) dst(%arg10 : memref<1000x64xf32, #tpu.memory_space<vmem_shared>>)
        tpu.yield
      }) : () -> ()
    } else {
    }
    %mul3A_5 = arith.constant 4 : i32
    %mul3A_6 = arith.muli %add3A, %mul3A_5 : i32
    "tpu.region"() ({
      %run_scoped3A = tpu.sem_alloc : memref<!tpu.dma_semaphore, #tpu.memory_space<semaphore_mem>>
      %dma_start3A_251 = arith.constant 0 : i32
      %dma_start3A_252 = arith.constant 0 : i32
      %dma_start3A_253 = tpu.memref_slice %arg2[%mul3A_6, %dma_start3A_251, %dma_start3A_252] : memref<128x3x128xi32, #tpu.memory_space<hbm>> -> memref<4x3x128xi32, #tpu.memory_space<hbm>>
      %dma_start3A_254 = arith.constant 0 : i32
      %dma_start3A_255 = arith.constant 0 : i32
      %dma_start3A_256 = tpu.memref_slice %arg2[%mul3A_6, %dma_start3A_254, %dma_start3A_255] : memref<128x3x128xi32, #tpu.memory_space<hbm>> -> memref<4x3x128xi32, #tpu.memory_space<hbm>>
      tpu.enqueue_dma source(%dma_start3A_256 : memref<4x3x128xi32, #tpu.memory_space<hbm>>) target(%arg7 : memref<4x3x128xi32, #tpu.memory_space<vmem>>) target_semaphore(%run_scoped3A : memref<!tpu.dma_semaphore, #tpu.memory_space<semaphore_mem>>)
      %dma_wait3A_257 = arith.constant 0 : i32
      %dma_wait3A_258 = arith.constant 0 : i32
      %dma_wait3A_259 = tpu.memref_slice %arg2[%mul3A_6, %dma_wait3A_257, %dma_wait3A_258] : memref<128x3x128xi32, #tpu.memory_space<hbm>> -> memref<4x3x128xi32, #tpu.memory_space<hbm>>
      %dma_wait3A_260 = arith.constant 0 : i32
      %dma_wait3A_261 = arith.constant 0 : i32
      %dma_wait3A_262 = tpu.memref_slice %arg2[%mul3A_6, %dma_wait3A_260, %dma_wait3A_261] : memref<128x3x128xi32, #tpu.memory_space<hbm>> -> memref<4x3x128xi32, #tpu.memory_space<hbm>>
      tpu.wait_dma2 semaphore(%run_scoped3A : memref<!tpu.dma_semaphore, #tpu.memory_space<semaphore_mem>>) src(%dma_wait3A_262 : memref<4x3x128xi32, #tpu.memory_space<hbm>>) dst(%arg7 : memref<4x3x128xi32, #tpu.memory_space<vmem>>)
      tpu.yield
    }) : () -> ()
    %dma_start3A = arith.constant 0 : i32
    %dma_start3A_7 = arith.constant 0 : i32
    %dma_start3A_8 = arith.constant 0 : i32
    %dma_start3A_9 = arith.constant 0 : i32
    %dma_start3A_10 = arith.constant 0 : i32
    %dma_start3A_11 = tpu.memref_slice %arg8[%dma_start3A_9, %dma_start3A_10] : memref<512x64xf32, #tpu.memory_space<vmem>> -> memref<128x64xf32, #tpu.memory_space<vmem>>
    %dma_start3A_12 = arith.constant 0 : i32
    %dma_start3A_13 = tpu.memref_slice %arg7[%dma_start3A, %dma_start3A_7, %dma_start3A_12] : memref<4x3x128xi32, #tpu.memory_space<vmem>> -> memref<1x1x128xi32, #tpu.memory_space<vmem>>
    %dma_start3A_14 = tpu.memref_squeeze %dma_start3A_13 : memref<1x1x128xi32, #tpu.memory_space<vmem>> -> memref<128xi32, #tpu.memory_space<vmem>>
    %dma_start3A_15 = arith.constant 0 : i32
    %dma_start3A_16 = arith.constant 0 : i32
    %dma_start3A_17 = tpu.memref_slice %arg3[%dma_start3A_15, %dma_start3A_16] : memref<100000x64xf32, #tpu.memory_space<hbm>> -> memref<100000x64xf32, #tpu.memory_space<hbm>>
    %dma_start3A_18 = tpu.memref_slice %arg13[%dma_start3A_8] : memref<4x!tpu.dma_semaphore, #tpu.memory_space<semaphore_mem>> -> memref<1x!tpu.dma_semaphore, #tpu.memory_space<semaphore_mem>>
    %dma_start3A_19 = tpu.memref_squeeze %dma_start3A_18 : memref<1x!tpu.dma_semaphore, #tpu.memory_space<semaphore_mem>> -> memref<!tpu.dma_semaphore, #tpu.memory_space<semaphore_mem>>
    tpu.enqueue_indirect_dma source(%dma_start3A_17 : memref<100000x64xf32, #tpu.memory_space<hbm>>) target(%dma_start3A_11 : memref<128x64xf32, #tpu.memory_space<vmem>>) offsets(%dma_start3A_14 : memref<128xi32, #tpu.memory_space<vmem>>) semaphore(%dma_start3A_19 : memref<!tpu.dma_semaphore, #tpu.memory_space<semaphore_mem>>)
    %dma_start3A_20 = arith.constant 0 : i32
    %dma_start3A_21 = arith.constant 0 : i32
    %dma_start3A_22 = arith.constant 0 : i32
    %dma_start3A_23 = arith.constant 0 : i32
    %dma_start3A_24 = arith.constant 0 : i32
    %dma_start3A_25 = tpu.memref_slice %arg11[%dma_start3A_22, %dma_start3A_24] : memref<4x128xf32, #tpu.memory_space<vmem>> -> memref<1x128xf32, #tpu.memory_space<vmem>>
    %dma_start3A_26 = tpu.memref_squeeze %dma_start3A_25 : memref<1x128xf32, #tpu.memory_space<vmem>> -> memref<128xf32, #tpu.memory_space<vmem>>
    %dma_start3A_27 = arith.constant 0 : i32
    %dma_start3A_28 = tpu.memref_slice %arg7[%dma_start3A_20, %dma_start3A_21, %dma_start3A_27] : memref<4x3x128xi32, #tpu.memory_space<vmem>> -> memref<1x1x128xi32, #tpu.memory_space<vmem>>
    %dma_start3A_29 = tpu.memref_squeeze %dma_start3A_28 : memref<1x1x128xi32, #tpu.memory_space<vmem>> -> memref<128xi32, #tpu.memory_space<vmem>>
    %dma_start3A_30 = arith.constant 0 : i32
    %dma_start3A_31 = tpu.memref_slice %arg5[%dma_start3A_30] : memref<100000xf32, #tpu.memory_space<hbm>> -> memref<100000xf32, #tpu.memory_space<hbm>>
    %dma_start3A_32 = tpu.memref_slice %arg13[%dma_start3A_23] : memref<4x!tpu.dma_semaphore, #tpu.memory_space<semaphore_mem>> -> memref<1x!tpu.dma_semaphore, #tpu.memory_space<semaphore_mem>>
    %dma_start3A_33 = tpu.memref_squeeze %dma_start3A_32 : memref<1x!tpu.dma_semaphore, #tpu.memory_space<semaphore_mem>> -> memref<!tpu.dma_semaphore, #tpu.memory_space<semaphore_mem>>
    tpu.enqueue_indirect_dma source(%dma_start3A_31 : memref<100000xf32, #tpu.memory_space<hbm>>) target(%dma_start3A_26 : memref<128xf32, #tpu.memory_space<vmem>>) offsets(%dma_start3A_29 : memref<128xi32, #tpu.memory_space<vmem>>) semaphore(%dma_start3A_33 : memref<!tpu.dma_semaphore, #tpu.memory_space<semaphore_mem>>)
    %dma_start3A_34 = arith.constant 1 : i32
    %dma_start3A_35 = arith.constant 0 : i32
    %dma_start3A_36 = arith.constant 1 : i32
    %dma_start3A_37 = arith.constant 128 : i32
    %dma_start3A_38 = arith.constant 0 : i32
    %dma_start3A_39 = tpu.memref_slice %arg8[%dma_start3A_37, %dma_start3A_38] : memref<512x64xf32, #tpu.memory_space<vmem>> -> memref<128x64xf32, #tpu.memory_space<vmem>>
    %dma_start3A_40 = arith.constant 0 : i32
    %dma_start3A_41 = tpu.memref_slice %arg7[%dma_start3A_34, %dma_start3A_35, %dma_start3A_40] : memref<4x3x128xi32, #tpu.memory_space<vmem>> -> memref<1x1x128xi32, #tpu.memory_space<vmem>>
    %dma_start3A_42 = tpu.memref_squeeze %dma_start3A_41 : memref<1x1x128xi32, #tpu.memory_space<vmem>> -> memref<128xi32, #tpu.memory_space<vmem>>
    %dma_start3A_43 = arith.constant 0 : i32
    %dma_start3A_44 = arith.constant 0 : i32
    %dma_start3A_45 = tpu.memref_slice %arg3[%dma_start3A_43, %dma_start3A_44] : memref<100000x64xf32, #tpu.memory_space<hbm>> -> memref<100000x64xf32, #tpu.memory_space<hbm>>
    %dma_start3A_46 = tpu.memref_slice %arg13[%dma_start3A_36] : memref<4x!tpu.dma_semaphore, #tpu.memory_space<semaphore_mem>> -> memref<1x!tpu.dma_semaphore, #tpu.memory_space<semaphore_mem>>
    %dma_start3A_47 = tpu.memref_squeeze %dma_start3A_46 : memref<1x!tpu.dma_semaphore, #tpu.memory_space<semaphore_mem>> -> memref<!tpu.dma_semaphore, #tpu.memory_space<semaphore_mem>>
    tpu.enqueue_indirect_dma source(%dma_start3A_45 : memref<100000x64xf32, #tpu.memory_space<hbm>>) target(%dma_start3A_39 : memref<128x64xf32, #tpu.memory_space<vmem>>) offsets(%dma_start3A_42 : memref<128xi32, #tpu.memory_space<vmem>>) semaphore(%dma_start3A_47 : memref<!tpu.dma_semaphore, #tpu.memory_space<semaphore_mem>>)
    %dma_start3A_48 = arith.constant 1 : i32
    %dma_start3A_49 = arith.constant 0 : i32
    %dma_start3A_50 = arith.constant 1 : i32
    %dma_start3A_51 = arith.constant 1 : i32
    %dma_start3A_52 = arith.constant 0 : i32
    %dma_start3A_53 = tpu.memref_slice %arg11[%dma_start3A_50, %dma_start3A_52] : memref<4x128xf32, #tpu.memory_space<vmem>> -> memref<1x128xf32, #tpu.memory_space<vmem>>
    %dma_start3A_54 = tpu.memref_squeeze %dma_start3A_53 : memref<1x128xf32, #tpu.memory_space<vmem>> -> memref<128xf32, #tpu.memory_space<vmem>>
    %dma_start3A_55 = arith.constant 0 : i32
    %dma_start3A_56 = tpu.memref_slice %arg7[%dma_start3A_48, %dma_start3A_49, %dma_start3A_55] : memref<4x3x128xi32, #tpu.memory_space<vmem>> -> memref<1x1x128xi32, #tpu.memory_space<vmem>>
    %dma_start3A_57 = tpu.memref_squeeze %dma_start3A_56 : memref<1x1x128xi32, #tpu.memory_space<vmem>> -> memref<128xi32, #tpu.memory_space<vmem>>
    %dma_start3A_58 = arith.constant 0 : i32
    %dma_start3A_59 = tpu.memref_slice %arg5[%dma_start3A_58] : memref<100000xf32, #tpu.memory_space<hbm>> -> memref<100000xf32, #tpu.memory_space<hbm>>
    %dma_start3A_60 = tpu.memref_slice %arg13[%dma_start3A_51] : memref<4x!tpu.dma_semaphore, #tpu.memory_space<semaphore_mem>> -> memref<1x!tpu.dma_semaphore, #tpu.memory_space<semaphore_mem>>
    %dma_start3A_61 = tpu.memref_squeeze %dma_start3A_60 : memref<1x!tpu.dma_semaphore, #tpu.memory_space<semaphore_mem>> -> memref<!tpu.dma_semaphore, #tpu.memory_space<semaphore_mem>>
    tpu.enqueue_indirect_dma source(%dma_start3A_59 : memref<100000xf32, #tpu.memory_space<hbm>>) target(%dma_start3A_54 : memref<128xf32, #tpu.memory_space<vmem>>) offsets(%dma_start3A_57 : memref<128xi32, #tpu.memory_space<vmem>>) semaphore(%dma_start3A_61 : memref<!tpu.dma_semaphore, #tpu.memory_space<semaphore_mem>>)
    %dma_start3A_62 = arith.constant 2 : i32
    %dma_start3A_63 = arith.constant 0 : i32
    %dma_start3A_64 = arith.constant 2 : i32
    %dma_start3A_65 = arith.constant 256 : i32
    %dma_start3A_66 = arith.constant 0 : i32
    %dma_start3A_67 = tpu.memref_slice %arg8[%dma_start3A_65, %dma_start3A_66] : memref<512x64xf32, #tpu.memory_space<vmem>> -> memref<128x64xf32, #tpu.memory_space<vmem>>
    %dma_start3A_68 = arith.constant 0 : i32
    %dma_start3A_69 = tpu.memref_slice %arg7[%dma_start3A_62, %dma_start3A_63, %dma_start3A_68] : memref<4x3x128xi32, #tpu.memory_space<vmem>> -> memref<1x1x128xi32, #tpu.memory_space<vmem>>
    %dma_start3A_70 = tpu.memref_squeeze %dma_start3A_69 : memref<1x1x128xi32, #tpu.memory_space<vmem>> -> memref<128xi32, #tpu.memory_space<vmem>>
    %dma_start3A_71 = arith.constant 0 : i32
    %dma_start3A_72 = arith.constant 0 : i32
    %dma_start3A_73 = tpu.memref_slice %arg3[%dma_start3A_71, %dma_start3A_72] : memref<100000x64xf32, #tpu.memory_space<hbm>> -> memref<100000x64xf32, #tpu.memory_space<hbm>>
    %dma_start3A_74 = tpu.memref_slice %arg13[%dma_start3A_64] : memref<4x!tpu.dma_semaphore, #tpu.memory_space<semaphore_mem>> -> memref<1x!tpu.dma_semaphore, #tpu.memory_space<semaphore_mem>>
    %dma_start3A_75 = tpu.memref_squeeze %dma_start3A_74 : memref<1x!tpu.dma_semaphore, #tpu.memory_space<semaphore_mem>> -> memref<!tpu.dma_semaphore, #tpu.memory_space<semaphore_mem>>
    tpu.enqueue_indirect_dma source(%dma_start3A_73 : memref<100000x64xf32, #tpu.memory_space<hbm>>) target(%dma_start3A_67 : memref<128x64xf32, #tpu.memory_space<vmem>>) offsets(%dma_start3A_70 : memref<128xi32, #tpu.memory_space<vmem>>) semaphore(%dma_start3A_75 : memref<!tpu.dma_semaphore, #tpu.memory_space<semaphore_mem>>)
    %dma_start3A_76 = arith.constant 2 : i32
    %dma_start3A_77 = arith.constant 0 : i32
    %dma_start3A_78 = arith.constant 2 : i32
    %dma_start3A_79 = arith.constant 2 : i32
    %dma_start3A_80 = arith.constant 0 : i32
    %dma_start3A_81 = tpu.memref_slice %arg11[%dma_start3A_78, %dma_start3A_80] : memref<4x128xf32, #tpu.memory_space<vmem>> -> memref<1x128xf32, #tpu.memory_space<vmem>>
    %dma_start3A_82 = tpu.memref_squeeze %dma_start3A_81 : memref<1x128xf32, #tpu.memory_space<vmem>> -> memref<128xf32, #tpu.memory_space<vmem>>
    %dma_start3A_83 = arith.constant 0 : i32
    %dma_start3A_84 = tpu.memref_slice %arg7[%dma_start3A_76, %dma_start3A_77, %dma_start3A_83] : memref<4x3x128xi32, #tpu.memory_space<vmem>> -> memref<1x1x128xi32, #tpu.memory_space<vmem>>
    %dma_start3A_85 = tpu.memref_squeeze %dma_start3A_84 : memref<1x1x128xi32, #tpu.memory_space<vmem>> -> memref<128xi32, #tpu.memory_space<vmem>>
    %dma_start3A_86 = arith.constant 0 : i32
    %dma_start3A_87 = tpu.memref_slice %arg5[%dma_start3A_86] : memref<100000xf32, #tpu.memory_space<hbm>> -> memref<100000xf32, #tpu.memory_space<hbm>>
    %dma_start3A_88 = tpu.memref_slice %arg13[%dma_start3A_79] : memref<4x!tpu.dma_semaphore, #tpu.memory_space<semaphore_mem>> -> memref<1x!tpu.dma_semaphore, #tpu.memory_space<semaphore_mem>>
    %dma_start3A_89 = tpu.memref_squeeze %dma_start3A_88 : memref<1x!tpu.dma_semaphore, #tpu.memory_space<semaphore_mem>> -> memref<!tpu.dma_semaphore, #tpu.memory_space<semaphore_mem>>
    tpu.enqueue_indirect_dma source(%dma_start3A_87 : memref<100000xf32, #tpu.memory_space<hbm>>) target(%dma_start3A_82 : memref<128xf32, #tpu.memory_space<vmem>>) offsets(%dma_start3A_85 : memref<128xi32, #tpu.memory_space<vmem>>) semaphore(%dma_start3A_89 : memref<!tpu.dma_semaphore, #tpu.memory_space<semaphore_mem>>)
    %dma_start3A_90 = arith.constant 3 : i32
    %dma_start3A_91 = arith.constant 0 : i32
    %dma_start3A_92 = arith.constant 3 : i32
    %dma_start3A_93 = arith.constant 384 : i32
    %dma_start3A_94 = arith.constant 0 : i32
    %dma_start3A_95 = tpu.memref_slice %arg8[%dma_start3A_93, %dma_start3A_94] : memref<512x64xf32, #tpu.memory_space<vmem>> -> memref<128x64xf32, #tpu.memory_space<vmem>>
    %dma_start3A_96 = arith.constant 0 : i32
    %dma_start3A_97 = tpu.memref_slice %arg7[%dma_start3A_90, %dma_start3A_91, %dma_start3A_96] : memref<4x3x128xi32, #tpu.memory_space<vmem>> -> memref<1x1x128xi32, #tpu.memory_space<vmem>>
    %dma_start3A_98 = tpu.memref_squeeze %dma_start3A_97 : memref<1x1x128xi32, #tpu.memory_space<vmem>> -> memref<128xi32, #tpu.memory_space<vmem>>
    %dma_start3A_99 = arith.constant 0 : i32
    %dma_start3A_100 = arith.constant 0 : i32
    %dma_start3A_101 = tpu.memref_slice %arg3[%dma_start3A_99, %dma_start3A_100] : memref<100000x64xf32, #tpu.memory_space<hbm>> -> memref<100000x64xf32, #tpu.memory_space<hbm>>
    %dma_start3A_102 = tpu.memref_slice %arg13[%dma_start3A_92] : memref<4x!tpu.dma_semaphore, #tpu.memory_space<semaphore_mem>> -> memref<1x!tpu.dma_semaphore, #tpu.memory_space<semaphore_mem>>
    %dma_start3A_103 = tpu.memref_squeeze %dma_start3A_102 : memref<1x!tpu.dma_semaphore, #tpu.memory_space<semaphore_mem>> -> memref<!tpu.dma_semaphore, #tpu.memory_space<semaphore_mem>>
    tpu.enqueue_indirect_dma source(%dma_start3A_101 : memref<100000x64xf32, #tpu.memory_space<hbm>>) target(%dma_start3A_95 : memref<128x64xf32, #tpu.memory_space<vmem>>) offsets(%dma_start3A_98 : memref<128xi32, #tpu.memory_space<vmem>>) semaphore(%dma_start3A_103 : memref<!tpu.dma_semaphore, #tpu.memory_space<semaphore_mem>>)
    %dma_start3A_104 = arith.constant 3 : i32
    %dma_start3A_105 = arith.constant 0 : i32
    %dma_start3A_106 = arith.constant 3 : i32
    %dma_start3A_107 = arith.constant 3 : i32
    %dma_start3A_108 = arith.constant 0 : i32
    %dma_start3A_109 = tpu.memref_slice %arg11[%dma_start3A_106, %dma_start3A_108] : memref<4x128xf32, #tpu.memory_space<vmem>> -> memref<1x128xf32, #tpu.memory_space<vmem>>
    %dma_start3A_110 = tpu.memref_squeeze %dma_start3A_109 : memref<1x128xf32, #tpu.memory_space<vmem>> -> memref<128xf32, #tpu.memory_space<vmem>>
    %dma_start3A_111 = arith.constant 0 : i32
    %dma_start3A_112 = tpu.memref_slice %arg7[%dma_start3A_104, %dma_start3A_105, %dma_start3A_111] : memref<4x3x128xi32, #tpu.memory_space<vmem>> -> memref<1x1x128xi32, #tpu.memory_space<vmem>>
    %dma_start3A_113 = tpu.memref_squeeze %dma_start3A_112 : memref<1x1x128xi32, #tpu.memory_space<vmem>> -> memref<128xi32, #tpu.memory_space<vmem>>
    %dma_start3A_114 = arith.constant 0 : i32
    %dma_start3A_115 = tpu.memref_slice %arg5[%dma_start3A_114] : memref<100000xf32, #tpu.memory_space<hbm>> -> memref<100000xf32, #tpu.memory_space<hbm>>
    %dma_start3A_116 = tpu.memref_slice %arg13[%dma_start3A_107] : memref<4x!tpu.dma_semaphore, #tpu.memory_space<semaphore_mem>> -> memref<1x!tpu.dma_semaphore, #tpu.memory_space<semaphore_mem>>
    %dma_start3A_117 = tpu.memref_squeeze %dma_start3A_116 : memref<1x!tpu.dma_semaphore, #tpu.memory_space<semaphore_mem>> -> memref<!tpu.dma_semaphore, #tpu.memory_space<semaphore_mem>>
    tpu.enqueue_indirect_dma source(%dma_start3A_115 : memref<100000xf32, #tpu.memory_space<hbm>>) target(%dma_start3A_110 : memref<128xf32, #tpu.memory_space<vmem>>) offsets(%dma_start3A_113 : memref<128xi32, #tpu.memory_space<vmem>>) semaphore(%dma_start3A_117 : memref<!tpu.dma_semaphore, #tpu.memory_space<semaphore_mem>>)
    %barrier3A = arith.constant 0 : index
    tpu.barrier barrier_id(%barrier3A)
    "tpu.region"() ({
      %run_scoped3A = tpu.sem_alloc : memref<!tpu.dma_semaphore, #tpu.memory_space<semaphore_mem>>
      tpu.enqueue_dma source(%arg10 : memref<1000x64xf32, #tpu.memory_space<vmem_shared>>) target(%arg9 : memref<1000x64xf32, #tpu.memory_space<vmem>>) target_semaphore(%run_scoped3A : memref<!tpu.dma_semaphore, #tpu.memory_space<semaphore_mem>>)
      tpu.wait_dma2 semaphore(%run_scoped3A : memref<!tpu.dma_semaphore, #tpu.memory_space<semaphore_mem>>) src(%arg10 : memref<1000x64xf32, #tpu.memory_space<vmem_shared>>) dst(%arg9 : memref<1000x64xf32, #tpu.memory_space<vmem>>)
      tpu.yield
    }) : () -> ()
    %broadcast_in_dim3A = arith.constant 1 : i32
    %broadcast_in_dim3A_118 = vector.broadcast %broadcast_in_dim3A : i32 to vector<16xi32>
    %broadcast_in_dim3A_119 = arith.constant 2 : i32
    %broadcast_in_dim3A_120 = vector.broadcast %broadcast_in_dim3A_119 : i32 to vector<16xi32>
    %dma_wait3A = arith.constant 0 : i32
    %dma_wait3A_121 = arith.constant 0 : i32
    %dma_wait3A_122 = arith.constant 0 : i32
    %dma_wait3A_123 = arith.constant 0 : i32
    %dma_wait3A_124 = arith.constant 0 : i32
    %dma_wait3A_125 = tpu.memref_slice %arg8[%dma_wait3A_123, %dma_wait3A_124] : memref<512x64xf32, #tpu.memory_space<vmem>> -> memref<128x64xf32, #tpu.memory_space<vmem>>
    %dma_wait3A_126 = arith.constant 0 : i32
    %dma_wait3A_127 = tpu.memref_slice %arg7[%dma_wait3A, %dma_wait3A_121, %dma_wait3A_126] : memref<4x3x128xi32, #tpu.memory_space<vmem>> -> memref<1x1x128xi32, #tpu.memory_space<vmem>>
    %dma_wait3A_128 = tpu.memref_squeeze %dma_wait3A_127 : memref<1x1x128xi32, #tpu.memory_space<vmem>> -> memref<128xi32, #tpu.memory_space<vmem>>
    %dma_wait3A_129 = arith.constant 0 : i32
    %dma_wait3A_130 = arith.constant 0 : i32
    %dma_wait3A_131 = tpu.memref_slice %arg3[%dma_wait3A_129, %dma_wait3A_130] : memref<100000x64xf32, #tpu.memory_space<hbm>> -> memref<100000x64xf32, #tpu.memory_space<hbm>>
    %dma_wait3A_132 = tpu.memref_slice %arg13[%dma_wait3A_122] : memref<4x!tpu.dma_semaphore, #tpu.memory_space<semaphore_mem>> -> memref<1x!tpu.dma_semaphore, #tpu.memory_space<semaphore_mem>>
    %dma_wait3A_133 = tpu.memref_squeeze %dma_wait3A_132 : memref<1x!tpu.dma_semaphore, #tpu.memory_space<semaphore_mem>> -> memref<!tpu.dma_semaphore, #tpu.memory_space<semaphore_mem>>
    tpu.wait_indirect_dma semaphore(%dma_wait3A_133 : memref<!tpu.dma_semaphore, #tpu.memory_space<semaphore_mem>>) src(%dma_wait3A_131 : memref<100000x64xf32, #tpu.memory_space<hbm>>) dst(%dma_wait3A_125 : memref<128x64xf32, #tpu.memory_space<vmem>>)
    %dma_wait3A_134 = arith.constant 0 : i32
    %dma_wait3A_135 = arith.constant 0 : i32
    %dma_wait3A_136 = arith.constant 0 : i32
    %dma_wait3A_137 = arith.constant 0 : i32
    %dma_wait3A_138 = arith.constant 0 : i32
    %dma_wait3A_139 = tpu.memref_slice %arg11[%dma_wait3A_136, %dma_wait3A_138] : memref<4x128xf32, #tpu.memory_space<vmem>> -> memref<1x128xf32, #tpu.memory_space<vmem>>
    %dma_wait3A_140 = tpu.memref_squeeze %dma_wait3A_139 : memref<1x128xf32, #tpu.memory_space<vmem>> -> memref<128xf32, #tpu.memory_space<vmem>>
    %dma_wait3A_141 = arith.constant 0 : i32
    %dma_wait3A_142 = tpu.memref_slice %arg7[%dma_wait3A_134, %dma_wait3A_135, %dma_wait3A_141] : memref<4x3x128xi32, #tpu.memory_space<vmem>> -> memref<1x1x128xi32, #tpu.memory_space<vmem>>
    %dma_wait3A_143 = tpu.memref_squeeze %dma_wait3A_142 : memref<1x1x128xi32, #tpu.memory_space<vmem>> -> memref<128xi32, #tpu.memory_space<vmem>>
    %dma_wait3A_144 = arith.constant 0 : i32
    %dma_wait3A_145 = tpu.memref_slice %arg5[%dma_wait3A_144] : memref<100000xf32, #tpu.memory_space<hbm>> -> memref<100000xf32, #tpu.memory_space<hbm>>
    %dma_wait3A_146 = tpu.memref_slice %arg13[%dma_wait3A_137] : memref<4x!tpu.dma_semaphore, #tpu.memory_space<semaphore_mem>> -> memref<1x!tpu.dma_semaphore, #tpu.memory_space<semaphore_mem>>
    %dma_wait3A_147 = tpu.memref_squeeze %dma_wait3A_146 : memref<1x!tpu.dma_semaphore, #tpu.memory_space<semaphore_mem>> -> memref<!tpu.dma_semaphore, #tpu.memory_space<semaphore_mem>>
    tpu.wait_indirect_dma semaphore(%dma_wait3A_147 : memref<!tpu.dma_semaphore, #tpu.memory_space<semaphore_mem>>) src(%dma_wait3A_145 : memref<100000xf32, #tpu.memory_space<hbm>>) dst(%dma_wait3A_140 : memref<128xf32, #tpu.memory_space<vmem>>)
    %scan3A = arith.constant 0 : i32
    %scan3A_148 = arith.constant 8 : i32
    %scan3A_149 = arith.addi %scan3A, %scan3A_148 : i32
    %scan3A_150 = arith.constant 1 : i32
    scf.for %scan3A_251 = %scan3A to %scan3A_149 step %scan3A_150  : i32 {
      %mul3A_252 = arith.constant 1 : i32
      %mul3A_253 = arith.muli %scan3A_251, %mul3A_252 : i32
      %add3A_254 = arith.constant 0 : i32
      %add3A_255 = arith.addi %add3A_254, %mul3A_253 : i32
      %broadcast_in_dim3A_256 = arith.constant 0 : i32
      %broadcast_in_dim3A_257 = vector.broadcast %broadcast_in_dim3A_256 : i32 to vector<16xi32>
      %mul3A_258 = arith.constant 16 : i32
      %mul3A_259 = arith.muli %add3A_255, %mul3A_258 : i32
      %iota3A = tpu.iota {dimensions = array<i32: 0>} : vector<16xi32>
      %add3A_260 = vector.broadcast %mul3A_259 : i32 to vector<16xi32>
      %add3A_261 = arith.addi %add3A_260, %iota3A : vector<16xi32>
      %add3A_262 = arith.constant 0 : i32
      %add3A_263 = vector.broadcast %add3A_262 : i32 to vector<16xi32>
      %add3A_264 = arith.addi %add3A_263, %add3A_261 : vector<16xi32>
      %gather3A = tpu.vector_load_idx %arg7[%broadcast_in_dim3A_257, %broadcast_in_dim3A_118, %add3A_261] : memref<4x3x128xi32, #tpu.memory_space<vmem>>[vector<16xi32>, vector<16xi32>, vector<16xi32>], vector<16xi32>,
      %gather3A_265 = tpu.vector_load_idx %arg7[%broadcast_in_dim3A_257, %broadcast_in_dim3A_120, %add3A_261] : memref<4x3x128xi32, #tpu.memory_space<vmem>>[vector<16xi32>, vector<16xi32>, vector<16xi32>], vector<16xi32>,
      %gather3A_266 = tpu.vector_load_idx %arg11[%broadcast_in_dim3A_257, %add3A_261] : memref<4x128xf32, #tpu.memory_space<vmem>>[vector<16xi32>, vector<16xi32>], vector<16xf32>,
      %broadcast_in_dim3A_267 = arith.constant 0.000000e+00 : f32
      %broadcast_in_dim3A_268 = vector.broadcast %broadcast_in_dim3A_267 : f32 to vector<16xf32>
      %broadcast_in_dim3A_269 = arith.constant 0.000000e+00 : f32
      %broadcast_in_dim3A_270 = vector.broadcast %broadcast_in_dim3A_269 : f32 to vector<16xf32>
      %broadcast_in_dim3A_271 = arith.constant 0 : i32
      %broadcast_in_dim3A_272 = vector.broadcast %broadcast_in_dim3A_271 : i32 to vector<16xi32>
      %gather3A_273 = tpu.vector_load_idx %arg8[%add3A_264, %broadcast_in_dim3A_272] : memref<512x64xf32, #tpu.memory_space<vmem>>[vector<16xi32>, vector<16xi32>], vector<16xf32>,
      %gather3A_274 = tpu.vector_load_idx %arg9[%gather3A, %broadcast_in_dim3A_272] : memref<1000x64xf32, #tpu.memory_space<vmem>>[vector<16xi32>, vector<16xi32>], vector<16xf32>,
      %gather3A_275 = tpu.vector_load_idx %arg9[%gather3A_265, %broadcast_in_dim3A_272] : memref<1000x64xf32, #tpu.memory_space<vmem>>[vector<16xi32>, vector<16xi32>], vector<16xf32>,
      %mul3A_276 = arith.mulf %gather3A_273, %gather3A_274 : vector<16xf32>
      %add3A_277 = arith.addf %broadcast_in_dim3A_268, %mul3A_276 : vector<16xf32>
      %mul3A_278 = arith.mulf %gather3A_273, %gather3A_275 : vector<16xf32>
      %add3A_279 = arith.addf %broadcast_in_dim3A_270, %mul3A_278 : vector<16xf32>
      %broadcast_in_dim3A_280 = arith.constant 1 : i32
      %broadcast_in_dim3A_281 = vector.broadcast %broadcast_in_dim3A_280 : i32 to vector<16xi32>
      %gather3A_282 = tpu.vector_load_idx %arg8[%add3A_264, %broadcast_in_dim3A_281] : memref<512x64xf32, #tpu.memory_space<vmem>>[vector<16xi32>, vector<16xi32>], vector<16xf32>,
      %gather3A_283 = tpu.vector_load_idx %arg9[%gather3A, %broadcast_in_dim3A_281] : memref<1000x64xf32, #tpu.memory_space<vmem>>[vector<16xi32>, vector<16xi32>], vector<16xf32>,
      %gather3A_284 = tpu.vector_load_idx %arg9[%gather3A_265, %broadcast_in_dim3A_281] : memref<1000x64xf32, #tpu.memory_space<vmem>>[vector<16xi32>, vector<16xi32>], vector<16xf32>,
      %mul3A_285 = arith.mulf %gather3A_282, %gather3A_283 : vector<16xf32>
      %add3A_286 = arith.addf %add3A_277, %mul3A_285 : vector<16xf32>
      %mul3A_287 = arith.mulf %gather3A_282, %gather3A_284 : vector<16xf32>
      %add3A_288 = arith.addf %add3A_279, %mul3A_287 : vector<16xf32>
      %broadcast_in_dim3A_289 = arith.constant 2 : i32
      %broadcast_in_dim3A_290 = vector.broadcast %broadcast_in_dim3A_289 : i32 to vector<16xi32>
      %gather3A_291 = tpu.vector_load_idx %arg8[%add3A_264, %broadcast_in_dim3A_290] : memref<512x64xf32, #tpu.memory_space<vmem>>[vector<16xi32>, vector<16xi32>], vector<16xf32>,
      %gather3A_292 = tpu.vector_load_idx %arg9[%gather3A, %broadcast_in_dim3A_290] : memref<1000x64xf32, #tpu.memory_space<vmem>>[vector<16xi32>, vector<16xi32>], vector<16xf32>,
      %gather3A_293 = tpu.vector_load_idx %arg9[%gather3A_265, %broadcast_in_dim3A_290] : memref<1000x64xf32, #tpu.memory_space<vmem>>[vector<16xi32>, vector<16xi32>], vector<16xf32>,
      %mul3A_294 = arith.mulf %gather3A_291, %gather3A_292 : vector<16xf32>
      %add3A_295 = arith.addf %add3A_286, %mul3A_294 : vector<16xf32>
      %mul3A_296 = arith.mulf %gather3A_291, %gather3A_293 : vector<16xf32>
      %add3A_297 = arith.addf %add3A_288, %mul3A_296 : vector<16xf32>
      %broadcast_in_dim3A_298 = arith.constant 3 : i32
      %broadcast_in_dim3A_299 = vector.broadcast %broadcast_in_dim3A_298 : i32 to vector<16xi32>
      %gather3A_300 = tpu.vector_load_idx %arg8[%add3A_264, %broadcast_in_dim3A_299] : memref<512x64xf32, #tpu.memory_space<vmem>>[vector<16xi32>, vector<16xi32>], vector<16xf32>,
      %gather3A_301 = tpu.vector_load_idx %arg9[%gather3A, %broadcast_in_dim3A_299] : memref<1000x64xf32, #tpu.memory_space<vmem>>[vector<16xi32>, vector<16xi32>], vector<16xf32>,
      %gather3A_302 = tpu.vector_load_idx %arg9[%gather3A_265, %broadcast_in_dim3A_299] : memref<1000x64xf32, #tpu.memory_space<vmem>>[vector<16xi32>, vector<16xi32>], vector<16xf32>,
      %mul3A_303 = arith.mulf %gather3A_300, %gather3A_301 : vector<16xf32>
      %add3A_304 = arith.addf %add3A_295, %mul3A_303 : vector<16xf32>
      %mul3A_305 = arith.mulf %gather3A_300, %gather3A_302 : vector<16xf32>
      %add3A_306 = arith.addf %add3A_297, %mul3A_305 : vector<16xf32>
      %broadcast_in_dim3A_307 = arith.constant 4 : i32
      %broadcast_in_dim3A_308 = vector.broadcast %broadcast_in_dim3A_307 : i32 to vector<16xi32>
      %gather3A_309 = tpu.vector_load_idx %arg8[%add3A_264, %broadcast_in_dim3A_308] : memref<512x64xf32, #tpu.memory_space<vmem>>[vector<16xi32>, vector<16xi32>], vector<16xf32>,
      %gather3A_310 = tpu.vector_load_idx %arg9[%gather3A, %broadcast_in_dim3A_308] : memref<1000x64xf32, #tpu.memory_space<vmem>>[vector<16xi32>, vector<16xi32>], vector<16xf32>,
      %gather3A_311 = tpu.vector_load_idx %arg9[%gather3A_265, %broadcast_in_dim3A_308] : memref<1000x64xf32, #tpu.memory_space<vmem>>[vector<16xi32>, vector<16xi32>], vector<16xf32>,
      %mul3A_312 = arith.mulf %gather3A_309, %gather3A_310 : vector<16xf32>
      %add3A_313 = arith.addf %add3A_304, %mul3A_312 : vector<16xf32>
      %mul3A_314 = arith.mulf %gather3A_309, %gather3A_311 : vector<16xf32>
      %add3A_315 = arith.addf %add3A_306, %mul3A_314 : vector<16xf32>
      %broadcast_in_dim3A_316 = arith.constant 5 : i32
      %broadcast_in_dim3A_317 = vector.broadcast %broadcast_in_dim3A_316 : i32 to vector<16xi32>
      %gather3A_318 = tpu.vector_load_idx %arg8[%add3A_264, %broadcast_in_dim3A_317] : memref<512x64xf32, #tpu.memory_space<vmem>>[vector<16xi32>, vector<16xi32>], vector<16xf32>,
      %gather3A_319 = tpu.vector_load_idx %arg9[%gather3A, %broadcast_in_dim3A_317] : memref<1000x64xf32, #tpu.memory_space<vmem>>[vector<16xi32>, vector<16xi32>], vector<16xf32>,
      %gather3A_320 = tpu.vector_load_idx %arg9[%gather3A_265, %broadcast_in_dim3A_317] : memref<1000x64xf32, #tpu.memory_space<vmem>>[vector<16xi32>, vector<16xi32>], vector<16xf32>,
      %mul3A_321 = arith.mulf %gather3A_318, %gather3A_319 : vector<16xf32>
      %add3A_322 = arith.addf %add3A_313, %mul3A_321 : vector<16xf32>
      %mul3A_323 = arith.mulf %gather3A_318, %gather3A_320 : vector<16xf32>
      %add3A_324 = arith.addf %add3A_315, %mul3A_323 : vector<16xf32>
      %broadcast_in_dim3A_325 = arith.constant 6 : i32
      %broadcast_in_dim3A_326 = vector.broadcast %broadcast_in_dim3A_325 : i32 to vector<16xi32>
      %gather3A_327 = tpu.vector_load_idx %arg8[%add3A_264, %broadcast_in_dim3A_326] : memref<512x64xf32, #tpu.memory_space<vmem>>[vector<16xi32>, vector<16xi32>], vector<16xf32>,
      %gather3A_328 = tpu.vector_load_idx %arg9[%gather3A, %broadcast_in_dim3A_326] : memref<1000x64xf32, #tpu.memory_space<vmem>>[vector<16xi32>, vector<16xi32>], vector<16xf32>,
      %gather3A_329 = tpu.vector_load_idx %arg9[%gather3A_265, %broadcast_in_dim3A_326] : memref<1000x64xf32, #tpu.memory_space<vmem>>[vector<16xi32>, vector<16xi32>], vector<16xf32>,
      %mul3A_330 = arith.mulf %gather3A_327, %gather3A_328 : vector<16xf32>
      %add3A_331 = arith.addf %add3A_322, %mul3A_330 : vector<16xf32>
      %mul3A_332 = arith.mulf %gather3A_327, %gather3A_329 : vector<16xf32>
      %add3A_333 = arith.addf %add3A_324, %mul3A_332 : vector<16xf32>
      %broadcast_in_dim3A_334 = arith.constant 7 : i32
      %broadcast_in_dim3A_335 = vector.broadcast %broadcast_in_dim3A_334 : i32 to vector<16xi32>
      %gather3A_336 = tpu.vector_load_idx %arg8[%add3A_264, %broadcast_in_dim3A_335] : memref<512x64xf32, #tpu.memory_space<vmem>>[vector<16xi32>, vector<16xi32>], vector<16xf32>,
      %gather3A_337 = tpu.vector_load_idx %arg9[%gather3A, %broadcast_in_dim3A_335] : memref<1000x64xf32, #tpu.memory_space<vmem>>[vector<16xi32>, vector<16xi32>], vector<16xf32>,
      %gather3A_338 = tpu.vector_load_idx %arg9[%gather3A_265, %broadcast_in_dim3A_335] : memref<1000x64xf32, #tpu.memory_space<vmem>>[vector<16xi32>, vector<16xi32>], vector<16xf32>,
      %mul3A_339 = arith.mulf %gather3A_336, %gather3A_337 : vector<16xf32>
      %add3A_340 = arith.addf %add3A_331, %mul3A_339 : vector<16xf32>
      %mul3A_341 = arith.mulf %gather3A_336, %gather3A_338 : vector<16xf32>
      %add3A_342 = arith.addf %add3A_333, %mul3A_341 : vector<16xf32>
      %broadcast_in_dim3A_343 = arith.constant 8 : i32
      %broadcast_in_dim3A_344 = vector.broadcast %broadcast_in_dim3A_343 : i32 to vector<16xi32>
      %gather3A_345 = tpu.vector_load_idx %arg8[%add3A_264, %broadcast_in_dim3A_344] : memref<512x64xf32, #tpu.memory_space<vmem>>[vector<16xi32>, vector<16xi32>], vector<16xf32>,
      %gather3A_346 = tpu.vector_load_idx %arg9[%gather3A, %broadcast_in_dim3A_344] : memref<1000x64xf32, #tpu.memory_space<vmem>>[vector<16xi32>, vector<16xi32>], vector<16xf32>,
      %gather3A_347 = tpu.vector_load_idx %arg9[%gather3A_265, %broadcast_in_dim3A_344] : memref<1000x64xf32, #tpu.memory_space<vmem>>[vector<16xi32>, vector<16xi32>], vector<16xf32>,
      %mul3A_348 = arith.mulf %gather3A_345, %gather3A_346 : vector<16xf32>
      %add3A_349 = arith.addf %add3A_340, %mul3A_348 : vector<16xf32>
      %mul3A_350 = arith.mulf %gather3A_345, %gather3A_347 : vector<16xf32>
      %add3A_351 = arith.addf %add3A_342, %mul3A_350 : vector<16xf32>
      %broadcast_in_dim3A_352 = arith.constant 9 : i32
      %broadcast_in_dim3A_353 = vector.broadcast %broadcast_in_dim3A_352 : i32 to vector<16xi32>
      %gather3A_354 = tpu.vector_load_idx %arg8[%add3A_264, %broadcast_in_dim3A_353] : memref<512x64xf32, #tpu.memory_space<vmem>>[vector<16xi32>, vector<16xi32>], vector<16xf32>,
      %gather3A_355 = tpu.vector_load_idx %arg9[%gather3A, %broadcast_in_dim3A_353] : memref<1000x64xf32, #tpu.memory_space<vmem>>[vector<16xi32>, vector<16xi32>], vector<16xf32>,
      %gather3A_356 = tpu.vector_load_idx %arg9[%gather3A_265, %broadcast_in_dim3A_353] : memref<1000x64xf32, #tpu.memory_space<vmem>>[vector<16xi32>, vector<16xi32>], vector<16xf32>,
      %mul3A_357 = arith.mulf %gather3A_354, %gather3A_355 : vector<16xf32>
      %add3A_358 = arith.addf %add3A_349, %mul3A_357 : vector<16xf32>
      %mul3A_359 = arith.mulf %gather3A_354, %gather3A_356 : vector<16xf32>
      %add3A_360 = arith.addf %add3A_351, %mul3A_359 : vector<16xf32>
      %broadcast_in_dim3A_361 = arith.constant 10 : i32
      %broadcast_in_dim3A_362 = vector.broadcast %broadcast_in_dim3A_361 : i32 to vector<16xi32>
      %gather3A_363 = tpu.vector_load_idx %arg8[%add3A_264, %broadcast_in_dim3A_362] : memref<512x64xf32, #tpu.memory_space<vmem>>[vector<16xi32>, vector<16xi32>], vector<16xf32>,
      %gather3A_364 = tpu.vector_load_idx %arg9[%gather3A, %broadcast_in_dim3A_362] : memref<1000x64xf32, #tpu.memory_space<vmem>>[vector<16xi32>, vector<16xi32>], vector<16xf32>,
      %gather3A_365 = tpu.vector_load_idx %arg9[%gather3A_265, %broadcast_in_dim3A_362] : memref<1000x64xf32, #tpu.memory_space<vmem>>[vector<16xi32>, vector<16xi32>], vector<16xf32>,
      %mul3A_366 = arith.mulf %gather3A_363, %gather3A_364 : vector<16xf32>
      %add3A_367 = arith.addf %add3A_358, %mul3A_366 : vector<16xf32>
      %mul3A_368 = arith.mulf %gather3A_363, %gather3A_365 : vector<16xf32>
      %add3A_369 = arith.addf %add3A_360, %mul3A_368 : vector<16xf32>
      %broadcast_in_dim3A_370 = arith.constant 11 : i32
      %broadcast_in_dim3A_371 = vector.broadcast %broadcast_in_dim3A_370 : i32 to vector<16xi32>
      %gather3A_372 = tpu.vector_load_idx %arg8[%add3A_264, %broadcast_in_dim3A_371] : memref<512x64xf32, #tpu.memory_space<vmem>>[vector<16xi32>, vector<16xi32>], vector<16xf32>,
      %gather3A_373 = tpu.vector_load_idx %arg9[%gather3A, %broadcast_in_dim3A_371] : memref<1000x64xf32, #tpu.memory_space<vmem>>[vector<16xi32>, vector<16xi32>], vector<16xf32>,
      %gather3A_374 = tpu.vector_load_idx %arg9[%gather3A_265, %broadcast_in_dim3A_371] : memref<1000x64xf32, #tpu.memory_space<vmem>>[vector<16xi32>, vector<16xi32>], vector<16xf32>,
      %mul3A_375 = arith.mulf %gather3A_372, %gather3A_373 : vector<16xf32>
      %add3A_376 = arith.addf %add3A_367, %mul3A_375 : vector<16xf32>
      %mul3A_377 = arith.mulf %gather3A_372, %gather3A_374 : vector<16xf32>
      %add3A_378 = arith.addf %add3A_369, %mul3A_377 : vector<16xf32>
      %broadcast_in_dim3A_379 = arith.constant 12 : i32
      %broadcast_in_dim3A_380 = vector.broadcast %broadcast_in_dim3A_379 : i32 to vector<16xi32>
      %gather3A_381 = tpu.vector_load_idx %arg8[%add3A_264, %broadcast_in_dim3A_380] : memref<512x64xf32, #tpu.memory_space<vmem>>[vector<16xi32>, vector<16xi32>], vector<16xf32>,
      %gather3A_382 = tpu.vector_load_idx %arg9[%gather3A, %broadcast_in_dim3A_380] : memref<1000x64xf32, #tpu.memory_space<vmem>>[vector<16xi32>, vector<16xi32>], vector<16xf32>,
      %gather3A_383 = tpu.vector_load_idx %arg9[%gather3A_265, %broadcast_in_dim3A_380] : memref<1000x64xf32, #tpu.memory_space<vmem>>[vector<16xi32>, vector<16xi32>], vector<16xf32>,
      %mul3A_384 = arith.mulf %gather3A_381, %gather3A_382 : vector<16xf32>
      %add3A_385 = arith.addf %add3A_376, %mul3A_384 : vector<16xf32>
      %mul3A_386 = arith.mulf %gather3A_381, %gather3A_383 : vector<16xf32>
      %add3A_387 = arith.addf %add3A_378, %mul3A_386 : vector<16xf32>
      %broadcast_in_dim3A_388 = arith.constant 13 : i32
      %broadcast_in_dim3A_389 = vector.broadcast %broadcast_in_dim3A_388 : i32 to vector<16xi32>
      %gather3A_390 = tpu.vector_load_idx %arg8[%add3A_264, %broadcast_in_dim3A_389] : memref<512x64xf32, #tpu.memory_space<vmem>>[vector<16xi32>, vector<16xi32>], vector<16xf32>,
      %gather3A_391 = tpu.vector_load_idx %arg9[%gather3A, %broadcast_in_dim3A_389] : memref<1000x64xf32, #tpu.memory_space<vmem>>[vector<16xi32>, vector<16xi32>], vector<16xf32>,
      %gather3A_392 = tpu.vector_load_idx %arg9[%gather3A_265, %broadcast_in_dim3A_389] : memref<1000x64xf32, #tpu.memory_space<vmem>>[vector<16xi32>, vector<16xi32>], vector<16xf32>,
      %mul3A_393 = arith.mulf %gather3A_390, %gather3A_391 : vector<16xf32>
      %add3A_394 = arith.addf %add3A_385, %mul3A_393 : vector<16xf32>
      %mul3A_395 = arith.mulf %gather3A_390, %gather3A_392 : vector<16xf32>
      %add3A_396 = arith.addf %add3A_387, %mul3A_395 : vector<16xf32>
      %broadcast_in_dim3A_397 = arith.constant 14 : i32
      %broadcast_in_dim3A_398 = vector.broadcast %broadcast_in_dim3A_397 : i32 to vector<16xi32>
      %gather3A_399 = tpu.vector_load_idx %arg8[%add3A_264, %broadcast_in_dim3A_398] : memref<512x64xf32, #tpu.memory_space<vmem>>[vector<16xi32>, vector<16xi32>], vector<16xf32>,
      %gather3A_400 = tpu.vector_load_idx %arg9[%gather3A, %broadcast_in_dim3A_398] : memref<1000x64xf32, #tpu.memory_space<vmem>>[vector<16xi32>, vector<16xi32>], vector<16xf32>,
      %gather3A_401 = tpu.vector_load_idx %arg9[%gather3A_265, %broadcast_in_dim3A_398] : memref<1000x64xf32, #tpu.memory_space<vmem>>[vector<16xi32>, vector<16xi32>], vector<16xf32>,
      %mul3A_402 = arith.mulf %gather3A_399, %gather3A_400 : vector<16xf32>
      %add3A_403 = arith.addf %add3A_394, %mul3A_402 : vector<16xf32>
      %mul3A_404 = arith.mulf %gather3A_399, %gather3A_401 : vector<16xf32>
      %add3A_405 = arith.addf %add3A_396, %mul3A_404 : vector<16xf32>
      %broadcast_in_dim3A_406 = arith.constant 15 : i32
      %broadcast_in_dim3A_407 = vector.broadcast %broadcast_in_dim3A_406 : i32 to vector<16xi32>
      %gather3A_408 = tpu.vector_load_idx %arg8[%add3A_264, %broadcast_in_dim3A_407] : memref<512x64xf32, #tpu.memory_space<vmem>>[vector<16xi32>, vector<16xi32>], vector<16xf32>,
      %gather3A_409 = tpu.vector_load_idx %arg9[%gather3A, %broadcast_in_dim3A_407] : memref<1000x64xf32, #tpu.memory_space<vmem>>[vector<16xi32>, vector<16xi32>], vector<16xf32>,
      %gather3A_410 = tpu.vector_load_idx %arg9[%gather3A_265, %broadcast_in_dim3A_407] : memref<1000x64xf32, #tpu.memory_space<vmem>>[vector<16xi32>, vector<16xi32>], vector<16xf32>,
      %mul3A_411 = arith.mulf %gather3A_408, %gather3A_409 : vector<16xf32>
      %add3A_412 = arith.addf %add3A_403, %mul3A_411 : vector<16xf32>
      %mul3A_413 = arith.mulf %gather3A_408, %gather3A_410 : vector<16xf32>
      %add3A_414 = arith.addf %add3A_405, %mul3A_413 : vector<16xf32>
      %broadcast_in_dim3A_415 = arith.constant 16 : i32
      %broadcast_in_dim3A_416 = vector.broadcast %broadcast_in_dim3A_415 : i32 to vector<16xi32>
      %gather3A_417 = tpu.vector_load_idx %arg8[%add3A_264, %broadcast_in_dim3A_416] : memref<512x64xf32, #tpu.memory_space<vmem>>[vector<16xi32>, vector<16xi32>], vector<16xf32>,
      %gather3A_418 = tpu.vector_load_idx %arg9[%gather3A, %broadcast_in_dim3A_416] : memref<1000x64xf32, #tpu.memory_space<vmem>>[vector<16xi32>, vector<16xi32>], vector<16xf32>,
      %gather3A_419 = tpu.vector_load_idx %arg9[%gather3A_265, %broadcast_in_dim3A_416] : memref<1000x64xf32, #tpu.memory_space<vmem>>[vector<16xi32>, vector<16xi32>], vector<16xf32>,
      %mul3A_420 = arith.mulf %gather3A_417, %gather3A_418 : vector<16xf32>
      %add3A_421 = arith.addf %add3A_412, %mul3A_420 : vector<16xf32>
      %mul3A_422 = arith.mulf %gather3A_417, %gather3A_419 : vector<16xf32>
      %add3A_423 = arith.addf %add3A_414, %mul3A_422 : vector<16xf32>
      %broadcast_in_dim3A_424 = arith.constant 17 : i32
      %broadcast_in_dim3A_425 = vector.broadcast %broadcast_in_dim3A_424 : i32 to vector<16xi32>
      %gather3A_426 = tpu.vector_load_idx %arg8[%add3A_264, %broadcast_in_dim3A_425] : memref<512x64xf32, #tpu.memory_space<vmem>>[vector<16xi32>, vector<16xi32>], vector<16xf32>,
      %gather3A_427 = tpu.vector_load_idx %arg9[%gather3A, %broadcast_in_dim3A_425] : memref<1000x64xf32, #tpu.memory_space<vmem>>[vector<16xi32>, vector<16xi32>], vector<16xf32>,
      %gather3A_428 = tpu.vector_load_idx %arg9[%gather3A_265, %broadcast_in_dim3A_425] : memref<1000x64xf32, #tpu.memory_space<vmem>>[vector<16xi32>, vector<16xi32>], vector<16xf32>,
      %mul3A_429 = arith.mulf %gather3A_426, %gather3A_427 : vector<16xf32>
      %add3A_430 = arith.addf %add3A_421, %mul3A_429 : vector<16xf32>
      %mul3A_431 = arith.mulf %gather3A_426, %gather3A_428 : vector<16xf32>
      %add3A_432 = arith.addf %add3A_423, %mul3A_431 : vector<16xf32>
      %broadcast_in_dim3A_433 = arith.constant 18 : i32
      %broadcast_in_dim3A_434 = vector.broadcast %broadcast_in_dim3A_433 : i32 to vector<16xi32>
      %gather3A_435 = tpu.vector_load_idx %arg8[%add3A_264, %broadcast_in_dim3A_434] : memref<512x64xf32, #tpu.memory_space<vmem>>[vector<16xi32>, vector<16xi32>], vector<16xf32>,
      %gather3A_436 = tpu.vector_load_idx %arg9[%gather3A, %broadcast_in_dim3A_434] : memref<1000x64xf32, #tpu.memory_space<vmem>>[vector<16xi32>, vector<16xi32>], vector<16xf32>,
      %gather3A_437 = tpu.vector_load_idx %arg9[%gather3A_265, %broadcast_in_dim3A_434] : memref<1000x64xf32, #tpu.memory_space<vmem>>[vector<16xi32>, vector<16xi32>], vector<16xf32>,
      %mul3A_438 = arith.mulf %gather3A_435, %gather3A_436 : vector<16xf32>
      %add3A_439 = arith.addf %add3A_430, %mul3A_438 : vector<16xf32>
      %mul3A_440 = arith.mulf %gather3A_435, %gather3A_437 : vector<16xf32>
      %add3A_441 = arith.addf %add3A_432, %mul3A_440 : vector<16xf32>
      %broadcast_in_dim3A_442 = arith.constant 19 : i32
      %broadcast_in_dim3A_443 = vector.broadcast %broadcast_in_dim3A_442 : i32 to vector<16xi32>
      %gather3A_444 = tpu.vector_load_idx %arg8[%add3A_264, %broadcast_in_dim3A_443] : memref<512x64xf32, #tpu.memory_space<vmem>>[vector<16xi32>, vector<16xi32>], vector<16xf32>,
      %gather3A_445 = tpu.vector_load_idx %arg9[%gather3A, %broadcast_in_dim3A_443] : memref<1000x64xf32, #tpu.memory_space<vmem>>[vector<16xi32>, vector<16xi32>], vector<16xf32>,
      %gather3A_446 = tpu.vector_load_idx %arg9[%gather3A_265, %broadcast_in_dim3A_443] : memref<1000x64xf32, #tpu.memory_space<vmem>>[vector<16xi32>, vector<16xi32>], vector<16xf32>,
      %mul3A_447 = arith.mulf %gather3A_444, %gather3A_445 : vector<16xf32>
      %add3A_448 = arith.addf %add3A_439, %mul3A_447 : vector<16xf32>
      %mul3A_449 = arith.mulf %gather3A_444, %gather3A_446 : vector<16xf32>
      %add3A_450 = arith.addf %add3A_441, %mul3A_449 : vector<16xf32>
      %broadcast_in_dim3A_451 = arith.constant 20 : i32
      %broadcast_in_dim3A_452 = vector.broadcast %broadcast_in_dim3A_451 : i32 to vector<16xi32>
      %gather3A_453 = tpu.vector_load_idx %arg8[%add3A_264, %broadcast_in_dim3A_452] : memref<512x64xf32, #tpu.memory_space<vmem>>[vector<16xi32>, vector<16xi32>], vector<16xf32>,
      %gather3A_454 = tpu.vector_load_idx %arg9[%gather3A, %broadcast_in_dim3A_452] : memref<1000x64xf32, #tpu.memory_space<vmem>>[vector<16xi32>, vector<16xi32>], vector<16xf32>,
      %gather3A_455 = tpu.vector_load_idx %arg9[%gather3A_265, %broadcast_in_dim3A_452] : memref<1000x64xf32, #tpu.memory_space<vmem>>[vector<16xi32>, vector<16xi32>], vector<16xf32>,
      %mul3A_456 = arith.mulf %gather3A_453, %gather3A_454 : vector<16xf32>
      %add3A_457 = arith.addf %add3A_448, %mul3A_456 : vector<16xf32>
      %mul3A_458 = arith.mulf %gather3A_453, %gather3A_455 : vector<16xf32>
      %add3A_459 = arith.addf %add3A_450, %mul3A_458 : vector<16xf32>
      %broadcast_in_dim3A_460 = arith.constant 21 : i32
      %broadcast_in_dim3A_461 = vector.broadcast %broadcast_in_dim3A_460 : i32 to vector<16xi32>
      %gather3A_462 = tpu.vector_load_idx %arg8[%add3A_264, %broadcast_in_dim3A_461] : memref<512x64xf32, #tpu.memory_space<vmem>>[vector<16xi32>, vector<16xi32>], vector<16xf32>,
      %gather3A_463 = tpu.vector_load_idx %arg9[%gather3A, %broadcast_in_dim3A_461] : memref<1000x64xf32, #tpu.memory_space<vmem>>[vector<16xi32>, vector<16xi32>], vector<16xf32>,
      %gather3A_464 = tpu.vector_load_idx %arg9[%gather3A_265, %broadcast_in_dim3A_461] : memref<1000x64xf32, #tpu.memory_space<vmem>>[vector<16xi32>, vector<16xi32>], vector<16xf32>,
      %mul3A_465 = arith.mulf %gather3A_462, %gather3A_463 : vector<16xf32>
      %add3A_466 = arith.addf %add3A_457, %mul3A_465 : vector<16xf32>
      %mul3A_467 = arith.mulf %gather3A_462, %gather3A_464 : vector<16xf32>
      %add3A_468 = arith.addf %add3A_459, %mul3A_467 : vector<16xf32>
      %broadcast_in_dim3A_469 = arith.constant 22 : i32
      %broadcast_in_dim3A_470 = vector.broadcast %broadcast_in_dim3A_469 : i32 to vector<16xi32>
      %gather3A_471 = tpu.vector_load_idx %arg8[%add3A_264, %broadcast_in_dim3A_470] : memref<512x64xf32, #tpu.memory_space<vmem>>[vector<16xi32>, vector<16xi32>], vector<16xf32>,
      %gather3A_472 = tpu.vector_load_idx %arg9[%gather3A, %broadcast_in_dim3A_470] : memref<1000x64xf32, #tpu.memory_space<vmem>>[vector<16xi32>, vector<16xi32>], vector<16xf32>,
      %gather3A_473 = tpu.vector_load_idx %arg9[%gather3A_265, %broadcast_in_dim3A_470] : memref<1000x64xf32, #tpu.memory_space<vmem>>[vector<16xi32>, vector<16xi32>], vector<16xf32>,
      %mul3A_474 = arith.mulf %gather3A_471, %gather3A_472 : vector<16xf32>
      %add3A_475 = arith.addf %add3A_466, %mul3A_474 : vector<16xf32>
      %mul3A_476 = arith.mulf %gather3A_471, %gather3A_473 : vector<16xf32>
      %add3A_477 = arith.addf %add3A_468, %mul3A_476 : vector<16xf32>
      %broadcast_in_dim3A_478 = arith.constant 23 : i32
      %broadcast_in_dim3A_479 = vector.broadcast %broadcast_in_dim3A_478 : i32 to vector<16xi32>
      %gather3A_480 = tpu.vector_load_idx %arg8[%add3A_264, %broadcast_in_dim3A_479] : memref<512x64xf32, #tpu.memory_space<vmem>>[vector<16xi32>, vector<16xi32>], vector<16xf32>,
      %gather3A_481 = tpu.vector_load_idx %arg9[%gather3A, %broadcast_in_dim3A_479] : memref<1000x64xf32, #tpu.memory_space<vmem>>[vector<16xi32>, vector<16xi32>], vector<16xf32>,
      %gather3A_482 = tpu.vector_load_idx %arg9[%gather3A_265, %broadcast_in_dim3A_479] : memref<1000x64xf32, #tpu.memory_space<vmem>>[vector<16xi32>, vector<16xi32>], vector<16xf32>,
      %mul3A_483 = arith.mulf %gather3A_480, %gather3A_481 : vector<16xf32>
      %add3A_484 = arith.addf %add3A_475, %mul3A_483 : vector<16xf32>
      %mul3A_485 = arith.mulf %gather3A_480, %gather3A_482 : vector<16xf32>
      %add3A_486 = arith.addf %add3A_477, %mul3A_485 : vector<16xf32>
      %broadcast_in_dim3A_487 = arith.constant 24 : i32
      %broadcast_in_dim3A_488 = vector.broadcast %broadcast_in_dim3A_487 : i32 to vector<16xi32>
      %gather3A_489 = tpu.vector_load_idx %arg8[%add3A_264, %broadcast_in_dim3A_488] : memref<512x64xf32, #tpu.memory_space<vmem>>[vector<16xi32>, vector<16xi32>], vector<16xf32>,
      %gather3A_490 = tpu.vector_load_idx %arg9[%gather3A, %broadcast_in_dim3A_488] : memref<1000x64xf32, #tpu.memory_space<vmem>>[vector<16xi32>, vector<16xi32>], vector<16xf32>,
      %gather3A_491 = tpu.vector_load_idx %arg9[%gather3A_265, %broadcast_in_dim3A_488] : memref<1000x64xf32, #tpu.memory_space<vmem>>[vector<16xi32>, vector<16xi32>], vector<16xf32>,
      %mul3A_492 = arith.mulf %gather3A_489, %gather3A_490 : vector<16xf32>
      %add3A_493 = arith.addf %add3A_484, %mul3A_492 : vector<16xf32>
      %mul3A_494 = arith.mulf %gather3A_489, %gather3A_491 : vector<16xf32>
      %add3A_495 = arith.addf %add3A_486, %mul3A_494 : vector<16xf32>
      %broadcast_in_dim3A_496 = arith.constant 25 : i32
      %broadcast_in_dim3A_497 = vector.broadcast %broadcast_in_dim3A_496 : i32 to vector<16xi32>
      %gather3A_498 = tpu.vector_load_idx %arg8[%add3A_264, %broadcast_in_dim3A_497] : memref<512x64xf32, #tpu.memory_space<vmem>>[vector<16xi32>, vector<16xi32>], vector<16xf32>,
      %gather3A_499 = tpu.vector_load_idx %arg9[%gather3A, %broadcast_in_dim3A_497] : memref<1000x64xf32, #tpu.memory_space<vmem>>[vector<16xi32>, vector<16xi32>], vector<16xf32>,
      %gather3A_500 = tpu.vector_load_idx %arg9[%gather3A_265, %broadcast_in_dim3A_497] : memref<1000x64xf32, #tpu.memory_space<vmem>>[vector<16xi32>, vector<16xi32>], vector<16xf32>,
      %mul3A_501 = arith.mulf %gather3A_498, %gather3A_499 : vector<16xf32>
      %add3A_502 = arith.addf %add3A_493, %mul3A_501 : vector<16xf32>
      %mul3A_503 = arith.mulf %gather3A_498, %gather3A_500 : vector<16xf32>
      %add3A_504 = arith.addf %add3A_495, %mul3A_503 : vector<16xf32>
      %broadcast_in_dim3A_505 = arith.constant 26 : i32
      %broadcast_in_dim3A_506 = vector.broadcast %broadcast_in_dim3A_505 : i32 to vector<16xi32>
      %gather3A_507 = tpu.vector_load_idx %arg8[%add3A_264, %broadcast_in_dim3A_506] : memref<512x64xf32, #tpu.memory_space<vmem>>[vector<16xi32>, vector<16xi32>], vector<16xf32>,
      %gather3A_508 = tpu.vector_load_idx %arg9[%gather3A, %broadcast_in_dim3A_506] : memref<1000x64xf32, #tpu.memory_space<vmem>>[vector<16xi32>, vector<16xi32>], vector<16xf32>,
      %gather3A_509 = tpu.vector_load_idx %arg9[%gather3A_265, %broadcast_in_dim3A_506] : memref<1000x64xf32, #tpu.memory_space<vmem>>[vector<16xi32>, vector<16xi32>], vector<16xf32>,
      %mul3A_510 = arith.mulf %gather3A_507, %gather3A_508 : vector<16xf32>
      %add3A_511 = arith.addf %add3A_502, %mul3A_510 : vector<16xf32>
      %mul3A_512 = arith.mulf %gather3A_507, %gather3A_509 : vector<16xf32>
      %add3A_513 = arith.addf %add3A_504, %mul3A_512 : vector<16xf32>
      %broadcast_in_dim3A_514 = arith.constant 27 : i32
      %broadcast_in_dim3A_515 = vector.broadcast %broadcast_in_dim3A_514 : i32 to vector<16xi32>
      %gather3A_516 = tpu.vector_load_idx %arg8[%add3A_264, %broadcast_in_dim3A_515] : memref<512x64xf32, #tpu.memory_space<vmem>>[vector<16xi32>, vector<16xi32>], vector<16xf32>,
      %gather3A_517 = tpu.vector_load_idx %arg9[%gather3A, %broadcast_in_dim3A_515] : memref<1000x64xf32, #tpu.memory_space<vmem>>[vector<16xi32>, vector<16xi32>], vector<16xf32>,
      %gather3A_518 = tpu.vector_load_idx %arg9[%gather3A_265, %broadcast_in_dim3A_515] : memref<1000x64xf32, #tpu.memory_space<vmem>>[vector<16xi32>, vector<16xi32>], vector<16xf32>,
      %mul3A_519 = arith.mulf %gather3A_516, %gather3A_517 : vector<16xf32>
      %add3A_520 = arith.addf %add3A_511, %mul3A_519 : vector<16xf32>
      %mul3A_521 = arith.mulf %gather3A_516, %gather3A_518 : vector<16xf32>
      %add3A_522 = arith.addf %add3A_513, %mul3A_521 : vector<16xf32>
      %broadcast_in_dim3A_523 = arith.constant 28 : i32
      %broadcast_in_dim3A_524 = vector.broadcast %broadcast_in_dim3A_523 : i32 to vector<16xi32>
      %gather3A_525 = tpu.vector_load_idx %arg8[%add3A_264, %broadcast_in_dim3A_524] : memref<512x64xf32, #tpu.memory_space<vmem>>[vector<16xi32>, vector<16xi32>], vector<16xf32>,
      %gather3A_526 = tpu.vector_load_idx %arg9[%gather3A, %broadcast_in_dim3A_524] : memref<1000x64xf32, #tpu.memory_space<vmem>>[vector<16xi32>, vector<16xi32>], vector<16xf32>,
      %gather3A_527 = tpu.vector_load_idx %arg9[%gather3A_265, %broadcast_in_dim3A_524] : memref<1000x64xf32, #tpu.memory_space<vmem>>[vector<16xi32>, vector<16xi32>], vector<16xf32>,
      %mul3A_528 = arith.mulf %gather3A_525, %gather3A_526 : vector<16xf32>
      %add3A_529 = arith.addf %add3A_520, %mul3A_528 : vector<16xf32>
      %mul3A_530 = arith.mulf %gather3A_525, %gather3A_527 : vector<16xf32>
      %add3A_531 = arith.addf %add3A_522, %mul3A_530 : vector<16xf32>
      %broadcast_in_dim3A_532 = arith.constant 29 : i32
      %broadcast_in_dim3A_533 = vector.broadcast %broadcast_in_dim3A_532 : i32 to vector<16xi32>
      %gather3A_534 = tpu.vector_load_idx %arg8[%add3A_264, %broadcast_in_dim3A_533] : memref<512x64xf32, #tpu.memory_space<vmem>>[vector<16xi32>, vector<16xi32>], vector<16xf32>,
      %gather3A_535 = tpu.vector_load_idx %arg9[%gather3A, %broadcast_in_dim3A_533] : memref<1000x64xf32, #tpu.memory_space<vmem>>[vector<16xi32>, vector<16xi32>], vector<16xf32>,
      %gather3A_536 = tpu.vector_load_idx %arg9[%gather3A_265, %broadcast_in_dim3A_533] : memref<1000x64xf32, #tpu.memory_space<vmem>>[vector<16xi32>, vector<16xi32>], vector<16xf32>,
      %mul3A_537 = arith.mulf %gather3A_534, %gather3A_535 : vector<16xf32>
      %add3A_538 = arith.addf %add3A_529, %mul3A_537 : vector<16xf32>
      %mul3A_539 = arith.mulf %gather3A_534, %gather3A_536 : vector<16xf32>
      %add3A_540 = arith.addf %add3A_531, %mul3A_539 : vector<16xf32>
      %broadcast_in_dim3A_541 = arith.constant 30 : i32
      %broadcast_in_dim3A_542 = vector.broadcast %broadcast_in_dim3A_541 : i32 to vector<16xi32>
      %gather3A_543 = tpu.vector_load_idx %arg8[%add3A_264, %broadcast_in_dim3A_542] : memref<512x64xf32, #tpu.memory_space<vmem>>[vector<16xi32>, vector<16xi32>], vector<16xf32>,
      %gather3A_544 = tpu.vector_load_idx %arg9[%gather3A, %broadcast_in_dim3A_542] : memref<1000x64xf32, #tpu.memory_space<vmem>>[vector<16xi32>, vector<16xi32>], vector<16xf32>,
      %gather3A_545 = tpu.vector_load_idx %arg9[%gather3A_265, %broadcast_in_dim3A_542] : memref<1000x64xf32, #tpu.memory_space<vmem>>[vector<16xi32>, vector<16xi32>], vector<16xf32>,
      %mul3A_546 = arith.mulf %gather3A_543, %gather3A_544 : vector<16xf32>
      %add3A_547 = arith.addf %add3A_538, %mul3A_546 : vector<16xf32>
      %mul3A_548 = arith.mulf %gather3A_543, %gather3A_545 : vector<16xf32>
      %add3A_549 = arith.addf %add3A_540, %mul3A_548 : vector<16xf32>
      %broadcast_in_dim3A_550 = arith.constant 31 : i32
      %broadcast_in_dim3A_551 = vector.broadcast %broadcast_in_dim3A_550 : i32 to vector<16xi32>
      %gather3A_552 = tpu.vector_load_idx %arg8[%add3A_264, %broadcast_in_dim3A_551] : memref<512x64xf32, #tpu.memory_space<vmem>>[vector<16xi32>, vector<16xi32>], vector<16xf32>,
      %gather3A_553 = tpu.vector_load_idx %arg9[%gather3A, %broadcast_in_dim3A_551] : memref<1000x64xf32, #tpu.memory_space<vmem>>[vector<16xi32>, vector<16xi32>], vector<16xf32>,
      %gather3A_554 = tpu.vector_load_idx %arg9[%gather3A_265, %broadcast_in_dim3A_551] : memref<1000x64xf32, #tpu.memory_space<vmem>>[vector<16xi32>, vector<16xi32>], vector<16xf32>,
      %mul3A_555 = arith.mulf %gather3A_552, %gather3A_553 : vector<16xf32>
      %add3A_556 = arith.addf %add3A_547, %mul3A_555 : vector<16xf32>
      %mul3A_557 = arith.mulf %gather3A_552, %gather3A_554 : vector<16xf32>
      %add3A_558 = arith.addf %add3A_549, %mul3A_557 : vector<16xf32>
      %broadcast_in_dim3A_559 = arith.constant 32 : i32
      %broadcast_in_dim3A_560 = vector.broadcast %broadcast_in_dim3A_559 : i32 to vector<16xi32>
      %gather3A_561 = tpu.vector_load_idx %arg8[%add3A_264, %broadcast_in_dim3A_560] : memref<512x64xf32, #tpu.memory_space<vmem>>[vector<16xi32>, vector<16xi32>], vector<16xf32>,
      %gather3A_562 = tpu.vector_load_idx %arg9[%gather3A, %broadcast_in_dim3A_560] : memref<1000x64xf32, #tpu.memory_space<vmem>>[vector<16xi32>, vector<16xi32>], vector<16xf32>,
      %gather3A_563 = tpu.vector_load_idx %arg9[%gather3A_265, %broadcast_in_dim3A_560] : memref<1000x64xf32, #tpu.memory_space<vmem>>[vector<16xi32>, vector<16xi32>], vector<16xf32>,
      %mul3A_564 = arith.mulf %gather3A_561, %gather3A_562 : vector<16xf32>
      %add3A_565 = arith.addf %add3A_556, %mul3A_564 : vector<16xf32>
      %mul3A_566 = arith.mulf %gather3A_561, %gather3A_563 : vector<16xf32>
      %add3A_567 = arith.addf %add3A_558, %mul3A_566 : vector<16xf32>
      %broadcast_in_dim3A_568 = arith.constant 33 : i32
      %broadcast_in_dim3A_569 = vector.broadcast %broadcast_in_dim3A_568 : i32 to vector<16xi32>
      %gather3A_570 = tpu.vector_load_idx %arg8[%add3A_264, %broadcast_in_dim3A_569] : memref<512x64xf32, #tpu.memory_space<vmem>>[vector<16xi32>, vector<16xi32>], vector<16xf32>,
      %gather3A_571 = tpu.vector_load_idx %arg9[%gather3A, %broadcast_in_dim3A_569] : memref<1000x64xf32, #tpu.memory_space<vmem>>[vector<16xi32>, vector<16xi32>], vector<16xf32>,
      %gather3A_572 = tpu.vector_load_idx %arg9[%gather3A_265, %broadcast_in_dim3A_569] : memref<1000x64xf32, #tpu.memory_space<vmem>>[vector<16xi32>, vector<16xi32>], vector<16xf32>,
      %mul3A_573 = arith.mulf %gather3A_570, %gather3A_571 : vector<16xf32>
      %add3A_574 = arith.addf %add3A_565, %mul3A_573 : vector<16xf32>
      %mul3A_575 = arith.mulf %gather3A_570, %gather3A_572 : vector<16xf32>
      %add3A_576 = arith.addf %add3A_567, %mul3A_575 : vector<16xf32>
      %broadcast_in_dim3A_577 = arith.constant 34 : i32
      %broadcast_in_dim3A_578 = vector.broadcast %broadcast_in_dim3A_577 : i32 to vector<16xi32>
      %gather3A_579 = tpu.vector_load_idx %arg8[%add3A_264, %broadcast_in_dim3A_578] : memref<512x64xf32, #tpu.memory_space<vmem>>[vector<16xi32>, vector<16xi32>], vector<16xf32>,
      %gather3A_580 = tpu.vector_load_idx %arg9[%gather3A, %broadcast_in_dim3A_578] : memref<1000x64xf32, #tpu.memory_space<vmem>>[vector<16xi32>, vector<16xi32>], vector<16xf32>,
      %gather3A_581 = tpu.vector_load_idx %arg9[%gather3A_265, %broadcast_in_dim3A_578] : memref<1000x64xf32, #tpu.memory_space<vmem>>[vector<16xi32>, vector<16xi32>], vector<16xf32>,
      %mul3A_582 = arith.mulf %gather3A_579, %gather3A_580 : vector<16xf32>
      %add3A_583 = arith.addf %add3A_574, %mul3A_582 : vector<16xf32>
      %mul3A_584 = arith.mulf %gather3A_579, %gather3A_581 : vector<16xf32>
      %add3A_585 = arith.addf %add3A_576, %mul3A_584 : vector<16xf32>
      %broadcast_in_dim3A_586 = arith.constant 35 : i32
      %broadcast_in_dim3A_587 = vector.broadcast %broadcast_in_dim3A_586 : i32 to vector<16xi32>
      %gather3A_588 = tpu.vector_load_idx %arg8[%add3A_264, %broadcast_in_dim3A_587] : memref<512x64xf32, #tpu.memory_space<vmem>>[vector<16xi32>, vector<16xi32>], vector<16xf32>,
      %gather3A_589 = tpu.vector_load_idx %arg9[%gather3A, %broadcast_in_dim3A_587] : memref<1000x64xf32, #tpu.memory_space<vmem>>[vector<16xi32>, vector<16xi32>], vector<16xf32>,
      %gather3A_590 = tpu.vector_load_idx %arg9[%gather3A_265, %broadcast_in_dim3A_587] : memref<1000x64xf32, #tpu.memory_space<vmem>>[vector<16xi32>, vector<16xi32>], vector<16xf32>,
      %mul3A_591 = arith.mulf %gather3A_588, %gather3A_589 : vector<16xf32>
      %add3A_592 = arith.addf %add3A_583, %mul3A_591 : vector<16xf32>
      %mul3A_593 = arith.mulf %gather3A_588, %gather3A_590 : vector<16xf32>
      %add3A_594 = arith.addf %add3A_585, %mul3A_593 : vector<16xf32>
      %broadcast_in_dim3A_595 = arith.constant 36 : i32
      %broadcast_in_dim3A_596 = vector.broadcast %broadcast_in_dim3A_595 : i32 to vector<16xi32>
      %gather3A_597 = tpu.vector_load_idx %arg8[%add3A_264, %broadcast_in_dim3A_596] : memref<512x64xf32, #tpu.memory_space<vmem>>[vector<16xi32>, vector<16xi32>], vector<16xf32>,
      %gather3A_598 = tpu.vector_load_idx %arg9[%gather3A, %broadcast_in_dim3A_596] : memref<1000x64xf32, #tpu.memory_space<vmem>>[vector<16xi32>, vector<16xi32>], vector<16xf32>,
      %gather3A_599 = tpu.vector_load_idx %arg9[%gather3A_265, %broadcast_in_dim3A_596] : memref<1000x64xf32, #tpu.memory_space<vmem>>[vector<16xi32>, vector<16xi32>], vector<16xf32>,
      %mul3A_600 = arith.mulf %gather3A_597, %gather3A_598 : vector<16xf32>
      %add3A_601 = arith.addf %add3A_592, %mul3A_600 : vector<16xf32>
      %mul3A_602 = arith.mulf %gather3A_597, %gather3A_599 : vector<16xf32>
      %add3A_603 = arith.addf %add3A_594, %mul3A_602 : vector<16xf32>
      %broadcast_in_dim3A_604 = arith.constant 37 : i32
      %broadcast_in_dim3A_605 = vector.broadcast %broadcast_in_dim3A_604 : i32 to vector<16xi32>
      %gather3A_606 = tpu.vector_load_idx %arg8[%add3A_264, %broadcast_in_dim3A_605] : memref<512x64xf32, #tpu.memory_space<vmem>>[vector<16xi32>, vector<16xi32>], vector<16xf32>,
      %gather3A_607 = tpu.vector_load_idx %arg9[%gather3A, %broadcast_in_dim3A_605] : memref<1000x64xf32, #tpu.memory_space<vmem>>[vector<16xi32>, vector<16xi32>], vector<16xf32>,
      %gather3A_608 = tpu.vector_load_idx %arg9[%gather3A_265, %broadcast_in_dim3A_605] : memref<1000x64xf32, #tpu.memory_space<vmem>>[vector<16xi32>, vector<16xi32>], vector<16xf32>,
      %mul3A_609 = arith.mulf %gather3A_606, %gather3A_607 : vector<16xf32>
      %add3A_610 = arith.addf %add3A_601, %mul3A_609 : vector<16xf32>
      %mul3A_611 = arith.mulf %gather3A_606, %gather3A_608 : vector<16xf32>
      %add3A_612 = arith.addf %add3A_603, %mul3A_611 : vector<16xf32>
      %broadcast_in_dim3A_613 = arith.constant 38 : i32
      %broadcast_in_dim3A_614 = vector.broadcast %broadcast_in_dim3A_613 : i32 to vector<16xi32>
      %gather3A_615 = tpu.vector_load_idx %arg8[%add3A_264, %broadcast_in_dim3A_614] : memref<512x64xf32, #tpu.memory_space<vmem>>[vector<16xi32>, vector<16xi32>], vector<16xf32>,
      %gather3A_616 = tpu.vector_load_idx %arg9[%gather3A, %broadcast_in_dim3A_614] : memref<1000x64xf32, #tpu.memory_space<vmem>>[vector<16xi32>, vector<16xi32>], vector<16xf32>,
      %gather3A_617 = tpu.vector_load_idx %arg9[%gather3A_265, %broadcast_in_dim3A_614] : memref<1000x64xf32, #tpu.memory_space<vmem>>[vector<16xi32>, vector<16xi32>], vector<16xf32>,
      %mul3A_618 = arith.mulf %gather3A_615, %gather3A_616 : vector<16xf32>
      %add3A_619 = arith.addf %add3A_610, %mul3A_618 : vector<16xf32>
      %mul3A_620 = arith.mulf %gather3A_615, %gather3A_617 : vector<16xf32>
      %add3A_621 = arith.addf %add3A_612, %mul3A_620 : vector<16xf32>
      %broadcast_in_dim3A_622 = arith.constant 39 : i32
      %broadcast_in_dim3A_623 = vector.broadcast %broadcast_in_dim3A_622 : i32 to vector<16xi32>
      %gather3A_624 = tpu.vector_load_idx %arg8[%add3A_264, %broadcast_in_dim3A_623] : memref<512x64xf32, #tpu.memory_space<vmem>>[vector<16xi32>, vector<16xi32>], vector<16xf32>,
      %gather3A_625 = tpu.vector_load_idx %arg9[%gather3A, %broadcast_in_dim3A_623] : memref<1000x64xf32, #tpu.memory_space<vmem>>[vector<16xi32>, vector<16xi32>], vector<16xf32>,
      %gather3A_626 = tpu.vector_load_idx %arg9[%gather3A_265, %broadcast_in_dim3A_623] : memref<1000x64xf32, #tpu.memory_space<vmem>>[vector<16xi32>, vector<16xi32>], vector<16xf32>,
      %mul3A_627 = arith.mulf %gather3A_624, %gather3A_625 : vector<16xf32>
      %add3A_628 = arith.addf %add3A_619, %mul3A_627 : vector<16xf32>
      %mul3A_629 = arith.mulf %gather3A_624, %gather3A_626 : vector<16xf32>
      %add3A_630 = arith.addf %add3A_621, %mul3A_629 : vector<16xf32>
      %broadcast_in_dim3A_631 = arith.constant 40 : i32
      %broadcast_in_dim3A_632 = vector.broadcast %broadcast_in_dim3A_631 : i32 to vector<16xi32>
      %gather3A_633 = tpu.vector_load_idx %arg8[%add3A_264, %broadcast_in_dim3A_632] : memref<512x64xf32, #tpu.memory_space<vmem>>[vector<16xi32>, vector<16xi32>], vector<16xf32>,
      %gather3A_634 = tpu.vector_load_idx %arg9[%gather3A, %broadcast_in_dim3A_632] : memref<1000x64xf32, #tpu.memory_space<vmem>>[vector<16xi32>, vector<16xi32>], vector<16xf32>,
      %gather3A_635 = tpu.vector_load_idx %arg9[%gather3A_265, %broadcast_in_dim3A_632] : memref<1000x64xf32, #tpu.memory_space<vmem>>[vector<16xi32>, vector<16xi32>], vector<16xf32>,
      %mul3A_636 = arith.mulf %gather3A_633, %gather3A_634 : vector<16xf32>
      %add3A_637 = arith.addf %add3A_628, %mul3A_636 : vector<16xf32>
      %mul3A_638 = arith.mulf %gather3A_633, %gather3A_635 : vector<16xf32>
      %add3A_639 = arith.addf %add3A_630, %mul3A_638 : vector<16xf32>
      %broadcast_in_dim3A_640 = arith.constant 41 : i32
      %broadcast_in_dim3A_641 = vector.broadcast %broadcast_in_dim3A_640 : i32 to vector<16xi32>
      %gather3A_642 = tpu.vector_load_idx %arg8[%add3A_264, %broadcast_in_dim3A_641] : memref<512x64xf32, #tpu.memory_space<vmem>>[vector<16xi32>, vector<16xi32>], vector<16xf32>,
      %gather3A_643 = tpu.vector_load_idx %arg9[%gather3A, %broadcast_in_dim3A_641] : memref<1000x64xf32, #tpu.memory_space<vmem>>[vector<16xi32>, vector<16xi32>], vector<16xf32>,
      %gather3A_644 = tpu.vector_load_idx %arg9[%gather3A_265, %broadcast_in_dim3A_641] : memref<1000x64xf32, #tpu.memory_space<vmem>>[vector<16xi32>, vector<16xi32>], vector<16xf32>,
      %mul3A_645 = arith.mulf %gather3A_642, %gather3A_643 : vector<16xf32>
      %add3A_646 = arith.addf %add3A_637, %mul3A_645 : vector<16xf32>
      %mul3A_647 = arith.mulf %gather3A_642, %gather3A_644 : vector<16xf32>
      %add3A_648 = arith.addf %add3A_639, %mul3A_647 : vector<16xf32>
      %broadcast_in_dim3A_649 = arith.constant 42 : i32
      %broadcast_in_dim3A_650 = vector.broadcast %broadcast_in_dim3A_649 : i32 to vector<16xi32>
      %gather3A_651 = tpu.vector_load_idx %arg8[%add3A_264, %broadcast_in_dim3A_650] : memref<512x64xf32, #tpu.memory_space<vmem>>[vector<16xi32>, vector<16xi32>], vector<16xf32>,
      %gather3A_652 = tpu.vector_load_idx %arg9[%gather3A, %broadcast_in_dim3A_650] : memref<1000x64xf32, #tpu.memory_space<vmem>>[vector<16xi32>, vector<16xi32>], vector<16xf32>,
      %gather3A_653 = tpu.vector_load_idx %arg9[%gather3A_265, %broadcast_in_dim3A_650] : memref<1000x64xf32, #tpu.memory_space<vmem>>[vector<16xi32>, vector<16xi32>], vector<16xf32>,
      %mul3A_654 = arith.mulf %gather3A_651, %gather3A_652 : vector<16xf32>
      %add3A_655 = arith.addf %add3A_646, %mul3A_654 : vector<16xf32>
      %mul3A_656 = arith.mulf %gather3A_651, %gather3A_653 : vector<16xf32>
      %add3A_657 = arith.addf %add3A_648, %mul3A_656 : vector<16xf32>
      %broadcast_in_dim3A_658 = arith.constant 43 : i32
      %broadcast_in_dim3A_659 = vector.broadcast %broadcast_in_dim3A_658 : i32 to vector<16xi32>
      %gather3A_660 = tpu.vector_load_idx %arg8[%add3A_264, %broadcast_in_dim3A_659] : memref<512x64xf32, #tpu.memory_space<vmem>>[vector<16xi32>, vector<16xi32>], vector<16xf32>,
      %gather3A_661 = tpu.vector_load_idx %arg9[%gather3A, %broadcast_in_dim3A_659] : memref<1000x64xf32, #tpu.memory_space<vmem>>[vector<16xi32>, vector<16xi32>], vector<16xf32>,
      %gather3A_662 = tpu.vector_load_idx %arg9[%gather3A_265, %broadcast_in_dim3A_659] : memref<1000x64xf32, #tpu.memory_space<vmem>>[vector<16xi32>, vector<16xi32>], vector<16xf32>,
      %mul3A_663 = arith.mulf %gather3A_660, %gather3A_661 : vector<16xf32>
      %add3A_664 = arith.addf %add3A_655, %mul3A_663 : vector<16xf32>
      %mul3A_665 = arith.mulf %gather3A_660, %gather3A_662 : vector<16xf32>
      %add3A_666 = arith.addf %add3A_657, %mul3A_665 : vector<16xf32>
      %broadcast_in_dim3A_667 = arith.constant 44 : i32
      %broadcast_in_dim3A_668 = vector.broadcast %broadcast_in_dim3A_667 : i32 to vector<16xi32>
      %gather3A_669 = tpu.vector_load_idx %arg8[%add3A_264, %broadcast_in_dim3A_668] : memref<512x64xf32, #tpu.memory_space<vmem>>[vector<16xi32>, vector<16xi32>], vector<16xf32>,
      %gather3A_670 = tpu.vector_load_idx %arg9[%gather3A, %broadcast_in_dim3A_668] : memref<1000x64xf32, #tpu.memory_space<vmem>>[vector<16xi32>, vector<16xi32>], vector<16xf32>,
      %gather3A_671 = tpu.vector_load_idx %arg9[%gather3A_265, %broadcast_in_dim3A_668] : memref<1000x64xf32, #tpu.memory_space<vmem>>[vector<16xi32>, vector<16xi32>], vector<16xf32>,
      %mul3A_672 = arith.mulf %gather3A_669, %gather3A_670 : vector<16xf32>
      %add3A_673 = arith.addf %add3A_664, %mul3A_672 : vector<16xf32>
      %mul3A_674 = arith.mulf %gather3A_669, %gather3A_671 : vector<16xf32>
      %add3A_675 = arith.addf %add3A_666, %mul3A_674 : vector<16xf32>
      %broadcast_in_dim3A_676 = arith.constant 45 : i32
      %broadcast_in_dim3A_677 = vector.broadcast %broadcast_in_dim3A_676 : i32 to vector<16xi32>
      %gather3A_678 = tpu.vector_load_idx %arg8[%add3A_264, %broadcast_in_dim3A_677] : memref<512x64xf32, #tpu.memory_space<vmem>>[vector<16xi32>, vector<16xi32>], vector<16xf32>,
      %gather3A_679 = tpu.vector_load_idx %arg9[%gather3A, %broadcast_in_dim3A_677] : memref<1000x64xf32, #tpu.memory_space<vmem>>[vector<16xi32>, vector<16xi32>], vector<16xf32>,
      %gather3A_680 = tpu.vector_load_idx %arg9[%gather3A_265, %broadcast_in_dim3A_677] : memref<1000x64xf32, #tpu.memory_space<vmem>>[vector<16xi32>, vector<16xi32>], vector<16xf32>,
      %mul3A_681 = arith.mulf %gather3A_678, %gather3A_679 : vector<16xf32>
      %add3A_682 = arith.addf %add3A_673, %mul3A_681 : vector<16xf32>
      %mul3A_683 = arith.mulf %gather3A_678, %gather3A_680 : vector<16xf32>
      %add3A_684 = arith.addf %add3A_675, %mul3A_683 : vector<16xf32>
      %broadcast_in_dim3A_685 = arith.constant 46 : i32
      %broadcast_in_dim3A_686 = vector.broadcast %broadcast_in_dim3A_685 : i32 to vector<16xi32>
      %gather3A_687 = tpu.vector_load_idx %arg8[%add3A_264, %broadcast_in_dim3A_686] : memref<512x64xf32, #tpu.memory_space<vmem>>[vector<16xi32>, vector<16xi32>], vector<16xf32>,
      %gather3A_688 = tpu.vector_load_idx %arg9[%gather3A, %broadcast_in_dim3A_686] : memref<1000x64xf32, #tpu.memory_space<vmem>>[vector<16xi32>, vector<16xi32>], vector<16xf32>,
      %gather3A_689 = tpu.vector_load_idx %arg9[%gather3A_265, %broadcast_in_dim3A_686] : memref<1000x64xf32, #tpu.memory_space<vmem>>[vector<16xi32>, vector<16xi32>], vector<16xf32>,
      %mul3A_690 = arith.mulf %gather3A_687, %gather3A_688 : vector<16xf32>
      %add3A_691 = arith.addf %add3A_682, %mul3A_690 : vector<16xf32>
      %mul3A_692 = arith.mulf %gather3A_687, %gather3A_689 : vector<16xf32>
      %add3A_693 = arith.addf %add3A_684, %mul3A_692 : vector<16xf32>
      %broadcast_in_dim3A_694 = arith.constant 47 : i32
      %broadcast_in_dim3A_695 = vector.broadcast %broadcast_in_dim3A_694 : i32 to vector<16xi32>
      %gather3A_696 = tpu.vector_load_idx %arg8[%add3A_264, %broadcast_in_dim3A_695] : memref<512x64xf32, #tpu.memory_space<vmem>>[vector<16xi32>, vector<16xi32>], vector<16xf32>,
      %gather3A_697 = tpu.vector_load_idx %arg9[%gather3A, %broadcast_in_dim3A_695] : memref<1000x64xf32, #tpu.memory_space<vmem>>[vector<16xi32>, vector<16xi32>], vector<16xf32>,
      %gather3A_698 = tpu.vector_load_idx %arg9[%gather3A_265, %broadcast_in_dim3A_695] : memref<1000x64xf32, #tpu.memory_space<vmem>>[vector<16xi32>, vector<16xi32>], vector<16xf32>,
      %mul3A_699 = arith.mulf %gather3A_696, %gather3A_697 : vector<16xf32>
      %add3A_700 = arith.addf %add3A_691, %mul3A_699 : vector<16xf32>
      %mul3A_701 = arith.mulf %gather3A_696, %gather3A_698 : vector<16xf32>
      %add3A_702 = arith.addf %add3A_693, %mul3A_701 : vector<16xf32>
      %broadcast_in_dim3A_703 = arith.constant 48 : i32
      %broadcast_in_dim3A_704 = vector.broadcast %broadcast_in_dim3A_703 : i32 to vector<16xi32>
      %gather3A_705 = tpu.vector_load_idx %arg8[%add3A_264, %broadcast_in_dim3A_704] : memref<512x64xf32, #tpu.memory_space<vmem>>[vector<16xi32>, vector<16xi32>], vector<16xf32>,
      %gather3A_706 = tpu.vector_load_idx %arg9[%gather3A, %broadcast_in_dim3A_704] : memref<1000x64xf32, #tpu.memory_space<vmem>>[vector<16xi32>, vector<16xi32>], vector<16xf32>,
      %gather3A_707 = tpu.vector_load_idx %arg9[%gather3A_265, %broadcast_in_dim3A_704] : memref<1000x64xf32, #tpu.memory_space<vmem>>[vector<16xi32>, vector<16xi32>], vector<16xf32>,
      %mul3A_708 = arith.mulf %gather3A_705, %gather3A_706 : vector<16xf32>
      %add3A_709 = arith.addf %add3A_700, %mul3A_708 : vector<16xf32>
      %mul3A_710 = arith.mulf %gather3A_705, %gather3A_707 : vector<16xf32>
      %add3A_711 = arith.addf %add3A_702, %mul3A_710 : vector<16xf32>
      %broadcast_in_dim3A_712 = arith.constant 49 : i32
      %broadcast_in_dim3A_713 = vector.broadcast %broadcast_in_dim3A_712 : i32 to vector<16xi32>
      %gather3A_714 = tpu.vector_load_idx %arg8[%add3A_264, %broadcast_in_dim3A_713] : memref<512x64xf32, #tpu.memory_space<vmem>>[vector<16xi32>, vector<16xi32>], vector<16xf32>,
      %gather3A_715 = tpu.vector_load_idx %arg9[%gather3A, %broadcast_in_dim3A_713] : memref<1000x64xf32, #tpu.memory_space<vmem>>[vector<16xi32>, vector<16xi32>], vector<16xf32>,
      %gather3A_716 = tpu.vector_load_idx %arg9[%gather3A_265, %broadcast_in_dim3A_713] : memref<1000x64xf32, #tpu.memory_space<vmem>>[vector<16xi32>, vector<16xi32>], vector<16xf32>,
      %mul3A_717 = arith.mulf %gather3A_714, %gather3A_715 : vector<16xf32>
      %add3A_718 = arith.addf %add3A_709, %mul3A_717 : vector<16xf32>
      %mul3A_719 = arith.mulf %gather3A_714, %gather3A_716 : vector<16xf32>
      %add3A_720 = arith.addf %add3A_711, %mul3A_719 : vector<16xf32>
      %broadcast_in_dim3A_721 = arith.constant 50 : i32
      %broadcast_in_dim3A_722 = vector.broadcast %broadcast_in_dim3A_721 : i32 to vector<16xi32>
      %gather3A_723 = tpu.vector_load_idx %arg8[%add3A_264, %broadcast_in_dim3A_722] : memref<512x64xf32, #tpu.memory_space<vmem>>[vector<16xi32>, vector<16xi32>], vector<16xf32>,
      %gather3A_724 = tpu.vector_load_idx %arg9[%gather3A, %broadcast_in_dim3A_722] : memref<1000x64xf32, #tpu.memory_space<vmem>>[vector<16xi32>, vector<16xi32>], vector<16xf32>,
      %gather3A_725 = tpu.vector_load_idx %arg9[%gather3A_265, %broadcast_in_dim3A_722] : memref<1000x64xf32, #tpu.memory_space<vmem>>[vector<16xi32>, vector<16xi32>], vector<16xf32>,
      %mul3A_726 = arith.mulf %gather3A_723, %gather3A_724 : vector<16xf32>
      %add3A_727 = arith.addf %add3A_718, %mul3A_726 : vector<16xf32>
      %mul3A_728 = arith.mulf %gather3A_723, %gather3A_725 : vector<16xf32>
      %add3A_729 = arith.addf %add3A_720, %mul3A_728 : vector<16xf32>
      %broadcast_in_dim3A_730 = arith.constant 51 : i32
      %broadcast_in_dim3A_731 = vector.broadcast %broadcast_in_dim3A_730 : i32 to vector<16xi32>
      %gather3A_732 = tpu.vector_load_idx %arg8[%add3A_264, %broadcast_in_dim3A_731] : memref<512x64xf32, #tpu.memory_space<vmem>>[vector<16xi32>, vector<16xi32>], vector<16xf32>,
      %gather3A_733 = tpu.vector_load_idx %arg9[%gather3A, %broadcast_in_dim3A_731] : memref<1000x64xf32, #tpu.memory_space<vmem>>[vector<16xi32>, vector<16xi32>], vector<16xf32>,
      %gather3A_734 = tpu.vector_load_idx %arg9[%gather3A_265, %broadcast_in_dim3A_731] : memref<1000x64xf32, #tpu.memory_space<vmem>>[vector<16xi32>, vector<16xi32>], vector<16xf32>,
      %mul3A_735 = arith.mulf %gather3A_732, %gather3A_733 : vector<16xf32>
      %add3A_736 = arith.addf %add3A_727, %mul3A_735 : vector<16xf32>
      %mul3A_737 = arith.mulf %gather3A_732, %gather3A_734 : vector<16xf32>
      %add3A_738 = arith.addf %add3A_729, %mul3A_737 : vector<16xf32>
      %broadcast_in_dim3A_739 = arith.constant 52 : i32
      %broadcast_in_dim3A_740 = vector.broadcast %broadcast_in_dim3A_739 : i32 to vector<16xi32>
      %gather3A_741 = tpu.vector_load_idx %arg8[%add3A_264, %broadcast_in_dim3A_740] : memref<512x64xf32, #tpu.memory_space<vmem>>[vector<16xi32>, vector<16xi32>], vector<16xf32>,
      %gather3A_742 = tpu.vector_load_idx %arg9[%gather3A, %broadcast_in_dim3A_740] : memref<1000x64xf32, #tpu.memory_space<vmem>>[vector<16xi32>, vector<16xi32>], vector<16xf32>,
      %gather3A_743 = tpu.vector_load_idx %arg9[%gather3A_265, %broadcast_in_dim3A_740] : memref<1000x64xf32, #tpu.memory_space<vmem>>[vector<16xi32>, vector<16xi32>], vector<16xf32>,
      %mul3A_744 = arith.mulf %gather3A_741, %gather3A_742 : vector<16xf32>
      %add3A_745 = arith.addf %add3A_736, %mul3A_744 : vector<16xf32>
      %mul3A_746 = arith.mulf %gather3A_741, %gather3A_743 : vector<16xf32>
      %add3A_747 = arith.addf %add3A_738, %mul3A_746 : vector<16xf32>
      %broadcast_in_dim3A_748 = arith.constant 53 : i32
      %broadcast_in_dim3A_749 = vector.broadcast %broadcast_in_dim3A_748 : i32 to vector<16xi32>
      %gather3A_750 = tpu.vector_load_idx %arg8[%add3A_264, %broadcast_in_dim3A_749] : memref<512x64xf32, #tpu.memory_space<vmem>>[vector<16xi32>, vector<16xi32>], vector<16xf32>,
      %gather3A_751 = tpu.vector_load_idx %arg9[%gather3A, %broadcast_in_dim3A_749] : memref<1000x64xf32, #tpu.memory_space<vmem>>[vector<16xi32>, vector<16xi32>], vector<16xf32>,
      %gather3A_752 = tpu.vector_load_idx %arg9[%gather3A_265, %broadcast_in_dim3A_749] : memref<1000x64xf32, #tpu.memory_space<vmem>>[vector<16xi32>, vector<16xi32>], vector<16xf32>,
      %mul3A_753 = arith.mulf %gather3A_750, %gather3A_751 : vector<16xf32>
      %add3A_754 = arith.addf %add3A_745, %mul3A_753 : vector<16xf32>
      %mul3A_755 = arith.mulf %gather3A_750, %gather3A_752 : vector<16xf32>
      %add3A_756 = arith.addf %add3A_747, %mul3A_755 : vector<16xf32>
      %broadcast_in_dim3A_757 = arith.constant 54 : i32
      %broadcast_in_dim3A_758 = vector.broadcast %broadcast_in_dim3A_757 : i32 to vector<16xi32>
      %gather3A_759 = tpu.vector_load_idx %arg8[%add3A_264, %broadcast_in_dim3A_758] : memref<512x64xf32, #tpu.memory_space<vmem>>[vector<16xi32>, vector<16xi32>], vector<16xf32>,
      %gather3A_760 = tpu.vector_load_idx %arg9[%gather3A, %broadcast_in_dim3A_758] : memref<1000x64xf32, #tpu.memory_space<vmem>>[vector<16xi32>, vector<16xi32>], vector<16xf32>,
      %gather3A_761 = tpu.vector_load_idx %arg9[%gather3A_265, %broadcast_in_dim3A_758] : memref<1000x64xf32, #tpu.memory_space<vmem>>[vector<16xi32>, vector<16xi32>], vector<16xf32>,
      %mul3A_762 = arith.mulf %gather3A_759, %gather3A_760 : vector<16xf32>
      %add3A_763 = arith.addf %add3A_754, %mul3A_762 : vector<16xf32>
      %mul3A_764 = arith.mulf %gather3A_759, %gather3A_761 : vector<16xf32>
      %add3A_765 = arith.addf %add3A_756, %mul3A_764 : vector<16xf32>
      %broadcast_in_dim3A_766 = arith.constant 55 : i32
      %broadcast_in_dim3A_767 = vector.broadcast %broadcast_in_dim3A_766 : i32 to vector<16xi32>
      %gather3A_768 = tpu.vector_load_idx %arg8[%add3A_264, %broadcast_in_dim3A_767] : memref<512x64xf32, #tpu.memory_space<vmem>>[vector<16xi32>, vector<16xi32>], vector<16xf32>,
      %gather3A_769 = tpu.vector_load_idx %arg9[%gather3A, %broadcast_in_dim3A_767] : memref<1000x64xf32, #tpu.memory_space<vmem>>[vector<16xi32>, vector<16xi32>], vector<16xf32>,
      %gather3A_770 = tpu.vector_load_idx %arg9[%gather3A_265, %broadcast_in_dim3A_767] : memref<1000x64xf32, #tpu.memory_space<vmem>>[vector<16xi32>, vector<16xi32>], vector<16xf32>,
      %mul3A_771 = arith.mulf %gather3A_768, %gather3A_769 : vector<16xf32>
      %add3A_772 = arith.addf %add3A_763, %mul3A_771 : vector<16xf32>
      %mul3A_773 = arith.mulf %gather3A_768, %gather3A_770 : vector<16xf32>
      %add3A_774 = arith.addf %add3A_765, %mul3A_773 : vector<16xf32>
      %broadcast_in_dim3A_775 = arith.constant 56 : i32
      %broadcast_in_dim3A_776 = vector.broadcast %broadcast_in_dim3A_775 : i32 to vector<16xi32>
      %gather3A_777 = tpu.vector_load_idx %arg8[%add3A_264, %broadcast_in_dim3A_776] : memref<512x64xf32, #tpu.memory_space<vmem>>[vector<16xi32>, vector<16xi32>], vector<16xf32>,
      %gather3A_778 = tpu.vector_load_idx %arg9[%gather3A, %broadcast_in_dim3A_776] : memref<1000x64xf32, #tpu.memory_space<vmem>>[vector<16xi32>, vector<16xi32>], vector<16xf32>,
      %gather3A_779 = tpu.vector_load_idx %arg9[%gather3A_265, %broadcast_in_dim3A_776] : memref<1000x64xf32, #tpu.memory_space<vmem>>[vector<16xi32>, vector<16xi32>], vector<16xf32>,
      %mul3A_780 = arith.mulf %gather3A_777, %gather3A_778 : vector<16xf32>
      %add3A_781 = arith.addf %add3A_772, %mul3A_780 : vector<16xf32>
      %mul3A_782 = arith.mulf %gather3A_777, %gather3A_779 : vector<16xf32>
      %add3A_783 = arith.addf %add3A_774, %mul3A_782 : vector<16xf32>
      %broadcast_in_dim3A_784 = arith.constant 57 : i32
      %broadcast_in_dim3A_785 = vector.broadcast %broadcast_in_dim3A_784 : i32 to vector<16xi32>
      %gather3A_786 = tpu.vector_load_idx %arg8[%add3A_264, %broadcast_in_dim3A_785] : memref<512x64xf32, #tpu.memory_space<vmem>>[vector<16xi32>, vector<16xi32>], vector<16xf32>,
      %gather3A_787 = tpu.vector_load_idx %arg9[%gather3A, %broadcast_in_dim3A_785] : memref<1000x64xf32, #tpu.memory_space<vmem>>[vector<16xi32>, vector<16xi32>], vector<16xf32>,
      %gather3A_788 = tpu.vector_load_idx %arg9[%gather3A_265, %broadcast_in_dim3A_785] : memref<1000x64xf32, #tpu.memory_space<vmem>>[vector<16xi32>, vector<16xi32>], vector<16xf32>,
      %mul3A_789 = arith.mulf %gather3A_786, %gather3A_787 : vector<16xf32>
      %add3A_790 = arith.addf %add3A_781, %mul3A_789 : vector<16xf32>
      %mul3A_791 = arith.mulf %gather3A_786, %gather3A_788 : vector<16xf32>
      %add3A_792 = arith.addf %add3A_783, %mul3A_791 : vector<16xf32>
      %broadcast_in_dim3A_793 = arith.constant 58 : i32
      %broadcast_in_dim3A_794 = vector.broadcast %broadcast_in_dim3A_793 : i32 to vector<16xi32>
      %gather3A_795 = tpu.vector_load_idx %arg8[%add3A_264, %broadcast_in_dim3A_794] : memref<512x64xf32, #tpu.memory_space<vmem>>[vector<16xi32>, vector<16xi32>], vector<16xf32>,
      %gather3A_796 = tpu.vector_load_idx %arg9[%gather3A, %broadcast_in_dim3A_794] : memref<1000x64xf32, #tpu.memory_space<vmem>>[vector<16xi32>, vector<16xi32>], vector<16xf32>,
      %gather3A_797 = tpu.vector_load_idx %arg9[%gather3A_265, %broadcast_in_dim3A_794] : memref<1000x64xf32, #tpu.memory_space<vmem>>[vector<16xi32>, vector<16xi32>], vector<16xf32>,
      %mul3A_798 = arith.mulf %gather3A_795, %gather3A_796 : vector<16xf32>
      %add3A_799 = arith.addf %add3A_790, %mul3A_798 : vector<16xf32>
      %mul3A_800 = arith.mulf %gather3A_795, %gather3A_797 : vector<16xf32>
      %add3A_801 = arith.addf %add3A_792, %mul3A_800 : vector<16xf32>
      %broadcast_in_dim3A_802 = arith.constant 59 : i32
      %broadcast_in_dim3A_803 = vector.broadcast %broadcast_in_dim3A_802 : i32 to vector<16xi32>
      %gather3A_804 = tpu.vector_load_idx %arg8[%add3A_264, %broadcast_in_dim3A_803] : memref<512x64xf32, #tpu.memory_space<vmem>>[vector<16xi32>, vector<16xi32>], vector<16xf32>,
      %gather3A_805 = tpu.vector_load_idx %arg9[%gather3A, %broadcast_in_dim3A_803] : memref<1000x64xf32, #tpu.memory_space<vmem>>[vector<16xi32>, vector<16xi32>], vector<16xf32>,
      %gather3A_806 = tpu.vector_load_idx %arg9[%gather3A_265, %broadcast_in_dim3A_803] : memref<1000x64xf32, #tpu.memory_space<vmem>>[vector<16xi32>, vector<16xi32>], vector<16xf32>,
      %mul3A_807 = arith.mulf %gather3A_804, %gather3A_805 : vector<16xf32>
      %add3A_808 = arith.addf %add3A_799, %mul3A_807 : vector<16xf32>
      %mul3A_809 = arith.mulf %gather3A_804, %gather3A_806 : vector<16xf32>
      %add3A_810 = arith.addf %add3A_801, %mul3A_809 : vector<16xf32>
      %broadcast_in_dim3A_811 = arith.constant 60 : i32
      %broadcast_in_dim3A_812 = vector.broadcast %broadcast_in_dim3A_811 : i32 to vector<16xi32>
      %gather3A_813 = tpu.vector_load_idx %arg8[%add3A_264, %broadcast_in_dim3A_812] : memref<512x64xf32, #tpu.memory_space<vmem>>[vector<16xi32>, vector<16xi32>], vector<16xf32>,
      %gather3A_814 = tpu.vector_load_idx %arg9[%gather3A, %broadcast_in_dim3A_812] : memref<1000x64xf32, #tpu.memory_space<vmem>>[vector<16xi32>, vector<16xi32>], vector<16xf32>,
      %gather3A_815 = tpu.vector_load_idx %arg9[%gather3A_265, %broadcast_in_dim3A_812] : memref<1000x64xf32, #tpu.memory_space<vmem>>[vector<16xi32>, vector<16xi32>], vector<16xf32>,
      %mul3A_816 = arith.mulf %gather3A_813, %gather3A_814 : vector<16xf32>
      %add3A_817 = arith.addf %add3A_808, %mul3A_816 : vector<16xf32>
      %mul3A_818 = arith.mulf %gather3A_813, %gather3A_815 : vector<16xf32>
      %add3A_819 = arith.addf %add3A_810, %mul3A_818 : vector<16xf32>
      %broadcast_in_dim3A_820 = arith.constant 61 : i32
      %broadcast_in_dim3A_821 = vector.broadcast %broadcast_in_dim3A_820 : i32 to vector<16xi32>
      %gather3A_822 = tpu.vector_load_idx %arg8[%add3A_264, %broadcast_in_dim3A_821] : memref<512x64xf32, #tpu.memory_space<vmem>>[vector<16xi32>, vector<16xi32>], vector<16xf32>,
      %gather3A_823 = tpu.vector_load_idx %arg9[%gather3A, %broadcast_in_dim3A_821] : memref<1000x64xf32, #tpu.memory_space<vmem>>[vector<16xi32>, vector<16xi32>], vector<16xf32>,
      %gather3A_824 = tpu.vector_load_idx %arg9[%gather3A_265, %broadcast_in_dim3A_821] : memref<1000x64xf32, #tpu.memory_space<vmem>>[vector<16xi32>, vector<16xi32>], vector<16xf32>,
      %mul3A_825 = arith.mulf %gather3A_822, %gather3A_823 : vector<16xf32>
      %add3A_826 = arith.addf %add3A_817, %mul3A_825 : vector<16xf32>
      %mul3A_827 = arith.mulf %gather3A_822, %gather3A_824 : vector<16xf32>
      %add3A_828 = arith.addf %add3A_819, %mul3A_827 : vector<16xf32>
      %broadcast_in_dim3A_829 = arith.constant 62 : i32
      %broadcast_in_dim3A_830 = vector.broadcast %broadcast_in_dim3A_829 : i32 to vector<16xi32>
      %gather3A_831 = tpu.vector_load_idx %arg8[%add3A_264, %broadcast_in_dim3A_830] : memref<512x64xf32, #tpu.memory_space<vmem>>[vector<16xi32>, vector<16xi32>], vector<16xf32>,
      %gather3A_832 = tpu.vector_load_idx %arg9[%gather3A, %broadcast_in_dim3A_830] : memref<1000x64xf32, #tpu.memory_space<vmem>>[vector<16xi32>, vector<16xi32>], vector<16xf32>,
      %gather3A_833 = tpu.vector_load_idx %arg9[%gather3A_265, %broadcast_in_dim3A_830] : memref<1000x64xf32, #tpu.memory_space<vmem>>[vector<16xi32>, vector<16xi32>], vector<16xf32>,
      %mul3A_834 = arith.mulf %gather3A_831, %gather3A_832 : vector<16xf32>
      %add3A_835 = arith.addf %add3A_826, %mul3A_834 : vector<16xf32>
      %mul3A_836 = arith.mulf %gather3A_831, %gather3A_833 : vector<16xf32>
      %add3A_837 = arith.addf %add3A_828, %mul3A_836 : vector<16xf32>
      %broadcast_in_dim3A_838 = arith.constant 63 : i32
      %broadcast_in_dim3A_839 = vector.broadcast %broadcast_in_dim3A_838 : i32 to vector<16xi32>
      %gather3A_840 = tpu.vector_load_idx %arg8[%add3A_264, %broadcast_in_dim3A_839] : memref<512x64xf32, #tpu.memory_space<vmem>>[vector<16xi32>, vector<16xi32>], vector<16xf32>,
      %gather3A_841 = tpu.vector_load_idx %arg9[%gather3A, %broadcast_in_dim3A_839] : memref<1000x64xf32, #tpu.memory_space<vmem>>[vector<16xi32>, vector<16xi32>], vector<16xf32>,
      %gather3A_842 = tpu.vector_load_idx %arg9[%gather3A_265, %broadcast_in_dim3A_839] : memref<1000x64xf32, #tpu.memory_space<vmem>>[vector<16xi32>, vector<16xi32>], vector<16xf32>,
      %mul3A_843 = arith.mulf %gather3A_840, %gather3A_841 : vector<16xf32>
      %add3A_844 = arith.addf %add3A_835, %mul3A_843 : vector<16xf32>
      %mul3A_845 = arith.mulf %gather3A_840, %gather3A_842 : vector<16xf32>
      %add3A_846 = arith.addf %add3A_837, %mul3A_845 : vector<16xf32>
      %add3A_847 = arith.addf %add3A_844, %add3A_846 : vector<16xf32>
      %mul3A_848 = arith.constant 5.000000e-01 : f32
      %mul3A_849 = vector.broadcast %mul3A_848 : f32 to vector<16xf32>
      %mul3A_850 = arith.mulf %mul3A_849, %add3A_847 : vector<16xf32>
      %add3A_851 = arith.addf %gather3A_266, %mul3A_850 : vector<16xf32>
      %broadcast_in_dim3A_852 = arith.constant 0 : i32
      %broadcast_in_dim3A_853 = vector.broadcast %broadcast_in_dim3A_852 : i32 to vector<16xi32>
      tpu.vector_store_idx %arg12[%add3A_264, %broadcast_in_dim3A_853], %add3A_851 : memref<512x3xf32, #tpu.memory_space<vmem>>[vector<16xi32>, vector<16xi32>], vector<16xf32>,
      %add3A_854 = arith.constant 1 : i32
      %add3A_855 = vector.broadcast %add3A_854 : i32 to vector<16xi32>
      %add3A_856 = arith.addi %broadcast_in_dim3A_853, %add3A_855 : vector<16xi32>
      tpu.vector_store_idx %arg12[%add3A_264, %add3A_856], %add3A_844 : memref<512x3xf32, #tpu.memory_space<vmem>>[vector<16xi32>, vector<16xi32>], vector<16xf32>,
      %add3A_857 = arith.constant 2 : i32
      %add3A_858 = vector.broadcast %add3A_857 : i32 to vector<16xi32>
      %add3A_859 = arith.addi %broadcast_in_dim3A_853, %add3A_858 : vector<16xi32>
      tpu.vector_store_idx %arg12[%add3A_264, %add3A_859], %add3A_846 : memref<512x3xf32, #tpu.memory_space<vmem>>[vector<16xi32>, vector<16xi32>], vector<16xf32>,
    }
    %scan3A_151 = arith.constant 8 : i32
    %dma_wait3A_152 = arith.constant 1 : i32
    %dma_wait3A_153 = arith.constant 0 : i32
    %dma_wait3A_154 = arith.constant 1 : i32
    %dma_wait3A_155 = arith.constant 128 : i32
    %dma_wait3A_156 = arith.constant 0 : i32
    %dma_wait3A_157 = tpu.memref_slice %arg8[%dma_wait3A_155, %dma_wait3A_156] : memref<512x64xf32, #tpu.memory_space<vmem>> -> memref<128x64xf32, #tpu.memory_space<vmem>>
    %dma_wait3A_158 = arith.constant 0 : i32
    %dma_wait3A_159 = tpu.memref_slice %arg7[%dma_wait3A_152, %dma_wait3A_153, %dma_wait3A_158] : memref<4x3x128xi32, #tpu.memory_space<vmem>> -> memref<1x1x128xi32, #tpu.memory_space<vmem>>
    %dma_wait3A_160 = tpu.memref_squeeze %dma_wait3A_159 : memref<1x1x128xi32, #tpu.memory_space<vmem>> -> memref<128xi32, #tpu.memory_space<vmem>>
    %dma_wait3A_161 = arith.constant 0 : i32
    %dma_wait3A_162 = arith.constant 0 : i32
    %dma_wait3A_163 = tpu.memref_slice %arg3[%dma_wait3A_161, %dma_wait3A_162] : memref<100000x64xf32, #tpu.memory_space<hbm>> -> memref<100000x64xf32, #tpu.memory_space<hbm>>
    %dma_wait3A_164 = tpu.memref_slice %arg13[%dma_wait3A_154] : memref<4x!tpu.dma_semaphore, #tpu.memory_space<semaphore_mem>> -> memref<1x!tpu.dma_semaphore, #tpu.memory_space<semaphore_mem>>
    %dma_wait3A_165 = tpu.memref_squeeze %dma_wait3A_164 : memref<1x!tpu.dma_semaphore, #tpu.memory_space<semaphore_mem>> -> memref<!tpu.dma_semaphore, #tpu.memory_space<semaphore_mem>>
    tpu.wait_indirect_dma semaphore(%dma_wait3A_165 : memref<!tpu.dma_semaphore, #tpu.memory_space<semaphore_mem>>) src(%dma_wait3A_163 : memref<100000x64xf32, #tpu.memory_space<hbm>>) dst(%dma_wait3A_157 : memref<128x64xf32, #tpu.memory_space<vmem>>)
    %dma_wait3A_166 = arith.constant 1 : i32
    %dma_wait3A_167 = arith.constant 0 : i32
    %dma_wait3A_168 = arith.constant 1 : i32
    %dma_wait3A_169 = arith.constant 1 : i32
    %dma_wait3A_170 = arith.constant 0 : i32
    %dma_wait3A_171 = tpu.memref_slice %arg11[%dma_wait3A_168, %dma_wait3A_170] : memref<4x128xf32, #tpu.memory_space<vmem>> -> memref<1x128xf32, #tpu.memory_space<vmem>>
    %dma_wait3A_172 = tpu.memref_squeeze %dma_wait3A_171 : memref<1x128xf32, #tpu.memory_space<vmem>> -> memref<128xf32, #tpu.memory_space<vmem>>
    %dma_wait3A_173 = arith.constant 0 : i32
    %dma_wait3A_174 = tpu.memref_slice %arg7[%dma_wait3A_166, %dma_wait3A_167, %dma_wait3A_173] : memref<4x3x128xi32, #tpu.memory_space<vmem>> -> memref<1x1x128xi32, #tpu.memory_space<vmem>>
    %dma_wait3A_175 = tpu.memref_squeeze %dma_wait3A_174 : memref<1x1x128xi32, #tpu.memory_space<vmem>> -> memref<128xi32, #tpu.memory_space<vmem>>
    %dma_wait3A_176 = arith.constant 0 : i32
    %dma_wait3A_177 = tpu.memref_slice %arg5[%dma_wait3A_176] : memref<100000xf32, #tpu.memory_space<hbm>> -> memref<100000xf32, #tpu.memory_space<hbm>>
    %dma_wait3A_178 = tpu.memref_slice %arg13[%dma_wait3A_169] : memref<4x!tpu.dma_semaphore, #tpu.memory_space<semaphore_mem>> -> memref<1x!tpu.dma_semaphore, #tpu.memory_space<semaphore_mem>>
    %dma_wait3A_179 = tpu.memref_squeeze %dma_wait3A_178 : memref<1x!tpu.dma_semaphore, #tpu.memory_space<semaphore_mem>> -> memref<!tpu.dma_semaphore, #tpu.memory_space<semaphore_mem>>
    tpu.wait_indirect_dma semaphore(%dma_wait3A_179 : memref<!tpu.dma_semaphore, #tpu.memory_space<semaphore_mem>>) src(%dma_wait3A_177 : memref<100000xf32, #tpu.memory_space<hbm>>) dst(%dma_wait3A_172 : memref<128xf32, #tpu.memory_space<vmem>>)
    %scan3A_180 = arith.constant 0 : i32
    %scan3A_181 = arith.constant 8 : i32
    %scan3A_182 = arith.addi %scan3A_180, %scan3A_181 : i32
    %scan3A_183 = arith.constant 1 : i32
    scf.for %scan3A_251 = %scan3A_180 to %scan3A_182 step %scan3A_183  : i32 {
      %mul3A_252 = arith.constant 1 : i32
      %mul3A_253 = arith.muli %scan3A_251, %mul3A_252 : i32
      %add3A_254 = arith.constant 0 : i32
      %add3A_255 = arith.addi %add3A_254, %mul3A_253 : i32
      %broadcast_in_dim3A_256 = arith.constant 1 : i32
      %broadcast_in_dim3A_257 = vector.broadcast %broadcast_in_dim3A_256 : i32 to vector<16xi32>
      %mul3A_258 = arith.constant 16 : i32
      %mul3A_259 = arith.muli %add3A_255, %mul3A_258 : i32
      %iota3A = tpu.iota {dimensions = array<i32: 0>} : vector<16xi32>
      %add3A_260 = vector.broadcast %mul3A_259 : i32 to vector<16xi32>
      %add3A_261 = arith.addi %add3A_260, %iota3A : vector<16xi32>
      %add3A_262 = arith.constant 128 : i32
      %add3A_263 = vector.broadcast %add3A_262 : i32 to vector<16xi32>
      %add3A_264 = arith.addi %add3A_263, %add3A_261 : vector<16xi32>
      %gather3A = tpu.vector_load_idx %arg7[%broadcast_in_dim3A_257, %broadcast_in_dim3A_118, %add3A_261] : memref<4x3x128xi32, #tpu.memory_space<vmem>>[vector<16xi32>, vector<16xi32>, vector<16xi32>], vector<16xi32>,
      %gather3A_265 = tpu.vector_load_idx %arg7[%broadcast_in_dim3A_257, %broadcast_in_dim3A_120, %add3A_261] : memref<4x3x128xi32, #tpu.memory_space<vmem>>[vector<16xi32>, vector<16xi32>, vector<16xi32>], vector<16xi32>,
      %gather3A_266 = tpu.vector_load_idx %arg11[%broadcast_in_dim3A_257, %add3A_261] : memref<4x128xf32, #tpu.memory_space<vmem>>[vector<16xi32>, vector<16xi32>], vector<16xf32>,
      %broadcast_in_dim3A_267 = arith.constant 0.000000e+00 : f32
      %broadcast_in_dim3A_268 = vector.broadcast %broadcast_in_dim3A_267 : f32 to vector<16xf32>
      %broadcast_in_dim3A_269 = arith.constant 0.000000e+00 : f32
      %broadcast_in_dim3A_270 = vector.broadcast %broadcast_in_dim3A_269 : f32 to vector<16xf32>
      %broadcast_in_dim3A_271 = arith.constant 0 : i32
      %broadcast_in_dim3A_272 = vector.broadcast %broadcast_in_dim3A_271 : i32 to vector<16xi32>
      %gather3A_273 = tpu.vector_load_idx %arg8[%add3A_264, %broadcast_in_dim3A_272] : memref<512x64xf32, #tpu.memory_space<vmem>>[vector<16xi32>, vector<16xi32>], vector<16xf32>,
      %gather3A_274 = tpu.vector_load_idx %arg9[%gather3A, %broadcast_in_dim3A_272] : memref<1000x64xf32, #tpu.memory_space<vmem>>[vector<16xi32>, vector<16xi32>], vector<16xf32>,
      %gather3A_275 = tpu.vector_load_idx %arg9[%gather3A_265, %broadcast_in_dim3A_272] : memref<1000x64xf32, #tpu.memory_space<vmem>>[vector<16xi32>, vector<16xi32>], vector<16xf32>,
      %mul3A_276 = arith.mulf %gather3A_273, %gather3A_274 : vector<16xf32>
      %add3A_277 = arith.addf %broadcast_in_dim3A_268, %mul3A_276 : vector<16xf32>
      %mul3A_278 = arith.mulf %gather3A_273, %gather3A_275 : vector<16xf32>
      %add3A_279 = arith.addf %broadcast_in_dim3A_270, %mul3A_278 : vector<16xf32>
      %broadcast_in_dim3A_280 = arith.constant 1 : i32
      %broadcast_in_dim3A_281 = vector.broadcast %broadcast_in_dim3A_280 : i32 to vector<16xi32>
      %gather3A_282 = tpu.vector_load_idx %arg8[%add3A_264, %broadcast_in_dim3A_281] : memref<512x64xf32, #tpu.memory_space<vmem>>[vector<16xi32>, vector<16xi32>], vector<16xf32>,
      %gather3A_283 = tpu.vector_load_idx %arg9[%gather3A, %broadcast_in_dim3A_281] : memref<1000x64xf32, #tpu.memory_space<vmem>>[vector<16xi32>, vector<16xi32>], vector<16xf32>,
      %gather3A_284 = tpu.vector_load_idx %arg9[%gather3A_265, %broadcast_in_dim3A_281] : memref<1000x64xf32, #tpu.memory_space<vmem>>[vector<16xi32>, vector<16xi32>], vector<16xf32>,
      %mul3A_285 = arith.mulf %gather3A_282, %gather3A_283 : vector<16xf32>
      %add3A_286 = arith.addf %add3A_277, %mul3A_285 : vector<16xf32>
      %mul3A_287 = arith.mulf %gather3A_282, %gather3A_284 : vector<16xf32>
      %add3A_288 = arith.addf %add3A_279, %mul3A_287 : vector<16xf32>
      %broadcast_in_dim3A_289 = arith.constant 2 : i32
      %broadcast_in_dim3A_290 = vector.broadcast %broadcast_in_dim3A_289 : i32 to vector<16xi32>
      %gather3A_291 = tpu.vector_load_idx %arg8[%add3A_264, %broadcast_in_dim3A_290] : memref<512x64xf32, #tpu.memory_space<vmem>>[vector<16xi32>, vector<16xi32>], vector<16xf32>,
      %gather3A_292 = tpu.vector_load_idx %arg9[%gather3A, %broadcast_in_dim3A_290] : memref<1000x64xf32, #tpu.memory_space<vmem>>[vector<16xi32>, vector<16xi32>], vector<16xf32>,
      %gather3A_293 = tpu.vector_load_idx %arg9[%gather3A_265, %broadcast_in_dim3A_290] : memref<1000x64xf32, #tpu.memory_space<vmem>>[vector<16xi32>, vector<16xi32>], vector<16xf32>,
      %mul3A_294 = arith.mulf %gather3A_291, %gather3A_292 : vector<16xf32>
      %add3A_295 = arith.addf %add3A_286, %mul3A_294 : vector<16xf32>
      %mul3A_296 = arith.mulf %gather3A_291, %gather3A_293 : vector<16xf32>
      %add3A_297 = arith.addf %add3A_288, %mul3A_296 : vector<16xf32>
      %broadcast_in_dim3A_298 = arith.constant 3 : i32
      %broadcast_in_dim3A_299 = vector.broadcast %broadcast_in_dim3A_298 : i32 to vector<16xi32>
      %gather3A_300 = tpu.vector_load_idx %arg8[%add3A_264, %broadcast_in_dim3A_299] : memref<512x64xf32, #tpu.memory_space<vmem>>[vector<16xi32>, vector<16xi32>], vector<16xf32>,
      %gather3A_301 = tpu.vector_load_idx %arg9[%gather3A, %broadcast_in_dim3A_299] : memref<1000x64xf32, #tpu.memory_space<vmem>>[vector<16xi32>, vector<16xi32>], vector<16xf32>,
      %gather3A_302 = tpu.vector_load_idx %arg9[%gather3A_265, %broadcast_in_dim3A_299] : memref<1000x64xf32, #tpu.memory_space<vmem>>[vector<16xi32>, vector<16xi32>], vector<16xf32>,
      %mul3A_303 = arith.mulf %gather3A_300, %gather3A_301 : vector<16xf32>
      %add3A_304 = arith.addf %add3A_295, %mul3A_303 : vector<16xf32>
      %mul3A_305 = arith.mulf %gather3A_300, %gather3A_302 : vector<16xf32>
      %add3A_306 = arith.addf %add3A_297, %mul3A_305 : vector<16xf32>
      %broadcast_in_dim3A_307 = arith.constant 4 : i32
      %broadcast_in_dim3A_308 = vector.broadcast %broadcast_in_dim3A_307 : i32 to vector<16xi32>
      %gather3A_309 = tpu.vector_load_idx %arg8[%add3A_264, %broadcast_in_dim3A_308] : memref<512x64xf32, #tpu.memory_space<vmem>>[vector<16xi32>, vector<16xi32>], vector<16xf32>,
      %gather3A_310 = tpu.vector_load_idx %arg9[%gather3A, %broadcast_in_dim3A_308] : memref<1000x64xf32, #tpu.memory_space<vmem>>[vector<16xi32>, vector<16xi32>], vector<16xf32>,
      %gather3A_311 = tpu.vector_load_idx %arg9[%gather3A_265, %broadcast_in_dim3A_308] : memref<1000x64xf32, #tpu.memory_space<vmem>>[vector<16xi32>, vector<16xi32>], vector<16xf32>,
      %mul3A_312 = arith.mulf %gather3A_309, %gather3A_310 : vector<16xf32>
      %add3A_313 = arith.addf %add3A_304, %mul3A_312 : vector<16xf32>
      %mul3A_314 = arith.mulf %gather3A_309, %gather3A_311 : vector<16xf32>
      %add3A_315 = arith.addf %add3A_306, %mul3A_314 : vector<16xf32>
      %broadcast_in_dim3A_316 = arith.constant 5 : i32
      %broadcast_in_dim3A_317 = vector.broadcast %broadcast_in_dim3A_316 : i32 to vector<16xi32>
      %gather3A_318 = tpu.vector_load_idx %arg8[%add3A_264, %broadcast_in_dim3A_317] : memref<512x64xf32, #tpu.memory_space<vmem>>[vector<16xi32>, vector<16xi32>], vector<16xf32>,
      %gather3A_319 = tpu.vector_load_idx %arg9[%gather3A, %broadcast_in_dim3A_317] : memref<1000x64xf32, #tpu.memory_space<vmem>>[vector<16xi32>, vector<16xi32>], vector<16xf32>,
      %gather3A_320 = tpu.vector_load_idx %arg9[%gather3A_265, %broadcast_in_dim3A_317] : memref<1000x64xf32, #tpu.memory_space<vmem>>[vector<16xi32>, vector<16xi32>], vector<16xf32>,
      %mul3A_321 = arith.mulf %gather3A_318, %gather3A_319 : vector<16xf32>
      %add3A_322 = arith.addf %add3A_313, %mul3A_321 : vector<16xf32>
      %mul3A_323 = arith.mulf %gather3A_318, %gather3A_320 : vector<16xf32>
      %add3A_324 = arith.addf %add3A_315, %mul3A_323 : vector<16xf32>
      %broadcast_in_dim3A_325 = arith.constant 6 : i32
      %broadcast_in_dim3A_326 = vector.broadcast %broadcast_in_dim3A_325 : i32 to vector<16xi32>
      %gather3A_327 = tpu.vector_load_idx %arg8[%add3A_264, %broadcast_in_dim3A_326] : memref<512x64xf32, #tpu.memory_space<vmem>>[vector<16xi32>, vector<16xi32>], vector<16xf32>,
      %gather3A_328 = tpu.vector_load_idx %arg9[%gather3A, %broadcast_in_dim3A_326] : memref<1000x64xf32, #tpu.memory_space<vmem>>[vector<16xi32>, vector<16xi32>], vector<16xf32>,
      %gather3A_329 = tpu.vector_load_idx %arg9[%gather3A_265, %broadcast_in_dim3A_326] : memref<1000x64xf32, #tpu.memory_space<vmem>>[vector<16xi32>, vector<16xi32>], vector<16xf32>,
      %mul3A_330 = arith.mulf %gather3A_327, %gather3A_328 : vector<16xf32>
      %add3A_331 = arith.addf %add3A_322, %mul3A_330 : vector<16xf32>
      %mul3A_332 = arith.mulf %gather3A_327, %gather3A_329 : vector<16xf32>
      %add3A_333 = arith.addf %add3A_324, %mul3A_332 : vector<16xf32>
      %broadcast_in_dim3A_334 = arith.constant 7 : i32
      %broadcast_in_dim3A_335 = vector.broadcast %broadcast_in_dim3A_334 : i32 to vector<16xi32>
      %gather3A_336 = tpu.vector_load_idx %arg8[%add3A_264, %broadcast_in_dim3A_335] : memref<512x64xf32, #tpu.memory_space<vmem>>[vector<16xi32>, vector<16xi32>], vector<16xf32>,
      %gather3A_337 = tpu.vector_load_idx %arg9[%gather3A, %broadcast_in_dim3A_335] : memref<1000x64xf32, #tpu.memory_space<vmem>>[vector<16xi32>, vector<16xi32>], vector<16xf32>,
      %gather3A_338 = tpu.vector_load_idx %arg9[%gather3A_265, %broadcast_in_dim3A_335] : memref<1000x64xf32, #tpu.memory_space<vmem>>[vector<16xi32>, vector<16xi32>], vector<16xf32>,
      %mul3A_339 = arith.mulf %gather3A_336, %gather3A_337 : vector<16xf32>
      %add3A_340 = arith.addf %add3A_331, %mul3A_339 : vector<16xf32>
      %mul3A_341 = arith.mulf %gather3A_336, %gather3A_338 : vector<16xf32>
      %add3A_342 = arith.addf %add3A_333, %mul3A_341 : vector<16xf32>
      %broadcast_in_dim3A_343 = arith.constant 8 : i32
      %broadcast_in_dim3A_344 = vector.broadcast %broadcast_in_dim3A_343 : i32 to vector<16xi32>
      %gather3A_345 = tpu.vector_load_idx %arg8[%add3A_264, %broadcast_in_dim3A_344] : memref<512x64xf32, #tpu.memory_space<vmem>>[vector<16xi32>, vector<16xi32>], vector<16xf32>,
      %gather3A_346 = tpu.vector_load_idx %arg9[%gather3A, %broadcast_in_dim3A_344] : memref<1000x64xf32, #tpu.memory_space<vmem>>[vector<16xi32>, vector<16xi32>], vector<16xf32>,
      %gather3A_347 = tpu.vector_load_idx %arg9[%gather3A_265, %broadcast_in_dim3A_344] : memref<1000x64xf32, #tpu.memory_space<vmem>>[vector<16xi32>, vector<16xi32>], vector<16xf32>,
      %mul3A_348 = arith.mulf %gather3A_345, %gather3A_346 : vector<16xf32>
      %add3A_349 = arith.addf %add3A_340, %mul3A_348 : vector<16xf32>
      %mul3A_350 = arith.mulf %gather3A_345, %gather3A_347 : vector<16xf32>
      %add3A_351 = arith.addf %add3A_342, %mul3A_350 : vector<16xf32>
      %broadcast_in_dim3A_352 = arith.constant 9 : i32
      %broadcast_in_dim3A_353 = vector.broadcast %broadcast_in_dim3A_352 : i32 to vector<16xi32>
      %gather3A_354 = tpu.vector_load_idx %arg8[%add3A_264, %broadcast_in_dim3A_353] : memref<512x64xf32, #tpu.memory_space<vmem>>[vector<16xi32>, vector<16xi32>], vector<16xf32>,
      %gather3A_355 = tpu.vector_load_idx %arg9[%gather3A, %broadcast_in_dim3A_353] : memref<1000x64xf32, #tpu.memory_space<vmem>>[vector<16xi32>, vector<16xi32>], vector<16xf32>,
      %gather3A_356 = tpu.vector_load_idx %arg9[%gather3A_265, %broadcast_in_dim3A_353] : memref<1000x64xf32, #tpu.memory_space<vmem>>[vector<16xi32>, vector<16xi32>], vector<16xf32>,
      %mul3A_357 = arith.mulf %gather3A_354, %gather3A_355 : vector<16xf32>
      %add3A_358 = arith.addf %add3A_349, %mul3A_357 : vector<16xf32>
      %mul3A_359 = arith.mulf %gather3A_354, %gather3A_356 : vector<16xf32>
      %add3A_360 = arith.addf %add3A_351, %mul3A_359 : vector<16xf32>
      %broadcast_in_dim3A_361 = arith.constant 10 : i32
      %broadcast_in_dim3A_362 = vector.broadcast %broadcast_in_dim3A_361 : i32 to vector<16xi32>
      %gather3A_363 = tpu.vector_load_idx %arg8[%add3A_264, %broadcast_in_dim3A_362] : memref<512x64xf32, #tpu.memory_space<vmem>>[vector<16xi32>, vector<16xi32>], vector<16xf32>,
      %gather3A_364 = tpu.vector_load_idx %arg9[%gather3A, %broadcast_in_dim3A_362] : memref<1000x64xf32, #tpu.memory_space<vmem>>[vector<16xi32>, vector<16xi32>], vector<16xf32>,
      %gather3A_365 = tpu.vector_load_idx %arg9[%gather3A_265, %broadcast_in_dim3A_362] : memref<1000x64xf32, #tpu.memory_space<vmem>>[vector<16xi32>, vector<16xi32>], vector<16xf32>,
      %mul3A_366 = arith.mulf %gather3A_363, %gather3A_364 : vector<16xf32>
      %add3A_367 = arith.addf %add3A_358, %mul3A_366 : vector<16xf32>
      %mul3A_368 = arith.mulf %gather3A_363, %gather3A_365 : vector<16xf32>
      %add3A_369 = arith.addf %add3A_360, %mul3A_368 : vector<16xf32>
      %broadcast_in_dim3A_370 = arith.constant 11 : i32
      %broadcast_in_dim3A_371 = vector.broadcast %broadcast_in_dim3A_370 : i32 to vector<16xi32>
      %gather3A_372 = tpu.vector_load_idx %arg8[%add3A_264, %broadcast_in_dim3A_371] : memref<512x64xf32, #tpu.memory_space<vmem>>[vector<16xi32>, vector<16xi32>], vector<16xf32>,
      %gather3A_373 = tpu.vector_load_idx %arg9[%gather3A, %broadcast_in_dim3A_371] : memref<1000x64xf32, #tpu.memory_space<vmem>>[vector<16xi32>, vector<16xi32>], vector<16xf32>,
      %gather3A_374 = tpu.vector_load_idx %arg9[%gather3A_265, %broadcast_in_dim3A_371] : memref<1000x64xf32, #tpu.memory_space<vmem>>[vector<16xi32>, vector<16xi32>], vector<16xf32>,
      %mul3A_375 = arith.mulf %gather3A_372, %gather3A_373 : vector<16xf32>
      %add3A_376 = arith.addf %add3A_367, %mul3A_375 : vector<16xf32>
      %mul3A_377 = arith.mulf %gather3A_372, %gather3A_374 : vector<16xf32>
      %add3A_378 = arith.addf %add3A_369, %mul3A_377 : vector<16xf32>
      %broadcast_in_dim3A_379 = arith.constant 12 : i32
      %broadcast_in_dim3A_380 = vector.broadcast %broadcast_in_dim3A_379 : i32 to vector<16xi32>
      %gather3A_381 = tpu.vector_load_idx %arg8[%add3A_264, %broadcast_in_dim3A_380] : memref<512x64xf32, #tpu.memory_space<vmem>>[vector<16xi32>, vector<16xi32>], vector<16xf32>,
      %gather3A_382 = tpu.vector_load_idx %arg9[%gather3A, %broadcast_in_dim3A_380] : memref<1000x64xf32, #tpu.memory_space<vmem>>[vector<16xi32>, vector<16xi32>], vector<16xf32>,
      %gather3A_383 = tpu.vector_load_idx %arg9[%gather3A_265, %broadcast_in_dim3A_380] : memref<1000x64xf32, #tpu.memory_space<vmem>>[vector<16xi32>, vector<16xi32>], vector<16xf32>,
      %mul3A_384 = arith.mulf %gather3A_381, %gather3A_382 : vector<16xf32>
      %add3A_385 = arith.addf %add3A_376, %mul3A_384 : vector<16xf32>
      %mul3A_386 = arith.mulf %gather3A_381, %gather3A_383 : vector<16xf32>
      %add3A_387 = arith.addf %add3A_378, %mul3A_386 : vector<16xf32>
      %broadcast_in_dim3A_388 = arith.constant 13 : i32
      %broadcast_in_dim3A_389 = vector.broadcast %broadcast_in_dim3A_388 : i32 to vector<16xi32>
      %gather3A_390 = tpu.vector_load_idx %arg8[%add3A_264, %broadcast_in_dim3A_389] : memref<512x64xf32, #tpu.memory_space<vmem>>[vector<16xi32>, vector<16xi32>], vector<16xf32>,
      %gather3A_391 = tpu.vector_load_idx %arg9[%gather3A, %broadcast_in_dim3A_389] : memref<1000x64xf32, #tpu.memory_space<vmem>>[vector<16xi32>, vector<16xi32>], vector<16xf32>,
      %gather3A_392 = tpu.vector_load_idx %arg9[%gather3A_265, %broadcast_in_dim3A_389] : memref<1000x64xf32, #tpu.memory_space<vmem>>[vector<16xi32>, vector<16xi32>], vector<16xf32>,
      %mul3A_393 = arith.mulf %gather3A_390, %gather3A_391 : vector<16xf32>
      %add3A_394 = arith.addf %add3A_385, %mul3A_393 : vector<16xf32>
      %mul3A_395 = arith.mulf %gather3A_390, %gather3A_392 : vector<16xf32>
      %add3A_396 = arith.addf %add3A_387, %mul3A_395 : vector<16xf32>
      %broadcast_in_dim3A_397 = arith.constant 14 : i32
      %broadcast_in_dim3A_398 = vector.broadcast %broadcast_in_dim3A_397 : i32 to vector<16xi32>
      %gather3A_399 = tpu.vector_load_idx %arg8[%add3A_264, %broadcast_in_dim3A_398] : memref<512x64xf32, #tpu.memory_space<vmem>>[vector<16xi32>, vector<16xi32>], vector<16xf32>,
      %gather3A_400 = tpu.vector_load_idx %arg9[%gather3A, %broadcast_in_dim3A_398] : memref<1000x64xf32, #tpu.memory_space<vmem>>[vector<16xi32>, vector<16xi32>], vector<16xf32>,
      %gather3A_401 = tpu.vector_load_idx %arg9[%gather3A_265, %broadcast_in_dim3A_398] : memref<1000x64xf32, #tpu.memory_space<vmem>>[vector<16xi32>, vector<16xi32>], vector<16xf32>,
      %mul3A_402 = arith.mulf %gather3A_399, %gather3A_400 : vector<16xf32>
      %add3A_403 = arith.addf %add3A_394, %mul3A_402 : vector<16xf32>
      %mul3A_404 = arith.mulf %gather3A_399, %gather3A_401 : vector<16xf32>
      %add3A_405 = arith.addf %add3A_396, %mul3A_404 : vector<16xf32>
      %broadcast_in_dim3A_406 = arith.constant 15 : i32
      %broadcast_in_dim3A_407 = vector.broadcast %broadcast_in_dim3A_406 : i32 to vector<16xi32>
      %gather3A_408 = tpu.vector_load_idx %arg8[%add3A_264, %broadcast_in_dim3A_407] : memref<512x64xf32, #tpu.memory_space<vmem>>[vector<16xi32>, vector<16xi32>], vector<16xf32>,
      %gather3A_409 = tpu.vector_load_idx %arg9[%gather3A, %broadcast_in_dim3A_407] : memref<1000x64xf32, #tpu.memory_space<vmem>>[vector<16xi32>, vector<16xi32>], vector<16xf32>,
      %gather3A_410 = tpu.vector_load_idx %arg9[%gather3A_265, %broadcast_in_dim3A_407] : memref<1000x64xf32, #tpu.memory_space<vmem>>[vector<16xi32>, vector<16xi32>], vector<16xf32>,
      %mul3A_411 = arith.mulf %gather3A_408, %gather3A_409 : vector<16xf32>
      %add3A_412 = arith.addf %add3A_403, %mul3A_411 : vector<16xf32>
      %mul3A_413 = arith.mulf %gather3A_408, %gather3A_410 : vector<16xf32>
      %add3A_414 = arith.addf %add3A_405, %mul3A_413 : vector<16xf32>
      %broadcast_in_dim3A_415 = arith.constant 16 : i32
      %broadcast_in_dim3A_416 = vector.broadcast %broadcast_in_dim3A_415 : i32 to vector<16xi32>
      %gather3A_417 = tpu.vector_load_idx %arg8[%add3A_264, %broadcast_in_dim3A_416] : memref<512x64xf32, #tpu.memory_space<vmem>>[vector<16xi32>, vector<16xi32>], vector<16xf32>,
      %gather3A_418 = tpu.vector_load_idx %arg9[%gather3A, %broadcast_in_dim3A_416] : memref<1000x64xf32, #tpu.memory_space<vmem>>[vector<16xi32>, vector<16xi32>], vector<16xf32>,
      %gather3A_419 = tpu.vector_load_idx %arg9[%gather3A_265, %broadcast_in_dim3A_416] : memref<1000x64xf32, #tpu.memory_space<vmem>>[vector<16xi32>, vector<16xi32>], vector<16xf32>,
      %mul3A_420 = arith.mulf %gather3A_417, %gather3A_418 : vector<16xf32>
      %add3A_421 = arith.addf %add3A_412, %mul3A_420 : vector<16xf32>
      %mul3A_422 = arith.mulf %gather3A_417, %gather3A_419 : vector<16xf32>
      %add3A_423 = arith.addf %add3A_414, %mul3A_422 : vector<16xf32>
      %broadcast_in_dim3A_424 = arith.constant 17 : i32
      %broadcast_in_dim3A_425 = vector.broadcast %broadcast_in_dim3A_424 : i32 to vector<16xi32>
      %gather3A_426 = tpu.vector_load_idx %arg8[%add3A_264, %broadcast_in_dim3A_425] : memref<512x64xf32, #tpu.memory_space<vmem>>[vector<16xi32>, vector<16xi32>], vector<16xf32>,
      %gather3A_427 = tpu.vector_load_idx %arg9[%gather3A, %broadcast_in_dim3A_425] : memref<1000x64xf32, #tpu.memory_space<vmem>>[vector<16xi32>, vector<16xi32>], vector<16xf32>,
      %gather3A_428 = tpu.vector_load_idx %arg9[%gather3A_265, %broadcast_in_dim3A_425] : memref<1000x64xf32, #tpu.memory_space<vmem>>[vector<16xi32>, vector<16xi32>], vector<16xf32>,
      %mul3A_429 = arith.mulf %gather3A_426, %gather3A_427 : vector<16xf32>
      %add3A_430 = arith.addf %add3A_421, %mul3A_429 : vector<16xf32>
      %mul3A_431 = arith.mulf %gather3A_426, %gather3A_428 : vector<16xf32>
      %add3A_432 = arith.addf %add3A_423, %mul3A_431 : vector<16xf32>
      %broadcast_in_dim3A_433 = arith.constant 18 : i32
      %broadcast_in_dim3A_434 = vector.broadcast %broadcast_in_dim3A_433 : i32 to vector<16xi32>
      %gather3A_435 = tpu.vector_load_idx %arg8[%add3A_264, %broadcast_in_dim3A_434] : memref<512x64xf32, #tpu.memory_space<vmem>>[vector<16xi32>, vector<16xi32>], vector<16xf32>,
      %gather3A_436 = tpu.vector_load_idx %arg9[%gather3A, %broadcast_in_dim3A_434] : memref<1000x64xf32, #tpu.memory_space<vmem>>[vector<16xi32>, vector<16xi32>], vector<16xf32>,
      %gather3A_437 = tpu.vector_load_idx %arg9[%gather3A_265, %broadcast_in_dim3A_434] : memref<1000x64xf32, #tpu.memory_space<vmem>>[vector<16xi32>, vector<16xi32>], vector<16xf32>,
      %mul3A_438 = arith.mulf %gather3A_435, %gather3A_436 : vector<16xf32>
      %add3A_439 = arith.addf %add3A_430, %mul3A_438 : vector<16xf32>
      %mul3A_440 = arith.mulf %gather3A_435, %gather3A_437 : vector<16xf32>
      %add3A_441 = arith.addf %add3A_432, %mul3A_440 : vector<16xf32>
      %broadcast_in_dim3A_442 = arith.constant 19 : i32
      %broadcast_in_dim3A_443 = vector.broadcast %broadcast_in_dim3A_442 : i32 to vector<16xi32>
      %gather3A_444 = tpu.vector_load_idx %arg8[%add3A_264, %broadcast_in_dim3A_443] : memref<512x64xf32, #tpu.memory_space<vmem>>[vector<16xi32>, vector<16xi32>], vector<16xf32>,
      %gather3A_445 = tpu.vector_load_idx %arg9[%gather3A, %broadcast_in_dim3A_443] : memref<1000x64xf32, #tpu.memory_space<vmem>>[vector<16xi32>, vector<16xi32>], vector<16xf32>,
      %gather3A_446 = tpu.vector_load_idx %arg9[%gather3A_265, %broadcast_in_dim3A_443] : memref<1000x64xf32, #tpu.memory_space<vmem>>[vector<16xi32>, vector<16xi32>], vector<16xf32>,
      %mul3A_447 = arith.mulf %gather3A_444, %gather3A_445 : vector<16xf32>
      %add3A_448 = arith.addf %add3A_439, %mul3A_447 : vector<16xf32>
      %mul3A_449 = arith.mulf %gather3A_444, %gather3A_446 : vector<16xf32>
      %add3A_450 = arith.addf %add3A_441, %mul3A_449 : vector<16xf32>
      %broadcast_in_dim3A_451 = arith.constant 20 : i32
      %broadcast_in_dim3A_452 = vector.broadcast %broadcast_in_dim3A_451 : i32 to vector<16xi32>
      %gather3A_453 = tpu.vector_load_idx %arg8[%add3A_264, %broadcast_in_dim3A_452] : memref<512x64xf32, #tpu.memory_space<vmem>>[vector<16xi32>, vector<16xi32>], vector<16xf32>,
      %gather3A_454 = tpu.vector_load_idx %arg9[%gather3A, %broadcast_in_dim3A_452] : memref<1000x64xf32, #tpu.memory_space<vmem>>[vector<16xi32>, vector<16xi32>], vector<16xf32>,
      %gather3A_455 = tpu.vector_load_idx %arg9[%gather3A_265, %broadcast_in_dim3A_452] : memref<1000x64xf32, #tpu.memory_space<vmem>>[vector<16xi32>, vector<16xi32>], vector<16xf32>,
      %mul3A_456 = arith.mulf %gather3A_453, %gather3A_454 : vector<16xf32>
      %add3A_457 = arith.addf %add3A_448, %mul3A_456 : vector<16xf32>
      %mul3A_458 = arith.mulf %gather3A_453, %gather3A_455 : vector<16xf32>
      %add3A_459 = arith.addf %add3A_450, %mul3A_458 : vector<16xf32>
      %broadcast_in_dim3A_460 = arith.constant 21 : i32
      %broadcast_in_dim3A_461 = vector.broadcast %broadcast_in_dim3A_460 : i32 to vector<16xi32>
      %gather3A_462 = tpu.vector_load_idx %arg8[%add3A_264, %broadcast_in_dim3A_461] : memref<512x64xf32, #tpu.memory_space<vmem>>[vector<16xi32>, vector<16xi32>], vector<16xf32>,
      %gather3A_463 = tpu.vector_load_idx %arg9[%gather3A, %broadcast_in_dim3A_461] : memref<1000x64xf32, #tpu.memory_space<vmem>>[vector<16xi32>, vector<16xi32>], vector<16xf32>,
      %gather3A_464 = tpu.vector_load_idx %arg9[%gather3A_265, %broadcast_in_dim3A_461] : memref<1000x64xf32, #tpu.memory_space<vmem>>[vector<16xi32>, vector<16xi32>], vector<16xf32>,
      %mul3A_465 = arith.mulf %gather3A_462, %gather3A_463 : vector<16xf32>
      %add3A_466 = arith.addf %add3A_457, %mul3A_465 : vector<16xf32>
      %mul3A_467 = arith.mulf %gather3A_462, %gather3A_464 : vector<16xf32>
      %add3A_468 = arith.addf %add3A_459, %mul3A_467 : vector<16xf32>
      %broadcast_in_dim3A_469 = arith.constant 22 : i32
      %broadcast_in_dim3A_470 = vector.broadcast %broadcast_in_dim3A_469 : i32 to vector<16xi32>
      %gather3A_471 = tpu.vector_load_idx %arg8[%add3A_264, %broadcast_in_dim3A_470] : memref<512x64xf32, #tpu.memory_space<vmem>>[vector<16xi32>, vector<16xi32>], vector<16xf32>,
      %gather3A_472 = tpu.vector_load_idx %arg9[%gather3A, %broadcast_in_dim3A_470] : memref<1000x64xf32, #tpu.memory_space<vmem>>[vector<16xi32>, vector<16xi32>], vector<16xf32>,
      %gather3A_473 = tpu.vector_load_idx %arg9[%gather3A_265, %broadcast_in_dim3A_470] : memref<1000x64xf32, #tpu.memory_space<vmem>>[vector<16xi32>, vector<16xi32>], vector<16xf32>,
      %mul3A_474 = arith.mulf %gather3A_471, %gather3A_472 : vector<16xf32>
      %add3A_475 = arith.addf %add3A_466, %mul3A_474 : vector<16xf32>
      %mul3A_476 = arith.mulf %gather3A_471, %gather3A_473 : vector<16xf32>
      %add3A_477 = arith.addf %add3A_468, %mul3A_476 : vector<16xf32>
      %broadcast_in_dim3A_478 = arith.constant 23 : i32
      %broadcast_in_dim3A_479 = vector.broadcast %broadcast_in_dim3A_478 : i32 to vector<16xi32>
      %gather3A_480 = tpu.vector_load_idx %arg8[%add3A_264, %broadcast_in_dim3A_479] : memref<512x64xf32, #tpu.memory_space<vmem>>[vector<16xi32>, vector<16xi32>], vector<16xf32>,
      %gather3A_481 = tpu.vector_load_idx %arg9[%gather3A, %broadcast_in_dim3A_479] : memref<1000x64xf32, #tpu.memory_space<vmem>>[vector<16xi32>, vector<16xi32>], vector<16xf32>,
      %gather3A_482 = tpu.vector_load_idx %arg9[%gather3A_265, %broadcast_in_dim3A_479] : memref<1000x64xf32, #tpu.memory_space<vmem>>[vector<16xi32>, vector<16xi32>], vector<16xf32>,
      %mul3A_483 = arith.mulf %gather3A_480, %gather3A_481 : vector<16xf32>
      %add3A_484 = arith.addf %add3A_475, %mul3A_483 : vector<16xf32>
      %mul3A_485 = arith.mulf %gather3A_480, %gather3A_482 : vector<16xf32>
      %add3A_486 = arith.addf %add3A_477, %mul3A_485 : vector<16xf32>
      %broadcast_in_dim3A_487 = arith.constant 24 : i32
      %broadcast_in_dim3A_488 = vector.broadcast %broadcast_in_dim3A_487 : i32 to vector<16xi32>
      %gather3A_489 = tpu.vector_load_idx %arg8[%add3A_264, %broadcast_in_dim3A_488] : memref<512x64xf32, #tpu.memory_space<vmem>>[vector<16xi32>, vector<16xi32>], vector<16xf32>,
      %gather3A_490 = tpu.vector_load_idx %arg9[%gather3A, %broadcast_in_dim3A_488] : memref<1000x64xf32, #tpu.memory_space<vmem>>[vector<16xi32>, vector<16xi32>], vector<16xf32>,
      %gather3A_491 = tpu.vector_load_idx %arg9[%gather3A_265, %broadcast_in_dim3A_488] : memref<1000x64xf32, #tpu.memory_space<vmem>>[vector<16xi32>, vector<16xi32>], vector<16xf32>,
      %mul3A_492 = arith.mulf %gather3A_489, %gather3A_490 : vector<16xf32>
      %add3A_493 = arith.addf %add3A_484, %mul3A_492 : vector<16xf32>
      %mul3A_494 = arith.mulf %gather3A_489, %gather3A_491 : vector<16xf32>
      %add3A_495 = arith.addf %add3A_486, %mul3A_494 : vector<16xf32>
      %broadcast_in_dim3A_496 = arith.constant 25 : i32
      %broadcast_in_dim3A_497 = vector.broadcast %broadcast_in_dim3A_496 : i32 to vector<16xi32>
      %gather3A_498 = tpu.vector_load_idx %arg8[%add3A_264, %broadcast_in_dim3A_497] : memref<512x64xf32, #tpu.memory_space<vmem>>[vector<16xi32>, vector<16xi32>], vector<16xf32>,
      %gather3A_499 = tpu.vector_load_idx %arg9[%gather3A, %broadcast_in_dim3A_497] : memref<1000x64xf32, #tpu.memory_space<vmem>>[vector<16xi32>, vector<16xi32>], vector<16xf32>,
      %gather3A_500 = tpu.vector_load_idx %arg9[%gather3A_265, %broadcast_in_dim3A_497] : memref<1000x64xf32, #tpu.memory_space<vmem>>[vector<16xi32>, vector<16xi32>], vector<16xf32>,
      %mul3A_501 = arith.mulf %gather3A_498, %gather3A_499 : vector<16xf32>
      %add3A_502 = arith.addf %add3A_493, %mul3A_501 : vector<16xf32>
      %mul3A_503 = arith.mulf %gather3A_498, %gather3A_500 : vector<16xf32>
      %add3A_504 = arith.addf %add3A_495, %mul3A_503 : vector<16xf32>
      %broadcast_in_dim3A_505 = arith.constant 26 : i32
      %broadcast_in_dim3A_506 = vector.broadcast %broadcast_in_dim3A_505 : i32 to vector<16xi32>
      %gather3A_507 = tpu.vector_load_idx %arg8[%add3A_264, %broadcast_in_dim3A_506] : memref<512x64xf32, #tpu.memory_space<vmem>>[vector<16xi32>, vector<16xi32>], vector<16xf32>,
      %gather3A_508 = tpu.vector_load_idx %arg9[%gather3A, %broadcast_in_dim3A_506] : memref<1000x64xf32, #tpu.memory_space<vmem>>[vector<16xi32>, vector<16xi32>], vector<16xf32>,
      %gather3A_509 = tpu.vector_load_idx %arg9[%gather3A_265, %broadcast_in_dim3A_506] : memref<1000x64xf32, #tpu.memory_space<vmem>>[vector<16xi32>, vector<16xi32>], vector<16xf32>,
      %mul3A_510 = arith.mulf %gather3A_507, %gather3A_508 : vector<16xf32>
      %add3A_511 = arith.addf %add3A_502, %mul3A_510 : vector<16xf32>
      %mul3A_512 = arith.mulf %gather3A_507, %gather3A_509 : vector<16xf32>
      %add3A_513 = arith.addf %add3A_504, %mul3A_512 : vector<16xf32>
      %broadcast_in_dim3A_514 = arith.constant 27 : i32
      %broadcast_in_dim3A_515 = vector.broadcast %broadcast_in_dim3A_514 : i32 to vector<16xi32>
      %gather3A_516 = tpu.vector_load_idx %arg8[%add3A_264, %broadcast_in_dim3A_515] : memref<512x64xf32, #tpu.memory_space<vmem>>[vector<16xi32>, vector<16xi32>], vector<16xf32>,
      %gather3A_517 = tpu.vector_load_idx %arg9[%gather3A, %broadcast_in_dim3A_515] : memref<1000x64xf32, #tpu.memory_space<vmem>>[vector<16xi32>, vector<16xi32>], vector<16xf32>,
      %gather3A_518 = tpu.vector_load_idx %arg9[%gather3A_265, %broadcast_in_dim3A_515] : memref<1000x64xf32, #tpu.memory_space<vmem>>[vector<16xi32>, vector<16xi32>], vector<16xf32>,
      %mul3A_519 = arith.mulf %gather3A_516, %gather3A_517 : vector<16xf32>
      %add3A_520 = arith.addf %add3A_511, %mul3A_519 : vector<16xf32>
      %mul3A_521 = arith.mulf %gather3A_516, %gather3A_518 : vector<16xf32>
      %add3A_522 = arith.addf %add3A_513, %mul3A_521 : vector<16xf32>
      %broadcast_in_dim3A_523 = arith.constant 28 : i32
      %broadcast_in_dim3A_524 = vector.broadcast %broadcast_in_dim3A_523 : i32 to vector<16xi32>
      %gather3A_525 = tpu.vector_load_idx %arg8[%add3A_264, %broadcast_in_dim3A_524] : memref<512x64xf32, #tpu.memory_space<vmem>>[vector<16xi32>, vector<16xi32>], vector<16xf32>,
      %gather3A_526 = tpu.vector_load_idx %arg9[%gather3A, %broadcast_in_dim3A_524] : memref<1000x64xf32, #tpu.memory_space<vmem>>[vector<16xi32>, vector<16xi32>], vector<16xf32>,
      %gather3A_527 = tpu.vector_load_idx %arg9[%gather3A_265, %broadcast_in_dim3A_524] : memref<1000x64xf32, #tpu.memory_space<vmem>>[vector<16xi32>, vector<16xi32>], vector<16xf32>,
      %mul3A_528 = arith.mulf %gather3A_525, %gather3A_526 : vector<16xf32>
      %add3A_529 = arith.addf %add3A_520, %mul3A_528 : vector<16xf32>
      %mul3A_530 = arith.mulf %gather3A_525, %gather3A_527 : vector<16xf32>
      %add3A_531 = arith.addf %add3A_522, %mul3A_530 : vector<16xf32>
      %broadcast_in_dim3A_532 = arith.constant 29 : i32
      %broadcast_in_dim3A_533 = vector.broadcast %broadcast_in_dim3A_532 : i32 to vector<16xi32>
      %gather3A_534 = tpu.vector_load_idx %arg8[%add3A_264, %broadcast_in_dim3A_533] : memref<512x64xf32, #tpu.memory_space<vmem>>[vector<16xi32>, vector<16xi32>], vector<16xf32>,
      %gather3A_535 = tpu.vector_load_idx %arg9[%gather3A, %broadcast_in_dim3A_533] : memref<1000x64xf32, #tpu.memory_space<vmem>>[vector<16xi32>, vector<16xi32>], vector<16xf32>,
      %gather3A_536 = tpu.vector_load_idx %arg9[%gather3A_265, %broadcast_in_dim3A_533] : memref<1000x64xf32, #tpu.memory_space<vmem>>[vector<16xi32>, vector<16xi32>], vector<16xf32>,
      %mul3A_537 = arith.mulf %gather3A_534, %gather3A_535 : vector<16xf32>
      %add3A_538 = arith.addf %add3A_529, %mul3A_537 : vector<16xf32>
      %mul3A_539 = arith.mulf %gather3A_534, %gather3A_536 : vector<16xf32>
      %add3A_540 = arith.addf %add3A_531, %mul3A_539 : vector<16xf32>
      %broadcast_in_dim3A_541 = arith.constant 30 : i32
      %broadcast_in_dim3A_542 = vector.broadcast %broadcast_in_dim3A_541 : i32 to vector<16xi32>
      %gather3A_543 = tpu.vector_load_idx %arg8[%add3A_264, %broadcast_in_dim3A_542] : memref<512x64xf32, #tpu.memory_space<vmem>>[vector<16xi32>, vector<16xi32>], vector<16xf32>,
      %gather3A_544 = tpu.vector_load_idx %arg9[%gather3A, %broadcast_in_dim3A_542] : memref<1000x64xf32, #tpu.memory_space<vmem>>[vector<16xi32>, vector<16xi32>], vector<16xf32>,
      %gather3A_545 = tpu.vector_load_idx %arg9[%gather3A_265, %broadcast_in_dim3A_542] : memref<1000x64xf32, #tpu.memory_space<vmem>>[vector<16xi32>, vector<16xi32>], vector<16xf32>,
      %mul3A_546 = arith.mulf %gather3A_543, %gather3A_544 : vector<16xf32>
      %add3A_547 = arith.addf %add3A_538, %mul3A_546 : vector<16xf32>
      %mul3A_548 = arith.mulf %gather3A_543, %gather3A_545 : vector<16xf32>
      %add3A_549 = arith.addf %add3A_540, %mul3A_548 : vector<16xf32>
      %broadcast_in_dim3A_550 = arith.constant 31 : i32
      %broadcast_in_dim3A_551 = vector.broadcast %broadcast_in_dim3A_550 : i32 to vector<16xi32>
      %gather3A_552 = tpu.vector_load_idx %arg8[%add3A_264, %broadcast_in_dim3A_551] : memref<512x64xf32, #tpu.memory_space<vmem>>[vector<16xi32>, vector<16xi32>], vector<16xf32>,
      %gather3A_553 = tpu.vector_load_idx %arg9[%gather3A, %broadcast_in_dim3A_551] : memref<1000x64xf32, #tpu.memory_space<vmem>>[vector<16xi32>, vector<16xi32>], vector<16xf32>,
      %gather3A_554 = tpu.vector_load_idx %arg9[%gather3A_265, %broadcast_in_dim3A_551] : memref<1000x64xf32, #tpu.memory_space<vmem>>[vector<16xi32>, vector<16xi32>], vector<16xf32>,
      %mul3A_555 = arith.mulf %gather3A_552, %gather3A_553 : vector<16xf32>
      %add3A_556 = arith.addf %add3A_547, %mul3A_555 : vector<16xf32>
      %mul3A_557 = arith.mulf %gather3A_552, %gather3A_554 : vector<16xf32>
      %add3A_558 = arith.addf %add3A_549, %mul3A_557 : vector<16xf32>
      %broadcast_in_dim3A_559 = arith.constant 32 : i32
      %broadcast_in_dim3A_560 = vector.broadcast %broadcast_in_dim3A_559 : i32 to vector<16xi32>
      %gather3A_561 = tpu.vector_load_idx %arg8[%add3A_264, %broadcast_in_dim3A_560] : memref<512x64xf32, #tpu.memory_space<vmem>>[vector<16xi32>, vector<16xi32>], vector<16xf32>,
      %gather3A_562 = tpu.vector_load_idx %arg9[%gather3A, %broadcast_in_dim3A_560] : memref<1000x64xf32, #tpu.memory_space<vmem>>[vector<16xi32>, vector<16xi32>], vector<16xf32>,
      %gather3A_563 = tpu.vector_load_idx %arg9[%gather3A_265, %broadcast_in_dim3A_560] : memref<1000x64xf32, #tpu.memory_space<vmem>>[vector<16xi32>, vector<16xi32>], vector<16xf32>,
      %mul3A_564 = arith.mulf %gather3A_561, %gather3A_562 : vector<16xf32>
      %add3A_565 = arith.addf %add3A_556, %mul3A_564 : vector<16xf32>
      %mul3A_566 = arith.mulf %gather3A_561, %gather3A_563 : vector<16xf32>
      %add3A_567 = arith.addf %add3A_558, %mul3A_566 : vector<16xf32>
      %broadcast_in_dim3A_568 = arith.constant 33 : i32
      %broadcast_in_dim3A_569 = vector.broadcast %broadcast_in_dim3A_568 : i32 to vector<16xi32>
      %gather3A_570 = tpu.vector_load_idx %arg8[%add3A_264, %broadcast_in_dim3A_569] : memref<512x64xf32, #tpu.memory_space<vmem>>[vector<16xi32>, vector<16xi32>], vector<16xf32>,
      %gather3A_571 = tpu.vector_load_idx %arg9[%gather3A, %broadcast_in_dim3A_569] : memref<1000x64xf32, #tpu.memory_space<vmem>>[vector<16xi32>, vector<16xi32>], vector<16xf32>,
      %gather3A_572 = tpu.vector_load_idx %arg9[%gather3A_265, %broadcast_in_dim3A_569] : memref<1000x64xf32, #tpu.memory_space<vmem>>[vector<16xi32>, vector<16xi32>], vector<16xf32>,
      %mul3A_573 = arith.mulf %gather3A_570, %gather3A_571 : vector<16xf32>
      %add3A_574 = arith.addf %add3A_565, %mul3A_573 : vector<16xf32>
      %mul3A_575 = arith.mulf %gather3A_570, %gather3A_572 : vector<16xf32>
      %add3A_576 = arith.addf %add3A_567, %mul3A_575 : vector<16xf32>
      %broadcast_in_dim3A_577 = arith.constant 34 : i32
      %broadcast_in_dim3A_578 = vector.broadcast %broadcast_in_dim3A_577 : i32 to vector<16xi32>
      %gather3A_579 = tpu.vector_load_idx %arg8[%add3A_264, %broadcast_in_dim3A_578] : memref<512x64xf32, #tpu.memory_space<vmem>>[vector<16xi32>, vector<16xi32>], vector<16xf32>,
      %gather3A_580 = tpu.vector_load_idx %arg9[%gather3A, %broadcast_in_dim3A_578] : memref<1000x64xf32, #tpu.memory_space<vmem>>[vector<16xi32>, vector<16xi32>], vector<16xf32>,
      %gather3A_581 = tpu.vector_load_idx %arg9[%gather3A_265, %broadcast_in_dim3A_578] : memref<1000x64xf32, #tpu.memory_space<vmem>>[vector<16xi32>, vector<16xi32>], vector<16xf32>,
      %mul3A_582 = arith.mulf %gather3A_579, %gather3A_580 : vector<16xf32>
      %add3A_583 = arith.addf %add3A_574, %mul3A_582 : vector<16xf32>
      %mul3A_584 = arith.mulf %gather3A_579, %gather3A_581 : vector<16xf32>
      %add3A_585 = arith.addf %add3A_576, %mul3A_584 : vector<16xf32>
      %broadcast_in_dim3A_586 = arith.constant 35 : i32
      %broadcast_in_dim3A_587 = vector.broadcast %broadcast_in_dim3A_586 : i32 to vector<16xi32>
      %gather3A_588 = tpu.vector_load_idx %arg8[%add3A_264, %broadcast_in_dim3A_587] : memref<512x64xf32, #tpu.memory_space<vmem>>[vector<16xi32>, vector<16xi32>], vector<16xf32>,
      %gather3A_589 = tpu.vector_load_idx %arg9[%gather3A, %broadcast_in_dim3A_587] : memref<1000x64xf32, #tpu.memory_space<vmem>>[vector<16xi32>, vector<16xi32>], vector<16xf32>,
      %gather3A_590 = tpu.vector_load_idx %arg9[%gather3A_265, %broadcast_in_dim3A_587] : memref<1000x64xf32, #tpu.memory_space<vmem>>[vector<16xi32>, vector<16xi32>], vector<16xf32>,
      %mul3A_591 = arith.mulf %gather3A_588, %gather3A_589 : vector<16xf32>
      %add3A_592 = arith.addf %add3A_583, %mul3A_591 : vector<16xf32>
      %mul3A_593 = arith.mulf %gather3A_588, %gather3A_590 : vector<16xf32>
      %add3A_594 = arith.addf %add3A_585, %mul3A_593 : vector<16xf32>
      %broadcast_in_dim3A_595 = arith.constant 36 : i32
      %broadcast_in_dim3A_596 = vector.broadcast %broadcast_in_dim3A_595 : i32 to vector<16xi32>
      %gather3A_597 = tpu.vector_load_idx %arg8[%add3A_264, %broadcast_in_dim3A_596] : memref<512x64xf32, #tpu.memory_space<vmem>>[vector<16xi32>, vector<16xi32>], vector<16xf32>,
      %gather3A_598 = tpu.vector_load_idx %arg9[%gather3A, %broadcast_in_dim3A_596] : memref<1000x64xf32, #tpu.memory_space<vmem>>[vector<16xi32>, vector<16xi32>], vector<16xf32>,
      %gather3A_599 = tpu.vector_load_idx %arg9[%gather3A_265, %broadcast_in_dim3A_596] : memref<1000x64xf32, #tpu.memory_space<vmem>>[vector<16xi32>, vector<16xi32>], vector<16xf32>,
      %mul3A_600 = arith.mulf %gather3A_597, %gather3A_598 : vector<16xf32>
      %add3A_601 = arith.addf %add3A_592, %mul3A_600 : vector<16xf32>
      %mul3A_602 = arith.mulf %gather3A_597, %gather3A_599 : vector<16xf32>
      %add3A_603 = arith.addf %add3A_594, %mul3A_602 : vector<16xf32>
      %broadcast_in_dim3A_604 = arith.constant 37 : i32
      %broadcast_in_dim3A_605 = vector.broadcast %broadcast_in_dim3A_604 : i32 to vector<16xi32>
      %gather3A_606 = tpu.vector_load_idx %arg8[%add3A_264, %broadcast_in_dim3A_605] : memref<512x64xf32, #tpu.memory_space<vmem>>[vector<16xi32>, vector<16xi32>], vector<16xf32>,
      %gather3A_607 = tpu.vector_load_idx %arg9[%gather3A, %broadcast_in_dim3A_605] : memref<1000x64xf32, #tpu.memory_space<vmem>>[vector<16xi32>, vector<16xi32>], vector<16xf32>,
      %gather3A_608 = tpu.vector_load_idx %arg9[%gather3A_265, %broadcast_in_dim3A_605] : memref<1000x64xf32, #tpu.memory_space<vmem>>[vector<16xi32>, vector<16xi32>], vector<16xf32>,
      %mul3A_609 = arith.mulf %gather3A_606, %gather3A_607 : vector<16xf32>
      %add3A_610 = arith.addf %add3A_601, %mul3A_609 : vector<16xf32>
      %mul3A_611 = arith.mulf %gather3A_606, %gather3A_608 : vector<16xf32>
      %add3A_612 = arith.addf %add3A_603, %mul3A_611 : vector<16xf32>
      %broadcast_in_dim3A_613 = arith.constant 38 : i32
      %broadcast_in_dim3A_614 = vector.broadcast %broadcast_in_dim3A_613 : i32 to vector<16xi32>
      %gather3A_615 = tpu.vector_load_idx %arg8[%add3A_264, %broadcast_in_dim3A_614] : memref<512x64xf32, #tpu.memory_space<vmem>>[vector<16xi32>, vector<16xi32>], vector<16xf32>,
      %gather3A_616 = tpu.vector_load_idx %arg9[%gather3A, %broadcast_in_dim3A_614] : memref<1000x64xf32, #tpu.memory_space<vmem>>[vector<16xi32>, vector<16xi32>], vector<16xf32>,
      %gather3A_617 = tpu.vector_load_idx %arg9[%gather3A_265, %broadcast_in_dim3A_614] : memref<1000x64xf32, #tpu.memory_space<vmem>>[vector<16xi32>, vector<16xi32>], vector<16xf32>,
      %mul3A_618 = arith.mulf %gather3A_615, %gather3A_616 : vector<16xf32>
      %add3A_619 = arith.addf %add3A_610, %mul3A_618 : vector<16xf32>
      %mul3A_620 = arith.mulf %gather3A_615, %gather3A_617 : vector<16xf32>
      %add3A_621 = arith.addf %add3A_612, %mul3A_620 : vector<16xf32>
      %broadcast_in_dim3A_622 = arith.constant 39 : i32
      %broadcast_in_dim3A_623 = vector.broadcast %broadcast_in_dim3A_622 : i32 to vector<16xi32>
      %gather3A_624 = tpu.vector_load_idx %arg8[%add3A_264, %broadcast_in_dim3A_623] : memref<512x64xf32, #tpu.memory_space<vmem>>[vector<16xi32>, vector<16xi32>], vector<16xf32>,
      %gather3A_625 = tpu.vector_load_idx %arg9[%gather3A, %broadcast_in_dim3A_623] : memref<1000x64xf32, #tpu.memory_space<vmem>>[vector<16xi32>, vector<16xi32>], vector<16xf32>,
      %gather3A_626 = tpu.vector_load_idx %arg9[%gather3A_265, %broadcast_in_dim3A_623] : memref<1000x64xf32, #tpu.memory_space<vmem>>[vector<16xi32>, vector<16xi32>], vector<16xf32>,
      %mul3A_627 = arith.mulf %gather3A_624, %gather3A_625 : vector<16xf32>
      %add3A_628 = arith.addf %add3A_619, %mul3A_627 : vector<16xf32>
      %mul3A_629 = arith.mulf %gather3A_624, %gather3A_626 : vector<16xf32>
      %add3A_630 = arith.addf %add3A_621, %mul3A_629 : vector<16xf32>
      %broadcast_in_dim3A_631 = arith.constant 40 : i32
      %broadcast_in_dim3A_632 = vector.broadcast %broadcast_in_dim3A_631 : i32 to vector<16xi32>
      %gather3A_633 = tpu.vector_load_idx %arg8[%add3A_264, %broadcast_in_dim3A_632] : memref<512x64xf32, #tpu.memory_space<vmem>>[vector<16xi32>, vector<16xi32>], vector<16xf32>,
      %gather3A_634 = tpu.vector_load_idx %arg9[%gather3A, %broadcast_in_dim3A_632] : memref<1000x64xf32, #tpu.memory_space<vmem>>[vector<16xi32>, vector<16xi32>], vector<16xf32>,
      %gather3A_635 = tpu.vector_load_idx %arg9[%gather3A_265, %broadcast_in_dim3A_632] : memref<1000x64xf32, #tpu.memory_space<vmem>>[vector<16xi32>, vector<16xi32>], vector<16xf32>,
      %mul3A_636 = arith.mulf %gather3A_633, %gather3A_634 : vector<16xf32>
      %add3A_637 = arith.addf %add3A_628, %mul3A_636 : vector<16xf32>
      %mul3A_638 = arith.mulf %gather3A_633, %gather3A_635 : vector<16xf32>
      %add3A_639 = arith.addf %add3A_630, %mul3A_638 : vector<16xf32>
      %broadcast_in_dim3A_640 = arith.constant 41 : i32
      %broadcast_in_dim3A_641 = vector.broadcast %broadcast_in_dim3A_640 : i32 to vector<16xi32>
      %gather3A_642 = tpu.vector_load_idx %arg8[%add3A_264, %broadcast_in_dim3A_641] : memref<512x64xf32, #tpu.memory_space<vmem>>[vector<16xi32>, vector<16xi32>], vector<16xf32>,
      %gather3A_643 = tpu.vector_load_idx %arg9[%gather3A, %broadcast_in_dim3A_641] : memref<1000x64xf32, #tpu.memory_space<vmem>>[vector<16xi32>, vector<16xi32>], vector<16xf32>,
      %gather3A_644 = tpu.vector_load_idx %arg9[%gather3A_265, %broadcast_in_dim3A_641] : memref<1000x64xf32, #tpu.memory_space<vmem>>[vector<16xi32>, vector<16xi32>], vector<16xf32>,
      %mul3A_645 = arith.mulf %gather3A_642, %gather3A_643 : vector<16xf32>
      %add3A_646 = arith.addf %add3A_637, %mul3A_645 : vector<16xf32>
      %mul3A_647 = arith.mulf %gather3A_642, %gather3A_644 : vector<16xf32>
      %add3A_648 = arith.addf %add3A_639, %mul3A_647 : vector<16xf32>
      %broadcast_in_dim3A_649 = arith.constant 42 : i32
      %broadcast_in_dim3A_650 = vector.broadcast %broadcast_in_dim3A_649 : i32 to vector<16xi32>
      %gather3A_651 = tpu.vector_load_idx %arg8[%add3A_264, %broadcast_in_dim3A_650] : memref<512x64xf32, #tpu.memory_space<vmem>>[vector<16xi32>, vector<16xi32>], vector<16xf32>,
      %gather3A_652 = tpu.vector_load_idx %arg9[%gather3A, %broadcast_in_dim3A_650] : memref<1000x64xf32, #tpu.memory_space<vmem>>[vector<16xi32>, vector<16xi32>], vector<16xf32>,
      %gather3A_653 = tpu.vector_load_idx %arg9[%gather3A_265, %broadcast_in_dim3A_650] : memref<1000x64xf32, #tpu.memory_space<vmem>>[vector<16xi32>, vector<16xi32>], vector<16xf32>,
      %mul3A_654 = arith.mulf %gather3A_651, %gather3A_652 : vector<16xf32>
      %add3A_655 = arith.addf %add3A_646, %mul3A_654 : vector<16xf32>
      %mul3A_656 = arith.mulf %gather3A_651, %gather3A_653 : vector<16xf32>
      %add3A_657 = arith.addf %add3A_648, %mul3A_656 : vector<16xf32>
      %broadcast_in_dim3A_658 = arith.constant 43 : i32
      %broadcast_in_dim3A_659 = vector.broadcast %broadcast_in_dim3A_658 : i32 to vector<16xi32>
      %gather3A_660 = tpu.vector_load_idx %arg8[%add3A_264, %broadcast_in_dim3A_659] : memref<512x64xf32, #tpu.memory_space<vmem>>[vector<16xi32>, vector<16xi32>], vector<16xf32>,
      %gather3A_661 = tpu.vector_load_idx %arg9[%gather3A, %broadcast_in_dim3A_659] : memref<1000x64xf32, #tpu.memory_space<vmem>>[vector<16xi32>, vector<16xi32>], vector<16xf32>,
      %gather3A_662 = tpu.vector_load_idx %arg9[%gather3A_265, %broadcast_in_dim3A_659] : memref<1000x64xf32, #tpu.memory_space<vmem>>[vector<16xi32>, vector<16xi32>], vector<16xf32>,
      %mul3A_663 = arith.mulf %gather3A_660, %gather3A_661 : vector<16xf32>
      %add3A_664 = arith.addf %add3A_655, %mul3A_663 : vector<16xf32>
      %mul3A_665 = arith.mulf %gather3A_660, %gather3A_662 : vector<16xf32>
      %add3A_666 = arith.addf %add3A_657, %mul3A_665 : vector<16xf32>
      %broadcast_in_dim3A_667 = arith.constant 44 : i32
      %broadcast_in_dim3A_668 = vector.broadcast %broadcast_in_dim3A_667 : i32 to vector<16xi32>
      %gather3A_669 = tpu.vector_load_idx %arg8[%add3A_264, %broadcast_in_dim3A_668] : memref<512x64xf32, #tpu.memory_space<vmem>>[vector<16xi32>, vector<16xi32>], vector<16xf32>,
      %gather3A_670 = tpu.vector_load_idx %arg9[%gather3A, %broadcast_in_dim3A_668] : memref<1000x64xf32, #tpu.memory_space<vmem>>[vector<16xi32>, vector<16xi32>], vector<16xf32>,
      %gather3A_671 = tpu.vector_load_idx %arg9[%gather3A_265, %broadcast_in_dim3A_668] : memref<1000x64xf32, #tpu.memory_space<vmem>>[vector<16xi32>, vector<16xi32>], vector<16xf32>,
      %mul3A_672 = arith.mulf %gather3A_669, %gather3A_670 : vector<16xf32>
      %add3A_673 = arith.addf %add3A_664, %mul3A_672 : vector<16xf32>
      %mul3A_674 = arith.mulf %gather3A_669, %gather3A_671 : vector<16xf32>
      %add3A_675 = arith.addf %add3A_666, %mul3A_674 : vector<16xf32>
      %broadcast_in_dim3A_676 = arith.constant 45 : i32
      %broadcast_in_dim3A_677 = vector.broadcast %broadcast_in_dim3A_676 : i32 to vector<16xi32>
      %gather3A_678 = tpu.vector_load_idx %arg8[%add3A_264, %broadcast_in_dim3A_677] : memref<512x64xf32, #tpu.memory_space<vmem>>[vector<16xi32>, vector<16xi32>], vector<16xf32>,
      %gather3A_679 = tpu.vector_load_idx %arg9[%gather3A, %broadcast_in_dim3A_677] : memref<1000x64xf32, #tpu.memory_space<vmem>>[vector<16xi32>, vector<16xi32>], vector<16xf32>,
      %gather3A_680 = tpu.vector_load_idx %arg9[%gather3A_265, %broadcast_in_dim3A_677] : memref<1000x64xf32, #tpu.memory_space<vmem>>[vector<16xi32>, vector<16xi32>], vector<16xf32>,
      %mul3A_681 = arith.mulf %gather3A_678, %gather3A_679 : vector<16xf32>
      %add3A_682 = arith.addf %add3A_673, %mul3A_681 : vector<16xf32>
      %mul3A_683 = arith.mulf %gather3A_678, %gather3A_680 : vector<16xf32>
      %add3A_684 = arith.addf %add3A_675, %mul3A_683 : vector<16xf32>
      %broadcast_in_dim3A_685 = arith.constant 46 : i32
      %broadcast_in_dim3A_686 = vector.broadcast %broadcast_in_dim3A_685 : i32 to vector<16xi32>
      %gather3A_687 = tpu.vector_load_idx %arg8[%add3A_264, %broadcast_in_dim3A_686] : memref<512x64xf32, #tpu.memory_space<vmem>>[vector<16xi32>, vector<16xi32>], vector<16xf32>,
      %gather3A_688 = tpu.vector_load_idx %arg9[%gather3A, %broadcast_in_dim3A_686] : memref<1000x64xf32, #tpu.memory_space<vmem>>[vector<16xi32>, vector<16xi32>], vector<16xf32>,
      %gather3A_689 = tpu.vector_load_idx %arg9[%gather3A_265, %broadcast_in_dim3A_686] : memref<1000x64xf32, #tpu.memory_space<vmem>>[vector<16xi32>, vector<16xi32>], vector<16xf32>,
      %mul3A_690 = arith.mulf %gather3A_687, %gather3A_688 : vector<16xf32>
      %add3A_691 = arith.addf %add3A_682, %mul3A_690 : vector<16xf32>
      %mul3A_692 = arith.mulf %gather3A_687, %gather3A_689 : vector<16xf32>
      %add3A_693 = arith.addf %add3A_684, %mul3A_692 : vector<16xf32>
      %broadcast_in_dim3A_694 = arith.constant 47 : i32
      %broadcast_in_dim3A_695 = vector.broadcast %broadcast_in_dim3A_694 : i32 to vector<16xi32>
      %gather3A_696 = tpu.vector_load_idx %arg8[%add3A_264, %broadcast_in_dim3A_695] : memref<512x64xf32, #tpu.memory_space<vmem>>[vector<16xi32>, vector<16xi32>], vector<16xf32>,
      %gather3A_697 = tpu.vector_load_idx %arg9[%gather3A, %broadcast_in_dim3A_695] : memref<1000x64xf32, #tpu.memory_space<vmem>>[vector<16xi32>, vector<16xi32>], vector<16xf32>,
      %gather3A_698 = tpu.vector_load_idx %arg9[%gather3A_265, %broadcast_in_dim3A_695] : memref<1000x64xf32, #tpu.memory_space<vmem>>[vector<16xi32>, vector<16xi32>], vector<16xf32>,
      %mul3A_699 = arith.mulf %gather3A_696, %gather3A_697 : vector<16xf32>
      %add3A_700 = arith.addf %add3A_691, %mul3A_699 : vector<16xf32>
      %mul3A_701 = arith.mulf %gather3A_696, %gather3A_698 : vector<16xf32>
      %add3A_702 = arith.addf %add3A_693, %mul3A_701 : vector<16xf32>
      %broadcast_in_dim3A_703 = arith.constant 48 : i32
      %broadcast_in_dim3A_704 = vector.broadcast %broadcast_in_dim3A_703 : i32 to vector<16xi32>
      %gather3A_705 = tpu.vector_load_idx %arg8[%add3A_264, %broadcast_in_dim3A_704] : memref<512x64xf32, #tpu.memory_space<vmem>>[vector<16xi32>, vector<16xi32>], vector<16xf32>,
      %gather3A_706 = tpu.vector_load_idx %arg9[%gather3A, %broadcast_in_dim3A_704] : memref<1000x64xf32, #tpu.memory_space<vmem>>[vector<16xi32>, vector<16xi32>], vector<16xf32>,
      %gather3A_707 = tpu.vector_load_idx %arg9[%gather3A_265, %broadcast_in_dim3A_704] : memref<1000x64xf32, #tpu.memory_space<vmem>>[vector<16xi32>, vector<16xi32>], vector<16xf32>,
      %mul3A_708 = arith.mulf %gather3A_705, %gather3A_706 : vector<16xf32>
      %add3A_709 = arith.addf %add3A_700, %mul3A_708 : vector<16xf32>
      %mul3A_710 = arith.mulf %gather3A_705, %gather3A_707 : vector<16xf32>
      %add3A_711 = arith.addf %add3A_702, %mul3A_710 : vector<16xf32>
      %broadcast_in_dim3A_712 = arith.constant 49 : i32
      %broadcast_in_dim3A_713 = vector.broadcast %broadcast_in_dim3A_712 : i32 to vector<16xi32>
      %gather3A_714 = tpu.vector_load_idx %arg8[%add3A_264, %broadcast_in_dim3A_713] : memref<512x64xf32, #tpu.memory_space<vmem>>[vector<16xi32>, vector<16xi32>], vector<16xf32>,
      %gather3A_715 = tpu.vector_load_idx %arg9[%gather3A, %broadcast_in_dim3A_713] : memref<1000x64xf32, #tpu.memory_space<vmem>>[vector<16xi32>, vector<16xi32>], vector<16xf32>,
      %gather3A_716 = tpu.vector_load_idx %arg9[%gather3A_265, %broadcast_in_dim3A_713] : memref<1000x64xf32, #tpu.memory_space<vmem>>[vector<16xi32>, vector<16xi32>], vector<16xf32>,
      %mul3A_717 = arith.mulf %gather3A_714, %gather3A_715 : vector<16xf32>
      %add3A_718 = arith.addf %add3A_709, %mul3A_717 : vector<16xf32>
      %mul3A_719 = arith.mulf %gather3A_714, %gather3A_716 : vector<16xf32>
      %add3A_720 = arith.addf %add3A_711, %mul3A_719 : vector<16xf32>
      %broadcast_in_dim3A_721 = arith.constant 50 : i32
      %broadcast_in_dim3A_722 = vector.broadcast %broadcast_in_dim3A_721 : i32 to vector<16xi32>
      %gather3A_723 = tpu.vector_load_idx %arg8[%add3A_264, %broadcast_in_dim3A_722] : memref<512x64xf32, #tpu.memory_space<vmem>>[vector<16xi32>, vector<16xi32>], vector<16xf32>,
      %gather3A_724 = tpu.vector_load_idx %arg9[%gather3A, %broadcast_in_dim3A_722] : memref<1000x64xf32, #tpu.memory_space<vmem>>[vector<16xi32>, vector<16xi32>], vector<16xf32>,
      %gather3A_725 = tpu.vector_load_idx %arg9[%gather3A_265, %broadcast_in_dim3A_722] : memref<1000x64xf32, #tpu.memory_space<vmem>>[vector<16xi32>, vector<16xi32>], vector<16xf32>,
      %mul3A_726 = arith.mulf %gather3A_723, %gather3A_724 : vector<16xf32>
      %add3A_727 = arith.addf %add3A_718, %mul3A_726 : vector<16xf32>
      %mul3A_728 = arith.mulf %gather3A_723, %gather3A_725 : vector<16xf32>
      %add3A_729 = arith.addf %add3A_720, %mul3A_728 : vector<16xf32>
      %broadcast_in_dim3A_730 = arith.constant 51 : i32
      %broadcast_in_dim3A_731 = vector.broadcast %broadcast_in_dim3A_730 : i32 to vector<16xi32>
      %gather3A_732 = tpu.vector_load_idx %arg8[%add3A_264, %broadcast_in_dim3A_731] : memref<512x64xf32, #tpu.memory_space<vmem>>[vector<16xi32>, vector<16xi32>], vector<16xf32>,
      %gather3A_733 = tpu.vector_load_idx %arg9[%gather3A, %broadcast_in_dim3A_731] : memref<1000x64xf32, #tpu.memory_space<vmem>>[vector<16xi32>, vector<16xi32>], vector<16xf32>,
      %gather3A_734 = tpu.vector_load_idx %arg9[%gather3A_265, %broadcast_in_dim3A_731] : memref<1000x64xf32, #tpu.memory_space<vmem>>[vector<16xi32>, vector<16xi32>], vector<16xf32>,
      %mul3A_735 = arith.mulf %gather3A_732, %gather3A_733 : vector<16xf32>
      %add3A_736 = arith.addf %add3A_727, %mul3A_735 : vector<16xf32>
      %mul3A_737 = arith.mulf %gather3A_732, %gather3A_734 : vector<16xf32>
      %add3A_738 = arith.addf %add3A_729, %mul3A_737 : vector<16xf32>
      %broadcast_in_dim3A_739 = arith.constant 52 : i32
      %broadcast_in_dim3A_740 = vector.broadcast %broadcast_in_dim3A_739 : i32 to vector<16xi32>
      %gather3A_741 = tpu.vector_load_idx %arg8[%add3A_264, %broadcast_in_dim3A_740] : memref<512x64xf32, #tpu.memory_space<vmem>>[vector<16xi32>, vector<16xi32>], vector<16xf32>,
      %gather3A_742 = tpu.vector_load_idx %arg9[%gather3A, %broadcast_in_dim3A_740] : memref<1000x64xf32, #tpu.memory_space<vmem>>[vector<16xi32>, vector<16xi32>], vector<16xf32>,
      %gather3A_743 = tpu.vector_load_idx %arg9[%gather3A_265, %broadcast_in_dim3A_740] : memref<1000x64xf32, #tpu.memory_space<vmem>>[vector<16xi32>, vector<16xi32>], vector<16xf32>,
      %mul3A_744 = arith.mulf %gather3A_741, %gather3A_742 : vector<16xf32>
      %add3A_745 = arith.addf %add3A_736, %mul3A_744 : vector<16xf32>
      %mul3A_746 = arith.mulf %gather3A_741, %gather3A_743 : vector<16xf32>
      %add3A_747 = arith.addf %add3A_738, %mul3A_746 : vector<16xf32>
      %broadcast_in_dim3A_748 = arith.constant 53 : i32
      %broadcast_in_dim3A_749 = vector.broadcast %broadcast_in_dim3A_748 : i32 to vector<16xi32>
      %gather3A_750 = tpu.vector_load_idx %arg8[%add3A_264, %broadcast_in_dim3A_749] : memref<512x64xf32, #tpu.memory_space<vmem>>[vector<16xi32>, vector<16xi32>], vector<16xf32>,
      %gather3A_751 = tpu.vector_load_idx %arg9[%gather3A, %broadcast_in_dim3A_749] : memref<1000x64xf32, #tpu.memory_space<vmem>>[vector<16xi32>, vector<16xi32>], vector<16xf32>,
      %gather3A_752 = tpu.vector_load_idx %arg9[%gather3A_265, %broadcast_in_dim3A_749] : memref<1000x64xf32, #tpu.memory_space<vmem>>[vector<16xi32>, vector<16xi32>], vector<16xf32>,
      %mul3A_753 = arith.mulf %gather3A_750, %gather3A_751 : vector<16xf32>
      %add3A_754 = arith.addf %add3A_745, %mul3A_753 : vector<16xf32>
      %mul3A_755 = arith.mulf %gather3A_750, %gather3A_752 : vector<16xf32>
      %add3A_756 = arith.addf %add3A_747, %mul3A_755 : vector<16xf32>
      %broadcast_in_dim3A_757 = arith.constant 54 : i32
      %broadcast_in_dim3A_758 = vector.broadcast %broadcast_in_dim3A_757 : i32 to vector<16xi32>
      %gather3A_759 = tpu.vector_load_idx %arg8[%add3A_264, %broadcast_in_dim3A_758] : memref<512x64xf32, #tpu.memory_space<vmem>>[vector<16xi32>, vector<16xi32>], vector<16xf32>,
      %gather3A_760 = tpu.vector_load_idx %arg9[%gather3A, %broadcast_in_dim3A_758] : memref<1000x64xf32, #tpu.memory_space<vmem>>[vector<16xi32>, vector<16xi32>], vector<16xf32>,
      %gather3A_761 = tpu.vector_load_idx %arg9[%gather3A_265, %broadcast_in_dim3A_758] : memref<1000x64xf32, #tpu.memory_space<vmem>>[vector<16xi32>, vector<16xi32>], vector<16xf32>,
      %mul3A_762 = arith.mulf %gather3A_759, %gather3A_760 : vector<16xf32>
      %add3A_763 = arith.addf %add3A_754, %mul3A_762 : vector<16xf32>
      %mul3A_764 = arith.mulf %gather3A_759, %gather3A_761 : vector<16xf32>
      %add3A_765 = arith.addf %add3A_756, %mul3A_764 : vector<16xf32>
      %broadcast_in_dim3A_766 = arith.constant 55 : i32
      %broadcast_in_dim3A_767 = vector.broadcast %broadcast_in_dim3A_766 : i32 to vector<16xi32>
      %gather3A_768 = tpu.vector_load_idx %arg8[%add3A_264, %broadcast_in_dim3A_767] : memref<512x64xf32, #tpu.memory_space<vmem>>[vector<16xi32>, vector<16xi32>], vector<16xf32>,
      %gather3A_769 = tpu.vector_load_idx %arg9[%gather3A, %broadcast_in_dim3A_767] : memref<1000x64xf32, #tpu.memory_space<vmem>>[vector<16xi32>, vector<16xi32>], vector<16xf32>,
      %gather3A_770 = tpu.vector_load_idx %arg9[%gather3A_265, %broadcast_in_dim3A_767] : memref<1000x64xf32, #tpu.memory_space<vmem>>[vector<16xi32>, vector<16xi32>], vector<16xf32>,
      %mul3A_771 = arith.mulf %gather3A_768, %gather3A_769 : vector<16xf32>
      %add3A_772 = arith.addf %add3A_763, %mul3A_771 : vector<16xf32>
      %mul3A_773 = arith.mulf %gather3A_768, %gather3A_770 : vector<16xf32>
      %add3A_774 = arith.addf %add3A_765, %mul3A_773 : vector<16xf32>
      %broadcast_in_dim3A_775 = arith.constant 56 : i32
      %broadcast_in_dim3A_776 = vector.broadcast %broadcast_in_dim3A_775 : i32 to vector<16xi32>
      %gather3A_777 = tpu.vector_load_idx %arg8[%add3A_264, %broadcast_in_dim3A_776] : memref<512x64xf32, #tpu.memory_space<vmem>>[vector<16xi32>, vector<16xi32>], vector<16xf32>,
      %gather3A_778 = tpu.vector_load_idx %arg9[%gather3A, %broadcast_in_dim3A_776] : memref<1000x64xf32, #tpu.memory_space<vmem>>[vector<16xi32>, vector<16xi32>], vector<16xf32>,
      %gather3A_779 = tpu.vector_load_idx %arg9[%gather3A_265, %broadcast_in_dim3A_776] : memref<1000x64xf32, #tpu.memory_space<vmem>>[vector<16xi32>, vector<16xi32>], vector<16xf32>,
      %mul3A_780 = arith.mulf %gather3A_777, %gather3A_778 : vector<16xf32>
      %add3A_781 = arith.addf %add3A_772, %mul3A_780 : vector<16xf32>
      %mul3A_782 = arith.mulf %gather3A_777, %gather3A_779 : vector<16xf32>
      %add3A_783 = arith.addf %add3A_774, %mul3A_782 : vector<16xf32>
      %broadcast_in_dim3A_784 = arith.constant 57 : i32
      %broadcast_in_dim3A_785 = vector.broadcast %broadcast_in_dim3A_784 : i32 to vector<16xi32>
      %gather3A_786 = tpu.vector_load_idx %arg8[%add3A_264, %broadcast_in_dim3A_785] : memref<512x64xf32, #tpu.memory_space<vmem>>[vector<16xi32>, vector<16xi32>], vector<16xf32>,
      %gather3A_787 = tpu.vector_load_idx %arg9[%gather3A, %broadcast_in_dim3A_785] : memref<1000x64xf32, #tpu.memory_space<vmem>>[vector<16xi32>, vector<16xi32>], vector<16xf32>,
      %gather3A_788 = tpu.vector_load_idx %arg9[%gather3A_265, %broadcast_in_dim3A_785] : memref<1000x64xf32, #tpu.memory_space<vmem>>[vector<16xi32>, vector<16xi32>], vector<16xf32>,
      %mul3A_789 = arith.mulf %gather3A_786, %gather3A_787 : vector<16xf32>
      %add3A_790 = arith.addf %add3A_781, %mul3A_789 : vector<16xf32>
      %mul3A_791 = arith.mulf %gather3A_786, %gather3A_788 : vector<16xf32>
      %add3A_792 = arith.addf %add3A_783, %mul3A_791 : vector<16xf32>
      %broadcast_in_dim3A_793 = arith.constant 58 : i32
      %broadcast_in_dim3A_794 = vector.broadcast %broadcast_in_dim3A_793 : i32 to vector<16xi32>
      %gather3A_795 = tpu.vector_load_idx %arg8[%add3A_264, %broadcast_in_dim3A_794] : memref<512x64xf32, #tpu.memory_space<vmem>>[vector<16xi32>, vector<16xi32>], vector<16xf32>,
      %gather3A_796 = tpu.vector_load_idx %arg9[%gather3A, %broadcast_in_dim3A_794] : memref<1000x64xf32, #tpu.memory_space<vmem>>[vector<16xi32>, vector<16xi32>], vector<16xf32>,
      %gather3A_797 = tpu.vector_load_idx %arg9[%gather3A_265, %broadcast_in_dim3A_794] : memref<1000x64xf32, #tpu.memory_space<vmem>>[vector<16xi32>, vector<16xi32>], vector<16xf32>,
      %mul3A_798 = arith.mulf %gather3A_795, %gather3A_796 : vector<16xf32>
      %add3A_799 = arith.addf %add3A_790, %mul3A_798 : vector<16xf32>
      %mul3A_800 = arith.mulf %gather3A_795, %gather3A_797 : vector<16xf32>
      %add3A_801 = arith.addf %add3A_792, %mul3A_800 : vector<16xf32>
      %broadcast_in_dim3A_802 = arith.constant 59 : i32
      %broadcast_in_dim3A_803 = vector.broadcast %broadcast_in_dim3A_802 : i32 to vector<16xi32>
      %gather3A_804 = tpu.vector_load_idx %arg8[%add3A_264, %broadcast_in_dim3A_803] : memref<512x64xf32, #tpu.memory_space<vmem>>[vector<16xi32>, vector<16xi32>], vector<16xf32>,
      %gather3A_805 = tpu.vector_load_idx %arg9[%gather3A, %broadcast_in_dim3A_803] : memref<1000x64xf32, #tpu.memory_space<vmem>>[vector<16xi32>, vector<16xi32>], vector<16xf32>,
      %gather3A_806 = tpu.vector_load_idx %arg9[%gather3A_265, %broadcast_in_dim3A_803] : memref<1000x64xf32, #tpu.memory_space<vmem>>[vector<16xi32>, vector<16xi32>], vector<16xf32>,
      %mul3A_807 = arith.mulf %gather3A_804, %gather3A_805 : vector<16xf32>
      %add3A_808 = arith.addf %add3A_799, %mul3A_807 : vector<16xf32>
      %mul3A_809 = arith.mulf %gather3A_804, %gather3A_806 : vector<16xf32>
      %add3A_810 = arith.addf %add3A_801, %mul3A_809 : vector<16xf32>
      %broadcast_in_dim3A_811 = arith.constant 60 : i32
      %broadcast_in_dim3A_812 = vector.broadcast %broadcast_in_dim3A_811 : i32 to vector<16xi32>
      %gather3A_813 = tpu.vector_load_idx %arg8[%add3A_264, %broadcast_in_dim3A_812] : memref<512x64xf32, #tpu.memory_space<vmem>>[vector<16xi32>, vector<16xi32>], vector<16xf32>,
      %gather3A_814 = tpu.vector_load_idx %arg9[%gather3A, %broadcast_in_dim3A_812] : memref<1000x64xf32, #tpu.memory_space<vmem>>[vector<16xi32>, vector<16xi32>], vector<16xf32>,
      %gather3A_815 = tpu.vector_load_idx %arg9[%gather3A_265, %broadcast_in_dim3A_812] : memref<1000x64xf32, #tpu.memory_space<vmem>>[vector<16xi32>, vector<16xi32>], vector<16xf32>,
      %mul3A_816 = arith.mulf %gather3A_813, %gather3A_814 : vector<16xf32>
      %add3A_817 = arith.addf %add3A_808, %mul3A_816 : vector<16xf32>
      %mul3A_818 = arith.mulf %gather3A_813, %gather3A_815 : vector<16xf32>
      %add3A_819 = arith.addf %add3A_810, %mul3A_818 : vector<16xf32>
      %broadcast_in_dim3A_820 = arith.constant 61 : i32
      %broadcast_in_dim3A_821 = vector.broadcast %broadcast_in_dim3A_820 : i32 to vector<16xi32>
      %gather3A_822 = tpu.vector_load_idx %arg8[%add3A_264, %broadcast_in_dim3A_821] : memref<512x64xf32, #tpu.memory_space<vmem>>[vector<16xi32>, vector<16xi32>], vector<16xf32>,
      %gather3A_823 = tpu.vector_load_idx %arg9[%gather3A, %broadcast_in_dim3A_821] : memref<1000x64xf32, #tpu.memory_space<vmem>>[vector<16xi32>, vector<16xi32>], vector<16xf32>,
      %gather3A_824 = tpu.vector_load_idx %arg9[%gather3A_265, %broadcast_in_dim3A_821] : memref<1000x64xf32, #tpu.memory_space<vmem>>[vector<16xi32>, vector<16xi32>], vector<16xf32>,
      %mul3A_825 = arith.mulf %gather3A_822, %gather3A_823 : vector<16xf32>
      %add3A_826 = arith.addf %add3A_817, %mul3A_825 : vector<16xf32>
      %mul3A_827 = arith.mulf %gather3A_822, %gather3A_824 : vector<16xf32>
      %add3A_828 = arith.addf %add3A_819, %mul3A_827 : vector<16xf32>
      %broadcast_in_dim3A_829 = arith.constant 62 : i32
      %broadcast_in_dim3A_830 = vector.broadcast %broadcast_in_dim3A_829 : i32 to vector<16xi32>
      %gather3A_831 = tpu.vector_load_idx %arg8[%add3A_264, %broadcast_in_dim3A_830] : memref<512x64xf32, #tpu.memory_space<vmem>>[vector<16xi32>, vector<16xi32>], vector<16xf32>,
      %gather3A_832 = tpu.vector_load_idx %arg9[%gather3A, %broadcast_in_dim3A_830] : memref<1000x64xf32, #tpu.memory_space<vmem>>[vector<16xi32>, vector<16xi32>], vector<16xf32>,
      %gather3A_833 = tpu.vector_load_idx %arg9[%gather3A_265, %broadcast_in_dim3A_830] : memref<1000x64xf32, #tpu.memory_space<vmem>>[vector<16xi32>, vector<16xi32>], vector<16xf32>,
      %mul3A_834 = arith.mulf %gather3A_831, %gather3A_832 : vector<16xf32>
      %add3A_835 = arith.addf %add3A_826, %mul3A_834 : vector<16xf32>
      %mul3A_836 = arith.mulf %gather3A_831, %gather3A_833 : vector<16xf32>
      %add3A_837 = arith.addf %add3A_828, %mul3A_836 : vector<16xf32>
      %broadcast_in_dim3A_838 = arith.constant 63 : i32
      %broadcast_in_dim3A_839 = vector.broadcast %broadcast_in_dim3A_838 : i32 to vector<16xi32>
      %gather3A_840 = tpu.vector_load_idx %arg8[%add3A_264, %broadcast_in_dim3A_839] : memref<512x64xf32, #tpu.memory_space<vmem>>[vector<16xi32>, vector<16xi32>], vector<16xf32>,
      %gather3A_841 = tpu.vector_load_idx %arg9[%gather3A, %broadcast_in_dim3A_839] : memref<1000x64xf32, #tpu.memory_space<vmem>>[vector<16xi32>, vector<16xi32>], vector<16xf32>,
      %gather3A_842 = tpu.vector_load_idx %arg9[%gather3A_265, %broadcast_in_dim3A_839] : memref<1000x64xf32, #tpu.memory_space<vmem>>[vector<16xi32>, vector<16xi32>], vector<16xf32>,
      %mul3A_843 = arith.mulf %gather3A_840, %gather3A_841 : vector<16xf32>
      %add3A_844 = arith.addf %add3A_835, %mul3A_843 : vector<16xf32>
      %mul3A_845 = arith.mulf %gather3A_840, %gather3A_842 : vector<16xf32>
      %add3A_846 = arith.addf %add3A_837, %mul3A_845 : vector<16xf32>
      %add3A_847 = arith.addf %add3A_844, %add3A_846 : vector<16xf32>
      %mul3A_848 = arith.constant 5.000000e-01 : f32
      %mul3A_849 = vector.broadcast %mul3A_848 : f32 to vector<16xf32>
      %mul3A_850 = arith.mulf %mul3A_849, %add3A_847 : vector<16xf32>
      %add3A_851 = arith.addf %gather3A_266, %mul3A_850 : vector<16xf32>
      %broadcast_in_dim3A_852 = arith.constant 0 : i32
      %broadcast_in_dim3A_853 = vector.broadcast %broadcast_in_dim3A_852 : i32 to vector<16xi32>
      tpu.vector_store_idx %arg12[%add3A_264, %broadcast_in_dim3A_853], %add3A_851 : memref<512x3xf32, #tpu.memory_space<vmem>>[vector<16xi32>, vector<16xi32>], vector<16xf32>,
      %add3A_854 = arith.constant 1 : i32
      %add3A_855 = vector.broadcast %add3A_854 : i32 to vector<16xi32>
      %add3A_856 = arith.addi %broadcast_in_dim3A_853, %add3A_855 : vector<16xi32>
      tpu.vector_store_idx %arg12[%add3A_264, %add3A_856], %add3A_844 : memref<512x3xf32, #tpu.memory_space<vmem>>[vector<16xi32>, vector<16xi32>], vector<16xf32>,
      %add3A_857 = arith.constant 2 : i32
      %add3A_858 = vector.broadcast %add3A_857 : i32 to vector<16xi32>
      %add3A_859 = arith.addi %broadcast_in_dim3A_853, %add3A_858 : vector<16xi32>
      tpu.vector_store_idx %arg12[%add3A_264, %add3A_859], %add3A_846 : memref<512x3xf32, #tpu.memory_space<vmem>>[vector<16xi32>, vector<16xi32>], vector<16xf32>,
    }
    %scan3A_184 = arith.constant 8 : i32
    %dma_wait3A_185 = arith.constant 2 : i32
    %dma_wait3A_186 = arith.constant 0 : i32
    %dma_wait3A_187 = arith.constant 2 : i32
    %dma_wait3A_188 = arith.constant 256 : i32
    %dma_wait3A_189 = arith.constant 0 : i32
    %dma_wait3A_190 = tpu.memref_slice %arg8[%dma_wait3A_188, %dma_wait3A_189] : memref<512x64xf32, #tpu.memory_space<vmem>> -> memref<128x64xf32, #tpu.memory_space<vmem>>
    %dma_wait3A_191 = arith.constant 0 : i32
    %dma_wait3A_192 = tpu.memref_slice %arg7[%dma_wait3A_185, %dma_wait3A_186, %dma_wait3A_191] : memref<4x3x128xi32, #tpu.memory_space<vmem>> -> memref<1x1x128xi32, #tpu.memory_space<vmem>>
    %dma_wait3A_193 = tpu.memref_squeeze %dma_wait3A_192 : memref<1x1x128xi32, #tpu.memory_space<vmem>> -> memref<128xi32, #tpu.memory_space<vmem>>
    %dma_wait3A_194 = arith.constant 0 : i32
    %dma_wait3A_195 = arith.constant 0 : i32
    %dma_wait3A_196 = tpu.memref_slice %arg3[%dma_wait3A_194, %dma_wait3A_195] : memref<100000x64xf32, #tpu.memory_space<hbm>> -> memref<100000x64xf32, #tpu.memory_space<hbm>>
    %dma_wait3A_197 = tpu.memref_slice %arg13[%dma_wait3A_187] : memref<4x!tpu.dma_semaphore, #tpu.memory_space<semaphore_mem>> -> memref<1x!tpu.dma_semaphore, #tpu.memory_space<semaphore_mem>>
    %dma_wait3A_198 = tpu.memref_squeeze %dma_wait3A_197 : memref<1x!tpu.dma_semaphore, #tpu.memory_space<semaphore_mem>> -> memref<!tpu.dma_semaphore, #tpu.memory_space<semaphore_mem>>
    tpu.wait_indirect_dma semaphore(%dma_wait3A_198 : memref<!tpu.dma_semaphore, #tpu.memory_space<semaphore_mem>>) src(%dma_wait3A_196 : memref<100000x64xf32, #tpu.memory_space<hbm>>) dst(%dma_wait3A_190 : memref<128x64xf32, #tpu.memory_space<vmem>>)
    %dma_wait3A_199 = arith.constant 2 : i32
    %dma_wait3A_200 = arith.constant 0 : i32
    %dma_wait3A_201 = arith.constant 2 : i32
    %dma_wait3A_202 = arith.constant 2 : i32
    %dma_wait3A_203 = arith.constant 0 : i32
    %dma_wait3A_204 = tpu.memref_slice %arg11[%dma_wait3A_201, %dma_wait3A_203] : memref<4x128xf32, #tpu.memory_space<vmem>> -> memref<1x128xf32, #tpu.memory_space<vmem>>
    %dma_wait3A_205 = tpu.memref_squeeze %dma_wait3A_204 : memref<1x128xf32, #tpu.memory_space<vmem>> -> memref<128xf32, #tpu.memory_space<vmem>>
    %dma_wait3A_206 = arith.constant 0 : i32
    %dma_wait3A_207 = tpu.memref_slice %arg7[%dma_wait3A_199, %dma_wait3A_200, %dma_wait3A_206] : memref<4x3x128xi32, #tpu.memory_space<vmem>> -> memref<1x1x128xi32, #tpu.memory_space<vmem>>
    %dma_wait3A_208 = tpu.memref_squeeze %dma_wait3A_207 : memref<1x1x128xi32, #tpu.memory_space<vmem>> -> memref<128xi32, #tpu.memory_space<vmem>>
    %dma_wait3A_209 = arith.constant 0 : i32
    %dma_wait3A_210 = tpu.memref_slice %arg5[%dma_wait3A_209] : memref<100000xf32, #tpu.memory_space<hbm>> -> memref<100000xf32, #tpu.memory_space<hbm>>
    %dma_wait3A_211 = tpu.memref_slice %arg13[%dma_wait3A_202] : memref<4x!tpu.dma_semaphore, #tpu.memory_space<semaphore_mem>> -> memref<1x!tpu.dma_semaphore, #tpu.memory_space<semaphore_mem>>
    %dma_wait3A_212 = tpu.memref_squeeze %dma_wait3A_211 : memref<1x!tpu.dma_semaphore, #tpu.memory_space<semaphore_mem>> -> memref<!tpu.dma_semaphore, #tpu.memory_space<semaphore_mem>>
    tpu.wait_indirect_dma semaphore(%dma_wait3A_212 : memref<!tpu.dma_semaphore, #tpu.memory_space<semaphore_mem>>) src(%dma_wait3A_210 : memref<100000xf32, #tpu.memory_space<hbm>>) dst(%dma_wait3A_205 : memref<128xf32, #tpu.memory_space<vmem>>)
    %scan3A_213 = arith.constant 0 : i32
    %scan3A_214 = arith.constant 8 : i32
    %scan3A_215 = arith.addi %scan3A_213, %scan3A_214 : i32
    %scan3A_216 = arith.constant 1 : i32
    scf.for %scan3A_251 = %scan3A_213 to %scan3A_215 step %scan3A_216  : i32 {
      %mul3A_252 = arith.constant 1 : i32
      %mul3A_253 = arith.muli %scan3A_251, %mul3A_252 : i32
      %add3A_254 = arith.constant 0 : i32
      %add3A_255 = arith.addi %add3A_254, %mul3A_253 : i32
      %broadcast_in_dim3A_256 = arith.constant 2 : i32
      %broadcast_in_dim3A_257 = vector.broadcast %broadcast_in_dim3A_256 : i32 to vector<16xi32>
      %mul3A_258 = arith.constant 16 : i32
      %mul3A_259 = arith.muli %add3A_255, %mul3A_258 : i32
      %iota3A = tpu.iota {dimensions = array<i32: 0>} : vector<16xi32>
      %add3A_260 = vector.broadcast %mul3A_259 : i32 to vector<16xi32>
      %add3A_261 = arith.addi %add3A_260, %iota3A : vector<16xi32>
      %add3A_262 = arith.constant 256 : i32
      %add3A_263 = vector.broadcast %add3A_262 : i32 to vector<16xi32>
      %add3A_264 = arith.addi %add3A_263, %add3A_261 : vector<16xi32>
      %gather3A = tpu.vector_load_idx %arg7[%broadcast_in_dim3A_257, %broadcast_in_dim3A_118, %add3A_261] : memref<4x3x128xi32, #tpu.memory_space<vmem>>[vector<16xi32>, vector<16xi32>, vector<16xi32>], vector<16xi32>,
      %gather3A_265 = tpu.vector_load_idx %arg7[%broadcast_in_dim3A_257, %broadcast_in_dim3A_120, %add3A_261] : memref<4x3x128xi32, #tpu.memory_space<vmem>>[vector<16xi32>, vector<16xi32>, vector<16xi32>], vector<16xi32>,
      %gather3A_266 = tpu.vector_load_idx %arg11[%broadcast_in_dim3A_257, %add3A_261] : memref<4x128xf32, #tpu.memory_space<vmem>>[vector<16xi32>, vector<16xi32>], vector<16xf32>,
      %broadcast_in_dim3A_267 = arith.constant 0.000000e+00 : f32
      %broadcast_in_dim3A_268 = vector.broadcast %broadcast_in_dim3A_267 : f32 to vector<16xf32>
      %broadcast_in_dim3A_269 = arith.constant 0.000000e+00 : f32
      %broadcast_in_dim3A_270 = vector.broadcast %broadcast_in_dim3A_269 : f32 to vector<16xf32>
      %broadcast_in_dim3A_271 = arith.constant 0 : i32
      %broadcast_in_dim3A_272 = vector.broadcast %broadcast_in_dim3A_271 : i32 to vector<16xi32>
      %gather3A_273 = tpu.vector_load_idx %arg8[%add3A_264, %broadcast_in_dim3A_272] : memref<512x64xf32, #tpu.memory_space<vmem>>[vector<16xi32>, vector<16xi32>], vector<16xf32>,
      %gather3A_274 = tpu.vector_load_idx %arg9[%gather3A, %broadcast_in_dim3A_272] : memref<1000x64xf32, #tpu.memory_space<vmem>>[vector<16xi32>, vector<16xi32>], vector<16xf32>,
      %gather3A_275 = tpu.vector_load_idx %arg9[%gather3A_265, %broadcast_in_dim3A_272] : memref<1000x64xf32, #tpu.memory_space<vmem>>[vector<16xi32>, vector<16xi32>], vector<16xf32>,
      %mul3A_276 = arith.mulf %gather3A_273, %gather3A_274 : vector<16xf32>
      %add3A_277 = arith.addf %broadcast_in_dim3A_268, %mul3A_276 : vector<16xf32>
      %mul3A_278 = arith.mulf %gather3A_273, %gather3A_275 : vector<16xf32>
      %add3A_279 = arith.addf %broadcast_in_dim3A_270, %mul3A_278 : vector<16xf32>
      %broadcast_in_dim3A_280 = arith.constant 1 : i32
      %broadcast_in_dim3A_281 = vector.broadcast %broadcast_in_dim3A_280 : i32 to vector<16xi32>
      %gather3A_282 = tpu.vector_load_idx %arg8[%add3A_264, %broadcast_in_dim3A_281] : memref<512x64xf32, #tpu.memory_space<vmem>>[vector<16xi32>, vector<16xi32>], vector<16xf32>,
      %gather3A_283 = tpu.vector_load_idx %arg9[%gather3A, %broadcast_in_dim3A_281] : memref<1000x64xf32, #tpu.memory_space<vmem>>[vector<16xi32>, vector<16xi32>], vector<16xf32>,
      %gather3A_284 = tpu.vector_load_idx %arg9[%gather3A_265, %broadcast_in_dim3A_281] : memref<1000x64xf32, #tpu.memory_space<vmem>>[vector<16xi32>, vector<16xi32>], vector<16xf32>,
      %mul3A_285 = arith.mulf %gather3A_282, %gather3A_283 : vector<16xf32>
      %add3A_286 = arith.addf %add3A_277, %mul3A_285 : vector<16xf32>
      %mul3A_287 = arith.mulf %gather3A_282, %gather3A_284 : vector<16xf32>
      %add3A_288 = arith.addf %add3A_279, %mul3A_287 : vector<16xf32>
      %broadcast_in_dim3A_289 = arith.constant 2 : i32
      %broadcast_in_dim3A_290 = vector.broadcast %broadcast_in_dim3A_289 : i32 to vector<16xi32>
      %gather3A_291 = tpu.vector_load_idx %arg8[%add3A_264, %broadcast_in_dim3A_290] : memref<512x64xf32, #tpu.memory_space<vmem>>[vector<16xi32>, vector<16xi32>], vector<16xf32>,
      %gather3A_292 = tpu.vector_load_idx %arg9[%gather3A, %broadcast_in_dim3A_290] : memref<1000x64xf32, #tpu.memory_space<vmem>>[vector<16xi32>, vector<16xi32>], vector<16xf32>,
      %gather3A_293 = tpu.vector_load_idx %arg9[%gather3A_265, %broadcast_in_dim3A_290] : memref<1000x64xf32, #tpu.memory_space<vmem>>[vector<16xi32>, vector<16xi32>], vector<16xf32>,
      %mul3A_294 = arith.mulf %gather3A_291, %gather3A_292 : vector<16xf32>
      %add3A_295 = arith.addf %add3A_286, %mul3A_294 : vector<16xf32>
      %mul3A_296 = arith.mulf %gather3A_291, %gather3A_293 : vector<16xf32>
      %add3A_297 = arith.addf %add3A_288, %mul3A_296 : vector<16xf32>
      %broadcast_in_dim3A_298 = arith.constant 3 : i32
      %broadcast_in_dim3A_299 = vector.broadcast %broadcast_in_dim3A_298 : i32 to vector<16xi32>
      %gather3A_300 = tpu.vector_load_idx %arg8[%add3A_264, %broadcast_in_dim3A_299] : memref<512x64xf32, #tpu.memory_space<vmem>>[vector<16xi32>, vector<16xi32>], vector<16xf32>,
      %gather3A_301 = tpu.vector_load_idx %arg9[%gather3A, %broadcast_in_dim3A_299] : memref<1000x64xf32, #tpu.memory_space<vmem>>[vector<16xi32>, vector<16xi32>], vector<16xf32>,
      %gather3A_302 = tpu.vector_load_idx %arg9[%gather3A_265, %broadcast_in_dim3A_299] : memref<1000x64xf32, #tpu.memory_space<vmem>>[vector<16xi32>, vector<16xi32>], vector<16xf32>,
      %mul3A_303 = arith.mulf %gather3A_300, %gather3A_301 : vector<16xf32>
      %add3A_304 = arith.addf %add3A_295, %mul3A_303 : vector<16xf32>
      %mul3A_305 = arith.mulf %gather3A_300, %gather3A_302 : vector<16xf32>
      %add3A_306 = arith.addf %add3A_297, %mul3A_305 : vector<16xf32>
      %broadcast_in_dim3A_307 = arith.constant 4 : i32
      %broadcast_in_dim3A_308 = vector.broadcast %broadcast_in_dim3A_307 : i32 to vector<16xi32>
      %gather3A_309 = tpu.vector_load_idx %arg8[%add3A_264, %broadcast_in_dim3A_308] : memref<512x64xf32, #tpu.memory_space<vmem>>[vector<16xi32>, vector<16xi32>], vector<16xf32>,
      %gather3A_310 = tpu.vector_load_idx %arg9[%gather3A, %broadcast_in_dim3A_308] : memref<1000x64xf32, #tpu.memory_space<vmem>>[vector<16xi32>, vector<16xi32>], vector<16xf32>,
      %gather3A_311 = tpu.vector_load_idx %arg9[%gather3A_265, %broadcast_in_dim3A_308] : memref<1000x64xf32, #tpu.memory_space<vmem>>[vector<16xi32>, vector<16xi32>], vector<16xf32>,
      %mul3A_312 = arith.mulf %gather3A_309, %gather3A_310 : vector<16xf32>
      %add3A_313 = arith.addf %add3A_304, %mul3A_312 : vector<16xf32>
      %mul3A_314 = arith.mulf %gather3A_309, %gather3A_311 : vector<16xf32>
      %add3A_315 = arith.addf %add3A_306, %mul3A_314 : vector<16xf32>
      %broadcast_in_dim3A_316 = arith.constant 5 : i32
      %broadcast_in_dim3A_317 = vector.broadcast %broadcast_in_dim3A_316 : i32 to vector<16xi32>
      %gather3A_318 = tpu.vector_load_idx %arg8[%add3A_264, %broadcast_in_dim3A_317] : memref<512x64xf32, #tpu.memory_space<vmem>>[vector<16xi32>, vector<16xi32>], vector<16xf32>,
      %gather3A_319 = tpu.vector_load_idx %arg9[%gather3A, %broadcast_in_dim3A_317] : memref<1000x64xf32, #tpu.memory_space<vmem>>[vector<16xi32>, vector<16xi32>], vector<16xf32>,
      %gather3A_320 = tpu.vector_load_idx %arg9[%gather3A_265, %broadcast_in_dim3A_317] : memref<1000x64xf32, #tpu.memory_space<vmem>>[vector<16xi32>, vector<16xi32>], vector<16xf32>,
      %mul3A_321 = arith.mulf %gather3A_318, %gather3A_319 : vector<16xf32>
      %add3A_322 = arith.addf %add3A_313, %mul3A_321 : vector<16xf32>
      %mul3A_323 = arith.mulf %gather3A_318, %gather3A_320 : vector<16xf32>
      %add3A_324 = arith.addf %add3A_315, %mul3A_323 : vector<16xf32>
      %broadcast_in_dim3A_325 = arith.constant 6 : i32
      %broadcast_in_dim3A_326 = vector.broadcast %broadcast_in_dim3A_325 : i32 to vector<16xi32>
      %gather3A_327 = tpu.vector_load_idx %arg8[%add3A_264, %broadcast_in_dim3A_326] : memref<512x64xf32, #tpu.memory_space<vmem>>[vector<16xi32>, vector<16xi32>], vector<16xf32>,
      %gather3A_328 = tpu.vector_load_idx %arg9[%gather3A, %broadcast_in_dim3A_326] : memref<1000x64xf32, #tpu.memory_space<vmem>>[vector<16xi32>, vector<16xi32>], vector<16xf32>,
      %gather3A_329 = tpu.vector_load_idx %arg9[%gather3A_265, %broadcast_in_dim3A_326] : memref<1000x64xf32, #tpu.memory_space<vmem>>[vector<16xi32>, vector<16xi32>], vector<16xf32>,
      %mul3A_330 = arith.mulf %gather3A_327, %gather3A_328 : vector<16xf32>
      %add3A_331 = arith.addf %add3A_322, %mul3A_330 : vector<16xf32>
      %mul3A_332 = arith.mulf %gather3A_327, %gather3A_329 : vector<16xf32>
      %add3A_333 = arith.addf %add3A_324, %mul3A_332 : vector<16xf32>
      %broadcast_in_dim3A_334 = arith.constant 7 : i32
      %broadcast_in_dim3A_335 = vector.broadcast %broadcast_in_dim3A_334 : i32 to vector<16xi32>
      %gather3A_336 = tpu.vector_load_idx %arg8[%add3A_264, %broadcast_in_dim3A_335] : memref<512x64xf32, #tpu.memory_space<vmem>>[vector<16xi32>, vector<16xi32>], vector<16xf32>,
      %gather3A_337 = tpu.vector_load_idx %arg9[%gather3A, %broadcast_in_dim3A_335] : memref<1000x64xf32, #tpu.memory_space<vmem>>[vector<16xi32>, vector<16xi32>], vector<16xf32>,
      %gather3A_338 = tpu.vector_load_idx %arg9[%gather3A_265, %broadcast_in_dim3A_335] : memref<1000x64xf32, #tpu.memory_space<vmem>>[vector<16xi32>, vector<16xi32>], vector<16xf32>,
      %mul3A_339 = arith.mulf %gather3A_336, %gather3A_337 : vector<16xf32>
      %add3A_340 = arith.addf %add3A_331, %mul3A_339 : vector<16xf32>
      %mul3A_341 = arith.mulf %gather3A_336, %gather3A_338 : vector<16xf32>
      %add3A_342 = arith.addf %add3A_333, %mul3A_341 : vector<16xf32>
      %broadcast_in_dim3A_343 = arith.constant 8 : i32
      %broadcast_in_dim3A_344 = vector.broadcast %broadcast_in_dim3A_343 : i32 to vector<16xi32>
      %gather3A_345 = tpu.vector_load_idx %arg8[%add3A_264, %broadcast_in_dim3A_344] : memref<512x64xf32, #tpu.memory_space<vmem>>[vector<16xi32>, vector<16xi32>], vector<16xf32>,
      %gather3A_346 = tpu.vector_load_idx %arg9[%gather3A, %broadcast_in_dim3A_344] : memref<1000x64xf32, #tpu.memory_space<vmem>>[vector<16xi32>, vector<16xi32>], vector<16xf32>,
      %gather3A_347 = tpu.vector_load_idx %arg9[%gather3A_265, %broadcast_in_dim3A_344] : memref<1000x64xf32, #tpu.memory_space<vmem>>[vector<16xi32>, vector<16xi32>], vector<16xf32>,
      %mul3A_348 = arith.mulf %gather3A_345, %gather3A_346 : vector<16xf32>
      %add3A_349 = arith.addf %add3A_340, %mul3A_348 : vector<16xf32>
      %mul3A_350 = arith.mulf %gather3A_345, %gather3A_347 : vector<16xf32>
      %add3A_351 = arith.addf %add3A_342, %mul3A_350 : vector<16xf32>
      %broadcast_in_dim3A_352 = arith.constant 9 : i32
      %broadcast_in_dim3A_353 = vector.broadcast %broadcast_in_dim3A_352 : i32 to vector<16xi32>
      %gather3A_354 = tpu.vector_load_idx %arg8[%add3A_264, %broadcast_in_dim3A_353] : memref<512x64xf32, #tpu.memory_space<vmem>>[vector<16xi32>, vector<16xi32>], vector<16xf32>,
      %gather3A_355 = tpu.vector_load_idx %arg9[%gather3A, %broadcast_in_dim3A_353] : memref<1000x64xf32, #tpu.memory_space<vmem>>[vector<16xi32>, vector<16xi32>], vector<16xf32>,
      %gather3A_356 = tpu.vector_load_idx %arg9[%gather3A_265, %broadcast_in_dim3A_353] : memref<1000x64xf32, #tpu.memory_space<vmem>>[vector<16xi32>, vector<16xi32>], vector<16xf32>,
      %mul3A_357 = arith.mulf %gather3A_354, %gather3A_355 : vector<16xf32>
      %add3A_358 = arith.addf %add3A_349, %mul3A_357 : vector<16xf32>
      %mul3A_359 = arith.mulf %gather3A_354, %gather3A_356 : vector<16xf32>
      %add3A_360 = arith.addf %add3A_351, %mul3A_359 : vector<16xf32>
      %broadcast_in_dim3A_361 = arith.constant 10 : i32
      %broadcast_in_dim3A_362 = vector.broadcast %broadcast_in_dim3A_361 : i32 to vector<16xi32>
      %gather3A_363 = tpu.vector_load_idx %arg8[%add3A_264, %broadcast_in_dim3A_362] : memref<512x64xf32, #tpu.memory_space<vmem>>[vector<16xi32>, vector<16xi32>], vector<16xf32>,
      %gather3A_364 = tpu.vector_load_idx %arg9[%gather3A, %broadcast_in_dim3A_362] : memref<1000x64xf32, #tpu.memory_space<vmem>>[vector<16xi32>, vector<16xi32>], vector<16xf32>,
      %gather3A_365 = tpu.vector_load_idx %arg9[%gather3A_265, %broadcast_in_dim3A_362] : memref<1000x64xf32, #tpu.memory_space<vmem>>[vector<16xi32>, vector<16xi32>], vector<16xf32>,
      %mul3A_366 = arith.mulf %gather3A_363, %gather3A_364 : vector<16xf32>
      %add3A_367 = arith.addf %add3A_358, %mul3A_366 : vector<16xf32>
      %mul3A_368 = arith.mulf %gather3A_363, %gather3A_365 : vector<16xf32>
      %add3A_369 = arith.addf %add3A_360, %mul3A_368 : vector<16xf32>
      %broadcast_in_dim3A_370 = arith.constant 11 : i32
      %broadcast_in_dim3A_371 = vector.broadcast %broadcast_in_dim3A_370 : i32 to vector<16xi32>
      %gather3A_372 = tpu.vector_load_idx %arg8[%add3A_264, %broadcast_in_dim3A_371] : memref<512x64xf32, #tpu.memory_space<vmem>>[vector<16xi32>, vector<16xi32>], vector<16xf32>,
      %gather3A_373 = tpu.vector_load_idx %arg9[%gather3A, %broadcast_in_dim3A_371] : memref<1000x64xf32, #tpu.memory_space<vmem>>[vector<16xi32>, vector<16xi32>], vector<16xf32>,
      %gather3A_374 = tpu.vector_load_idx %arg9[%gather3A_265, %broadcast_in_dim3A_371] : memref<1000x64xf32, #tpu.memory_space<vmem>>[vector<16xi32>, vector<16xi32>], vector<16xf32>,
      %mul3A_375 = arith.mulf %gather3A_372, %gather3A_373 : vector<16xf32>
      %add3A_376 = arith.addf %add3A_367, %mul3A_375 : vector<16xf32>
      %mul3A_377 = arith.mulf %gather3A_372, %gather3A_374 : vector<16xf32>
      %add3A_378 = arith.addf %add3A_369, %mul3A_377 : vector<16xf32>
      %broadcast_in_dim3A_379 = arith.constant 12 : i32
      %broadcast_in_dim3A_380 = vector.broadcast %broadcast_in_dim3A_379 : i32 to vector<16xi32>
      %gather3A_381 = tpu.vector_load_idx %arg8[%add3A_264, %broadcast_in_dim3A_380] : memref<512x64xf32, #tpu.memory_space<vmem>>[vector<16xi32>, vector<16xi32>], vector<16xf32>,
      %gather3A_382 = tpu.vector_load_idx %arg9[%gather3A, %broadcast_in_dim3A_380] : memref<1000x64xf32, #tpu.memory_space<vmem>>[vector<16xi32>, vector<16xi32>], vector<16xf32>,
      %gather3A_383 = tpu.vector_load_idx %arg9[%gather3A_265, %broadcast_in_dim3A_380] : memref<1000x64xf32, #tpu.memory_space<vmem>>[vector<16xi32>, vector<16xi32>], vector<16xf32>,
      %mul3A_384 = arith.mulf %gather3A_381, %gather3A_382 : vector<16xf32>
      %add3A_385 = arith.addf %add3A_376, %mul3A_384 : vector<16xf32>
      %mul3A_386 = arith.mulf %gather3A_381, %gather3A_383 : vector<16xf32>
      %add3A_387 = arith.addf %add3A_378, %mul3A_386 : vector<16xf32>
      %broadcast_in_dim3A_388 = arith.constant 13 : i32
      %broadcast_in_dim3A_389 = vector.broadcast %broadcast_in_dim3A_388 : i32 to vector<16xi32>
      %gather3A_390 = tpu.vector_load_idx %arg8[%add3A_264, %broadcast_in_dim3A_389] : memref<512x64xf32, #tpu.memory_space<vmem>>[vector<16xi32>, vector<16xi32>], vector<16xf32>,
      %gather3A_391 = tpu.vector_load_idx %arg9[%gather3A, %broadcast_in_dim3A_389] : memref<1000x64xf32, #tpu.memory_space<vmem>>[vector<16xi32>, vector<16xi32>], vector<16xf32>,
      %gather3A_392 = tpu.vector_load_idx %arg9[%gather3A_265, %broadcast_in_dim3A_389] : memref<1000x64xf32, #tpu.memory_space<vmem>>[vector<16xi32>, vector<16xi32>], vector<16xf32>,
      %mul3A_393 = arith.mulf %gather3A_390, %gather3A_391 : vector<16xf32>
      %add3A_394 = arith.addf %add3A_385, %mul3A_393 : vector<16xf32>
      %mul3A_395 = arith.mulf %gather3A_390, %gather3A_392 : vector<16xf32>
      %add3A_396 = arith.addf %add3A_387, %mul3A_395 : vector<16xf32>
      %broadcast_in_dim3A_397 = arith.constant 14 : i32
      %broadcast_in_dim3A_398 = vector.broadcast %broadcast_in_dim3A_397 : i32 to vector<16xi32>
      %gather3A_399 = tpu.vector_load_idx %arg8[%add3A_264, %broadcast_in_dim3A_398] : memref<512x64xf32, #tpu.memory_space<vmem>>[vector<16xi32>, vector<16xi32>], vector<16xf32>,
      %gather3A_400 = tpu.vector_load_idx %arg9[%gather3A, %broadcast_in_dim3A_398] : memref<1000x64xf32, #tpu.memory_space<vmem>>[vector<16xi32>, vector<16xi32>], vector<16xf32>,
      %gather3A_401 = tpu.vector_load_idx %arg9[%gather3A_265, %broadcast_in_dim3A_398] : memref<1000x64xf32, #tpu.memory_space<vmem>>[vector<16xi32>, vector<16xi32>], vector<16xf32>,
      %mul3A_402 = arith.mulf %gather3A_399, %gather3A_400 : vector<16xf32>
      %add3A_403 = arith.addf %add3A_394, %mul3A_402 : vector<16xf32>
      %mul3A_404 = arith.mulf %gather3A_399, %gather3A_401 : vector<16xf32>
      %add3A_405 = arith.addf %add3A_396, %mul3A_404 : vector<16xf32>
      %broadcast_in_dim3A_406 = arith.constant 15 : i32
      %broadcast_in_dim3A_407 = vector.broadcast %broadcast_in_dim3A_406 : i32 to vector<16xi32>
      %gather3A_408 = tpu.vector_load_idx %arg8[%add3A_264, %broadcast_in_dim3A_407] : memref<512x64xf32, #tpu.memory_space<vmem>>[vector<16xi32>, vector<16xi32>], vector<16xf32>,
      %gather3A_409 = tpu.vector_load_idx %arg9[%gather3A, %broadcast_in_dim3A_407] : memref<1000x64xf32, #tpu.memory_space<vmem>>[vector<16xi32>, vector<16xi32>], vector<16xf32>,
      %gather3A_410 = tpu.vector_load_idx %arg9[%gather3A_265, %broadcast_in_dim3A_407] : memref<1000x64xf32, #tpu.memory_space<vmem>>[vector<16xi32>, vector<16xi32>], vector<16xf32>,
      %mul3A_411 = arith.mulf %gather3A_408, %gather3A_409 : vector<16xf32>
      %add3A_412 = arith.addf %add3A_403, %mul3A_411 : vector<16xf32>
      %mul3A_413 = arith.mulf %gather3A_408, %gather3A_410 : vector<16xf32>
      %add3A_414 = arith.addf %add3A_405, %mul3A_413 : vector<16xf32>
      %broadcast_in_dim3A_415 = arith.constant 16 : i32
      %broadcast_in_dim3A_416 = vector.broadcast %broadcast_in_dim3A_415 : i32 to vector<16xi32>
      %gather3A_417 = tpu.vector_load_idx %arg8[%add3A_264, %broadcast_in_dim3A_416] : memref<512x64xf32, #tpu.memory_space<vmem>>[vector<16xi32>, vector<16xi32>], vector<16xf32>,
      %gather3A_418 = tpu.vector_load_idx %arg9[%gather3A, %broadcast_in_dim3A_416] : memref<1000x64xf32, #tpu.memory_space<vmem>>[vector<16xi32>, vector<16xi32>], vector<16xf32>,
      %gather3A_419 = tpu.vector_load_idx %arg9[%gather3A_265, %broadcast_in_dim3A_416] : memref<1000x64xf32, #tpu.memory_space<vmem>>[vector<16xi32>, vector<16xi32>], vector<16xf32>,
      %mul3A_420 = arith.mulf %gather3A_417, %gather3A_418 : vector<16xf32>
      %add3A_421 = arith.addf %add3A_412, %mul3A_420 : vector<16xf32>
      %mul3A_422 = arith.mulf %gather3A_417, %gather3A_419 : vector<16xf32>
      %add3A_423 = arith.addf %add3A_414, %mul3A_422 : vector<16xf32>
      %broadcast_in_dim3A_424 = arith.constant 17 : i32
      %broadcast_in_dim3A_425 = vector.broadcast %broadcast_in_dim3A_424 : i32 to vector<16xi32>
      %gather3A_426 = tpu.vector_load_idx %arg8[%add3A_264, %broadcast_in_dim3A_425] : memref<512x64xf32, #tpu.memory_space<vmem>>[vector<16xi32>, vector<16xi32>], vector<16xf32>,
      %gather3A_427 = tpu.vector_load_idx %arg9[%gather3A, %broadcast_in_dim3A_425] : memref<1000x64xf32, #tpu.memory_space<vmem>>[vector<16xi32>, vector<16xi32>], vector<16xf32>,
      %gather3A_428 = tpu.vector_load_idx %arg9[%gather3A_265, %broadcast_in_dim3A_425] : memref<1000x64xf32, #tpu.memory_space<vmem>>[vector<16xi32>, vector<16xi32>], vector<16xf32>,
      %mul3A_429 = arith.mulf %gather3A_426, %gather3A_427 : vector<16xf32>
      %add3A_430 = arith.addf %add3A_421, %mul3A_429 : vector<16xf32>
      %mul3A_431 = arith.mulf %gather3A_426, %gather3A_428 : vector<16xf32>
      %add3A_432 = arith.addf %add3A_423, %mul3A_431 : vector<16xf32>
      %broadcast_in_dim3A_433 = arith.constant 18 : i32
      %broadcast_in_dim3A_434 = vector.broadcast %broadcast_in_dim3A_433 : i32 to vector<16xi32>
      %gather3A_435 = tpu.vector_load_idx %arg8[%add3A_264, %broadcast_in_dim3A_434] : memref<512x64xf32, #tpu.memory_space<vmem>>[vector<16xi32>, vector<16xi32>], vector<16xf32>,
      %gather3A_436 = tpu.vector_load_idx %arg9[%gather3A, %broadcast_in_dim3A_434] : memref<1000x64xf32, #tpu.memory_space<vmem>>[vector<16xi32>, vector<16xi32>], vector<16xf32>,
      %gather3A_437 = tpu.vector_load_idx %arg9[%gather3A_265, %broadcast_in_dim3A_434] : memref<1000x64xf32, #tpu.memory_space<vmem>>[vector<16xi32>, vector<16xi32>], vector<16xf32>,
      %mul3A_438 = arith.mulf %gather3A_435, %gather3A_436 : vector<16xf32>
      %add3A_439 = arith.addf %add3A_430, %mul3A_438 : vector<16xf32>
      %mul3A_440 = arith.mulf %gather3A_435, %gather3A_437 : vector<16xf32>
      %add3A_441 = arith.addf %add3A_432, %mul3A_440 : vector<16xf32>
      %broadcast_in_dim3A_442 = arith.constant 19 : i32
      %broadcast_in_dim3A_443 = vector.broadcast %broadcast_in_dim3A_442 : i32 to vector<16xi32>
      %gather3A_444 = tpu.vector_load_idx %arg8[%add3A_264, %broadcast_in_dim3A_443] : memref<512x64xf32, #tpu.memory_space<vmem>>[vector<16xi32>, vector<16xi32>], vector<16xf32>,
      %gather3A_445 = tpu.vector_load_idx %arg9[%gather3A, %broadcast_in_dim3A_443] : memref<1000x64xf32, #tpu.memory_space<vmem>>[vector<16xi32>, vector<16xi32>], vector<16xf32>,
      %gather3A_446 = tpu.vector_load_idx %arg9[%gather3A_265, %broadcast_in_dim3A_443] : memref<1000x64xf32, #tpu.memory_space<vmem>>[vector<16xi32>, vector<16xi32>], vector<16xf32>,
      %mul3A_447 = arith.mulf %gather3A_444, %gather3A_445 : vector<16xf32>
      %add3A_448 = arith.addf %add3A_439, %mul3A_447 : vector<16xf32>
      %mul3A_449 = arith.mulf %gather3A_444, %gather3A_446 : vector<16xf32>
      %add3A_450 = arith.addf %add3A_441, %mul3A_449 : vector<16xf32>
      %broadcast_in_dim3A_451 = arith.constant 20 : i32
      %broadcast_in_dim3A_452 = vector.broadcast %broadcast_in_dim3A_451 : i32 to vector<16xi32>
      %gather3A_453 = tpu.vector_load_idx %arg8[%add3A_264, %broadcast_in_dim3A_452] : memref<512x64xf32, #tpu.memory_space<vmem>>[vector<16xi32>, vector<16xi32>], vector<16xf32>,
      %gather3A_454 = tpu.vector_load_idx %arg9[%gather3A, %broadcast_in_dim3A_452] : memref<1000x64xf32, #tpu.memory_space<vmem>>[vector<16xi32>, vector<16xi32>], vector<16xf32>,
      %gather3A_455 = tpu.vector_load_idx %arg9[%gather3A_265, %broadcast_in_dim3A_452] : memref<1000x64xf32, #tpu.memory_space<vmem>>[vector<16xi32>, vector<16xi32>], vector<16xf32>,
      %mul3A_456 = arith.mulf %gather3A_453, %gather3A_454 : vector<16xf32>
      %add3A_457 = arith.addf %add3A_448, %mul3A_456 : vector<16xf32>
      %mul3A_458 = arith.mulf %gather3A_453, %gather3A_455 : vector<16xf32>
      %add3A_459 = arith.addf %add3A_450, %mul3A_458 : vector<16xf32>
      %broadcast_in_dim3A_460 = arith.constant 21 : i32
      %broadcast_in_dim3A_461 = vector.broadcast %broadcast_in_dim3A_460 : i32 to vector<16xi32>
      %gather3A_462 = tpu.vector_load_idx %arg8[%add3A_264, %broadcast_in_dim3A_461] : memref<512x64xf32, #tpu.memory_space<vmem>>[vector<16xi32>, vector<16xi32>], vector<16xf32>,
      %gather3A_463 = tpu.vector_load_idx %arg9[%gather3A, %broadcast_in_dim3A_461] : memref<1000x64xf32, #tpu.memory_space<vmem>>[vector<16xi32>, vector<16xi32>], vector<16xf32>,
      %gather3A_464 = tpu.vector_load_idx %arg9[%gather3A_265, %broadcast_in_dim3A_461] : memref<1000x64xf32, #tpu.memory_space<vmem>>[vector<16xi32>, vector<16xi32>], vector<16xf32>,
      %mul3A_465 = arith.mulf %gather3A_462, %gather3A_463 : vector<16xf32>
      %add3A_466 = arith.addf %add3A_457, %mul3A_465 : vector<16xf32>
      %mul3A_467 = arith.mulf %gather3A_462, %gather3A_464 : vector<16xf32>
      %add3A_468 = arith.addf %add3A_459, %mul3A_467 : vector<16xf32>
      %broadcast_in_dim3A_469 = arith.constant 22 : i32
      %broadcast_in_dim3A_470 = vector.broadcast %broadcast_in_dim3A_469 : i32 to vector<16xi32>
      %gather3A_471 = tpu.vector_load_idx %arg8[%add3A_264, %broadcast_in_dim3A_470] : memref<512x64xf32, #tpu.memory_space<vmem>>[vector<16xi32>, vector<16xi32>], vector<16xf32>,
      %gather3A_472 = tpu.vector_load_idx %arg9[%gather3A, %broadcast_in_dim3A_470] : memref<1000x64xf32, #tpu.memory_space<vmem>>[vector<16xi32>, vector<16xi32>], vector<16xf32>,
      %gather3A_473 = tpu.vector_load_idx %arg9[%gather3A_265, %broadcast_in_dim3A_470] : memref<1000x64xf32, #tpu.memory_space<vmem>>[vector<16xi32>, vector<16xi32>], vector<16xf32>,
      %mul3A_474 = arith.mulf %gather3A_471, %gather3A_472 : vector<16xf32>
      %add3A_475 = arith.addf %add3A_466, %mul3A_474 : vector<16xf32>
      %mul3A_476 = arith.mulf %gather3A_471, %gather3A_473 : vector<16xf32>
      %add3A_477 = arith.addf %add3A_468, %mul3A_476 : vector<16xf32>
      %broadcast_in_dim3A_478 = arith.constant 23 : i32
      %broadcast_in_dim3A_479 = vector.broadcast %broadcast_in_dim3A_478 : i32 to vector<16xi32>
      %gather3A_480 = tpu.vector_load_idx %arg8[%add3A_264, %broadcast_in_dim3A_479] : memref<512x64xf32, #tpu.memory_space<vmem>>[vector<16xi32>, vector<16xi32>], vector<16xf32>,
      %gather3A_481 = tpu.vector_load_idx %arg9[%gather3A, %broadcast_in_dim3A_479] : memref<1000x64xf32, #tpu.memory_space<vmem>>[vector<16xi32>, vector<16xi32>], vector<16xf32>,
      %gather3A_482 = tpu.vector_load_idx %arg9[%gather3A_265, %broadcast_in_dim3A_479] : memref<1000x64xf32, #tpu.memory_space<vmem>>[vector<16xi32>, vector<16xi32>], vector<16xf32>,
      %mul3A_483 = arith.mulf %gather3A_480, %gather3A_481 : vector<16xf32>
      %add3A_484 = arith.addf %add3A_475, %mul3A_483 : vector<16xf32>
      %mul3A_485 = arith.mulf %gather3A_480, %gather3A_482 : vector<16xf32>
      %add3A_486 = arith.addf %add3A_477, %mul3A_485 : vector<16xf32>
      %broadcast_in_dim3A_487 = arith.constant 24 : i32
      %broadcast_in_dim3A_488 = vector.broadcast %broadcast_in_dim3A_487 : i32 to vector<16xi32>
      %gather3A_489 = tpu.vector_load_idx %arg8[%add3A_264, %broadcast_in_dim3A_488] : memref<512x64xf32, #tpu.memory_space<vmem>>[vector<16xi32>, vector<16xi32>], vector<16xf32>,
      %gather3A_490 = tpu.vector_load_idx %arg9[%gather3A, %broadcast_in_dim3A_488] : memref<1000x64xf32, #tpu.memory_space<vmem>>[vector<16xi32>, vector<16xi32>], vector<16xf32>,
      %gather3A_491 = tpu.vector_load_idx %arg9[%gather3A_265, %broadcast_in_dim3A_488] : memref<1000x64xf32, #tpu.memory_space<vmem>>[vector<16xi32>, vector<16xi32>], vector<16xf32>,
      %mul3A_492 = arith.mulf %gather3A_489, %gather3A_490 : vector<16xf32>
      %add3A_493 = arith.addf %add3A_484, %mul3A_492 : vector<16xf32>
      %mul3A_494 = arith.mulf %gather3A_489, %gather3A_491 : vector<16xf32>
      %add3A_495 = arith.addf %add3A_486, %mul3A_494 : vector<16xf32>
      %broadcast_in_dim3A_496 = arith.constant 25 : i32
      %broadcast_in_dim3A_497 = vector.broadcast %broadcast_in_dim3A_496 : i32 to vector<16xi32>
      %gather3A_498 = tpu.vector_load_idx %arg8[%add3A_264, %broadcast_in_dim3A_497] : memref<512x64xf32, #tpu.memory_space<vmem>>[vector<16xi32>, vector<16xi32>], vector<16xf32>,
      %gather3A_499 = tpu.vector_load_idx %arg9[%gather3A, %broadcast_in_dim3A_497] : memref<1000x64xf32, #tpu.memory_space<vmem>>[vector<16xi32>, vector<16xi32>], vector<16xf32>,
      %gather3A_500 = tpu.vector_load_idx %arg9[%gather3A_265, %broadcast_in_dim3A_497] : memref<1000x64xf32, #tpu.memory_space<vmem>>[vector<16xi32>, vector<16xi32>], vector<16xf32>,
      %mul3A_501 = arith.mulf %gather3A_498, %gather3A_499 : vector<16xf32>
      %add3A_502 = arith.addf %add3A_493, %mul3A_501 : vector<16xf32>
      %mul3A_503 = arith.mulf %gather3A_498, %gather3A_500 : vector<16xf32>
      %add3A_504 = arith.addf %add3A_495, %mul3A_503 : vector<16xf32>
      %broadcast_in_dim3A_505 = arith.constant 26 : i32
      %broadcast_in_dim3A_506 = vector.broadcast %broadcast_in_dim3A_505 : i32 to vector<16xi32>
      %gather3A_507 = tpu.vector_load_idx %arg8[%add3A_264, %broadcast_in_dim3A_506] : memref<512x64xf32, #tpu.memory_space<vmem>>[vector<16xi32>, vector<16xi32>], vector<16xf32>,
      %gather3A_508 = tpu.vector_load_idx %arg9[%gather3A, %broadcast_in_dim3A_506] : memref<1000x64xf32, #tpu.memory_space<vmem>>[vector<16xi32>, vector<16xi32>], vector<16xf32>,
      %gather3A_509 = tpu.vector_load_idx %arg9[%gather3A_265, %broadcast_in_dim3A_506] : memref<1000x64xf32, #tpu.memory_space<vmem>>[vector<16xi32>, vector<16xi32>], vector<16xf32>,
      %mul3A_510 = arith.mulf %gather3A_507, %gather3A_508 : vector<16xf32>
      %add3A_511 = arith.addf %add3A_502, %mul3A_510 : vector<16xf32>
      %mul3A_512 = arith.mulf %gather3A_507, %gather3A_509 : vector<16xf32>
      %add3A_513 = arith.addf %add3A_504, %mul3A_512 : vector<16xf32>
      %broadcast_in_dim3A_514 = arith.constant 27 : i32
      %broadcast_in_dim3A_515 = vector.broadcast %broadcast_in_dim3A_514 : i32 to vector<16xi32>
      %gather3A_516 = tpu.vector_load_idx %arg8[%add3A_264, %broadcast_in_dim3A_515] : memref<512x64xf32, #tpu.memory_space<vmem>>[vector<16xi32>, vector<16xi32>], vector<16xf32>,
      %gather3A_517 = tpu.vector_load_idx %arg9[%gather3A, %broadcast_in_dim3A_515] : memref<1000x64xf32, #tpu.memory_space<vmem>>[vector<16xi32>, vector<16xi32>], vector<16xf32>,
      %gather3A_518 = tpu.vector_load_idx %arg9[%gather3A_265, %broadcast_in_dim3A_515] : memref<1000x64xf32, #tpu.memory_space<vmem>>[vector<16xi32>, vector<16xi32>], vector<16xf32>,
      %mul3A_519 = arith.mulf %gather3A_516, %gather3A_517 : vector<16xf32>
      %add3A_520 = arith.addf %add3A_511, %mul3A_519 : vector<16xf32>
      %mul3A_521 = arith.mulf %gather3A_516, %gather3A_518 : vector<16xf32>
      %add3A_522 = arith.addf %add3A_513, %mul3A_521 : vector<16xf32>
      %broadcast_in_dim3A_523 = arith.constant 28 : i32
      %broadcast_in_dim3A_524 = vector.broadcast %broadcast_in_dim3A_523 : i32 to vector<16xi32>
      %gather3A_525 = tpu.vector_load_idx %arg8[%add3A_264, %broadcast_in_dim3A_524] : memref<512x64xf32, #tpu.memory_space<vmem>>[vector<16xi32>, vector<16xi32>], vector<16xf32>,
      %gather3A_526 = tpu.vector_load_idx %arg9[%gather3A, %broadcast_in_dim3A_524] : memref<1000x64xf32, #tpu.memory_space<vmem>>[vector<16xi32>, vector<16xi32>], vector<16xf32>,
      %gather3A_527 = tpu.vector_load_idx %arg9[%gather3A_265, %broadcast_in_dim3A_524] : memref<1000x64xf32, #tpu.memory_space<vmem>>[vector<16xi32>, vector<16xi32>], vector<16xf32>,
      %mul3A_528 = arith.mulf %gather3A_525, %gather3A_526 : vector<16xf32>
      %add3A_529 = arith.addf %add3A_520, %mul3A_528 : vector<16xf32>
      %mul3A_530 = arith.mulf %gather3A_525, %gather3A_527 : vector<16xf32>
      %add3A_531 = arith.addf %add3A_522, %mul3A_530 : vector<16xf32>
      %broadcast_in_dim3A_532 = arith.constant 29 : i32
      %broadcast_in_dim3A_533 = vector.broadcast %broadcast_in_dim3A_532 : i32 to vector<16xi32>
      %gather3A_534 = tpu.vector_load_idx %arg8[%add3A_264, %broadcast_in_dim3A_533] : memref<512x64xf32, #tpu.memory_space<vmem>>[vector<16xi32>, vector<16xi32>], vector<16xf32>,
      %gather3A_535 = tpu.vector_load_idx %arg9[%gather3A, %broadcast_in_dim3A_533] : memref<1000x64xf32, #tpu.memory_space<vmem>>[vector<16xi32>, vector<16xi32>], vector<16xf32>,
      %gather3A_536 = tpu.vector_load_idx %arg9[%gather3A_265, %broadcast_in_dim3A_533] : memref<1000x64xf32, #tpu.memory_space<vmem>>[vector<16xi32>, vector<16xi32>], vector<16xf32>,
      %mul3A_537 = arith.mulf %gather3A_534, %gather3A_535 : vector<16xf32>
      %add3A_538 = arith.addf %add3A_529, %mul3A_537 : vector<16xf32>
      %mul3A_539 = arith.mulf %gather3A_534, %gather3A_536 : vector<16xf32>
      %add3A_540 = arith.addf %add3A_531, %mul3A_539 : vector<16xf32>
      %broadcast_in_dim3A_541 = arith.constant 30 : i32
      %broadcast_in_dim3A_542 = vector.broadcast %broadcast_in_dim3A_541 : i32 to vector<16xi32>
      %gather3A_543 = tpu.vector_load_idx %arg8[%add3A_264, %broadcast_in_dim3A_542] : memref<512x64xf32, #tpu.memory_space<vmem>>[vector<16xi32>, vector<16xi32>], vector<16xf32>,
      %gather3A_544 = tpu.vector_load_idx %arg9[%gather3A, %broadcast_in_dim3A_542] : memref<1000x64xf32, #tpu.memory_space<vmem>>[vector<16xi32>, vector<16xi32>], vector<16xf32>,
      %gather3A_545 = tpu.vector_load_idx %arg9[%gather3A_265, %broadcast_in_dim3A_542] : memref<1000x64xf32, #tpu.memory_space<vmem>>[vector<16xi32>, vector<16xi32>], vector<16xf32>,
      %mul3A_546 = arith.mulf %gather3A_543, %gather3A_544 : vector<16xf32>
      %add3A_547 = arith.addf %add3A_538, %mul3A_546 : vector<16xf32>
      %mul3A_548 = arith.mulf %gather3A_543, %gather3A_545 : vector<16xf32>
      %add3A_549 = arith.addf %add3A_540, %mul3A_548 : vector<16xf32>
      %broadcast_in_dim3A_550 = arith.constant 31 : i32
      %broadcast_in_dim3A_551 = vector.broadcast %broadcast_in_dim3A_550 : i32 to vector<16xi32>
      %gather3A_552 = tpu.vector_load_idx %arg8[%add3A_264, %broadcast_in_dim3A_551] : memref<512x64xf32, #tpu.memory_space<vmem>>[vector<16xi32>, vector<16xi32>], vector<16xf32>,
      %gather3A_553 = tpu.vector_load_idx %arg9[%gather3A, %broadcast_in_dim3A_551] : memref<1000x64xf32, #tpu.memory_space<vmem>>[vector<16xi32>, vector<16xi32>], vector<16xf32>,
      %gather3A_554 = tpu.vector_load_idx %arg9[%gather3A_265, %broadcast_in_dim3A_551] : memref<1000x64xf32, #tpu.memory_space<vmem>>[vector<16xi32>, vector<16xi32>], vector<16xf32>,
      %mul3A_555 = arith.mulf %gather3A_552, %gather3A_553 : vector<16xf32>
      %add3A_556 = arith.addf %add3A_547, %mul3A_555 : vector<16xf32>
      %mul3A_557 = arith.mulf %gather3A_552, %gather3A_554 : vector<16xf32>
      %add3A_558 = arith.addf %add3A_549, %mul3A_557 : vector<16xf32>
      %broadcast_in_dim3A_559 = arith.constant 32 : i32
      %broadcast_in_dim3A_560 = vector.broadcast %broadcast_in_dim3A_559 : i32 to vector<16xi32>
      %gather3A_561 = tpu.vector_load_idx %arg8[%add3A_264, %broadcast_in_dim3A_560] : memref<512x64xf32, #tpu.memory_space<vmem>>[vector<16xi32>, vector<16xi32>], vector<16xf32>,
      %gather3A_562 = tpu.vector_load_idx %arg9[%gather3A, %broadcast_in_dim3A_560] : memref<1000x64xf32, #tpu.memory_space<vmem>>[vector<16xi32>, vector<16xi32>], vector<16xf32>,
      %gather3A_563 = tpu.vector_load_idx %arg9[%gather3A_265, %broadcast_in_dim3A_560] : memref<1000x64xf32, #tpu.memory_space<vmem>>[vector<16xi32>, vector<16xi32>], vector<16xf32>,
      %mul3A_564 = arith.mulf %gather3A_561, %gather3A_562 : vector<16xf32>
      %add3A_565 = arith.addf %add3A_556, %mul3A_564 : vector<16xf32>
      %mul3A_566 = arith.mulf %gather3A_561, %gather3A_563 : vector<16xf32>
      %add3A_567 = arith.addf %add3A_558, %mul3A_566 : vector<16xf32>
      %broadcast_in_dim3A_568 = arith.constant 33 : i32
      %broadcast_in_dim3A_569 = vector.broadcast %broadcast_in_dim3A_568 : i32 to vector<16xi32>
      %gather3A_570 = tpu.vector_load_idx %arg8[%add3A_264, %broadcast_in_dim3A_569] : memref<512x64xf32, #tpu.memory_space<vmem>>[vector<16xi32>, vector<16xi32>], vector<16xf32>,
      %gather3A_571 = tpu.vector_load_idx %arg9[%gather3A, %broadcast_in_dim3A_569] : memref<1000x64xf32, #tpu.memory_space<vmem>>[vector<16xi32>, vector<16xi32>], vector<16xf32>,
      %gather3A_572 = tpu.vector_load_idx %arg9[%gather3A_265, %broadcast_in_dim3A_569] : memref<1000x64xf32, #tpu.memory_space<vmem>>[vector<16xi32>, vector<16xi32>], vector<16xf32>,
      %mul3A_573 = arith.mulf %gather3A_570, %gather3A_571 : vector<16xf32>
      %add3A_574 = arith.addf %add3A_565, %mul3A_573 : vector<16xf32>
      %mul3A_575 = arith.mulf %gather3A_570, %gather3A_572 : vector<16xf32>
      %add3A_576 = arith.addf %add3A_567, %mul3A_575 : vector<16xf32>
      %broadcast_in_dim3A_577 = arith.constant 34 : i32
      %broadcast_in_dim3A_578 = vector.broadcast %broadcast_in_dim3A_577 : i32 to vector<16xi32>
      %gather3A_579 = tpu.vector_load_idx %arg8[%add3A_264, %broadcast_in_dim3A_578] : memref<512x64xf32, #tpu.memory_space<vmem>>[vector<16xi32>, vector<16xi32>], vector<16xf32>,
      %gather3A_580 = tpu.vector_load_idx %arg9[%gather3A, %broadcast_in_dim3A_578] : memref<1000x64xf32, #tpu.memory_space<vmem>>[vector<16xi32>, vector<16xi32>], vector<16xf32>,
      %gather3A_581 = tpu.vector_load_idx %arg9[%gather3A_265, %broadcast_in_dim3A_578] : memref<1000x64xf32, #tpu.memory_space<vmem>>[vector<16xi32>, vector<16xi32>], vector<16xf32>,
      %mul3A_582 = arith.mulf %gather3A_579, %gather3A_580 : vector<16xf32>
      %add3A_583 = arith.addf %add3A_574, %mul3A_582 : vector<16xf32>
      %mul3A_584 = arith.mulf %gather3A_579, %gather3A_581 : vector<16xf32>
      %add3A_585 = arith.addf %add3A_576, %mul3A_584 : vector<16xf32>
      %broadcast_in_dim3A_586 = arith.constant 35 : i32
      %broadcast_in_dim3A_587 = vector.broadcast %broadcast_in_dim3A_586 : i32 to vector<16xi32>
      %gather3A_588 = tpu.vector_load_idx %arg8[%add3A_264, %broadcast_in_dim3A_587] : memref<512x64xf32, #tpu.memory_space<vmem>>[vector<16xi32>, vector<16xi32>], vector<16xf32>,
      %gather3A_589 = tpu.vector_load_idx %arg9[%gather3A, %broadcast_in_dim3A_587] : memref<1000x64xf32, #tpu.memory_space<vmem>>[vector<16xi32>, vector<16xi32>], vector<16xf32>,
      %gather3A_590 = tpu.vector_load_idx %arg9[%gather3A_265, %broadcast_in_dim3A_587] : memref<1000x64xf32, #tpu.memory_space<vmem>>[vector<16xi32>, vector<16xi32>], vector<16xf32>,
      %mul3A_591 = arith.mulf %gather3A_588, %gather3A_589 : vector<16xf32>
      %add3A_592 = arith.addf %add3A_583, %mul3A_591 : vector<16xf32>
      %mul3A_593 = arith.mulf %gather3A_588, %gather3A_590 : vector<16xf32>
      %add3A_594 = arith.addf %add3A_585, %mul3A_593 : vector<16xf32>
      %broadcast_in_dim3A_595 = arith.constant 36 : i32
      %broadcast_in_dim3A_596 = vector.broadcast %broadcast_in_dim3A_595 : i32 to vector<16xi32>
      %gather3A_597 = tpu.vector_load_idx %arg8[%add3A_264, %broadcast_in_dim3A_596] : memref<512x64xf32, #tpu.memory_space<vmem>>[vector<16xi32>, vector<16xi32>], vector<16xf32>,
      %gather3A_598 = tpu.vector_load_idx %arg9[%gather3A, %broadcast_in_dim3A_596] : memref<1000x64xf32, #tpu.memory_space<vmem>>[vector<16xi32>, vector<16xi32>], vector<16xf32>,
      %gather3A_599 = tpu.vector_load_idx %arg9[%gather3A_265, %broadcast_in_dim3A_596] : memref<1000x64xf32, #tpu.memory_space<vmem>>[vector<16xi32>, vector<16xi32>], vector<16xf32>,
      %mul3A_600 = arith.mulf %gather3A_597, %gather3A_598 : vector<16xf32>
      %add3A_601 = arith.addf %add3A_592, %mul3A_600 : vector<16xf32>
      %mul3A_602 = arith.mulf %gather3A_597, %gather3A_599 : vector<16xf32>
      %add3A_603 = arith.addf %add3A_594, %mul3A_602 : vector<16xf32>
      %broadcast_in_dim3A_604 = arith.constant 37 : i32
      %broadcast_in_dim3A_605 = vector.broadcast %broadcast_in_dim3A_604 : i32 to vector<16xi32>
      %gather3A_606 = tpu.vector_load_idx %arg8[%add3A_264, %broadcast_in_dim3A_605] : memref<512x64xf32, #tpu.memory_space<vmem>>[vector<16xi32>, vector<16xi32>], vector<16xf32>,
      %gather3A_607 = tpu.vector_load_idx %arg9[%gather3A, %broadcast_in_dim3A_605] : memref<1000x64xf32, #tpu.memory_space<vmem>>[vector<16xi32>, vector<16xi32>], vector<16xf32>,
      %gather3A_608 = tpu.vector_load_idx %arg9[%gather3A_265, %broadcast_in_dim3A_605] : memref<1000x64xf32, #tpu.memory_space<vmem>>[vector<16xi32>, vector<16xi32>], vector<16xf32>,
      %mul3A_609 = arith.mulf %gather3A_606, %gather3A_607 : vector<16xf32>
      %add3A_610 = arith.addf %add3A_601, %mul3A_609 : vector<16xf32>
      %mul3A_611 = arith.mulf %gather3A_606, %gather3A_608 : vector<16xf32>
      %add3A_612 = arith.addf %add3A_603, %mul3A_611 : vector<16xf32>
      %broadcast_in_dim3A_613 = arith.constant 38 : i32
      %broadcast_in_dim3A_614 = vector.broadcast %broadcast_in_dim3A_613 : i32 to vector<16xi32>
      %gather3A_615 = tpu.vector_load_idx %arg8[%add3A_264, %broadcast_in_dim3A_614] : memref<512x64xf32, #tpu.memory_space<vmem>>[vector<16xi32>, vector<16xi32>], vector<16xf32>,
      %gather3A_616 = tpu.vector_load_idx %arg9[%gather3A, %broadcast_in_dim3A_614] : memref<1000x64xf32, #tpu.memory_space<vmem>>[vector<16xi32>, vector<16xi32>], vector<16xf32>,
      %gather3A_617 = tpu.vector_load_idx %arg9[%gather3A_265, %broadcast_in_dim3A_614] : memref<1000x64xf32, #tpu.memory_space<vmem>>[vector<16xi32>, vector<16xi32>], vector<16xf32>,
      %mul3A_618 = arith.mulf %gather3A_615, %gather3A_616 : vector<16xf32>
      %add3A_619 = arith.addf %add3A_610, %mul3A_618 : vector<16xf32>
      %mul3A_620 = arith.mulf %gather3A_615, %gather3A_617 : vector<16xf32>
      %add3A_621 = arith.addf %add3A_612, %mul3A_620 : vector<16xf32>
      %broadcast_in_dim3A_622 = arith.constant 39 : i32
      %broadcast_in_dim3A_623 = vector.broadcast %broadcast_in_dim3A_622 : i32 to vector<16xi32>
      %gather3A_624 = tpu.vector_load_idx %arg8[%add3A_264, %broadcast_in_dim3A_623] : memref<512x64xf32, #tpu.memory_space<vmem>>[vector<16xi32>, vector<16xi32>], vector<16xf32>,
      %gather3A_625 = tpu.vector_load_idx %arg9[%gather3A, %broadcast_in_dim3A_623] : memref<1000x64xf32, #tpu.memory_space<vmem>>[vector<16xi32>, vector<16xi32>], vector<16xf32>,
      %gather3A_626 = tpu.vector_load_idx %arg9[%gather3A_265, %broadcast_in_dim3A_623] : memref<1000x64xf32, #tpu.memory_space<vmem>>[vector<16xi32>, vector<16xi32>], vector<16xf32>,
      %mul3A_627 = arith.mulf %gather3A_624, %gather3A_625 : vector<16xf32>
      %add3A_628 = arith.addf %add3A_619, %mul3A_627 : vector<16xf32>
      %mul3A_629 = arith.mulf %gather3A_624, %gather3A_626 : vector<16xf32>
      %add3A_630 = arith.addf %add3A_621, %mul3A_629 : vector<16xf32>
      %broadcast_in_dim3A_631 = arith.constant 40 : i32
      %broadcast_in_dim3A_632 = vector.broadcast %broadcast_in_dim3A_631 : i32 to vector<16xi32>
      %gather3A_633 = tpu.vector_load_idx %arg8[%add3A_264, %broadcast_in_dim3A_632] : memref<512x64xf32, #tpu.memory_space<vmem>>[vector<16xi32>, vector<16xi32>], vector<16xf32>,
      %gather3A_634 = tpu.vector_load_idx %arg9[%gather3A, %broadcast_in_dim3A_632] : memref<1000x64xf32, #tpu.memory_space<vmem>>[vector<16xi32>, vector<16xi32>], vector<16xf32>,
      %gather3A_635 = tpu.vector_load_idx %arg9[%gather3A_265, %broadcast_in_dim3A_632] : memref<1000x64xf32, #tpu.memory_space<vmem>>[vector<16xi32>, vector<16xi32>], vector<16xf32>,
      %mul3A_636 = arith.mulf %gather3A_633, %gather3A_634 : vector<16xf32>
      %add3A_637 = arith.addf %add3A_628, %mul3A_636 : vector<16xf32>
      %mul3A_638 = arith.mulf %gather3A_633, %gather3A_635 : vector<16xf32>
      %add3A_639 = arith.addf %add3A_630, %mul3A_638 : vector<16xf32>
      %broadcast_in_dim3A_640 = arith.constant 41 : i32
      %broadcast_in_dim3A_641 = vector.broadcast %broadcast_in_dim3A_640 : i32 to vector<16xi32>
      %gather3A_642 = tpu.vector_load_idx %arg8[%add3A_264, %broadcast_in_dim3A_641] : memref<512x64xf32, #tpu.memory_space<vmem>>[vector<16xi32>, vector<16xi32>], vector<16xf32>,
      %gather3A_643 = tpu.vector_load_idx %arg9[%gather3A, %broadcast_in_dim3A_641] : memref<1000x64xf32, #tpu.memory_space<vmem>>[vector<16xi32>, vector<16xi32>], vector<16xf32>,
      %gather3A_644 = tpu.vector_load_idx %arg9[%gather3A_265, %broadcast_in_dim3A_641] : memref<1000x64xf32, #tpu.memory_space<vmem>>[vector<16xi32>, vector<16xi32>], vector<16xf32>,
      %mul3A_645 = arith.mulf %gather3A_642, %gather3A_643 : vector<16xf32>
      %add3A_646 = arith.addf %add3A_637, %mul3A_645 : vector<16xf32>
      %mul3A_647 = arith.mulf %gather3A_642, %gather3A_644 : vector<16xf32>
      %add3A_648 = arith.addf %add3A_639, %mul3A_647 : vector<16xf32>
      %broadcast_in_dim3A_649 = arith.constant 42 : i32
      %broadcast_in_dim3A_650 = vector.broadcast %broadcast_in_dim3A_649 : i32 to vector<16xi32>
      %gather3A_651 = tpu.vector_load_idx %arg8[%add3A_264, %broadcast_in_dim3A_650] : memref<512x64xf32, #tpu.memory_space<vmem>>[vector<16xi32>, vector<16xi32>], vector<16xf32>,
      %gather3A_652 = tpu.vector_load_idx %arg9[%gather3A, %broadcast_in_dim3A_650] : memref<1000x64xf32, #tpu.memory_space<vmem>>[vector<16xi32>, vector<16xi32>], vector<16xf32>,
      %gather3A_653 = tpu.vector_load_idx %arg9[%gather3A_265, %broadcast_in_dim3A_650] : memref<1000x64xf32, #tpu.memory_space<vmem>>[vector<16xi32>, vector<16xi32>], vector<16xf32>,
      %mul3A_654 = arith.mulf %gather3A_651, %gather3A_652 : vector<16xf32>
      %add3A_655 = arith.addf %add3A_646, %mul3A_654 : vector<16xf32>
      %mul3A_656 = arith.mulf %gather3A_651, %gather3A_653 : vector<16xf32>
      %add3A_657 = arith.addf %add3A_648, %mul3A_656 : vector<16xf32>
      %broadcast_in_dim3A_658 = arith.constant 43 : i32
      %broadcast_in_dim3A_659 = vector.broadcast %broadcast_in_dim3A_658 : i32 to vector<16xi32>
      %gather3A_660 = tpu.vector_load_idx %arg8[%add3A_264, %broadcast_in_dim3A_659] : memref<512x64xf32, #tpu.memory_space<vmem>>[vector<16xi32>, vector<16xi32>], vector<16xf32>,
      %gather3A_661 = tpu.vector_load_idx %arg9[%gather3A, %broadcast_in_dim3A_659] : memref<1000x64xf32, #tpu.memory_space<vmem>>[vector<16xi32>, vector<16xi32>], vector<16xf32>,
      %gather3A_662 = tpu.vector_load_idx %arg9[%gather3A_265, %broadcast_in_dim3A_659] : memref<1000x64xf32, #tpu.memory_space<vmem>>[vector<16xi32>, vector<16xi32>], vector<16xf32>,
      %mul3A_663 = arith.mulf %gather3A_660, %gather3A_661 : vector<16xf32>
      %add3A_664 = arith.addf %add3A_655, %mul3A_663 : vector<16xf32>
      %mul3A_665 = arith.mulf %gather3A_660, %gather3A_662 : vector<16xf32>
      %add3A_666 = arith.addf %add3A_657, %mul3A_665 : vector<16xf32>
      %broadcast_in_dim3A_667 = arith.constant 44 : i32
      %broadcast_in_dim3A_668 = vector.broadcast %broadcast_in_dim3A_667 : i32 to vector<16xi32>
      %gather3A_669 = tpu.vector_load_idx %arg8[%add3A_264, %broadcast_in_dim3A_668] : memref<512x64xf32, #tpu.memory_space<vmem>>[vector<16xi32>, vector<16xi32>], vector<16xf32>,
      %gather3A_670 = tpu.vector_load_idx %arg9[%gather3A, %broadcast_in_dim3A_668] : memref<1000x64xf32, #tpu.memory_space<vmem>>[vector<16xi32>, vector<16xi32>], vector<16xf32>,
      %gather3A_671 = tpu.vector_load_idx %arg9[%gather3A_265, %broadcast_in_dim3A_668] : memref<1000x64xf32, #tpu.memory_space<vmem>>[vector<16xi32>, vector<16xi32>], vector<16xf32>,
      %mul3A_672 = arith.mulf %gather3A_669, %gather3A_670 : vector<16xf32>
      %add3A_673 = arith.addf %add3A_664, %mul3A_672 : vector<16xf32>
      %mul3A_674 = arith.mulf %gather3A_669, %gather3A_671 : vector<16xf32>
      %add3A_675 = arith.addf %add3A_666, %mul3A_674 : vector<16xf32>
      %broadcast_in_dim3A_676 = arith.constant 45 : i32
      %broadcast_in_dim3A_677 = vector.broadcast %broadcast_in_dim3A_676 : i32 to vector<16xi32>
      %gather3A_678 = tpu.vector_load_idx %arg8[%add3A_264, %broadcast_in_dim3A_677] : memref<512x64xf32, #tpu.memory_space<vmem>>[vector<16xi32>, vector<16xi32>], vector<16xf32>,
      %gather3A_679 = tpu.vector_load_idx %arg9[%gather3A, %broadcast_in_dim3A_677] : memref<1000x64xf32, #tpu.memory_space<vmem>>[vector<16xi32>, vector<16xi32>], vector<16xf32>,
      %gather3A_680 = tpu.vector_load_idx %arg9[%gather3A_265, %broadcast_in_dim3A_677] : memref<1000x64xf32, #tpu.memory_space<vmem>>[vector<16xi32>, vector<16xi32>], vector<16xf32>,
      %mul3A_681 = arith.mulf %gather3A_678, %gather3A_679 : vector<16xf32>
      %add3A_682 = arith.addf %add3A_673, %mul3A_681 : vector<16xf32>
      %mul3A_683 = arith.mulf %gather3A_678, %gather3A_680 : vector<16xf32>
      %add3A_684 = arith.addf %add3A_675, %mul3A_683 : vector<16xf32>
      %broadcast_in_dim3A_685 = arith.constant 46 : i32
      %broadcast_in_dim3A_686 = vector.broadcast %broadcast_in_dim3A_685 : i32 to vector<16xi32>
      %gather3A_687 = tpu.vector_load_idx %arg8[%add3A_264, %broadcast_in_dim3A_686] : memref<512x64xf32, #tpu.memory_space<vmem>>[vector<16xi32>, vector<16xi32>], vector<16xf32>,
      %gather3A_688 = tpu.vector_load_idx %arg9[%gather3A, %broadcast_in_dim3A_686] : memref<1000x64xf32, #tpu.memory_space<vmem>>[vector<16xi32>, vector<16xi32>], vector<16xf32>,
      %gather3A_689 = tpu.vector_load_idx %arg9[%gather3A_265, %broadcast_in_dim3A_686] : memref<1000x64xf32, #tpu.memory_space<vmem>>[vector<16xi32>, vector<16xi32>], vector<16xf32>,
      %mul3A_690 = arith.mulf %gather3A_687, %gather3A_688 : vector<16xf32>
      %add3A_691 = arith.addf %add3A_682, %mul3A_690 : vector<16xf32>
      %mul3A_692 = arith.mulf %gather3A_687, %gather3A_689 : vector<16xf32>
      %add3A_693 = arith.addf %add3A_684, %mul3A_692 : vector<16xf32>
      %broadcast_in_dim3A_694 = arith.constant 47 : i32
      %broadcast_in_dim3A_695 = vector.broadcast %broadcast_in_dim3A_694 : i32 to vector<16xi32>
      %gather3A_696 = tpu.vector_load_idx %arg8[%add3A_264, %broadcast_in_dim3A_695] : memref<512x64xf32, #tpu.memory_space<vmem>>[vector<16xi32>, vector<16xi32>], vector<16xf32>,
      %gather3A_697 = tpu.vector_load_idx %arg9[%gather3A, %broadcast_in_dim3A_695] : memref<1000x64xf32, #tpu.memory_space<vmem>>[vector<16xi32>, vector<16xi32>], vector<16xf32>,
      %gather3A_698 = tpu.vector_load_idx %arg9[%gather3A_265, %broadcast_in_dim3A_695] : memref<1000x64xf32, #tpu.memory_space<vmem>>[vector<16xi32>, vector<16xi32>], vector<16xf32>,
      %mul3A_699 = arith.mulf %gather3A_696, %gather3A_697 : vector<16xf32>
      %add3A_700 = arith.addf %add3A_691, %mul3A_699 : vector<16xf32>
      %mul3A_701 = arith.mulf %gather3A_696, %gather3A_698 : vector<16xf32>
      %add3A_702 = arith.addf %add3A_693, %mul3A_701 : vector<16xf32>
      %broadcast_in_dim3A_703 = arith.constant 48 : i32
      %broadcast_in_dim3A_704 = vector.broadcast %broadcast_in_dim3A_703 : i32 to vector<16xi32>
      %gather3A_705 = tpu.vector_load_idx %arg8[%add3A_264, %broadcast_in_dim3A_704] : memref<512x64xf32, #tpu.memory_space<vmem>>[vector<16xi32>, vector<16xi32>], vector<16xf32>,
      %gather3A_706 = tpu.vector_load_idx %arg9[%gather3A, %broadcast_in_dim3A_704] : memref<1000x64xf32, #tpu.memory_space<vmem>>[vector<16xi32>, vector<16xi32>], vector<16xf32>,
      %gather3A_707 = tpu.vector_load_idx %arg9[%gather3A_265, %broadcast_in_dim3A_704] : memref<1000x64xf32, #tpu.memory_space<vmem>>[vector<16xi32>, vector<16xi32>], vector<16xf32>,
      %mul3A_708 = arith.mulf %gather3A_705, %gather3A_706 : vector<16xf32>
      %add3A_709 = arith.addf %add3A_700, %mul3A_708 : vector<16xf32>
      %mul3A_710 = arith.mulf %gather3A_705, %gather3A_707 : vector<16xf32>
      %add3A_711 = arith.addf %add3A_702, %mul3A_710 : vector<16xf32>
      %broadcast_in_dim3A_712 = arith.constant 49 : i32
      %broadcast_in_dim3A_713 = vector.broadcast %broadcast_in_dim3A_712 : i32 to vector<16xi32>
      %gather3A_714 = tpu.vector_load_idx %arg8[%add3A_264, %broadcast_in_dim3A_713] : memref<512x64xf32, #tpu.memory_space<vmem>>[vector<16xi32>, vector<16xi32>], vector<16xf32>,
      %gather3A_715 = tpu.vector_load_idx %arg9[%gather3A, %broadcast_in_dim3A_713] : memref<1000x64xf32, #tpu.memory_space<vmem>>[vector<16xi32>, vector<16xi32>], vector<16xf32>,
      %gather3A_716 = tpu.vector_load_idx %arg9[%gather3A_265, %broadcast_in_dim3A_713] : memref<1000x64xf32, #tpu.memory_space<vmem>>[vector<16xi32>, vector<16xi32>], vector<16xf32>,
      %mul3A_717 = arith.mulf %gather3A_714, %gather3A_715 : vector<16xf32>
      %add3A_718 = arith.addf %add3A_709, %mul3A_717 : vector<16xf32>
      %mul3A_719 = arith.mulf %gather3A_714, %gather3A_716 : vector<16xf32>
      %add3A_720 = arith.addf %add3A_711, %mul3A_719 : vector<16xf32>
      %broadcast_in_dim3A_721 = arith.constant 50 : i32
      %broadcast_in_dim3A_722 = vector.broadcast %broadcast_in_dim3A_721 : i32 to vector<16xi32>
      %gather3A_723 = tpu.vector_load_idx %arg8[%add3A_264, %broadcast_in_dim3A_722] : memref<512x64xf32, #tpu.memory_space<vmem>>[vector<16xi32>, vector<16xi32>], vector<16xf32>,
      %gather3A_724 = tpu.vector_load_idx %arg9[%gather3A, %broadcast_in_dim3A_722] : memref<1000x64xf32, #tpu.memory_space<vmem>>[vector<16xi32>, vector<16xi32>], vector<16xf32>,
      %gather3A_725 = tpu.vector_load_idx %arg9[%gather3A_265, %broadcast_in_dim3A_722] : memref<1000x64xf32, #tpu.memory_space<vmem>>[vector<16xi32>, vector<16xi32>], vector<16xf32>,
      %mul3A_726 = arith.mulf %gather3A_723, %gather3A_724 : vector<16xf32>
      %add3A_727 = arith.addf %add3A_718, %mul3A_726 : vector<16xf32>
      %mul3A_728 = arith.mulf %gather3A_723, %gather3A_725 : vector<16xf32>
      %add3A_729 = arith.addf %add3A_720, %mul3A_728 : vector<16xf32>
      %broadcast_in_dim3A_730 = arith.constant 51 : i32
      %broadcast_in_dim3A_731 = vector.broadcast %broadcast_in_dim3A_730 : i32 to vector<16xi32>
      %gather3A_732 = tpu.vector_load_idx %arg8[%add3A_264, %broadcast_in_dim3A_731] : memref<512x64xf32, #tpu.memory_space<vmem>>[vector<16xi32>, vector<16xi32>], vector<16xf32>,
      %gather3A_733 = tpu.vector_load_idx %arg9[%gather3A, %broadcast_in_dim3A_731] : memref<1000x64xf32, #tpu.memory_space<vmem>>[vector<16xi32>, vector<16xi32>], vector<16xf32>,
      %gather3A_734 = tpu.vector_load_idx %arg9[%gather3A_265, %broadcast_in_dim3A_731] : memref<1000x64xf32, #tpu.memory_space<vmem>>[vector<16xi32>, vector<16xi32>], vector<16xf32>,
      %mul3A_735 = arith.mulf %gather3A_732, %gather3A_733 : vector<16xf32>
      %add3A_736 = arith.addf %add3A_727, %mul3A_735 : vector<16xf32>
      %mul3A_737 = arith.mulf %gather3A_732, %gather3A_734 : vector<16xf32>
      %add3A_738 = arith.addf %add3A_729, %mul3A_737 : vector<16xf32>
      %broadcast_in_dim3A_739 = arith.constant 52 : i32
      %broadcast_in_dim3A_740 = vector.broadcast %broadcast_in_dim3A_739 : i32 to vector<16xi32>
      %gather3A_741 = tpu.vector_load_idx %arg8[%add3A_264, %broadcast_in_dim3A_740] : memref<512x64xf32, #tpu.memory_space<vmem>>[vector<16xi32>, vector<16xi32>], vector<16xf32>,
      %gather3A_742 = tpu.vector_load_idx %arg9[%gather3A, %broadcast_in_dim3A_740] : memref<1000x64xf32, #tpu.memory_space<vmem>>[vector<16xi32>, vector<16xi32>], vector<16xf32>,
      %gather3A_743 = tpu.vector_load_idx %arg9[%gather3A_265, %broadcast_in_dim3A_740] : memref<1000x64xf32, #tpu.memory_space<vmem>>[vector<16xi32>, vector<16xi32>], vector<16xf32>,
      %mul3A_744 = arith.mulf %gather3A_741, %gather3A_742 : vector<16xf32>
      %add3A_745 = arith.addf %add3A_736, %mul3A_744 : vector<16xf32>
      %mul3A_746 = arith.mulf %gather3A_741, %gather3A_743 : vector<16xf32>
      %add3A_747 = arith.addf %add3A_738, %mul3A_746 : vector<16xf32>
      %broadcast_in_dim3A_748 = arith.constant 53 : i32
      %broadcast_in_dim3A_749 = vector.broadcast %broadcast_in_dim3A_748 : i32 to vector<16xi32>
      %gather3A_750 = tpu.vector_load_idx %arg8[%add3A_264, %broadcast_in_dim3A_749] : memref<512x64xf32, #tpu.memory_space<vmem>>[vector<16xi32>, vector<16xi32>], vector<16xf32>,
      %gather3A_751 = tpu.vector_load_idx %arg9[%gather3A, %broadcast_in_dim3A_749] : memref<1000x64xf32, #tpu.memory_space<vmem>>[vector<16xi32>, vector<16xi32>], vector<16xf32>,
      %gather3A_752 = tpu.vector_load_idx %arg9[%gather3A_265, %broadcast_in_dim3A_749] : memref<1000x64xf32, #tpu.memory_space<vmem>>[vector<16xi32>, vector<16xi32>], vector<16xf32>,
      %mul3A_753 = arith.mulf %gather3A_750, %gather3A_751 : vector<16xf32>
      %add3A_754 = arith.addf %add3A_745, %mul3A_753 : vector<16xf32>
      %mul3A_755 = arith.mulf %gather3A_750, %gather3A_752 : vector<16xf32>
      %add3A_756 = arith.addf %add3A_747, %mul3A_755 : vector<16xf32>
      %broadcast_in_dim3A_757 = arith.constant 54 : i32
      %broadcast_in_dim3A_758 = vector.broadcast %broadcast_in_dim3A_757 : i32 to vector<16xi32>
      %gather3A_759 = tpu.vector_load_idx %arg8[%add3A_264, %broadcast_in_dim3A_758] : memref<512x64xf32, #tpu.memory_space<vmem>>[vector<16xi32>, vector<16xi32>], vector<16xf32>,
      %gather3A_760 = tpu.vector_load_idx %arg9[%gather3A, %broadcast_in_dim3A_758] : memref<1000x64xf32, #tpu.memory_space<vmem>>[vector<16xi32>, vector<16xi32>], vector<16xf32>,
      %gather3A_761 = tpu.vector_load_idx %arg9[%gather3A_265, %broadcast_in_dim3A_758] : memref<1000x64xf32, #tpu.memory_space<vmem>>[vector<16xi32>, vector<16xi32>], vector<16xf32>,
      %mul3A_762 = arith.mulf %gather3A_759, %gather3A_760 : vector<16xf32>
      %add3A_763 = arith.addf %add3A_754, %mul3A_762 : vector<16xf32>
      %mul3A_764 = arith.mulf %gather3A_759, %gather3A_761 : vector<16xf32>
      %add3A_765 = arith.addf %add3A_756, %mul3A_764 : vector<16xf32>
      %broadcast_in_dim3A_766 = arith.constant 55 : i32
      %broadcast_in_dim3A_767 = vector.broadcast %broadcast_in_dim3A_766 : i32 to vector<16xi32>
      %gather3A_768 = tpu.vector_load_idx %arg8[%add3A_264, %broadcast_in_dim3A_767] : memref<512x64xf32, #tpu.memory_space<vmem>>[vector<16xi32>, vector<16xi32>], vector<16xf32>,
      %gather3A_769 = tpu.vector_load_idx %arg9[%gather3A, %broadcast_in_dim3A_767] : memref<1000x64xf32, #tpu.memory_space<vmem>>[vector<16xi32>, vector<16xi32>], vector<16xf32>,
      %gather3A_770 = tpu.vector_load_idx %arg9[%gather3A_265, %broadcast_in_dim3A_767] : memref<1000x64xf32, #tpu.memory_space<vmem>>[vector<16xi32>, vector<16xi32>], vector<16xf32>,
      %mul3A_771 = arith.mulf %gather3A_768, %gather3A_769 : vector<16xf32>
      %add3A_772 = arith.addf %add3A_763, %mul3A_771 : vector<16xf32>
      %mul3A_773 = arith.mulf %gather3A_768, %gather3A_770 : vector<16xf32>
      %add3A_774 = arith.addf %add3A_765, %mul3A_773 : vector<16xf32>
      %broadcast_in_dim3A_775 = arith.constant 56 : i32
      %broadcast_in_dim3A_776 = vector.broadcast %broadcast_in_dim3A_775 : i32 to vector<16xi32>
      %gather3A_777 = tpu.vector_load_idx %arg8[%add3A_264, %broadcast_in_dim3A_776] : memref<512x64xf32, #tpu.memory_space<vmem>>[vector<16xi32>, vector<16xi32>], vector<16xf32>,
      %gather3A_778 = tpu.vector_load_idx %arg9[%gather3A, %broadcast_in_dim3A_776] : memref<1000x64xf32, #tpu.memory_space<vmem>>[vector<16xi32>, vector<16xi32>], vector<16xf32>,
      %gather3A_779 = tpu.vector_load_idx %arg9[%gather3A_265, %broadcast_in_dim3A_776] : memref<1000x64xf32, #tpu.memory_space<vmem>>[vector<16xi32>, vector<16xi32>], vector<16xf32>,
      %mul3A_780 = arith.mulf %gather3A_777, %gather3A_778 : vector<16xf32>
      %add3A_781 = arith.addf %add3A_772, %mul3A_780 : vector<16xf32>
      %mul3A_782 = arith.mulf %gather3A_777, %gather3A_779 : vector<16xf32>
      %add3A_783 = arith.addf %add3A_774, %mul3A_782 : vector<16xf32>
      %broadcast_in_dim3A_784 = arith.constant 57 : i32
      %broadcast_in_dim3A_785 = vector.broadcast %broadcast_in_dim3A_784 : i32 to vector<16xi32>
      %gather3A_786 = tpu.vector_load_idx %arg8[%add3A_264, %broadcast_in_dim3A_785] : memref<512x64xf32, #tpu.memory_space<vmem>>[vector<16xi32>, vector<16xi32>], vector<16xf32>,
      %gather3A_787 = tpu.vector_load_idx %arg9[%gather3A, %broadcast_in_dim3A_785] : memref<1000x64xf32, #tpu.memory_space<vmem>>[vector<16xi32>, vector<16xi32>], vector<16xf32>,
      %gather3A_788 = tpu.vector_load_idx %arg9[%gather3A_265, %broadcast_in_dim3A_785] : memref<1000x64xf32, #tpu.memory_space<vmem>>[vector<16xi32>, vector<16xi32>], vector<16xf32>,
      %mul3A_789 = arith.mulf %gather3A_786, %gather3A_787 : vector<16xf32>
      %add3A_790 = arith.addf %add3A_781, %mul3A_789 : vector<16xf32>
      %mul3A_791 = arith.mulf %gather3A_786, %gather3A_788 : vector<16xf32>
      %add3A_792 = arith.addf %add3A_783, %mul3A_791 : vector<16xf32>
      %broadcast_in_dim3A_793 = arith.constant 58 : i32
      %broadcast_in_dim3A_794 = vector.broadcast %broadcast_in_dim3A_793 : i32 to vector<16xi32>
      %gather3A_795 = tpu.vector_load_idx %arg8[%add3A_264, %broadcast_in_dim3A_794] : memref<512x64xf32, #tpu.memory_space<vmem>>[vector<16xi32>, vector<16xi32>], vector<16xf32>,
      %gather3A_796 = tpu.vector_load_idx %arg9[%gather3A, %broadcast_in_dim3A_794] : memref<1000x64xf32, #tpu.memory_space<vmem>>[vector<16xi32>, vector<16xi32>], vector<16xf32>,
      %gather3A_797 = tpu.vector_load_idx %arg9[%gather3A_265, %broadcast_in_dim3A_794] : memref<1000x64xf32, #tpu.memory_space<vmem>>[vector<16xi32>, vector<16xi32>], vector<16xf32>,
      %mul3A_798 = arith.mulf %gather3A_795, %gather3A_796 : vector<16xf32>
      %add3A_799 = arith.addf %add3A_790, %mul3A_798 : vector<16xf32>
      %mul3A_800 = arith.mulf %gather3A_795, %gather3A_797 : vector<16xf32>
      %add3A_801 = arith.addf %add3A_792, %mul3A_800 : vector<16xf32>
      %broadcast_in_dim3A_802 = arith.constant 59 : i32
      %broadcast_in_dim3A_803 = vector.broadcast %broadcast_in_dim3A_802 : i32 to vector<16xi32>
      %gather3A_804 = tpu.vector_load_idx %arg8[%add3A_264, %broadcast_in_dim3A_803] : memref<512x64xf32, #tpu.memory_space<vmem>>[vector<16xi32>, vector<16xi32>], vector<16xf32>,
      %gather3A_805 = tpu.vector_load_idx %arg9[%gather3A, %broadcast_in_dim3A_803] : memref<1000x64xf32, #tpu.memory_space<vmem>>[vector<16xi32>, vector<16xi32>], vector<16xf32>,
      %gather3A_806 = tpu.vector_load_idx %arg9[%gather3A_265, %broadcast_in_dim3A_803] : memref<1000x64xf32, #tpu.memory_space<vmem>>[vector<16xi32>, vector<16xi32>], vector<16xf32>,
      %mul3A_807 = arith.mulf %gather3A_804, %gather3A_805 : vector<16xf32>
      %add3A_808 = arith.addf %add3A_799, %mul3A_807 : vector<16xf32>
      %mul3A_809 = arith.mulf %gather3A_804, %gather3A_806 : vector<16xf32>
      %add3A_810 = arith.addf %add3A_801, %mul3A_809 : vector<16xf32>
      %broadcast_in_dim3A_811 = arith.constant 60 : i32
      %broadcast_in_dim3A_812 = vector.broadcast %broadcast_in_dim3A_811 : i32 to vector<16xi32>
      %gather3A_813 = tpu.vector_load_idx %arg8[%add3A_264, %broadcast_in_dim3A_812] : memref<512x64xf32, #tpu.memory_space<vmem>>[vector<16xi32>, vector<16xi32>], vector<16xf32>,
      %gather3A_814 = tpu.vector_load_idx %arg9[%gather3A, %broadcast_in_dim3A_812] : memref<1000x64xf32, #tpu.memory_space<vmem>>[vector<16xi32>, vector<16xi32>], vector<16xf32>,
      %gather3A_815 = tpu.vector_load_idx %arg9[%gather3A_265, %broadcast_in_dim3A_812] : memref<1000x64xf32, #tpu.memory_space<vmem>>[vector<16xi32>, vector<16xi32>], vector<16xf32>,
      %mul3A_816 = arith.mulf %gather3A_813, %gather3A_814 : vector<16xf32>
      %add3A_817 = arith.addf %add3A_808, %mul3A_816 : vector<16xf32>
      %mul3A_818 = arith.mulf %gather3A_813, %gather3A_815 : vector<16xf32>
      %add3A_819 = arith.addf %add3A_810, %mul3A_818 : vector<16xf32>
      %broadcast_in_dim3A_820 = arith.constant 61 : i32
      %broadcast_in_dim3A_821 = vector.broadcast %broadcast_in_dim3A_820 : i32 to vector<16xi32>
      %gather3A_822 = tpu.vector_load_idx %arg8[%add3A_264, %broadcast_in_dim3A_821] : memref<512x64xf32, #tpu.memory_space<vmem>>[vector<16xi32>, vector<16xi32>], vector<16xf32>,
      %gather3A_823 = tpu.vector_load_idx %arg9[%gather3A, %broadcast_in_dim3A_821] : memref<1000x64xf32, #tpu.memory_space<vmem>>[vector<16xi32>, vector<16xi32>], vector<16xf32>,
      %gather3A_824 = tpu.vector_load_idx %arg9[%gather3A_265, %broadcast_in_dim3A_821] : memref<1000x64xf32, #tpu.memory_space<vmem>>[vector<16xi32>, vector<16xi32>], vector<16xf32>,
      %mul3A_825 = arith.mulf %gather3A_822, %gather3A_823 : vector<16xf32>
      %add3A_826 = arith.addf %add3A_817, %mul3A_825 : vector<16xf32>
      %mul3A_827 = arith.mulf %gather3A_822, %gather3A_824 : vector<16xf32>
      %add3A_828 = arith.addf %add3A_819, %mul3A_827 : vector<16xf32>
      %broadcast_in_dim3A_829 = arith.constant 62 : i32
      %broadcast_in_dim3A_830 = vector.broadcast %broadcast_in_dim3A_829 : i32 to vector<16xi32>
      %gather3A_831 = tpu.vector_load_idx %arg8[%add3A_264, %broadcast_in_dim3A_830] : memref<512x64xf32, #tpu.memory_space<vmem>>[vector<16xi32>, vector<16xi32>], vector<16xf32>,
      %gather3A_832 = tpu.vector_load_idx %arg9[%gather3A, %broadcast_in_dim3A_830] : memref<1000x64xf32, #tpu.memory_space<vmem>>[vector<16xi32>, vector<16xi32>], vector<16xf32>,
      %gather3A_833 = tpu.vector_load_idx %arg9[%gather3A_265, %broadcast_in_dim3A_830] : memref<1000x64xf32, #tpu.memory_space<vmem>>[vector<16xi32>, vector<16xi32>], vector<16xf32>,
      %mul3A_834 = arith.mulf %gather3A_831, %gather3A_832 : vector<16xf32>
      %add3A_835 = arith.addf %add3A_826, %mul3A_834 : vector<16xf32>
      %mul3A_836 = arith.mulf %gather3A_831, %gather3A_833 : vector<16xf32>
      %add3A_837 = arith.addf %add3A_828, %mul3A_836 : vector<16xf32>
      %broadcast_in_dim3A_838 = arith.constant 63 : i32
      %broadcast_in_dim3A_839 = vector.broadcast %broadcast_in_dim3A_838 : i32 to vector<16xi32>
      %gather3A_840 = tpu.vector_load_idx %arg8[%add3A_264, %broadcast_in_dim3A_839] : memref<512x64xf32, #tpu.memory_space<vmem>>[vector<16xi32>, vector<16xi32>], vector<16xf32>,
      %gather3A_841 = tpu.vector_load_idx %arg9[%gather3A, %broadcast_in_dim3A_839] : memref<1000x64xf32, #tpu.memory_space<vmem>>[vector<16xi32>, vector<16xi32>], vector<16xf32>,
      %gather3A_842 = tpu.vector_load_idx %arg9[%gather3A_265, %broadcast_in_dim3A_839] : memref<1000x64xf32, #tpu.memory_space<vmem>>[vector<16xi32>, vector<16xi32>], vector<16xf32>,
      %mul3A_843 = arith.mulf %gather3A_840, %gather3A_841 : vector<16xf32>
      %add3A_844 = arith.addf %add3A_835, %mul3A_843 : vector<16xf32>
      %mul3A_845 = arith.mulf %gather3A_840, %gather3A_842 : vector<16xf32>
      %add3A_846 = arith.addf %add3A_837, %mul3A_845 : vector<16xf32>
      %add3A_847 = arith.addf %add3A_844, %add3A_846 : vector<16xf32>
      %mul3A_848 = arith.constant 5.000000e-01 : f32
      %mul3A_849 = vector.broadcast %mul3A_848 : f32 to vector<16xf32>
      %mul3A_850 = arith.mulf %mul3A_849, %add3A_847 : vector<16xf32>
      %add3A_851 = arith.addf %gather3A_266, %mul3A_850 : vector<16xf32>
      %broadcast_in_dim3A_852 = arith.constant 0 : i32
      %broadcast_in_dim3A_853 = vector.broadcast %broadcast_in_dim3A_852 : i32 to vector<16xi32>
      tpu.vector_store_idx %arg12[%add3A_264, %broadcast_in_dim3A_853], %add3A_851 : memref<512x3xf32, #tpu.memory_space<vmem>>[vector<16xi32>, vector<16xi32>], vector<16xf32>,
      %add3A_854 = arith.constant 1 : i32
      %add3A_855 = vector.broadcast %add3A_854 : i32 to vector<16xi32>
      %add3A_856 = arith.addi %broadcast_in_dim3A_853, %add3A_855 : vector<16xi32>
      tpu.vector_store_idx %arg12[%add3A_264, %add3A_856], %add3A_844 : memref<512x3xf32, #tpu.memory_space<vmem>>[vector<16xi32>, vector<16xi32>], vector<16xf32>,
      %add3A_857 = arith.constant 2 : i32
      %add3A_858 = vector.broadcast %add3A_857 : i32 to vector<16xi32>
      %add3A_859 = arith.addi %broadcast_in_dim3A_853, %add3A_858 : vector<16xi32>
      tpu.vector_store_idx %arg12[%add3A_264, %add3A_859], %add3A_846 : memref<512x3xf32, #tpu.memory_space<vmem>>[vector<16xi32>, vector<16xi32>], vector<16xf32>,
    }
    %scan3A_217 = arith.constant 8 : i32
    %dma_wait3A_218 = arith.constant 3 : i32
    %dma_wait3A_219 = arith.constant 0 : i32
    %dma_wait3A_220 = arith.constant 3 : i32
    %dma_wait3A_221 = arith.constant 384 : i32
    %dma_wait3A_222 = arith.constant 0 : i32
    %dma_wait3A_223 = tpu.memref_slice %arg8[%dma_wait3A_221, %dma_wait3A_222] : memref<512x64xf32, #tpu.memory_space<vmem>> -> memref<128x64xf32, #tpu.memory_space<vmem>>
    %dma_wait3A_224 = arith.constant 0 : i32
    %dma_wait3A_225 = tpu.memref_slice %arg7[%dma_wait3A_218, %dma_wait3A_219, %dma_wait3A_224] : memref<4x3x128xi32, #tpu.memory_space<vmem>> -> memref<1x1x128xi32, #tpu.memory_space<vmem>>
    %dma_wait3A_226 = tpu.memref_squeeze %dma_wait3A_225 : memref<1x1x128xi32, #tpu.memory_space<vmem>> -> memref<128xi32, #tpu.memory_space<vmem>>
    %dma_wait3A_227 = arith.constant 0 : i32
    %dma_wait3A_228 = arith.constant 0 : i32
    %dma_wait3A_229 = tpu.memref_slice %arg3[%dma_wait3A_227, %dma_wait3A_228] : memref<100000x64xf32, #tpu.memory_space<hbm>> -> memref<100000x64xf32, #tpu.memory_space<hbm>>
    %dma_wait3A_230 = tpu.memref_slice %arg13[%dma_wait3A_220] : memref<4x!tpu.dma_semaphore, #tpu.memory_space<semaphore_mem>> -> memref<1x!tpu.dma_semaphore, #tpu.memory_space<semaphore_mem>>
    %dma_wait3A_231 = tpu.memref_squeeze %dma_wait3A_230 : memref<1x!tpu.dma_semaphore, #tpu.memory_space<semaphore_mem>> -> memref<!tpu.dma_semaphore, #tpu.memory_space<semaphore_mem>>
    tpu.wait_indirect_dma semaphore(%dma_wait3A_231 : memref<!tpu.dma_semaphore, #tpu.memory_space<semaphore_mem>>) src(%dma_wait3A_229 : memref<100000x64xf32, #tpu.memory_space<hbm>>) dst(%dma_wait3A_223 : memref<128x64xf32, #tpu.memory_space<vmem>>)
    %dma_wait3A_232 = arith.constant 3 : i32
    %dma_wait3A_233 = arith.constant 0 : i32
    %dma_wait3A_234 = arith.constant 3 : i32
    %dma_wait3A_235 = arith.constant 3 : i32
    %dma_wait3A_236 = arith.constant 0 : i32
    %dma_wait3A_237 = tpu.memref_slice %arg11[%dma_wait3A_234, %dma_wait3A_236] : memref<4x128xf32, #tpu.memory_space<vmem>> -> memref<1x128xf32, #tpu.memory_space<vmem>>
    %dma_wait3A_238 = tpu.memref_squeeze %dma_wait3A_237 : memref<1x128xf32, #tpu.memory_space<vmem>> -> memref<128xf32, #tpu.memory_space<vmem>>
    %dma_wait3A_239 = arith.constant 0 : i32
    %dma_wait3A_240 = tpu.memref_slice %arg7[%dma_wait3A_232, %dma_wait3A_233, %dma_wait3A_239] : memref<4x3x128xi32, #tpu.memory_space<vmem>> -> memref<1x1x128xi32, #tpu.memory_space<vmem>>
    %dma_wait3A_241 = tpu.memref_squeeze %dma_wait3A_240 : memref<1x1x128xi32, #tpu.memory_space<vmem>> -> memref<128xi32, #tpu.memory_space<vmem>>
    %dma_wait3A_242 = arith.constant 0 : i32
    %dma_wait3A_243 = tpu.memref_slice %arg5[%dma_wait3A_242] : memref<100000xf32, #tpu.memory_space<hbm>> -> memref<100000xf32, #tpu.memory_space<hbm>>
    %dma_wait3A_244 = tpu.memref_slice %arg13[%dma_wait3A_235] : memref<4x!tpu.dma_semaphore, #tpu.memory_space<semaphore_mem>> -> memref<1x!tpu.dma_semaphore, #tpu.memory_space<semaphore_mem>>
    %dma_wait3A_245 = tpu.memref_squeeze %dma_wait3A_244 : memref<1x!tpu.dma_semaphore, #tpu.memory_space<semaphore_mem>> -> memref<!tpu.dma_semaphore, #tpu.memory_space<semaphore_mem>>
    tpu.wait_indirect_dma semaphore(%dma_wait3A_245 : memref<!tpu.dma_semaphore, #tpu.memory_space<semaphore_mem>>) src(%dma_wait3A_243 : memref<100000xf32, #tpu.memory_space<hbm>>) dst(%dma_wait3A_238 : memref<128xf32, #tpu.memory_space<vmem>>)
    %scan3A_246 = arith.constant 0 : i32
    %scan3A_247 = arith.constant 8 : i32
    %scan3A_248 = arith.addi %scan3A_246, %scan3A_247 : i32
    %scan3A_249 = arith.constant 1 : i32
    scf.for %scan3A_251 = %scan3A_246 to %scan3A_248 step %scan3A_249  : i32 {
      %mul3A_252 = arith.constant 1 : i32
      %mul3A_253 = arith.muli %scan3A_251, %mul3A_252 : i32
      %add3A_254 = arith.constant 0 : i32
      %add3A_255 = arith.addi %add3A_254, %mul3A_253 : i32
      %broadcast_in_dim3A_256 = arith.constant 3 : i32
      %broadcast_in_dim3A_257 = vector.broadcast %broadcast_in_dim3A_256 : i32 to vector<16xi32>
      %mul3A_258 = arith.constant 16 : i32
      %mul3A_259 = arith.muli %add3A_255, %mul3A_258 : i32
      %iota3A = tpu.iota {dimensions = array<i32: 0>} : vector<16xi32>
      %add3A_260 = vector.broadcast %mul3A_259 : i32 to vector<16xi32>
      %add3A_261 = arith.addi %add3A_260, %iota3A : vector<16xi32>
      %add3A_262 = arith.constant 384 : i32
      %add3A_263 = vector.broadcast %add3A_262 : i32 to vector<16xi32>
      %add3A_264 = arith.addi %add3A_263, %add3A_261 : vector<16xi32>
      %gather3A = tpu.vector_load_idx %arg7[%broadcast_in_dim3A_257, %broadcast_in_dim3A_118, %add3A_261] : memref<4x3x128xi32, #tpu.memory_space<vmem>>[vector<16xi32>, vector<16xi32>, vector<16xi32>], vector<16xi32>,
      %gather3A_265 = tpu.vector_load_idx %arg7[%broadcast_in_dim3A_257, %broadcast_in_dim3A_120, %add3A_261] : memref<4x3x128xi32, #tpu.memory_space<vmem>>[vector<16xi32>, vector<16xi32>, vector<16xi32>], vector<16xi32>,
      %gather3A_266 = tpu.vector_load_idx %arg11[%broadcast_in_dim3A_257, %add3A_261] : memref<4x128xf32, #tpu.memory_space<vmem>>[vector<16xi32>, vector<16xi32>], vector<16xf32>,
      %broadcast_in_dim3A_267 = arith.constant 0.000000e+00 : f32
      %broadcast_in_dim3A_268 = vector.broadcast %broadcast_in_dim3A_267 : f32 to vector<16xf32>
      %broadcast_in_dim3A_269 = arith.constant 0.000000e+00 : f32
      %broadcast_in_dim3A_270 = vector.broadcast %broadcast_in_dim3A_269 : f32 to vector<16xf32>
      %broadcast_in_dim3A_271 = arith.constant 0 : i32
      %broadcast_in_dim3A_272 = vector.broadcast %broadcast_in_dim3A_271 : i32 to vector<16xi32>
      %gather3A_273 = tpu.vector_load_idx %arg8[%add3A_264, %broadcast_in_dim3A_272] : memref<512x64xf32, #tpu.memory_space<vmem>>[vector<16xi32>, vector<16xi32>], vector<16xf32>,
      %gather3A_274 = tpu.vector_load_idx %arg9[%gather3A, %broadcast_in_dim3A_272] : memref<1000x64xf32, #tpu.memory_space<vmem>>[vector<16xi32>, vector<16xi32>], vector<16xf32>,
      %gather3A_275 = tpu.vector_load_idx %arg9[%gather3A_265, %broadcast_in_dim3A_272] : memref<1000x64xf32, #tpu.memory_space<vmem>>[vector<16xi32>, vector<16xi32>], vector<16xf32>,
      %mul3A_276 = arith.mulf %gather3A_273, %gather3A_274 : vector<16xf32>
      %add3A_277 = arith.addf %broadcast_in_dim3A_268, %mul3A_276 : vector<16xf32>
      %mul3A_278 = arith.mulf %gather3A_273, %gather3A_275 : vector<16xf32>
      %add3A_279 = arith.addf %broadcast_in_dim3A_270, %mul3A_278 : vector<16xf32>
      %broadcast_in_dim3A_280 = arith.constant 1 : i32
      %broadcast_in_dim3A_281 = vector.broadcast %broadcast_in_dim3A_280 : i32 to vector<16xi32>
      %gather3A_282 = tpu.vector_load_idx %arg8[%add3A_264, %broadcast_in_dim3A_281] : memref<512x64xf32, #tpu.memory_space<vmem>>[vector<16xi32>, vector<16xi32>], vector<16xf32>,
      %gather3A_283 = tpu.vector_load_idx %arg9[%gather3A, %broadcast_in_dim3A_281] : memref<1000x64xf32, #tpu.memory_space<vmem>>[vector<16xi32>, vector<16xi32>], vector<16xf32>,
      %gather3A_284 = tpu.vector_load_idx %arg9[%gather3A_265, %broadcast_in_dim3A_281] : memref<1000x64xf32, #tpu.memory_space<vmem>>[vector<16xi32>, vector<16xi32>], vector<16xf32>,
      %mul3A_285 = arith.mulf %gather3A_282, %gather3A_283 : vector<16xf32>
      %add3A_286 = arith.addf %add3A_277, %mul3A_285 : vector<16xf32>
      %mul3A_287 = arith.mulf %gather3A_282, %gather3A_284 : vector<16xf32>
      %add3A_288 = arith.addf %add3A_279, %mul3A_287 : vector<16xf32>
      %broadcast_in_dim3A_289 = arith.constant 2 : i32
      %broadcast_in_dim3A_290 = vector.broadcast %broadcast_in_dim3A_289 : i32 to vector<16xi32>
      %gather3A_291 = tpu.vector_load_idx %arg8[%add3A_264, %broadcast_in_dim3A_290] : memref<512x64xf32, #tpu.memory_space<vmem>>[vector<16xi32>, vector<16xi32>], vector<16xf32>,
      %gather3A_292 = tpu.vector_load_idx %arg9[%gather3A, %broadcast_in_dim3A_290] : memref<1000x64xf32, #tpu.memory_space<vmem>>[vector<16xi32>, vector<16xi32>], vector<16xf32>,
      %gather3A_293 = tpu.vector_load_idx %arg9[%gather3A_265, %broadcast_in_dim3A_290] : memref<1000x64xf32, #tpu.memory_space<vmem>>[vector<16xi32>, vector<16xi32>], vector<16xf32>,
      %mul3A_294 = arith.mulf %gather3A_291, %gather3A_292 : vector<16xf32>
      %add3A_295 = arith.addf %add3A_286, %mul3A_294 : vector<16xf32>
      %mul3A_296 = arith.mulf %gather3A_291, %gather3A_293 : vector<16xf32>
      %add3A_297 = arith.addf %add3A_288, %mul3A_296 : vector<16xf32>
      %broadcast_in_dim3A_298 = arith.constant 3 : i32
      %broadcast_in_dim3A_299 = vector.broadcast %broadcast_in_dim3A_298 : i32 to vector<16xi32>
      %gather3A_300 = tpu.vector_load_idx %arg8[%add3A_264, %broadcast_in_dim3A_299] : memref<512x64xf32, #tpu.memory_space<vmem>>[vector<16xi32>, vector<16xi32>], vector<16xf32>,
      %gather3A_301 = tpu.vector_load_idx %arg9[%gather3A, %broadcast_in_dim3A_299] : memref<1000x64xf32, #tpu.memory_space<vmem>>[vector<16xi32>, vector<16xi32>], vector<16xf32>,
      %gather3A_302 = tpu.vector_load_idx %arg9[%gather3A_265, %broadcast_in_dim3A_299] : memref<1000x64xf32, #tpu.memory_space<vmem>>[vector<16xi32>, vector<16xi32>], vector<16xf32>,
      %mul3A_303 = arith.mulf %gather3A_300, %gather3A_301 : vector<16xf32>
      %add3A_304 = arith.addf %add3A_295, %mul3A_303 : vector<16xf32>
      %mul3A_305 = arith.mulf %gather3A_300, %gather3A_302 : vector<16xf32>
      %add3A_306 = arith.addf %add3A_297, %mul3A_305 : vector<16xf32>
      %broadcast_in_dim3A_307 = arith.constant 4 : i32
      %broadcast_in_dim3A_308 = vector.broadcast %broadcast_in_dim3A_307 : i32 to vector<16xi32>
      %gather3A_309 = tpu.vector_load_idx %arg8[%add3A_264, %broadcast_in_dim3A_308] : memref<512x64xf32, #tpu.memory_space<vmem>>[vector<16xi32>, vector<16xi32>], vector<16xf32>,
      %gather3A_310 = tpu.vector_load_idx %arg9[%gather3A, %broadcast_in_dim3A_308] : memref<1000x64xf32, #tpu.memory_space<vmem>>[vector<16xi32>, vector<16xi32>], vector<16xf32>,
      %gather3A_311 = tpu.vector_load_idx %arg9[%gather3A_265, %broadcast_in_dim3A_308] : memref<1000x64xf32, #tpu.memory_space<vmem>>[vector<16xi32>, vector<16xi32>], vector<16xf32>,
      %mul3A_312 = arith.mulf %gather3A_309, %gather3A_310 : vector<16xf32>
      %add3A_313 = arith.addf %add3A_304, %mul3A_312 : vector<16xf32>
      %mul3A_314 = arith.mulf %gather3A_309, %gather3A_311 : vector<16xf32>
      %add3A_315 = arith.addf %add3A_306, %mul3A_314 : vector<16xf32>
      %broadcast_in_dim3A_316 = arith.constant 5 : i32
      %broadcast_in_dim3A_317 = vector.broadcast %broadcast_in_dim3A_316 : i32 to vector<16xi32>
      %gather3A_318 = tpu.vector_load_idx %arg8[%add3A_264, %broadcast_in_dim3A_317] : memref<512x64xf32, #tpu.memory_space<vmem>>[vector<16xi32>, vector<16xi32>], vector<16xf32>,
      %gather3A_319 = tpu.vector_load_idx %arg9[%gather3A, %broadcast_in_dim3A_317] : memref<1000x64xf32, #tpu.memory_space<vmem>>[vector<16xi32>, vector<16xi32>], vector<16xf32>,
      %gather3A_320 = tpu.vector_load_idx %arg9[%gather3A_265, %broadcast_in_dim3A_317] : memref<1000x64xf32, #tpu.memory_space<vmem>>[vector<16xi32>, vector<16xi32>], vector<16xf32>,
      %mul3A_321 = arith.mulf %gather3A_318, %gather3A_319 : vector<16xf32>
      %add3A_322 = arith.addf %add3A_313, %mul3A_321 : vector<16xf32>
      %mul3A_323 = arith.mulf %gather3A_318, %gather3A_320 : vector<16xf32>
      %add3A_324 = arith.addf %add3A_315, %mul3A_323 : vector<16xf32>
      %broadcast_in_dim3A_325 = arith.constant 6 : i32
      %broadcast_in_dim3A_326 = vector.broadcast %broadcast_in_dim3A_325 : i32 to vector<16xi32>
      %gather3A_327 = tpu.vector_load_idx %arg8[%add3A_264, %broadcast_in_dim3A_326] : memref<512x64xf32, #tpu.memory_space<vmem>>[vector<16xi32>, vector<16xi32>], vector<16xf32>,
      %gather3A_328 = tpu.vector_load_idx %arg9[%gather3A, %broadcast_in_dim3A_326] : memref<1000x64xf32, #tpu.memory_space<vmem>>[vector<16xi32>, vector<16xi32>], vector<16xf32>,
      %gather3A_329 = tpu.vector_load_idx %arg9[%gather3A_265, %broadcast_in_dim3A_326] : memref<1000x64xf32, #tpu.memory_space<vmem>>[vector<16xi32>, vector<16xi32>], vector<16xf32>,
      %mul3A_330 = arith.mulf %gather3A_327, %gather3A_328 : vector<16xf32>
      %add3A_331 = arith.addf %add3A_322, %mul3A_330 : vector<16xf32>
      %mul3A_332 = arith.mulf %gather3A_327, %gather3A_329 : vector<16xf32>
      %add3A_333 = arith.addf %add3A_324, %mul3A_332 : vector<16xf32>
      %broadcast_in_dim3A_334 = arith.constant 7 : i32
      %broadcast_in_dim3A_335 = vector.broadcast %broadcast_in_dim3A_334 : i32 to vector<16xi32>
      %gather3A_336 = tpu.vector_load_idx %arg8[%add3A_264, %broadcast_in_dim3A_335] : memref<512x64xf32, #tpu.memory_space<vmem>>[vector<16xi32>, vector<16xi32>], vector<16xf32>,
      %gather3A_337 = tpu.vector_load_idx %arg9[%gather3A, %broadcast_in_dim3A_335] : memref<1000x64xf32, #tpu.memory_space<vmem>>[vector<16xi32>, vector<16xi32>], vector<16xf32>,
      %gather3A_338 = tpu.vector_load_idx %arg9[%gather3A_265, %broadcast_in_dim3A_335] : memref<1000x64xf32, #tpu.memory_space<vmem>>[vector<16xi32>, vector<16xi32>], vector<16xf32>,
      %mul3A_339 = arith.mulf %gather3A_336, %gather3A_337 : vector<16xf32>
      %add3A_340 = arith.addf %add3A_331, %mul3A_339 : vector<16xf32>
      %mul3A_341 = arith.mulf %gather3A_336, %gather3A_338 : vector<16xf32>
      %add3A_342 = arith.addf %add3A_333, %mul3A_341 : vector<16xf32>
      %broadcast_in_dim3A_343 = arith.constant 8 : i32
      %broadcast_in_dim3A_344 = vector.broadcast %broadcast_in_dim3A_343 : i32 to vector<16xi32>
      %gather3A_345 = tpu.vector_load_idx %arg8[%add3A_264, %broadcast_in_dim3A_344] : memref<512x64xf32, #tpu.memory_space<vmem>>[vector<16xi32>, vector<16xi32>], vector<16xf32>,
      %gather3A_346 = tpu.vector_load_idx %arg9[%gather3A, %broadcast_in_dim3A_344] : memref<1000x64xf32, #tpu.memory_space<vmem>>[vector<16xi32>, vector<16xi32>], vector<16xf32>,
      %gather3A_347 = tpu.vector_load_idx %arg9[%gather3A_265, %broadcast_in_dim3A_344] : memref<1000x64xf32, #tpu.memory_space<vmem>>[vector<16xi32>, vector<16xi32>], vector<16xf32>,
      %mul3A_348 = arith.mulf %gather3A_345, %gather3A_346 : vector<16xf32>
      %add3A_349 = arith.addf %add3A_340, %mul3A_348 : vector<16xf32>
      %mul3A_350 = arith.mulf %gather3A_345, %gather3A_347 : vector<16xf32>
      %add3A_351 = arith.addf %add3A_342, %mul3A_350 : vector<16xf32>
      %broadcast_in_dim3A_352 = arith.constant 9 : i32
      %broadcast_in_dim3A_353 = vector.broadcast %broadcast_in_dim3A_352 : i32 to vector<16xi32>
      %gather3A_354 = tpu.vector_load_idx %arg8[%add3A_264, %broadcast_in_dim3A_353] : memref<512x64xf32, #tpu.memory_space<vmem>>[vector<16xi32>, vector<16xi32>], vector<16xf32>,
      %gather3A_355 = tpu.vector_load_idx %arg9[%gather3A, %broadcast_in_dim3A_353] : memref<1000x64xf32, #tpu.memory_space<vmem>>[vector<16xi32>, vector<16xi32>], vector<16xf32>,
      %gather3A_356 = tpu.vector_load_idx %arg9[%gather3A_265, %broadcast_in_dim3A_353] : memref<1000x64xf32, #tpu.memory_space<vmem>>[vector<16xi32>, vector<16xi32>], vector<16xf32>,
      %mul3A_357 = arith.mulf %gather3A_354, %gather3A_355 : vector<16xf32>
      %add3A_358 = arith.addf %add3A_349, %mul3A_357 : vector<16xf32>
      %mul3A_359 = arith.mulf %gather3A_354, %gather3A_356 : vector<16xf32>
      %add3A_360 = arith.addf %add3A_351, %mul3A_359 : vector<16xf32>
      %broadcast_in_dim3A_361 = arith.constant 10 : i32
      %broadcast_in_dim3A_362 = vector.broadcast %broadcast_in_dim3A_361 : i32 to vector<16xi32>
      %gather3A_363 = tpu.vector_load_idx %arg8[%add3A_264, %broadcast_in_dim3A_362] : memref<512x64xf32, #tpu.memory_space<vmem>>[vector<16xi32>, vector<16xi32>], vector<16xf32>,
      %gather3A_364 = tpu.vector_load_idx %arg9[%gather3A, %broadcast_in_dim3A_362] : memref<1000x64xf32, #tpu.memory_space<vmem>>[vector<16xi32>, vector<16xi32>], vector<16xf32>,
      %gather3A_365 = tpu.vector_load_idx %arg9[%gather3A_265, %broadcast_in_dim3A_362] : memref<1000x64xf32, #tpu.memory_space<vmem>>[vector<16xi32>, vector<16xi32>], vector<16xf32>,
      %mul3A_366 = arith.mulf %gather3A_363, %gather3A_364 : vector<16xf32>
      %add3A_367 = arith.addf %add3A_358, %mul3A_366 : vector<16xf32>
      %mul3A_368 = arith.mulf %gather3A_363, %gather3A_365 : vector<16xf32>
      %add3A_369 = arith.addf %add3A_360, %mul3A_368 : vector<16xf32>
      %broadcast_in_dim3A_370 = arith.constant 11 : i32
      %broadcast_in_dim3A_371 = vector.broadcast %broadcast_in_dim3A_370 : i32 to vector<16xi32>
      %gather3A_372 = tpu.vector_load_idx %arg8[%add3A_264, %broadcast_in_dim3A_371] : memref<512x64xf32, #tpu.memory_space<vmem>>[vector<16xi32>, vector<16xi32>], vector<16xf32>,
      %gather3A_373 = tpu.vector_load_idx %arg9[%gather3A, %broadcast_in_dim3A_371] : memref<1000x64xf32, #tpu.memory_space<vmem>>[vector<16xi32>, vector<16xi32>], vector<16xf32>,
      %gather3A_374 = tpu.vector_load_idx %arg9[%gather3A_265, %broadcast_in_dim3A_371] : memref<1000x64xf32, #tpu.memory_space<vmem>>[vector<16xi32>, vector<16xi32>], vector<16xf32>,
      %mul3A_375 = arith.mulf %gather3A_372, %gather3A_373 : vector<16xf32>
      %add3A_376 = arith.addf %add3A_367, %mul3A_375 : vector<16xf32>
      %mul3A_377 = arith.mulf %gather3A_372, %gather3A_374 : vector<16xf32>
      %add3A_378 = arith.addf %add3A_369, %mul3A_377 : vector<16xf32>
      %broadcast_in_dim3A_379 = arith.constant 12 : i32
      %broadcast_in_dim3A_380 = vector.broadcast %broadcast_in_dim3A_379 : i32 to vector<16xi32>
      %gather3A_381 = tpu.vector_load_idx %arg8[%add3A_264, %broadcast_in_dim3A_380] : memref<512x64xf32, #tpu.memory_space<vmem>>[vector<16xi32>, vector<16xi32>], vector<16xf32>,
      %gather3A_382 = tpu.vector_load_idx %arg9[%gather3A, %broadcast_in_dim3A_380] : memref<1000x64xf32, #tpu.memory_space<vmem>>[vector<16xi32>, vector<16xi32>], vector<16xf32>,
      %gather3A_383 = tpu.vector_load_idx %arg9[%gather3A_265, %broadcast_in_dim3A_380] : memref<1000x64xf32, #tpu.memory_space<vmem>>[vector<16xi32>, vector<16xi32>], vector<16xf32>,
      %mul3A_384 = arith.mulf %gather3A_381, %gather3A_382 : vector<16xf32>
      %add3A_385 = arith.addf %add3A_376, %mul3A_384 : vector<16xf32>
      %mul3A_386 = arith.mulf %gather3A_381, %gather3A_383 : vector<16xf32>
      %add3A_387 = arith.addf %add3A_378, %mul3A_386 : vector<16xf32>
      %broadcast_in_dim3A_388 = arith.constant 13 : i32
      %broadcast_in_dim3A_389 = vector.broadcast %broadcast_in_dim3A_388 : i32 to vector<16xi32>
      %gather3A_390 = tpu.vector_load_idx %arg8[%add3A_264, %broadcast_in_dim3A_389] : memref<512x64xf32, #tpu.memory_space<vmem>>[vector<16xi32>, vector<16xi32>], vector<16xf32>,
      %gather3A_391 = tpu.vector_load_idx %arg9[%gather3A, %broadcast_in_dim3A_389] : memref<1000x64xf32, #tpu.memory_space<vmem>>[vector<16xi32>, vector<16xi32>], vector<16xf32>,
      %gather3A_392 = tpu.vector_load_idx %arg9[%gather3A_265, %broadcast_in_dim3A_389] : memref<1000x64xf32, #tpu.memory_space<vmem>>[vector<16xi32>, vector<16xi32>], vector<16xf32>,
      %mul3A_393 = arith.mulf %gather3A_390, %gather3A_391 : vector<16xf32>
      %add3A_394 = arith.addf %add3A_385, %mul3A_393 : vector<16xf32>
      %mul3A_395 = arith.mulf %gather3A_390, %gather3A_392 : vector<16xf32>
      %add3A_396 = arith.addf %add3A_387, %mul3A_395 : vector<16xf32>
      %broadcast_in_dim3A_397 = arith.constant 14 : i32
      %broadcast_in_dim3A_398 = vector.broadcast %broadcast_in_dim3A_397 : i32 to vector<16xi32>
      %gather3A_399 = tpu.vector_load_idx %arg8[%add3A_264, %broadcast_in_dim3A_398] : memref<512x64xf32, #tpu.memory_space<vmem>>[vector<16xi32>, vector<16xi32>], vector<16xf32>,
      %gather3A_400 = tpu.vector_load_idx %arg9[%gather3A, %broadcast_in_dim3A_398] : memref<1000x64xf32, #tpu.memory_space<vmem>>[vector<16xi32>, vector<16xi32>], vector<16xf32>,
      %gather3A_401 = tpu.vector_load_idx %arg9[%gather3A_265, %broadcast_in_dim3A_398] : memref<1000x64xf32, #tpu.memory_space<vmem>>[vector<16xi32>, vector<16xi32>], vector<16xf32>,
      %mul3A_402 = arith.mulf %gather3A_399, %gather3A_400 : vector<16xf32>
      %add3A_403 = arith.addf %add3A_394, %mul3A_402 : vector<16xf32>
      %mul3A_404 = arith.mulf %gather3A_399, %gather3A_401 : vector<16xf32>
      %add3A_405 = arith.addf %add3A_396, %mul3A_404 : vector<16xf32>
      %broadcast_in_dim3A_406 = arith.constant 15 : i32
      %broadcast_in_dim3A_407 = vector.broadcast %broadcast_in_dim3A_406 : i32 to vector<16xi32>
      %gather3A_408 = tpu.vector_load_idx %arg8[%add3A_264, %broadcast_in_dim3A_407] : memref<512x64xf32, #tpu.memory_space<vmem>>[vector<16xi32>, vector<16xi32>], vector<16xf32>,
      %gather3A_409 = tpu.vector_load_idx %arg9[%gather3A, %broadcast_in_dim3A_407] : memref<1000x64xf32, #tpu.memory_space<vmem>>[vector<16xi32>, vector<16xi32>], vector<16xf32>,
      %gather3A_410 = tpu.vector_load_idx %arg9[%gather3A_265, %broadcast_in_dim3A_407] : memref<1000x64xf32, #tpu.memory_space<vmem>>[vector<16xi32>, vector<16xi32>], vector<16xf32>,
      %mul3A_411 = arith.mulf %gather3A_408, %gather3A_409 : vector<16xf32>
      %add3A_412 = arith.addf %add3A_403, %mul3A_411 : vector<16xf32>
      %mul3A_413 = arith.mulf %gather3A_408, %gather3A_410 : vector<16xf32>
      %add3A_414 = arith.addf %add3A_405, %mul3A_413 : vector<16xf32>
      %broadcast_in_dim3A_415 = arith.constant 16 : i32
      %broadcast_in_dim3A_416 = vector.broadcast %broadcast_in_dim3A_415 : i32 to vector<16xi32>
      %gather3A_417 = tpu.vector_load_idx %arg8[%add3A_264, %broadcast_in_dim3A_416] : memref<512x64xf32, #tpu.memory_space<vmem>>[vector<16xi32>, vector<16xi32>], vector<16xf32>,
      %gather3A_418 = tpu.vector_load_idx %arg9[%gather3A, %broadcast_in_dim3A_416] : memref<1000x64xf32, #tpu.memory_space<vmem>>[vector<16xi32>, vector<16xi32>], vector<16xf32>,
      %gather3A_419 = tpu.vector_load_idx %arg9[%gather3A_265, %broadcast_in_dim3A_416] : memref<1000x64xf32, #tpu.memory_space<vmem>>[vector<16xi32>, vector<16xi32>], vector<16xf32>,
      %mul3A_420 = arith.mulf %gather3A_417, %gather3A_418 : vector<16xf32>
      %add3A_421 = arith.addf %add3A_412, %mul3A_420 : vector<16xf32>
      %mul3A_422 = arith.mulf %gather3A_417, %gather3A_419 : vector<16xf32>
      %add3A_423 = arith.addf %add3A_414, %mul3A_422 : vector<16xf32>
      %broadcast_in_dim3A_424 = arith.constant 17 : i32
      %broadcast_in_dim3A_425 = vector.broadcast %broadcast_in_dim3A_424 : i32 to vector<16xi32>
      %gather3A_426 = tpu.vector_load_idx %arg8[%add3A_264, %broadcast_in_dim3A_425] : memref<512x64xf32, #tpu.memory_space<vmem>>[vector<16xi32>, vector<16xi32>], vector<16xf32>,
      %gather3A_427 = tpu.vector_load_idx %arg9[%gather3A, %broadcast_in_dim3A_425] : memref<1000x64xf32, #tpu.memory_space<vmem>>[vector<16xi32>, vector<16xi32>], vector<16xf32>,
      %gather3A_428 = tpu.vector_load_idx %arg9[%gather3A_265, %broadcast_in_dim3A_425] : memref<1000x64xf32, #tpu.memory_space<vmem>>[vector<16xi32>, vector<16xi32>], vector<16xf32>,
      %mul3A_429 = arith.mulf %gather3A_426, %gather3A_427 : vector<16xf32>
      %add3A_430 = arith.addf %add3A_421, %mul3A_429 : vector<16xf32>
      %mul3A_431 = arith.mulf %gather3A_426, %gather3A_428 : vector<16xf32>
      %add3A_432 = arith.addf %add3A_423, %mul3A_431 : vector<16xf32>
      %broadcast_in_dim3A_433 = arith.constant 18 : i32
      %broadcast_in_dim3A_434 = vector.broadcast %broadcast_in_dim3A_433 : i32 to vector<16xi32>
      %gather3A_435 = tpu.vector_load_idx %arg8[%add3A_264, %broadcast_in_dim3A_434] : memref<512x64xf32, #tpu.memory_space<vmem>>[vector<16xi32>, vector<16xi32>], vector<16xf32>,
      %gather3A_436 = tpu.vector_load_idx %arg9[%gather3A, %broadcast_in_dim3A_434] : memref<1000x64xf32, #tpu.memory_space<vmem>>[vector<16xi32>, vector<16xi32>], vector<16xf32>,
      %gather3A_437 = tpu.vector_load_idx %arg9[%gather3A_265, %broadcast_in_dim3A_434] : memref<1000x64xf32, #tpu.memory_space<vmem>>[vector<16xi32>, vector<16xi32>], vector<16xf32>,
      %mul3A_438 = arith.mulf %gather3A_435, %gather3A_436 : vector<16xf32>
      %add3A_439 = arith.addf %add3A_430, %mul3A_438 : vector<16xf32>
      %mul3A_440 = arith.mulf %gather3A_435, %gather3A_437 : vector<16xf32>
      %add3A_441 = arith.addf %add3A_432, %mul3A_440 : vector<16xf32>
      %broadcast_in_dim3A_442 = arith.constant 19 : i32
      %broadcast_in_dim3A_443 = vector.broadcast %broadcast_in_dim3A_442 : i32 to vector<16xi32>
      %gather3A_444 = tpu.vector_load_idx %arg8[%add3A_264, %broadcast_in_dim3A_443] : memref<512x64xf32, #tpu.memory_space<vmem>>[vector<16xi32>, vector<16xi32>], vector<16xf32>,
      %gather3A_445 = tpu.vector_load_idx %arg9[%gather3A, %broadcast_in_dim3A_443] : memref<1000x64xf32, #tpu.memory_space<vmem>>[vector<16xi32>, vector<16xi32>], vector<16xf32>,
      %gather3A_446 = tpu.vector_load_idx %arg9[%gather3A_265, %broadcast_in_dim3A_443] : memref<1000x64xf32, #tpu.memory_space<vmem>>[vector<16xi32>, vector<16xi32>], vector<16xf32>,
      %mul3A_447 = arith.mulf %gather3A_444, %gather3A_445 : vector<16xf32>
      %add3A_448 = arith.addf %add3A_439, %mul3A_447 : vector<16xf32>
      %mul3A_449 = arith.mulf %gather3A_444, %gather3A_446 : vector<16xf32>
      %add3A_450 = arith.addf %add3A_441, %mul3A_449 : vector<16xf32>
      %broadcast_in_dim3A_451 = arith.constant 20 : i32
      %broadcast_in_dim3A_452 = vector.broadcast %broadcast_in_dim3A_451 : i32 to vector<16xi32>
      %gather3A_453 = tpu.vector_load_idx %arg8[%add3A_264, %broadcast_in_dim3A_452] : memref<512x64xf32, #tpu.memory_space<vmem>>[vector<16xi32>, vector<16xi32>], vector<16xf32>,
      %gather3A_454 = tpu.vector_load_idx %arg9[%gather3A, %broadcast_in_dim3A_452] : memref<1000x64xf32, #tpu.memory_space<vmem>>[vector<16xi32>, vector<16xi32>], vector<16xf32>,
      %gather3A_455 = tpu.vector_load_idx %arg9[%gather3A_265, %broadcast_in_dim3A_452] : memref<1000x64xf32, #tpu.memory_space<vmem>>[vector<16xi32>, vector<16xi32>], vector<16xf32>,
      %mul3A_456 = arith.mulf %gather3A_453, %gather3A_454 : vector<16xf32>
      %add3A_457 = arith.addf %add3A_448, %mul3A_456 : vector<16xf32>
      %mul3A_458 = arith.mulf %gather3A_453, %gather3A_455 : vector<16xf32>
      %add3A_459 = arith.addf %add3A_450, %mul3A_458 : vector<16xf32>
      %broadcast_in_dim3A_460 = arith.constant 21 : i32
      %broadcast_in_dim3A_461 = vector.broadcast %broadcast_in_dim3A_460 : i32 to vector<16xi32>
      %gather3A_462 = tpu.vector_load_idx %arg8[%add3A_264, %broadcast_in_dim3A_461] : memref<512x64xf32, #tpu.memory_space<vmem>>[vector<16xi32>, vector<16xi32>], vector<16xf32>,
      %gather3A_463 = tpu.vector_load_idx %arg9[%gather3A, %broadcast_in_dim3A_461] : memref<1000x64xf32, #tpu.memory_space<vmem>>[vector<16xi32>, vector<16xi32>], vector<16xf32>,
      %gather3A_464 = tpu.vector_load_idx %arg9[%gather3A_265, %broadcast_in_dim3A_461] : memref<1000x64xf32, #tpu.memory_space<vmem>>[vector<16xi32>, vector<16xi32>], vector<16xf32>,
      %mul3A_465 = arith.mulf %gather3A_462, %gather3A_463 : vector<16xf32>
      %add3A_466 = arith.addf %add3A_457, %mul3A_465 : vector<16xf32>
      %mul3A_467 = arith.mulf %gather3A_462, %gather3A_464 : vector<16xf32>
      %add3A_468 = arith.addf %add3A_459, %mul3A_467 : vector<16xf32>
      %broadcast_in_dim3A_469 = arith.constant 22 : i32
      %broadcast_in_dim3A_470 = vector.broadcast %broadcast_in_dim3A_469 : i32 to vector<16xi32>
      %gather3A_471 = tpu.vector_load_idx %arg8[%add3A_264, %broadcast_in_dim3A_470] : memref<512x64xf32, #tpu.memory_space<vmem>>[vector<16xi32>, vector<16xi32>], vector<16xf32>,
      %gather3A_472 = tpu.vector_load_idx %arg9[%gather3A, %broadcast_in_dim3A_470] : memref<1000x64xf32, #tpu.memory_space<vmem>>[vector<16xi32>, vector<16xi32>], vector<16xf32>,
      %gather3A_473 = tpu.vector_load_idx %arg9[%gather3A_265, %broadcast_in_dim3A_470] : memref<1000x64xf32, #tpu.memory_space<vmem>>[vector<16xi32>, vector<16xi32>], vector<16xf32>,
      %mul3A_474 = arith.mulf %gather3A_471, %gather3A_472 : vector<16xf32>
      %add3A_475 = arith.addf %add3A_466, %mul3A_474 : vector<16xf32>
      %mul3A_476 = arith.mulf %gather3A_471, %gather3A_473 : vector<16xf32>
      %add3A_477 = arith.addf %add3A_468, %mul3A_476 : vector<16xf32>
      %broadcast_in_dim3A_478 = arith.constant 23 : i32
      %broadcast_in_dim3A_479 = vector.broadcast %broadcast_in_dim3A_478 : i32 to vector<16xi32>
      %gather3A_480 = tpu.vector_load_idx %arg8[%add3A_264, %broadcast_in_dim3A_479] : memref<512x64xf32, #tpu.memory_space<vmem>>[vector<16xi32>, vector<16xi32>], vector<16xf32>,
      %gather3A_481 = tpu.vector_load_idx %arg9[%gather3A, %broadcast_in_dim3A_479] : memref<1000x64xf32, #tpu.memory_space<vmem>>[vector<16xi32>, vector<16xi32>], vector<16xf32>,
      %gather3A_482 = tpu.vector_load_idx %arg9[%gather3A_265, %broadcast_in_dim3A_479] : memref<1000x64xf32, #tpu.memory_space<vmem>>[vector<16xi32>, vector<16xi32>], vector<16xf32>,
      %mul3A_483 = arith.mulf %gather3A_480, %gather3A_481 : vector<16xf32>
      %add3A_484 = arith.addf %add3A_475, %mul3A_483 : vector<16xf32>
      %mul3A_485 = arith.mulf %gather3A_480, %gather3A_482 : vector<16xf32>
      %add3A_486 = arith.addf %add3A_477, %mul3A_485 : vector<16xf32>
      %broadcast_in_dim3A_487 = arith.constant 24 : i32
      %broadcast_in_dim3A_488 = vector.broadcast %broadcast_in_dim3A_487 : i32 to vector<16xi32>
      %gather3A_489 = tpu.vector_load_idx %arg8[%add3A_264, %broadcast_in_dim3A_488] : memref<512x64xf32, #tpu.memory_space<vmem>>[vector<16xi32>, vector<16xi32>], vector<16xf32>,
      %gather3A_490 = tpu.vector_load_idx %arg9[%gather3A, %broadcast_in_dim3A_488] : memref<1000x64xf32, #tpu.memory_space<vmem>>[vector<16xi32>, vector<16xi32>], vector<16xf32>,
      %gather3A_491 = tpu.vector_load_idx %arg9[%gather3A_265, %broadcast_in_dim3A_488] : memref<1000x64xf32, #tpu.memory_space<vmem>>[vector<16xi32>, vector<16xi32>], vector<16xf32>,
      %mul3A_492 = arith.mulf %gather3A_489, %gather3A_490 : vector<16xf32>
      %add3A_493 = arith.addf %add3A_484, %mul3A_492 : vector<16xf32>
      %mul3A_494 = arith.mulf %gather3A_489, %gather3A_491 : vector<16xf32>
      %add3A_495 = arith.addf %add3A_486, %mul3A_494 : vector<16xf32>
      %broadcast_in_dim3A_496 = arith.constant 25 : i32
      %broadcast_in_dim3A_497 = vector.broadcast %broadcast_in_dim3A_496 : i32 to vector<16xi32>
      %gather3A_498 = tpu.vector_load_idx %arg8[%add3A_264, %broadcast_in_dim3A_497] : memref<512x64xf32, #tpu.memory_space<vmem>>[vector<16xi32>, vector<16xi32>], vector<16xf32>,
      %gather3A_499 = tpu.vector_load_idx %arg9[%gather3A, %broadcast_in_dim3A_497] : memref<1000x64xf32, #tpu.memory_space<vmem>>[vector<16xi32>, vector<16xi32>], vector<16xf32>,
      %gather3A_500 = tpu.vector_load_idx %arg9[%gather3A_265, %broadcast_in_dim3A_497] : memref<1000x64xf32, #tpu.memory_space<vmem>>[vector<16xi32>, vector<16xi32>], vector<16xf32>,
      %mul3A_501 = arith.mulf %gather3A_498, %gather3A_499 : vector<16xf32>
      %add3A_502 = arith.addf %add3A_493, %mul3A_501 : vector<16xf32>
      %mul3A_503 = arith.mulf %gather3A_498, %gather3A_500 : vector<16xf32>
      %add3A_504 = arith.addf %add3A_495, %mul3A_503 : vector<16xf32>
      %broadcast_in_dim3A_505 = arith.constant 26 : i32
      %broadcast_in_dim3A_506 = vector.broadcast %broadcast_in_dim3A_505 : i32 to vector<16xi32>
      %gather3A_507 = tpu.vector_load_idx %arg8[%add3A_264, %broadcast_in_dim3A_506] : memref<512x64xf32, #tpu.memory_space<vmem>>[vector<16xi32>, vector<16xi32>], vector<16xf32>,
      %gather3A_508 = tpu.vector_load_idx %arg9[%gather3A, %broadcast_in_dim3A_506] : memref<1000x64xf32, #tpu.memory_space<vmem>>[vector<16xi32>, vector<16xi32>], vector<16xf32>,
      %gather3A_509 = tpu.vector_load_idx %arg9[%gather3A_265, %broadcast_in_dim3A_506] : memref<1000x64xf32, #tpu.memory_space<vmem>>[vector<16xi32>, vector<16xi32>], vector<16xf32>,
      %mul3A_510 = arith.mulf %gather3A_507, %gather3A_508 : vector<16xf32>
      %add3A_511 = arith.addf %add3A_502, %mul3A_510 : vector<16xf32>
      %mul3A_512 = arith.mulf %gather3A_507, %gather3A_509 : vector<16xf32>
      %add3A_513 = arith.addf %add3A_504, %mul3A_512 : vector<16xf32>
      %broadcast_in_dim3A_514 = arith.constant 27 : i32
      %broadcast_in_dim3A_515 = vector.broadcast %broadcast_in_dim3A_514 : i32 to vector<16xi32>
      %gather3A_516 = tpu.vector_load_idx %arg8[%add3A_264, %broadcast_in_dim3A_515] : memref<512x64xf32, #tpu.memory_space<vmem>>[vector<16xi32>, vector<16xi32>], vector<16xf32>,
      %gather3A_517 = tpu.vector_load_idx %arg9[%gather3A, %broadcast_in_dim3A_515] : memref<1000x64xf32, #tpu.memory_space<vmem>>[vector<16xi32>, vector<16xi32>], vector<16xf32>,
      %gather3A_518 = tpu.vector_load_idx %arg9[%gather3A_265, %broadcast_in_dim3A_515] : memref<1000x64xf32, #tpu.memory_space<vmem>>[vector<16xi32>, vector<16xi32>], vector<16xf32>,
      %mul3A_519 = arith.mulf %gather3A_516, %gather3A_517 : vector<16xf32>
      %add3A_520 = arith.addf %add3A_511, %mul3A_519 : vector<16xf32>
      %mul3A_521 = arith.mulf %gather3A_516, %gather3A_518 : vector<16xf32>
      %add3A_522 = arith.addf %add3A_513, %mul3A_521 : vector<16xf32>
      %broadcast_in_dim3A_523 = arith.constant 28 : i32
      %broadcast_in_dim3A_524 = vector.broadcast %broadcast_in_dim3A_523 : i32 to vector<16xi32>
      %gather3A_525 = tpu.vector_load_idx %arg8[%add3A_264, %broadcast_in_dim3A_524] : memref<512x64xf32, #tpu.memory_space<vmem>>[vector<16xi32>, vector<16xi32>], vector<16xf32>,
      %gather3A_526 = tpu.vector_load_idx %arg9[%gather3A, %broadcast_in_dim3A_524] : memref<1000x64xf32, #tpu.memory_space<vmem>>[vector<16xi32>, vector<16xi32>], vector<16xf32>,
      %gather3A_527 = tpu.vector_load_idx %arg9[%gather3A_265, %broadcast_in_dim3A_524] : memref<1000x64xf32, #tpu.memory_space<vmem>>[vector<16xi32>, vector<16xi32>], vector<16xf32>,
      %mul3A_528 = arith.mulf %gather3A_525, %gather3A_526 : vector<16xf32>
      %add3A_529 = arith.addf %add3A_520, %mul3A_528 : vector<16xf32>
      %mul3A_530 = arith.mulf %gather3A_525, %gather3A_527 : vector<16xf32>
      %add3A_531 = arith.addf %add3A_522, %mul3A_530 : vector<16xf32>
      %broadcast_in_dim3A_532 = arith.constant 29 : i32
      %broadcast_in_dim3A_533 = vector.broadcast %broadcast_in_dim3A_532 : i32 to vector<16xi32>
      %gather3A_534 = tpu.vector_load_idx %arg8[%add3A_264, %broadcast_in_dim3A_533] : memref<512x64xf32, #tpu.memory_space<vmem>>[vector<16xi32>, vector<16xi32>], vector<16xf32>,
      %gather3A_535 = tpu.vector_load_idx %arg9[%gather3A, %broadcast_in_dim3A_533] : memref<1000x64xf32, #tpu.memory_space<vmem>>[vector<16xi32>, vector<16xi32>], vector<16xf32>,
      %gather3A_536 = tpu.vector_load_idx %arg9[%gather3A_265, %broadcast_in_dim3A_533] : memref<1000x64xf32, #tpu.memory_space<vmem>>[vector<16xi32>, vector<16xi32>], vector<16xf32>,
      %mul3A_537 = arith.mulf %gather3A_534, %gather3A_535 : vector<16xf32>
      %add3A_538 = arith.addf %add3A_529, %mul3A_537 : vector<16xf32>
      %mul3A_539 = arith.mulf %gather3A_534, %gather3A_536 : vector<16xf32>
      %add3A_540 = arith.addf %add3A_531, %mul3A_539 : vector<16xf32>
      %broadcast_in_dim3A_541 = arith.constant 30 : i32
      %broadcast_in_dim3A_542 = vector.broadcast %broadcast_in_dim3A_541 : i32 to vector<16xi32>
      %gather3A_543 = tpu.vector_load_idx %arg8[%add3A_264, %broadcast_in_dim3A_542] : memref<512x64xf32, #tpu.memory_space<vmem>>[vector<16xi32>, vector<16xi32>], vector<16xf32>,
      %gather3A_544 = tpu.vector_load_idx %arg9[%gather3A, %broadcast_in_dim3A_542] : memref<1000x64xf32, #tpu.memory_space<vmem>>[vector<16xi32>, vector<16xi32>], vector<16xf32>,
      %gather3A_545 = tpu.vector_load_idx %arg9[%gather3A_265, %broadcast_in_dim3A_542] : memref<1000x64xf32, #tpu.memory_space<vmem>>[vector<16xi32>, vector<16xi32>], vector<16xf32>,
      %mul3A_546 = arith.mulf %gather3A_543, %gather3A_544 : vector<16xf32>
      %add3A_547 = arith.addf %add3A_538, %mul3A_546 : vector<16xf32>
      %mul3A_548 = arith.mulf %gather3A_543, %gather3A_545 : vector<16xf32>
      %add3A_549 = arith.addf %add3A_540, %mul3A_548 : vector<16xf32>
      %broadcast_in_dim3A_550 = arith.constant 31 : i32
      %broadcast_in_dim3A_551 = vector.broadcast %broadcast_in_dim3A_550 : i32 to vector<16xi32>
      %gather3A_552 = tpu.vector_load_idx %arg8[%add3A_264, %broadcast_in_dim3A_551] : memref<512x64xf32, #tpu.memory_space<vmem>>[vector<16xi32>, vector<16xi32>], vector<16xf32>,
      %gather3A_553 = tpu.vector_load_idx %arg9[%gather3A, %broadcast_in_dim3A_551] : memref<1000x64xf32, #tpu.memory_space<vmem>>[vector<16xi32>, vector<16xi32>], vector<16xf32>,
      %gather3A_554 = tpu.vector_load_idx %arg9[%gather3A_265, %broadcast_in_dim3A_551] : memref<1000x64xf32, #tpu.memory_space<vmem>>[vector<16xi32>, vector<16xi32>], vector<16xf32>,
      %mul3A_555 = arith.mulf %gather3A_552, %gather3A_553 : vector<16xf32>
      %add3A_556 = arith.addf %add3A_547, %mul3A_555 : vector<16xf32>
      %mul3A_557 = arith.mulf %gather3A_552, %gather3A_554 : vector<16xf32>
      %add3A_558 = arith.addf %add3A_549, %mul3A_557 : vector<16xf32>
      %broadcast_in_dim3A_559 = arith.constant 32 : i32
      %broadcast_in_dim3A_560 = vector.broadcast %broadcast_in_dim3A_559 : i32 to vector<16xi32>
      %gather3A_561 = tpu.vector_load_idx %arg8[%add3A_264, %broadcast_in_dim3A_560] : memref<512x64xf32, #tpu.memory_space<vmem>>[vector<16xi32>, vector<16xi32>], vector<16xf32>,
      %gather3A_562 = tpu.vector_load_idx %arg9[%gather3A, %broadcast_in_dim3A_560] : memref<1000x64xf32, #tpu.memory_space<vmem>>[vector<16xi32>, vector<16xi32>], vector<16xf32>,
      %gather3A_563 = tpu.vector_load_idx %arg9[%gather3A_265, %broadcast_in_dim3A_560] : memref<1000x64xf32, #tpu.memory_space<vmem>>[vector<16xi32>, vector<16xi32>], vector<16xf32>,
      %mul3A_564 = arith.mulf %gather3A_561, %gather3A_562 : vector<16xf32>
      %add3A_565 = arith.addf %add3A_556, %mul3A_564 : vector<16xf32>
      %mul3A_566 = arith.mulf %gather3A_561, %gather3A_563 : vector<16xf32>
      %add3A_567 = arith.addf %add3A_558, %mul3A_566 : vector<16xf32>
      %broadcast_in_dim3A_568 = arith.constant 33 : i32
      %broadcast_in_dim3A_569 = vector.broadcast %broadcast_in_dim3A_568 : i32 to vector<16xi32>
      %gather3A_570 = tpu.vector_load_idx %arg8[%add3A_264, %broadcast_in_dim3A_569] : memref<512x64xf32, #tpu.memory_space<vmem>>[vector<16xi32>, vector<16xi32>], vector<16xf32>,
      %gather3A_571 = tpu.vector_load_idx %arg9[%gather3A, %broadcast_in_dim3A_569] : memref<1000x64xf32, #tpu.memory_space<vmem>>[vector<16xi32>, vector<16xi32>], vector<16xf32>,
      %gather3A_572 = tpu.vector_load_idx %arg9[%gather3A_265, %broadcast_in_dim3A_569] : memref<1000x64xf32, #tpu.memory_space<vmem>>[vector<16xi32>, vector<16xi32>], vector<16xf32>,
      %mul3A_573 = arith.mulf %gather3A_570, %gather3A_571 : vector<16xf32>
      %add3A_574 = arith.addf %add3A_565, %mul3A_573 : vector<16xf32>
      %mul3A_575 = arith.mulf %gather3A_570, %gather3A_572 : vector<16xf32>
      %add3A_576 = arith.addf %add3A_567, %mul3A_575 : vector<16xf32>
      %broadcast_in_dim3A_577 = arith.constant 34 : i32
      %broadcast_in_dim3A_578 = vector.broadcast %broadcast_in_dim3A_577 : i32 to vector<16xi32>
      %gather3A_579 = tpu.vector_load_idx %arg8[%add3A_264, %broadcast_in_dim3A_578] : memref<512x64xf32, #tpu.memory_space<vmem>>[vector<16xi32>, vector<16xi32>], vector<16xf32>,
      %gather3A_580 = tpu.vector_load_idx %arg9[%gather3A, %broadcast_in_dim3A_578] : memref<1000x64xf32, #tpu.memory_space<vmem>>[vector<16xi32>, vector<16xi32>], vector<16xf32>,
      %gather3A_581 = tpu.vector_load_idx %arg9[%gather3A_265, %broadcast_in_dim3A_578] : memref<1000x64xf32, #tpu.memory_space<vmem>>[vector<16xi32>, vector<16xi32>], vector<16xf32>,
      %mul3A_582 = arith.mulf %gather3A_579, %gather3A_580 : vector<16xf32>
      %add3A_583 = arith.addf %add3A_574, %mul3A_582 : vector<16xf32>
      %mul3A_584 = arith.mulf %gather3A_579, %gather3A_581 : vector<16xf32>
      %add3A_585 = arith.addf %add3A_576, %mul3A_584 : vector<16xf32>
      %broadcast_in_dim3A_586 = arith.constant 35 : i32
      %broadcast_in_dim3A_587 = vector.broadcast %broadcast_in_dim3A_586 : i32 to vector<16xi32>
      %gather3A_588 = tpu.vector_load_idx %arg8[%add3A_264, %broadcast_in_dim3A_587] : memref<512x64xf32, #tpu.memory_space<vmem>>[vector<16xi32>, vector<16xi32>], vector<16xf32>,
      %gather3A_589 = tpu.vector_load_idx %arg9[%gather3A, %broadcast_in_dim3A_587] : memref<1000x64xf32, #tpu.memory_space<vmem>>[vector<16xi32>, vector<16xi32>], vector<16xf32>,
      %gather3A_590 = tpu.vector_load_idx %arg9[%gather3A_265, %broadcast_in_dim3A_587] : memref<1000x64xf32, #tpu.memory_space<vmem>>[vector<16xi32>, vector<16xi32>], vector<16xf32>,
      %mul3A_591 = arith.mulf %gather3A_588, %gather3A_589 : vector<16xf32>
      %add3A_592 = arith.addf %add3A_583, %mul3A_591 : vector<16xf32>
      %mul3A_593 = arith.mulf %gather3A_588, %gather3A_590 : vector<16xf32>
      %add3A_594 = arith.addf %add3A_585, %mul3A_593 : vector<16xf32>
      %broadcast_in_dim3A_595 = arith.constant 36 : i32
      %broadcast_in_dim3A_596 = vector.broadcast %broadcast_in_dim3A_595 : i32 to vector<16xi32>
      %gather3A_597 = tpu.vector_load_idx %arg8[%add3A_264, %broadcast_in_dim3A_596] : memref<512x64xf32, #tpu.memory_space<vmem>>[vector<16xi32>, vector<16xi32>], vector<16xf32>,
      %gather3A_598 = tpu.vector_load_idx %arg9[%gather3A, %broadcast_in_dim3A_596] : memref<1000x64xf32, #tpu.memory_space<vmem>>[vector<16xi32>, vector<16xi32>], vector<16xf32>,
      %gather3A_599 = tpu.vector_load_idx %arg9[%gather3A_265, %broadcast_in_dim3A_596] : memref<1000x64xf32, #tpu.memory_space<vmem>>[vector<16xi32>, vector<16xi32>], vector<16xf32>,
      %mul3A_600 = arith.mulf %gather3A_597, %gather3A_598 : vector<16xf32>
      %add3A_601 = arith.addf %add3A_592, %mul3A_600 : vector<16xf32>
      %mul3A_602 = arith.mulf %gather3A_597, %gather3A_599 : vector<16xf32>
      %add3A_603 = arith.addf %add3A_594, %mul3A_602 : vector<16xf32>
      %broadcast_in_dim3A_604 = arith.constant 37 : i32
      %broadcast_in_dim3A_605 = vector.broadcast %broadcast_in_dim3A_604 : i32 to vector<16xi32>
      %gather3A_606 = tpu.vector_load_idx %arg8[%add3A_264, %broadcast_in_dim3A_605] : memref<512x64xf32, #tpu.memory_space<vmem>>[vector<16xi32>, vector<16xi32>], vector<16xf32>,
      %gather3A_607 = tpu.vector_load_idx %arg9[%gather3A, %broadcast_in_dim3A_605] : memref<1000x64xf32, #tpu.memory_space<vmem>>[vector<16xi32>, vector<16xi32>], vector<16xf32>,
      %gather3A_608 = tpu.vector_load_idx %arg9[%gather3A_265, %broadcast_in_dim3A_605] : memref<1000x64xf32, #tpu.memory_space<vmem>>[vector<16xi32>, vector<16xi32>], vector<16xf32>,
      %mul3A_609 = arith.mulf %gather3A_606, %gather3A_607 : vector<16xf32>
      %add3A_610 = arith.addf %add3A_601, %mul3A_609 : vector<16xf32>
      %mul3A_611 = arith.mulf %gather3A_606, %gather3A_608 : vector<16xf32>
      %add3A_612 = arith.addf %add3A_603, %mul3A_611 : vector<16xf32>
      %broadcast_in_dim3A_613 = arith.constant 38 : i32
      %broadcast_in_dim3A_614 = vector.broadcast %broadcast_in_dim3A_613 : i32 to vector<16xi32>
      %gather3A_615 = tpu.vector_load_idx %arg8[%add3A_264, %broadcast_in_dim3A_614] : memref<512x64xf32, #tpu.memory_space<vmem>>[vector<16xi32>, vector<16xi32>], vector<16xf32>,
      %gather3A_616 = tpu.vector_load_idx %arg9[%gather3A, %broadcast_in_dim3A_614] : memref<1000x64xf32, #tpu.memory_space<vmem>>[vector<16xi32>, vector<16xi32>], vector<16xf32>,
      %gather3A_617 = tpu.vector_load_idx %arg9[%gather3A_265, %broadcast_in_dim3A_614] : memref<1000x64xf32, #tpu.memory_space<vmem>>[vector<16xi32>, vector<16xi32>], vector<16xf32>,
      %mul3A_618 = arith.mulf %gather3A_615, %gather3A_616 : vector<16xf32>
      %add3A_619 = arith.addf %add3A_610, %mul3A_618 : vector<16xf32>
      %mul3A_620 = arith.mulf %gather3A_615, %gather3A_617 : vector<16xf32>
      %add3A_621 = arith.addf %add3A_612, %mul3A_620 : vector<16xf32>
      %broadcast_in_dim3A_622 = arith.constant 39 : i32
      %broadcast_in_dim3A_623 = vector.broadcast %broadcast_in_dim3A_622 : i32 to vector<16xi32>
      %gather3A_624 = tpu.vector_load_idx %arg8[%add3A_264, %broadcast_in_dim3A_623] : memref<512x64xf32, #tpu.memory_space<vmem>>[vector<16xi32>, vector<16xi32>], vector<16xf32>,
      %gather3A_625 = tpu.vector_load_idx %arg9[%gather3A, %broadcast_in_dim3A_623] : memref<1000x64xf32, #tpu.memory_space<vmem>>[vector<16xi32>, vector<16xi32>], vector<16xf32>,
      %gather3A_626 = tpu.vector_load_idx %arg9[%gather3A_265, %broadcast_in_dim3A_623] : memref<1000x64xf32, #tpu.memory_space<vmem>>[vector<16xi32>, vector<16xi32>], vector<16xf32>,
      %mul3A_627 = arith.mulf %gather3A_624, %gather3A_625 : vector<16xf32>
      %add3A_628 = arith.addf %add3A_619, %mul3A_627 : vector<16xf32>
      %mul3A_629 = arith.mulf %gather3A_624, %gather3A_626 : vector<16xf32>
      %add3A_630 = arith.addf %add3A_621, %mul3A_629 : vector<16xf32>
      %broadcast_in_dim3A_631 = arith.constant 40 : i32
      %broadcast_in_dim3A_632 = vector.broadcast %broadcast_in_dim3A_631 : i32 to vector<16xi32>
      %gather3A_633 = tpu.vector_load_idx %arg8[%add3A_264, %broadcast_in_dim3A_632] : memref<512x64xf32, #tpu.memory_space<vmem>>[vector<16xi32>, vector<16xi32>], vector<16xf32>,
      %gather3A_634 = tpu.vector_load_idx %arg9[%gather3A, %broadcast_in_dim3A_632] : memref<1000x64xf32, #tpu.memory_space<vmem>>[vector<16xi32>, vector<16xi32>], vector<16xf32>,
      %gather3A_635 = tpu.vector_load_idx %arg9[%gather3A_265, %broadcast_in_dim3A_632] : memref<1000x64xf32, #tpu.memory_space<vmem>>[vector<16xi32>, vector<16xi32>], vector<16xf32>,
      %mul3A_636 = arith.mulf %gather3A_633, %gather3A_634 : vector<16xf32>
      %add3A_637 = arith.addf %add3A_628, %mul3A_636 : vector<16xf32>
      %mul3A_638 = arith.mulf %gather3A_633, %gather3A_635 : vector<16xf32>
      %add3A_639 = arith.addf %add3A_630, %mul3A_638 : vector<16xf32>
      %broadcast_in_dim3A_640 = arith.constant 41 : i32
      %broadcast_in_dim3A_641 = vector.broadcast %broadcast_in_dim3A_640 : i32 to vector<16xi32>
      %gather3A_642 = tpu.vector_load_idx %arg8[%add3A_264, %broadcast_in_dim3A_641] : memref<512x64xf32, #tpu.memory_space<vmem>>[vector<16xi32>, vector<16xi32>], vector<16xf32>,
      %gather3A_643 = tpu.vector_load_idx %arg9[%gather3A, %broadcast_in_dim3A_641] : memref<1000x64xf32, #tpu.memory_space<vmem>>[vector<16xi32>, vector<16xi32>], vector<16xf32>,
      %gather3A_644 = tpu.vector_load_idx %arg9[%gather3A_265, %broadcast_in_dim3A_641] : memref<1000x64xf32, #tpu.memory_space<vmem>>[vector<16xi32>, vector<16xi32>], vector<16xf32>,
      %mul3A_645 = arith.mulf %gather3A_642, %gather3A_643 : vector<16xf32>
      %add3A_646 = arith.addf %add3A_637, %mul3A_645 : vector<16xf32>
      %mul3A_647 = arith.mulf %gather3A_642, %gather3A_644 : vector<16xf32>
      %add3A_648 = arith.addf %add3A_639, %mul3A_647 : vector<16xf32>
      %broadcast_in_dim3A_649 = arith.constant 42 : i32
      %broadcast_in_dim3A_650 = vector.broadcast %broadcast_in_dim3A_649 : i32 to vector<16xi32>
      %gather3A_651 = tpu.vector_load_idx %arg8[%add3A_264, %broadcast_in_dim3A_650] : memref<512x64xf32, #tpu.memory_space<vmem>>[vector<16xi32>, vector<16xi32>], vector<16xf32>,
      %gather3A_652 = tpu.vector_load_idx %arg9[%gather3A, %broadcast_in_dim3A_650] : memref<1000x64xf32, #tpu.memory_space<vmem>>[vector<16xi32>, vector<16xi32>], vector<16xf32>,
      %gather3A_653 = tpu.vector_load_idx %arg9[%gather3A_265, %broadcast_in_dim3A_650] : memref<1000x64xf32, #tpu.memory_space<vmem>>[vector<16xi32>, vector<16xi32>], vector<16xf32>,
      %mul3A_654 = arith.mulf %gather3A_651, %gather3A_652 : vector<16xf32>
      %add3A_655 = arith.addf %add3A_646, %mul3A_654 : vector<16xf32>
      %mul3A_656 = arith.mulf %gather3A_651, %gather3A_653 : vector<16xf32>
      %add3A_657 = arith.addf %add3A_648, %mul3A_656 : vector<16xf32>
      %broadcast_in_dim3A_658 = arith.constant 43 : i32
      %broadcast_in_dim3A_659 = vector.broadcast %broadcast_in_dim3A_658 : i32 to vector<16xi32>
      %gather3A_660 = tpu.vector_load_idx %arg8[%add3A_264, %broadcast_in_dim3A_659] : memref<512x64xf32, #tpu.memory_space<vmem>>[vector<16xi32>, vector<16xi32>], vector<16xf32>,
      %gather3A_661 = tpu.vector_load_idx %arg9[%gather3A, %broadcast_in_dim3A_659] : memref<1000x64xf32, #tpu.memory_space<vmem>>[vector<16xi32>, vector<16xi32>], vector<16xf32>,
      %gather3A_662 = tpu.vector_load_idx %arg9[%gather3A_265, %broadcast_in_dim3A_659] : memref<1000x64xf32, #tpu.memory_space<vmem>>[vector<16xi32>, vector<16xi32>], vector<16xf32>,
      %mul3A_663 = arith.mulf %gather3A_660, %gather3A_661 : vector<16xf32>
      %add3A_664 = arith.addf %add3A_655, %mul3A_663 : vector<16xf32>
      %mul3A_665 = arith.mulf %gather3A_660, %gather3A_662 : vector<16xf32>
      %add3A_666 = arith.addf %add3A_657, %mul3A_665 : vector<16xf32>
      %broadcast_in_dim3A_667 = arith.constant 44 : i32
      %broadcast_in_dim3A_668 = vector.broadcast %broadcast_in_dim3A_667 : i32 to vector<16xi32>
      %gather3A_669 = tpu.vector_load_idx %arg8[%add3A_264, %broadcast_in_dim3A_668] : memref<512x64xf32, #tpu.memory_space<vmem>>[vector<16xi32>, vector<16xi32>], vector<16xf32>,
      %gather3A_670 = tpu.vector_load_idx %arg9[%gather3A, %broadcast_in_dim3A_668] : memref<1000x64xf32, #tpu.memory_space<vmem>>[vector<16xi32>, vector<16xi32>], vector<16xf32>,
      %gather3A_671 = tpu.vector_load_idx %arg9[%gather3A_265, %broadcast_in_dim3A_668] : memref<1000x64xf32, #tpu.memory_space<vmem>>[vector<16xi32>, vector<16xi32>], vector<16xf32>,
      %mul3A_672 = arith.mulf %gather3A_669, %gather3A_670 : vector<16xf32>
      %add3A_673 = arith.addf %add3A_664, %mul3A_672 : vector<16xf32>
      %mul3A_674 = arith.mulf %gather3A_669, %gather3A_671 : vector<16xf32>
      %add3A_675 = arith.addf %add3A_666, %mul3A_674 : vector<16xf32>
      %broadcast_in_dim3A_676 = arith.constant 45 : i32
      %broadcast_in_dim3A_677 = vector.broadcast %broadcast_in_dim3A_676 : i32 to vector<16xi32>
      %gather3A_678 = tpu.vector_load_idx %arg8[%add3A_264, %broadcast_in_dim3A_677] : memref<512x64xf32, #tpu.memory_space<vmem>>[vector<16xi32>, vector<16xi32>], vector<16xf32>,
      %gather3A_679 = tpu.vector_load_idx %arg9[%gather3A, %broadcast_in_dim3A_677] : memref<1000x64xf32, #tpu.memory_space<vmem>>[vector<16xi32>, vector<16xi32>], vector<16xf32>,
      %gather3A_680 = tpu.vector_load_idx %arg9[%gather3A_265, %broadcast_in_dim3A_677] : memref<1000x64xf32, #tpu.memory_space<vmem>>[vector<16xi32>, vector<16xi32>], vector<16xf32>,
      %mul3A_681 = arith.mulf %gather3A_678, %gather3A_679 : vector<16xf32>
      %add3A_682 = arith.addf %add3A_673, %mul3A_681 : vector<16xf32>
      %mul3A_683 = arith.mulf %gather3A_678, %gather3A_680 : vector<16xf32>
      %add3A_684 = arith.addf %add3A_675, %mul3A_683 : vector<16xf32>
      %broadcast_in_dim3A_685 = arith.constant 46 : i32
      %broadcast_in_dim3A_686 = vector.broadcast %broadcast_in_dim3A_685 : i32 to vector<16xi32>
      %gather3A_687 = tpu.vector_load_idx %arg8[%add3A_264, %broadcast_in_dim3A_686] : memref<512x64xf32, #tpu.memory_space<vmem>>[vector<16xi32>, vector<16xi32>], vector<16xf32>,
      %gather3A_688 = tpu.vector_load_idx %arg9[%gather3A, %broadcast_in_dim3A_686] : memref<1000x64xf32, #tpu.memory_space<vmem>>[vector<16xi32>, vector<16xi32>], vector<16xf32>,
      %gather3A_689 = tpu.vector_load_idx %arg9[%gather3A_265, %broadcast_in_dim3A_686] : memref<1000x64xf32, #tpu.memory_space<vmem>>[vector<16xi32>, vector<16xi32>], vector<16xf32>,
      %mul3A_690 = arith.mulf %gather3A_687, %gather3A_688 : vector<16xf32>
      %add3A_691 = arith.addf %add3A_682, %mul3A_690 : vector<16xf32>
      %mul3A_692 = arith.mulf %gather3A_687, %gather3A_689 : vector<16xf32>
      %add3A_693 = arith.addf %add3A_684, %mul3A_692 : vector<16xf32>
      %broadcast_in_dim3A_694 = arith.constant 47 : i32
      %broadcast_in_dim3A_695 = vector.broadcast %broadcast_in_dim3A_694 : i32 to vector<16xi32>
      %gather3A_696 = tpu.vector_load_idx %arg8[%add3A_264, %broadcast_in_dim3A_695] : memref<512x64xf32, #tpu.memory_space<vmem>>[vector<16xi32>, vector<16xi32>], vector<16xf32>,
      %gather3A_697 = tpu.vector_load_idx %arg9[%gather3A, %broadcast_in_dim3A_695] : memref<1000x64xf32, #tpu.memory_space<vmem>>[vector<16xi32>, vector<16xi32>], vector<16xf32>,
      %gather3A_698 = tpu.vector_load_idx %arg9[%gather3A_265, %broadcast_in_dim3A_695] : memref<1000x64xf32, #tpu.memory_space<vmem>>[vector<16xi32>, vector<16xi32>], vector<16xf32>,
      %mul3A_699 = arith.mulf %gather3A_696, %gather3A_697 : vector<16xf32>
      %add3A_700 = arith.addf %add3A_691, %mul3A_699 : vector<16xf32>
      %mul3A_701 = arith.mulf %gather3A_696, %gather3A_698 : vector<16xf32>
      %add3A_702 = arith.addf %add3A_693, %mul3A_701 : vector<16xf32>
      %broadcast_in_dim3A_703 = arith.constant 48 : i32
      %broadcast_in_dim3A_704 = vector.broadcast %broadcast_in_dim3A_703 : i32 to vector<16xi32>
      %gather3A_705 = tpu.vector_load_idx %arg8[%add3A_264, %broadcast_in_dim3A_704] : memref<512x64xf32, #tpu.memory_space<vmem>>[vector<16xi32>, vector<16xi32>], vector<16xf32>,
      %gather3A_706 = tpu.vector_load_idx %arg9[%gather3A, %broadcast_in_dim3A_704] : memref<1000x64xf32, #tpu.memory_space<vmem>>[vector<16xi32>, vector<16xi32>], vector<16xf32>,
      %gather3A_707 = tpu.vector_load_idx %arg9[%gather3A_265, %broadcast_in_dim3A_704] : memref<1000x64xf32, #tpu.memory_space<vmem>>[vector<16xi32>, vector<16xi32>], vector<16xf32>,
      %mul3A_708 = arith.mulf %gather3A_705, %gather3A_706 : vector<16xf32>
      %add3A_709 = arith.addf %add3A_700, %mul3A_708 : vector<16xf32>
      %mul3A_710 = arith.mulf %gather3A_705, %gather3A_707 : vector<16xf32>
      %add3A_711 = arith.addf %add3A_702, %mul3A_710 : vector<16xf32>
      %broadcast_in_dim3A_712 = arith.constant 49 : i32
      %broadcast_in_dim3A_713 = vector.broadcast %broadcast_in_dim3A_712 : i32 to vector<16xi32>
      %gather3A_714 = tpu.vector_load_idx %arg8[%add3A_264, %broadcast_in_dim3A_713] : memref<512x64xf32, #tpu.memory_space<vmem>>[vector<16xi32>, vector<16xi32>], vector<16xf32>,
      %gather3A_715 = tpu.vector_load_idx %arg9[%gather3A, %broadcast_in_dim3A_713] : memref<1000x64xf32, #tpu.memory_space<vmem>>[vector<16xi32>, vector<16xi32>], vector<16xf32>,
      %gather3A_716 = tpu.vector_load_idx %arg9[%gather3A_265, %broadcast_in_dim3A_713] : memref<1000x64xf32, #tpu.memory_space<vmem>>[vector<16xi32>, vector<16xi32>], vector<16xf32>,
      %mul3A_717 = arith.mulf %gather3A_714, %gather3A_715 : vector<16xf32>
      %add3A_718 = arith.addf %add3A_709, %mul3A_717 : vector<16xf32>
      %mul3A_719 = arith.mulf %gather3A_714, %gather3A_716 : vector<16xf32>
      %add3A_720 = arith.addf %add3A_711, %mul3A_719 : vector<16xf32>
      %broadcast_in_dim3A_721 = arith.constant 50 : i32
      %broadcast_in_dim3A_722 = vector.broadcast %broadcast_in_dim3A_721 : i32 to vector<16xi32>
      %gather3A_723 = tpu.vector_load_idx %arg8[%add3A_264, %broadcast_in_dim3A_722] : memref<512x64xf32, #tpu.memory_space<vmem>>[vector<16xi32>, vector<16xi32>], vector<16xf32>,
      %gather3A_724 = tpu.vector_load_idx %arg9[%gather3A, %broadcast_in_dim3A_722] : memref<1000x64xf32, #tpu.memory_space<vmem>>[vector<16xi32>, vector<16xi32>], vector<16xf32>,
      %gather3A_725 = tpu.vector_load_idx %arg9[%gather3A_265, %broadcast_in_dim3A_722] : memref<1000x64xf32, #tpu.memory_space<vmem>>[vector<16xi32>, vector<16xi32>], vector<16xf32>,
      %mul3A_726 = arith.mulf %gather3A_723, %gather3A_724 : vector<16xf32>
      %add3A_727 = arith.addf %add3A_718, %mul3A_726 : vector<16xf32>
      %mul3A_728 = arith.mulf %gather3A_723, %gather3A_725 : vector<16xf32>
      %add3A_729 = arith.addf %add3A_720, %mul3A_728 : vector<16xf32>
      %broadcast_in_dim3A_730 = arith.constant 51 : i32
      %broadcast_in_dim3A_731 = vector.broadcast %broadcast_in_dim3A_730 : i32 to vector<16xi32>
      %gather3A_732 = tpu.vector_load_idx %arg8[%add3A_264, %broadcast_in_dim3A_731] : memref<512x64xf32, #tpu.memory_space<vmem>>[vector<16xi32>, vector<16xi32>], vector<16xf32>,
      %gather3A_733 = tpu.vector_load_idx %arg9[%gather3A, %broadcast_in_dim3A_731] : memref<1000x64xf32, #tpu.memory_space<vmem>>[vector<16xi32>, vector<16xi32>], vector<16xf32>,
      %gather3A_734 = tpu.vector_load_idx %arg9[%gather3A_265, %broadcast_in_dim3A_731] : memref<1000x64xf32, #tpu.memory_space<vmem>>[vector<16xi32>, vector<16xi32>], vector<16xf32>,
      %mul3A_735 = arith.mulf %gather3A_732, %gather3A_733 : vector<16xf32>
      %add3A_736 = arith.addf %add3A_727, %mul3A_735 : vector<16xf32>
      %mul3A_737 = arith.mulf %gather3A_732, %gather3A_734 : vector<16xf32>
      %add3A_738 = arith.addf %add3A_729, %mul3A_737 : vector<16xf32>
      %broadcast_in_dim3A_739 = arith.constant 52 : i32
      %broadcast_in_dim3A_740 = vector.broadcast %broadcast_in_dim3A_739 : i32 to vector<16xi32>
      %gather3A_741 = tpu.vector_load_idx %arg8[%add3A_264, %broadcast_in_dim3A_740] : memref<512x64xf32, #tpu.memory_space<vmem>>[vector<16xi32>, vector<16xi32>], vector<16xf32>,
      %gather3A_742 = tpu.vector_load_idx %arg9[%gather3A, %broadcast_in_dim3A_740] : memref<1000x64xf32, #tpu.memory_space<vmem>>[vector<16xi32>, vector<16xi32>], vector<16xf32>,
      %gather3A_743 = tpu.vector_load_idx %arg9[%gather3A_265, %broadcast_in_dim3A_740] : memref<1000x64xf32, #tpu.memory_space<vmem>>[vector<16xi32>, vector<16xi32>], vector<16xf32>,
      %mul3A_744 = arith.mulf %gather3A_741, %gather3A_742 : vector<16xf32>
      %add3A_745 = arith.addf %add3A_736, %mul3A_744 : vector<16xf32>
      %mul3A_746 = arith.mulf %gather3A_741, %gather3A_743 : vector<16xf32>
      %add3A_747 = arith.addf %add3A_738, %mul3A_746 : vector<16xf32>
      %broadcast_in_dim3A_748 = arith.constant 53 : i32
      %broadcast_in_dim3A_749 = vector.broadcast %broadcast_in_dim3A_748 : i32 to vector<16xi32>
      %gather3A_750 = tpu.vector_load_idx %arg8[%add3A_264, %broadcast_in_dim3A_749] : memref<512x64xf32, #tpu.memory_space<vmem>>[vector<16xi32>, vector<16xi32>], vector<16xf32>,
      %gather3A_751 = tpu.vector_load_idx %arg9[%gather3A, %broadcast_in_dim3A_749] : memref<1000x64xf32, #tpu.memory_space<vmem>>[vector<16xi32>, vector<16xi32>], vector<16xf32>,
      %gather3A_752 = tpu.vector_load_idx %arg9[%gather3A_265, %broadcast_in_dim3A_749] : memref<1000x64xf32, #tpu.memory_space<vmem>>[vector<16xi32>, vector<16xi32>], vector<16xf32>,
      %mul3A_753 = arith.mulf %gather3A_750, %gather3A_751 : vector<16xf32>
      %add3A_754 = arith.addf %add3A_745, %mul3A_753 : vector<16xf32>
      %mul3A_755 = arith.mulf %gather3A_750, %gather3A_752 : vector<16xf32>
      %add3A_756 = arith.addf %add3A_747, %mul3A_755 : vector<16xf32>
      %broadcast_in_dim3A_757 = arith.constant 54 : i32
      %broadcast_in_dim3A_758 = vector.broadcast %broadcast_in_dim3A_757 : i32 to vector<16xi32>
      %gather3A_759 = tpu.vector_load_idx %arg8[%add3A_264, %broadcast_in_dim3A_758] : memref<512x64xf32, #tpu.memory_space<vmem>>[vector<16xi32>, vector<16xi32>], vector<16xf32>,
      %gather3A_760 = tpu.vector_load_idx %arg9[%gather3A, %broadcast_in_dim3A_758] : memref<1000x64xf32, #tpu.memory_space<vmem>>[vector<16xi32>, vector<16xi32>], vector<16xf32>,
      %gather3A_761 = tpu.vector_load_idx %arg9[%gather3A_265, %broadcast_in_dim3A_758] : memref<1000x64xf32, #tpu.memory_space<vmem>>[vector<16xi32>, vector<16xi32>], vector<16xf32>,
      %mul3A_762 = arith.mulf %gather3A_759, %gather3A_760 : vector<16xf32>
      %add3A_763 = arith.addf %add3A_754, %mul3A_762 : vector<16xf32>
      %mul3A_764 = arith.mulf %gather3A_759, %gather3A_761 : vector<16xf32>
      %add3A_765 = arith.addf %add3A_756, %mul3A_764 : vector<16xf32>
      %broadcast_in_dim3A_766 = arith.constant 55 : i32
      %broadcast_in_dim3A_767 = vector.broadcast %broadcast_in_dim3A_766 : i32 to vector<16xi32>
      %gather3A_768 = tpu.vector_load_idx %arg8[%add3A_264, %broadcast_in_dim3A_767] : memref<512x64xf32, #tpu.memory_space<vmem>>[vector<16xi32>, vector<16xi32>], vector<16xf32>,
      %gather3A_769 = tpu.vector_load_idx %arg9[%gather3A, %broadcast_in_dim3A_767] : memref<1000x64xf32, #tpu.memory_space<vmem>>[vector<16xi32>, vector<16xi32>], vector<16xf32>,
      %gather3A_770 = tpu.vector_load_idx %arg9[%gather3A_265, %broadcast_in_dim3A_767] : memref<1000x64xf32, #tpu.memory_space<vmem>>[vector<16xi32>, vector<16xi32>], vector<16xf32>,
      %mul3A_771 = arith.mulf %gather3A_768, %gather3A_769 : vector<16xf32>
      %add3A_772 = arith.addf %add3A_763, %mul3A_771 : vector<16xf32>
      %mul3A_773 = arith.mulf %gather3A_768, %gather3A_770 : vector<16xf32>
      %add3A_774 = arith.addf %add3A_765, %mul3A_773 : vector<16xf32>
      %broadcast_in_dim3A_775 = arith.constant 56 : i32
      %broadcast_in_dim3A_776 = vector.broadcast %broadcast_in_dim3A_775 : i32 to vector<16xi32>
      %gather3A_777 = tpu.vector_load_idx %arg8[%add3A_264, %broadcast_in_dim3A_776] : memref<512x64xf32, #tpu.memory_space<vmem>>[vector<16xi32>, vector<16xi32>], vector<16xf32>,
      %gather3A_778 = tpu.vector_load_idx %arg9[%gather3A, %broadcast_in_dim3A_776] : memref<1000x64xf32, #tpu.memory_space<vmem>>[vector<16xi32>, vector<16xi32>], vector<16xf32>,
      %gather3A_779 = tpu.vector_load_idx %arg9[%gather3A_265, %broadcast_in_dim3A_776] : memref<1000x64xf32, #tpu.memory_space<vmem>>[vector<16xi32>, vector<16xi32>], vector<16xf32>,
      %mul3A_780 = arith.mulf %gather3A_777, %gather3A_778 : vector<16xf32>
      %add3A_781 = arith.addf %add3A_772, %mul3A_780 : vector<16xf32>
      %mul3A_782 = arith.mulf %gather3A_777, %gather3A_779 : vector<16xf32>
      %add3A_783 = arith.addf %add3A_774, %mul3A_782 : vector<16xf32>
      %broadcast_in_dim3A_784 = arith.constant 57 : i32
      %broadcast_in_dim3A_785 = vector.broadcast %broadcast_in_dim3A_784 : i32 to vector<16xi32>
      %gather3A_786 = tpu.vector_load_idx %arg8[%add3A_264, %broadcast_in_dim3A_785] : memref<512x64xf32, #tpu.memory_space<vmem>>[vector<16xi32>, vector<16xi32>], vector<16xf32>,
      %gather3A_787 = tpu.vector_load_idx %arg9[%gather3A, %broadcast_in_dim3A_785] : memref<1000x64xf32, #tpu.memory_space<vmem>>[vector<16xi32>, vector<16xi32>], vector<16xf32>,
      %gather3A_788 = tpu.vector_load_idx %arg9[%gather3A_265, %broadcast_in_dim3A_785] : memref<1000x64xf32, #tpu.memory_space<vmem>>[vector<16xi32>, vector<16xi32>], vector<16xf32>,
      %mul3A_789 = arith.mulf %gather3A_786, %gather3A_787 : vector<16xf32>
      %add3A_790 = arith.addf %add3A_781, %mul3A_789 : vector<16xf32>
      %mul3A_791 = arith.mulf %gather3A_786, %gather3A_788 : vector<16xf32>
      %add3A_792 = arith.addf %add3A_783, %mul3A_791 : vector<16xf32>
      %broadcast_in_dim3A_793 = arith.constant 58 : i32
      %broadcast_in_dim3A_794 = vector.broadcast %broadcast_in_dim3A_793 : i32 to vector<16xi32>
      %gather3A_795 = tpu.vector_load_idx %arg8[%add3A_264, %broadcast_in_dim3A_794] : memref<512x64xf32, #tpu.memory_space<vmem>>[vector<16xi32>, vector<16xi32>], vector<16xf32>,
      %gather3A_796 = tpu.vector_load_idx %arg9[%gather3A, %broadcast_in_dim3A_794] : memref<1000x64xf32, #tpu.memory_space<vmem>>[vector<16xi32>, vector<16xi32>], vector<16xf32>,
      %gather3A_797 = tpu.vector_load_idx %arg9[%gather3A_265, %broadcast_in_dim3A_794] : memref<1000x64xf32, #tpu.memory_space<vmem>>[vector<16xi32>, vector<16xi32>], vector<16xf32>,
      %mul3A_798 = arith.mulf %gather3A_795, %gather3A_796 : vector<16xf32>
      %add3A_799 = arith.addf %add3A_790, %mul3A_798 : vector<16xf32>
      %mul3A_800 = arith.mulf %gather3A_795, %gather3A_797 : vector<16xf32>
      %add3A_801 = arith.addf %add3A_792, %mul3A_800 : vector<16xf32>
      %broadcast_in_dim3A_802 = arith.constant 59 : i32
      %broadcast_in_dim3A_803 = vector.broadcast %broadcast_in_dim3A_802 : i32 to vector<16xi32>
      %gather3A_804 = tpu.vector_load_idx %arg8[%add3A_264, %broadcast_in_dim3A_803] : memref<512x64xf32, #tpu.memory_space<vmem>>[vector<16xi32>, vector<16xi32>], vector<16xf32>,
      %gather3A_805 = tpu.vector_load_idx %arg9[%gather3A, %broadcast_in_dim3A_803] : memref<1000x64xf32, #tpu.memory_space<vmem>>[vector<16xi32>, vector<16xi32>], vector<16xf32>,
      %gather3A_806 = tpu.vector_load_idx %arg9[%gather3A_265, %broadcast_in_dim3A_803] : memref<1000x64xf32, #tpu.memory_space<vmem>>[vector<16xi32>, vector<16xi32>], vector<16xf32>,
      %mul3A_807 = arith.mulf %gather3A_804, %gather3A_805 : vector<16xf32>
      %add3A_808 = arith.addf %add3A_799, %mul3A_807 : vector<16xf32>
      %mul3A_809 = arith.mulf %gather3A_804, %gather3A_806 : vector<16xf32>
      %add3A_810 = arith.addf %add3A_801, %mul3A_809 : vector<16xf32>
      %broadcast_in_dim3A_811 = arith.constant 60 : i32
      %broadcast_in_dim3A_812 = vector.broadcast %broadcast_in_dim3A_811 : i32 to vector<16xi32>
      %gather3A_813 = tpu.vector_load_idx %arg8[%add3A_264, %broadcast_in_dim3A_812] : memref<512x64xf32, #tpu.memory_space<vmem>>[vector<16xi32>, vector<16xi32>], vector<16xf32>,
      %gather3A_814 = tpu.vector_load_idx %arg9[%gather3A, %broadcast_in_dim3A_812] : memref<1000x64xf32, #tpu.memory_space<vmem>>[vector<16xi32>, vector<16xi32>], vector<16xf32>,
      %gather3A_815 = tpu.vector_load_idx %arg9[%gather3A_265, %broadcast_in_dim3A_812] : memref<1000x64xf32, #tpu.memory_space<vmem>>[vector<16xi32>, vector<16xi32>], vector<16xf32>,
      %mul3A_816 = arith.mulf %gather3A_813, %gather3A_814 : vector<16xf32>
      %add3A_817 = arith.addf %add3A_808, %mul3A_816 : vector<16xf32>
      %mul3A_818 = arith.mulf %gather3A_813, %gather3A_815 : vector<16xf32>
      %add3A_819 = arith.addf %add3A_810, %mul3A_818 : vector<16xf32>
      %broadcast_in_dim3A_820 = arith.constant 61 : i32
      %broadcast_in_dim3A_821 = vector.broadcast %broadcast_in_dim3A_820 : i32 to vector<16xi32>
      %gather3A_822 = tpu.vector_load_idx %arg8[%add3A_264, %broadcast_in_dim3A_821] : memref<512x64xf32, #tpu.memory_space<vmem>>[vector<16xi32>, vector<16xi32>], vector<16xf32>,
      %gather3A_823 = tpu.vector_load_idx %arg9[%gather3A, %broadcast_in_dim3A_821] : memref<1000x64xf32, #tpu.memory_space<vmem>>[vector<16xi32>, vector<16xi32>], vector<16xf32>,
      %gather3A_824 = tpu.vector_load_idx %arg9[%gather3A_265, %broadcast_in_dim3A_821] : memref<1000x64xf32, #tpu.memory_space<vmem>>[vector<16xi32>, vector<16xi32>], vector<16xf32>,
      %mul3A_825 = arith.mulf %gather3A_822, %gather3A_823 : vector<16xf32>
      %add3A_826 = arith.addf %add3A_817, %mul3A_825 : vector<16xf32>
      %mul3A_827 = arith.mulf %gather3A_822, %gather3A_824 : vector<16xf32>
      %add3A_828 = arith.addf %add3A_819, %mul3A_827 : vector<16xf32>
      %broadcast_in_dim3A_829 = arith.constant 62 : i32
      %broadcast_in_dim3A_830 = vector.broadcast %broadcast_in_dim3A_829 : i32 to vector<16xi32>
      %gather3A_831 = tpu.vector_load_idx %arg8[%add3A_264, %broadcast_in_dim3A_830] : memref<512x64xf32, #tpu.memory_space<vmem>>[vector<16xi32>, vector<16xi32>], vector<16xf32>,
      %gather3A_832 = tpu.vector_load_idx %arg9[%gather3A, %broadcast_in_dim3A_830] : memref<1000x64xf32, #tpu.memory_space<vmem>>[vector<16xi32>, vector<16xi32>], vector<16xf32>,
      %gather3A_833 = tpu.vector_load_idx %arg9[%gather3A_265, %broadcast_in_dim3A_830] : memref<1000x64xf32, #tpu.memory_space<vmem>>[vector<16xi32>, vector<16xi32>], vector<16xf32>,
      %mul3A_834 = arith.mulf %gather3A_831, %gather3A_832 : vector<16xf32>
      %add3A_835 = arith.addf %add3A_826, %mul3A_834 : vector<16xf32>
      %mul3A_836 = arith.mulf %gather3A_831, %gather3A_833 : vector<16xf32>
      %add3A_837 = arith.addf %add3A_828, %mul3A_836 : vector<16xf32>
      %broadcast_in_dim3A_838 = arith.constant 63 : i32
      %broadcast_in_dim3A_839 = vector.broadcast %broadcast_in_dim3A_838 : i32 to vector<16xi32>
      %gather3A_840 = tpu.vector_load_idx %arg8[%add3A_264, %broadcast_in_dim3A_839] : memref<512x64xf32, #tpu.memory_space<vmem>>[vector<16xi32>, vector<16xi32>], vector<16xf32>,
      %gather3A_841 = tpu.vector_load_idx %arg9[%gather3A, %broadcast_in_dim3A_839] : memref<1000x64xf32, #tpu.memory_space<vmem>>[vector<16xi32>, vector<16xi32>], vector<16xf32>,
      %gather3A_842 = tpu.vector_load_idx %arg9[%gather3A_265, %broadcast_in_dim3A_839] : memref<1000x64xf32, #tpu.memory_space<vmem>>[vector<16xi32>, vector<16xi32>], vector<16xf32>,
      %mul3A_843 = arith.mulf %gather3A_840, %gather3A_841 : vector<16xf32>
      %add3A_844 = arith.addf %add3A_835, %mul3A_843 : vector<16xf32>
      %mul3A_845 = arith.mulf %gather3A_840, %gather3A_842 : vector<16xf32>
      %add3A_846 = arith.addf %add3A_837, %mul3A_845 : vector<16xf32>
      %add3A_847 = arith.addf %add3A_844, %add3A_846 : vector<16xf32>
      %mul3A_848 = arith.constant 5.000000e-01 : f32
      %mul3A_849 = vector.broadcast %mul3A_848 : f32 to vector<16xf32>
      %mul3A_850 = arith.mulf %mul3A_849, %add3A_847 : vector<16xf32>
      %add3A_851 = arith.addf %gather3A_266, %mul3A_850 : vector<16xf32>
      %broadcast_in_dim3A_852 = arith.constant 0 : i32
      %broadcast_in_dim3A_853 = vector.broadcast %broadcast_in_dim3A_852 : i32 to vector<16xi32>
      tpu.vector_store_idx %arg12[%add3A_264, %broadcast_in_dim3A_853], %add3A_851 : memref<512x3xf32, #tpu.memory_space<vmem>>[vector<16xi32>, vector<16xi32>], vector<16xf32>,
      %add3A_854 = arith.constant 1 : i32
      %add3A_855 = vector.broadcast %add3A_854 : i32 to vector<16xi32>
      %add3A_856 = arith.addi %broadcast_in_dim3A_853, %add3A_855 : vector<16xi32>
      tpu.vector_store_idx %arg12[%add3A_264, %add3A_856], %add3A_844 : memref<512x3xf32, #tpu.memory_space<vmem>>[vector<16xi32>, vector<16xi32>], vector<16xf32>,
      %add3A_857 = arith.constant 2 : i32
      %add3A_858 = vector.broadcast %add3A_857 : i32 to vector<16xi32>
      %add3A_859 = arith.addi %broadcast_in_dim3A_853, %add3A_858 : vector<16xi32>
      tpu.vector_store_idx %arg12[%add3A_264, %add3A_859], %add3A_846 : memref<512x3xf32, #tpu.memory_space<vmem>>[vector<16xi32>, vector<16xi32>], vector<16xf32>,
    }
    %scan3A_250 = arith.constant 8 : i32
    "tpu.region"() ({
      %run_scoped3A = tpu.sem_alloc : memref<!tpu.dma_semaphore, #tpu.memory_space<semaphore_mem>>
      %dma_start3A_251 = arith.constant 0 : i32
      %dma_start3A_252 = tpu.memref_slice %arg6[%mul3A_2, %dma_start3A_251] : memref<16384x3xf32, #tpu.memory_space<hbm>> -> memref<512x3xf32, #tpu.memory_space<hbm>>
      %dma_start3A_253 = arith.constant 0 : i32
      %dma_start3A_254 = tpu.memref_slice %arg6[%mul3A_2, %dma_start3A_253] : memref<16384x3xf32, #tpu.memory_space<hbm>> -> memref<512x3xf32, #tpu.memory_space<hbm>>
      tpu.enqueue_dma source(%arg12 : memref<512x3xf32, #tpu.memory_space<vmem>>) target(%dma_start3A_254 : memref<512x3xf32, #tpu.memory_space<hbm>>) target_semaphore(%run_scoped3A : memref<!tpu.dma_semaphore, #tpu.memory_space<semaphore_mem>>)
      %dma_wait3A_255 = arith.constant 0 : i32
      %dma_wait3A_256 = tpu.memref_slice %arg6[%mul3A_2, %dma_wait3A_255] : memref<16384x3xf32, #tpu.memory_space<hbm>> -> memref<512x3xf32, #tpu.memory_space<hbm>>
      %dma_wait3A_257 = arith.constant 0 : i32
      %dma_wait3A_258 = tpu.memref_slice %arg6[%mul3A_2, %dma_wait3A_257] : memref<16384x3xf32, #tpu.memory_space<hbm>> -> memref<512x3xf32, #tpu.memory_space<hbm>>
      tpu.wait_dma2 semaphore(%run_scoped3A : memref<!tpu.dma_semaphore, #tpu.memory_space<semaphore_mem>>) src(%arg12 : memref<512x3xf32, #tpu.memory_space<vmem>>) dst(%dma_wait3A_258 : memref<512x3xf32, #tpu.memory_space<hbm>>)
      tpu.yield
    }) : () -> ()
    return
  }
}

</mosaic_0001>

<sc_bundles>
// kernel: kernel.3.cloned.1.call-start
scs
__scs_entry_jumppad:
0x0: {  	(pc) =	sbr.rel $0x88, $3  }
0x1: {  	(tag) =	ssettag $0x0;
	lr =	simm.s32 $0x1  }
0x2: {  	[smem:$0x3F9A] =	sst lr;
	_ =	strace $0xD0000000  }
0x3: {  	_ = 	snop  }
0x4: {  	_ = 	snop  }
0x5: {  	_ = 	snop  }
0x6: {  	_ = 	snop  }
0x7: {  	_ = 	snop  }
__scs_overlays_trampoline_lowered:
0x8: {  	[smem:$0x3FA9] =	sst s0  }
0x9: {  	[smem:$0x3FAA] =	sst s1  }
0xa: {  	[smem:$0x3FAB] =	sst s2  }
0xb: {  	[smem:$0x3FAC] =	sst s3  }
0xc: {  	[smem:$0x3FAD] =	sst s4  }
0xd: {  	[smem:$0x3FAE] =	sst s5  }
0xe: {  	[smem:$0x3FAF] =	sst s6  }
0xf: {  	[smem:$0x3FB0] =	sst s7  }
0x10: {  	[smem:$0x3FB1] =	sst s8  }
0x11: {  	[smem:$0x3FB2] =	sst s9;
	s0 =	simm.s32 @!p0 $0x0  }
0x12: {  	s1 =	sld [smem:$0x3F98];
	s0 =	simm.s32 @p0 $0x1  }
0x13: {  	[smem:$0x3FB3] =	sst s0;
	s0 =	simm.s32 @!p1 $0x0  }
0x14: {  	s2 =	sld [smem:$0x3F97];
	s0 =	simm.s32 @p1 $0x1  }
0x15: {  	[smem:$0x3FB4] =	sst s0;
	s0 =	simm.s32 @!p2 $0x0  }
0x16: {  	s3 =	sld [smem:$0x3FDB];
	s0 =	simm.s32 @p2 $0x1  }
0x17: {  	s4 =	simm.s32 $0x1BF5;
	[smem:$0x3FB6] =	sst s0  }
0x18: {  	s0 =	sld [smem:$0x3F99];
	_ =	swait.ge [sflag:s4], $0x0  }
0x19: {  	s7 =	sld [smem:$0x3F9A]  }
0x1a: {  	s8 =	sadd.s32 $0xFFFFE003, lr  }
0x1b: {  	s9 =	sadd.s32 $0xFFFFFEF7, lr;
	s5 =	simm.s32 $0xFFFFFFFF;
	p2 =	slt.u32 s8, $0xFFFFF086  }
0x1c: {  	p1 =	slt.u32 s9, $0xF7A;
	s5 =	simm.s32 @!p2 $0x0  }
0x1d: {  	s5 =	simm.s32 @p1 $0x1;
	p0 =	seq.s32 s7, s2  }
0x1e: {  	s7 =	smul.u32 @!p0 $0xF7A, s2;
	p2 =	seq.s32 @!p0 s5, $0x0  }
0x1f: {  	s9 =	smul.u32 $0xF7A, s1;
	s8 =	simm.s32 @!p0 $0x1BF5;
	p2 =	por !p2, p0  }
0x20: {  	[sflag:s8] =	ssyncset.s32 @!p0 $0xFFFFF086;
	s6 =	sadd.s32 @!p0 s3, s7;
	s7 =	simm.s32 @!p0 $0x108  }
0x21: {  	s3 =	sadd.s32 s3, s9;
	s6 =	sadd.s32 @!p0 $0x88, s6;
	s7 =	simm.s32 @p2 $0x1082  }
0x22: {  	[simem:s7], [sflag:s8] =	dma.local @!p0 [hbm:s6], $0xF7A  }
0x23: {  	s9 =	sor.u32 $0xD0000000, s2;
	s6 =	simm.s32 $0x108;
	_ =	swait.ge @!p0 [sflag:s8], $0x0  }
0x24: {  	s3 =	sadd.s32 $0x88, s3;
	s6 =	simm.s32 @!p1 $0x1082;
	[sflag:s4] =	ssyncset.s32 $0xFFFFF086  }
0x25: {  	[simem:s6], [sflag:s4] =	dma.local [hbm:s3], $0xF7A  }
0x26: {  	[smem:$0x3F9A] =	sst s1;
	(tag) =	ssettag s2;
	_ =	strace s9  }
0x27: {  	s1 =	sld [smem:$0x3FAA]  }
0x28: {  	s2 =	sld [smem:$0x3FAB]  }
0x29: {  	s4 =	sld [smem:$0x3FAD]  }
0x2a: {  	p0 =	seq.s32 s5, $0x0;
	s5 =	sld [smem:$0x3FAE]  }
0x2b: {  	s6 =	sld [smem:$0x3FAF]  }
0x2c: {  	s7 =	sld [smem:$0x3FB0]  }
0x2d: {  	s3 =	simm.s32 $0x108;
	s8 =	sld [smem:$0x3FB1]  }
0x2e: {  	s3 =	simm.s32 @!p0 $0x1082;
	s9 =	sld [smem:$0x3FB2]  }
0x2f: {  	lr =	sadd.s32 s0, s3;
	s0 =	sld [smem:$0x3FA9]  }
0x30: {  	s3 =	sld [smem:$0x3FAC]  }
0x31: {  	[smem:$0x3FB5] =	sst s10  }
0x32: {  	s10 =	sld [smem:$0x3FB3];
	_ =	sdelay $0x3  }
0x33: {  	p0 =	seq.s32 s10, $0x1;
	s10 =	sld [smem:$0x3FB5];
	_ =	sdelay $0x3  }
0x34: {  	[smem:$0x3FB5] =	sst s10  }
0x35: {  	s10 =	sld [smem:$0x3FB4];
	_ =	sdelay $0x3  }
0x36: {  	p1 =	seq.s32 s10, $0x1;
	s10 =	sld [smem:$0x3FB5];
	_ =	sdelay $0x3  }
0x37: {  	[smem:$0x3FB5] =	sst s10  }
0x38: {  	s10 =	sld [smem:$0x3FB6]  }
0x39: {  	_ = 	snop;
	(pc) =	sbr.ind lr, $3  }
0x3a: {  	_ = 	snop  }
0x3b: {  	_ = 	snop  }
0x3c: {  	p2 =	seq.s32 s10, $0x1;
	s10 =	sld [smem:$0x3FB5]  }
0x3d: {  	_ =	shalt  }
0x3e: {  	_ =	shalt  }
0x3f: {  	_ =	shalt  }
0x40: {  	_ =	shalt  }
0x41: {  	_ =	shalt  }
0x42: {  	_ =	shalt  }
0x43: {  	_ =	shalt  }
0x44: {  	_ =	shalt  }
0x45: {  	_ =	shalt  }
0x46: {  	_ =	shalt  }
0x47: {  	_ =	shalt  }
0x48: {  	_ =	shalt  }
0x49: {  	_ =	shalt  }
0x4a: {  	_ =	shalt  }
0x4b: {  	_ =	shalt  }
0x4c: {  	_ =	shalt  }
0x4d: {  	_ =	shalt  }
0x4e: {  	_ =	shalt  }
0x4f: {  	_ =	shalt  }
0x50: {  	_ =	shalt  }
0x51: {  	_ =	shalt  }
0x52: {  	_ =	shalt  }
0x53: {  	_ =	shalt  }
0x54: {  	_ =	shalt  }
0x55: {  	_ =	shalt  }
0x56: {  	_ =	shalt  }
0x57: {  	_ =	shalt  }
0x58: {  	_ =	shalt  }
0x59: {  	_ =	shalt  }
0x5a: {  	_ =	shalt  }
0x5b: {  	_ =	shalt  }
0x5c: {  	_ =	shalt  }
0x5d: {  	_ =	shalt  }
0x5e: {  	_ =	shalt  }
0x5f: {  	_ =	shalt  }
0x60: {  	_ =	shalt  }
0x61: {  	_ =	shalt  }
0x62: {  	_ =	shalt  }
0x63: {  	_ =	shalt  }
0x64: {  	_ =	shalt  }
0x65: {  	_ =	shalt  }
0x66: {  	_ =	shalt  }
0x67: {  	_ =	shalt  }
0x68: {  	_ =	shalt  }
0x69: {  	_ =	shalt  }
0x6a: {  	_ =	shalt  }
0x6b: {  	_ =	shalt  }
0x6c: {  	_ =	shalt  }
0x6d: {  	_ =	shalt  }
0x6e: {  	_ =	shalt  }
0x6f: {  	_ =	shalt  }
0x70: {  	_ =	shalt  }
0x71: {  	_ =	shalt  }
0x72: {  	_ =	shalt  }
0x73: {  	_ =	shalt  }
0x74: {  	_ =	shalt  }
0x75: {  	_ =	shalt  }
0x76: {  	_ =	shalt  }
0x77: {  	_ =	shalt  }
0x78: {  	_ =	shalt  }
0x79: {  	_ =	shalt  }
0x7a: {  	_ =	shalt  }
0x7b: {  	_ =	shalt  }
0x7c: {  	_ =	shalt  }
0x7d: {  	_ =	shalt  }
0x7e: {  	_ =	shalt  }
0x7f: {  	_ =	shalt  }
0x80: {  	_ =	shalt  }
0x81: {  	_ =	shalt  }
0x82: {  	_ =	shalt  }
0x83: {  	_ =	shalt  }
0x84: {  	_ =	shalt  }
0x85: {  	_ =	shalt  }
0x86: {  	_ =	shalt  }
0x87: {  	_ =	shalt  }
.Lfunc_end0:
.L_simem_size_0:
called_computation_lowered:
.L_overlay_start_0:
0x88: {  	s2 =	sld [smem:$0x3FD9]  }
0x89: {  	s3 =	sld [smem:$0x3FFE];
	_ =	sdelay $0x1  }
0x8a: {  	s1 =	srdreg.scid  }
0x8b: {  	s0 =	sand.u32 $0x1, s1  }
0x8c: {  	s17 =	sshll.u32 s0, $0xA;
	s2 =	sadd.s32 s3, s2  }
0x8d: {  	s2 =	sadd.s32 s2, s17  }
0x8e: {  	[smem:$0x3FC1] =	sst s2  }
0x8f: {  	_ = 	snop  }
0x90: {  	s2 =	sld [smem:$0x3FD0];
	(tm) =	ssettm $0x1  }
0x91: {  	s18 =	sld [smem:$0x3FFB];
	_ =	sdelay $0x3  }
0x92: {  	_ =	strace s18  }
0x93: {  	s3 =	sld [smem:$0x3FFC];
	_ =	sdelay $0x3  }
0x94: {  	_ =	strace s3  }
0x95: {  	s3 =	sld [smem:$0x3FFD];
	_ =	sdelay $0x3  }
0x96: {  	_ =	strace s3  }
0x97: {  	_ =	strace $0x8FFFFFFF  }
0x98: {  	s19 =	sld [smem:$0x3FDB];
	_ =	sdelay $0x1  }
0x99: {  	s4 =	simm.s32 $_scs_section_size  }
0x9a: {  	s5 =	simm.s32 $_size__tile_overlayer_lowered;
	s6 =	simm.s32 $_tile_overlayer_lowered  }
0x9b: {  	s22 =	simm.s32 $0x1BFF;
	s21 =	sshll.u32 s6, $0x1;
	s3 =	sadd.s32 s4, s19  }
0x9c: {  	s7 =	simm.s32 $0x0;
	s20 =	sshll.u32 s5, $0x1;
	s5 =	sadd.s32 s21, s3  }
0x9d: {  	[timem:s7], [sflag:s22] =	dma.local [hbm:s5], s20  }
0x9e: {  	_ =	swait.ge [sflag:s22], s20  }
0x9f: {  	s4 =	ssub.s32 $0x0, s20;
	[sflag:s22] =	ssyncset.done $0x0  }
0xa0: {  	[sflag:s22] =	ssyncadd.s32 s4;
	_ =	sdelay $0x1  }
0xa1: {  	s23 =	simm.s32 $0x1B8B  }
0xa2: {  	_ =	swait.ge [sflag:s23], $0x1  }
0xa3: {  	[sflag:s23] =	ssyncset.done $0x0  }
0xa4: {  	s25 =	simm.s32 $0x1B8E;
	s24 =	sld [smem:$0x3FFE];
	[sflag:s23] =	ssyncadd.s32 $0xFFFFFFFF  }
0xa5: {  	s26 =	simm.s32 $execute0_lowered;
	[smem:$0x3FD2] =	sst s25  }
0xa6: {  	s5 =	sshll.u32 s26, $0x1;
	_ =	strace $0x80000046;
	[dreg:$0x1] =	wrdreg $0xFFFFFFFF  }
0xa7: {  	s28 =	simm.s32 $_size_execute0_lowered;
	s3 =	sadd.s32 s3, s5;
	[dreg:$0x0] =	wrdreg $0x0  }
0xa8: {  	s5 =	sshll.u32 s28, $0x1;
	[dreg:$0x2] =	wrdreg s3  }
0xa9: {  	[dreg:$0x3] =	wrdreg s5  }
0xaa: {  	[dreg:$0x4] =	wrdreg $0xC0  }
0xab: {  	_ =	task [dreg:s7], $0x5FFFF  }
0xac: {  	[dreg:$0x1] =	wrdreg $0xFFFFFFFF  }
0xad: {  	[dreg:$0x0] =	wrdreg $0x60  }
0xae: {  	[dreg:$0x2] =	wrdreg s24  }
0xaf: {  	[dreg:$0x3] =	wrdreg s2  }
0xb0: {  	[dreg:$0x4] =	wrdreg $0x180000  }
0xb1: {  	[dreg:$0x5] =	wrdreg $0x9  }
0xb2: {  	_ =	task.clear_ibuf [dreg:s7], $0x6FFFF;
	_ =	strace $0x90000046  }
0xb3: {  	s29 =	simm.s32 $0x9;
	_ =	strace $0x80000048  }
0xb4: {  	_ =	swait.ge [sflag:s29], $0x1  }
0xb5: {  	[sflag:s29] =	ssyncadd.s32 $0xFFFFFFFF  }
0xb6: {  	_ =	strace $0x90000048  }
0xb7: {  	_ =	sfence  }
0xb8: {  	s30 =	sld [smem:$0x0];
	_ =	sdelay $0x2  }
0xb9: {  	s31 =	sshll.u32 s1, $0xD;
	s1 =	sshrl.u32 s1, $0x2  }
0xba: {  	s3 =	sand.u32 $0x4000, s31;
	s1 =	sadd.s32 s1, s30  }
0xbb: {  	s0 =	sor.u32 s3, s0;
	s1 =	sshll.u32 s1, $0x11  }
0xbc: {  	s0 =	sor.u32 s1, s0  }
0xbd: {  	s0 =	sadd.s32 $0x8F2B, s0  }
0xbe: {  	[sflag:s0] =	ssyncadd.remote.s32 $0x1  }
0xbf: {  	_ =	sfence.sel $0xFFFF  }
0xc0: {  	[dreg:$0x0] =	wrdreg $0xFFFFFFFF;
	(pc) =	sbr.abs _section_cstart, $3  }
0xc1: {  	[dreg:$0x1] =	wrdreg $0xFFFFFFFF  }
0xc2: {  	_ =	task.clear_ibuf [dreg:s7], $0x2FFFF;
	_ =	strace $0x9FFFFFFF  }
0xc3: {  	(tm) =	ssettm $0x7FFFFFFF  }
tec
execute0_lowered:
.L_overlay_start_1:
0x0: {  	(tag) =	ssettag $0x1  }
0x1: {  	s6 =	rddreg [dreg:$0x0]  }
0x2: {  	s0 =	rddreg [dreg:$0x1]  }
0x3: {  	s1 =	srdreg.scid;
	s9 =	stileid.u32  }
0x4: {  	s2 =	rddreg [dreg:$0x2];
	s3 =	simm.s32 $0x0;
	s12 =	simm.s32 $0x600  }
0x5: {  	s13 =	simm.s32 $0x18FA0;
	s14 =	simm.s32 $0x180;
	s15 =	simm.s32 $0x2600  }
0x6: {  	s16 =	simm.s32 $0x19020;
	s17 =	simm.s32 $0x300;
	s18 =	simm.s32 $0x4600  }
0x7: {  	s19 =	simm.s32 $0x190A0;
	s20 =	simm.s32 $0x480;
	s21 =	simm.s32 $0x6600  }
0x8: {  	s22 =	simm.s32 $0x19120;
	s23 =	simm.s32 $0x8600;
	s24 =	simm.s32 $0x1  }
0x9: {  	s25 =	simm.s32 $0x191A0;
	s26 =	simm.s32 $0x2;
	s28 =	simm.s32 $0x3  }
0xa: {  	s29 =	simm.s32 $0x4;
	s5 =	sand.u32 $0x1, s1;
	s1 =	rddreg [dreg:$0x3]  }
0xb: {  	s30 =	simm.s32 $0x0;
	s4 =	sshll.u32 s9, $0x1;
	[smem:$0x7FF] =	sst s3  }
0xc: {  	v2 =	vlaneseq.u32;
	p0 =	sne.s32 s9, $0x0;
	s7 =	sor.u32 s5, s4;
	_ =	strace $0x80000047  }
0xd: {  	v0 =	vand.u32 $0x7, v2;
	s10 =	ssub.s32 $0x2, s5;
	s5 =	sadd.s32 $0x2400, s6;
	s9 =	sshrl.u32 @!p0 s2, $0x3  }
0xe: {  	v1 =	vor.u32 $0x80, v0;
	s4 =	smul.u32 $0xC0, s7;
	s7 =	sshll.u32 s7, $0x9;
	s11 =	sshrl.u32 s10, $0x1  }
0xf: {  	v0 =	vor.u32 $0x100, v0;
	[tilespmem:$0x1FFD0] =	vst v1;
	s7 =	sadd.s32 s7, s6;
	s10 =	ssub.s32 s10, s11;
	s11 =	simm.s32 $0x80  }
0x10: {  	[tilespmem:$0x1FFE0] =	vst v0;
	v0 =	vor.u32 $0xFFFFFFF8, v2;
	s8 =	sadd.s32 s4, s6;
	s4 =	sadd.s32 $0x187600, s6;
	s7 =	sadd.s32 $0x5600, s7  }
0x11: {  	[tilespmem:$0x1FFF0] =	vst v0;
	s6 =	sadd.s32 $0xC00, s8;
	s8 =	smax.u32 s10, $0x1;
	s10 =	simm.s32 $0x5  }
.LBB2_1:
0x12: {  	s31 =	simm.s32 @!p0 $0x1C05  }
0x13: {  	[spmem:s9], [sflag:s31] =	dma.local @!p0 [hbm:s0], $0x1F40  }
0x14: {  	s31 =	simm.s32 @!p0 $0x5  }
0x15: {  	_ =	swait.ge @!p0 [sflag:s31], $0x1F40  }
0x16: {  	[sflag:s31] =	ssyncset.done @!p0 $0x0  }
0x17: {  	[sflag:s31] =	ssyncadd.s32 @!p0 $0xFFFFE0C0  }
0x18: {  	[tilespmem:s3], [sflag:$0x5] =	stream.linear.gather [hbm4b:s6+s3], $0x600, $0x38;
	[tilespmem:$0x1A1A0] =	vst v63  }
0x19: {  	_ =	swait.ge [sflag:s10], $0x600  }
0x1a: {  	[sflag:s10] =	ssyncset.done $0x0  }
0x1b: {  	[sflag:s10] =	ssyncadd.s32 $0xFFFFFA00  }
0x1c: {  	[tilespmem:s12], [sflag:$0x1] =	stream.indirect.gather [hbm4b:s4+s11], $0x40, s3, s11, $0xb8;
	[tilespmem:$0x1A1A0] =	vst v63  }
0x1d: {  	_ = 	snop  }
0x1e: {  	[tilespmem:s13], [sflag:$0x1] =	stream.indirect.gather [hbm4b:s5+s11], $0x1, s3, s11, $0xb8;
	[tilespmem:$0x1A1A0] =	vst v63  }
0x1f: {  	_ = 	snop  }
0x20: {  	[tilespmem:s15], [sflag:$0x2] =	stream.indirect.gather [hbm4b:s4+s11], $0x40, s14, s11, $0xb8;
	[tilespmem:$0x1A1A0] =	vst v63  }
0x21: {  	_ = 	snop  }
0x22: {  	[tilespmem:s16], [sflag:$0x2] =	stream.indirect.gather [hbm4b:s5+s11], $0x1, s14, s11, $0xb8;
	[tilespmem:$0x1A1A0] =	vst v63  }
0x23: {  	_ = 	snop  }
0x24: {  	[tilespmem:s18], [sflag:$0x3] =	stream.indirect.gather [hbm4b:s4+s11], $0x40, s17, s11, $0xb8;
	[tilespmem:$0x1A1A0] =	vst v63  }
0x25: {  	_ = 	snop  }
0x26: {  	[tilespmem:s19], [sflag:$0x3] =	stream.indirect.gather [hbm4b:s5+s11], $0x1, s17, s11, $0xb8;
	[tilespmem:$0x1A1A0] =	vst v63  }
0x27: {  	_ = 	snop  }
0x28: {  	[tilespmem:s21], [sflag:$0x4] =	stream.indirect.gather [hbm4b:s4+s11], $0x40, s20, s11, $0xb8;
	[tilespmem:$0x1A1A0] =	vst v63  }
0x29: {  	_ = 	snop  }
0x2a: {  	[tilespmem:s22], [sflag:$0x4] =	stream.indirect.gather [hbm4b:s5+s11], $0x1, s20, s11, $0xb8;
	[tilespmem:$0x1A1A0] =	vst v63  }
0x2b: {  	[bflag:$0x0] =	sbarrier.arrive $0xFFFF  }
0x2c: {  	[tilespmem:s23], [sflag:$0x5] =	stream.linear.gather [spmem:s2], $0xFA00, $0x38;
	[tilespmem:$0x1A1A0] =	vst v63  }
0x2d: {  	_ =	swait.ge [sflag:s10], $0xFA00  }
0x2e: {  	[sflag:s10] =	ssyncset.done $0x0  }
0x2f: {  	[sflag:s10] =	ssyncadd.s32 $0xFFFF0600  }
0x30: {  	_ =	swait.ge [sflag:s24], $0x2000  }
0x31: {  	[sflag:s24] =	ssyncset.done $0x0  }
0x32: {  	[sflag:s24] =	ssyncadd.s32 $0xFFFFE000  }
0x33: {  	_ =	swait.ge [sflag:s24], $0x80  }
0x34: {  	[sflag:s24] =	ssyncset.done $0x0  }
0x35: {  	s31 =	simm.s32 $0x0;
	[sflag:s24] =	ssyncadd.s32 $0xFFFFFF80  }
.LBB2_2:
0x36: {  	v1 =	vld [tilespmem:$0x1FFD0];
	_ =	sdelay $0x1  }
0x37: {  	v3 =	vor.u32 s31, v2;
	v2 =	vld [tilespmem:$0x1FFE0];
	_ =	sdelay $0x1  }
0x38: {  	v0 =	vand.u32 $0x78, v3  }
0x39: {  	v1 =	vor.u32 v1, v0;
	_ =	sdelay $0x1  }
0x3a: {  	v0 =	vor.u32 v2, v0;
	_ =	sdelay $0x2  }
0x3b: {  	v7 =	vshll.u32 v3, $0x6;
	v1 =	vld.idx.msk [tilespmem:v1+s3+$0x0], $0xffff  }
0x3c: {  	v4 =	vor.u32 $0x2, v7  }
0x3d: {  	v0 =	vld.idx.msk [tilespmem:v0+s3+$0x0], $0xffff;
	_ =	sdelay $0x2  }
0x3e: {  	v6 =	vshll.u32 v1, $0x6  }
0x3f: {  	v22 =	vld.idx.msk [tilespmem:v4+s12+$0x0], $0xffff;
	v4 =	vor.u32 $0xA, v6  }
0x40: {  	v19 =	vor.u32 $0xB, v7;
	v5 =	vshll.u32 v0, $0x6  }
0x41: {  	v37 =	vor.u32 $0x5, v5  }
0x42: {  	v55 =	vor.u32 $0x8, v5  }
0x43: {  	v51 =	vor.u32 $0xD, v6  }
0x44: {  	v43 =	vld.idx.msk [tilespmem:v4+s23+$0x0], $0xffff;
	v4 =	vor.u32 $0xD, v5  }
0x45: {  	v34 =	vor.u32 $0x4, v7;
	v50 =	vld.idx.msk [tilespmem:v19+s12+$0x0], $0xffff  }
0x46: {  	v0 =	vor.u32 $0x1, v6;
	v48 =	vld.idx.msk [tilespmem:v37+s23+$0x0], $0xffff  }
0x47: {  	v52 =	vor.u32 $0x7, v6;
	v37 =	vld.idx.msk [tilespmem:v55+s23+$0x0], $0xffff  }
0x48: {  	v19 =	vor.u32 $0xE, v6;
	v55 =	vld.idx.msk [tilespmem:v51+s23+$0x0], $0xffff  }
0x49: {  	v51 =	vld.idx.msk [tilespmem:v4+s23+$0x0], $0xffff;
	v4 =	vor.u32 $0xF, v5  }
0x4a: {  	v31 =	vld.idx.msk [tilespmem:v34+s12+$0x0], $0xffff;
	v35 =	vor.u32 $0x4, v5  }
0x4b: {  	v12 =	vor.u32 $0x6, v5;
	v20 =	vld.idx.msk [tilespmem:v0+s23+$0x0], $0xffff  }
0x4c: {  	v62 =	vor.u32 $0x9, v5;
	v57 =	vld.idx.msk [tilespmem:v52+s23+$0x0], $0xffff  }
0x4d: {  	v18 =	vor.u32 $0xA, v5;
	v52 =	vld.idx.msk [tilespmem:v19+s23+$0x0], $0xffff  }
0x4e: {  	v19 =	vor.u32 $0x10, v6;
	v0 =	vld.idx.msk [tilespmem:v4+s23+$0x0], $0xffff  }
0x4f: {  	v26 =	vor.u32 $0xC, v7;
	v47 =	vld.idx.msk [tilespmem:v35+s23+$0x0], $0xffff  }
0x50: {  	v54 =	vor.u32 $0x8, v6;
	v56 =	vld.idx.msk [tilespmem:v12+s23+$0x0], $0xffff  }
0x51: {  	v42 =	vld.idx.msk [tilespmem:v62+s23+$0x0], $0xffff;
	v35 =	vor.u32 $0xC, v5  }
0x52: {  	v62 =	vld.idx.msk [tilespmem:v18+s23+$0x0], $0xffff;
	v18 =	vor.u32 $0xE, v7  }
0x53: {  	v12 =	vor.u32 $0x10, v5;
	[tilespmem:$0x1FEC0] =	vst v0;
	v0 =	vld.idx.msk [tilespmem:v19+s23+$0x0], $0xffff  }
0x54: {  	v44 =	vld.idx.msk [tilespmem:v26+s12+$0x0], $0xffff  }
0x55: {  	v46 =	vor.u32 $0x7, v7;
	v34 =	vld.idx.msk [tilespmem:v54+s23+$0x0], $0xffff  }
0x56: {  	v26 =	vor.u32 $0xF, v6;
	v54 =	vld.idx.msk [tilespmem:v35+s23+$0x0], $0xffff  }
0x57: {  	v35 =	vld.idx.msk [tilespmem:v18+s12+$0x0], $0xffff;
	v18 =	vor.u32 $0x10, v7  }
0x58: {  	v4 =	vor.u32 $0x11, v6;
	[tilespmem:$0x1FED0] =	vst v0;
	v0 =	vld.idx.msk [tilespmem:v12+s23+$0x0], $0xffff;
	_ =	sdelay $0x1  }
0x59: {  	v16 =	vld.idx.msk [tilespmem:v46+s12+$0x0], $0xffff  }
0x5a: {  	v46 =	vld.idx.msk [tilespmem:v26+s23+$0x0], $0xffff  }
0x5b: {  	v26 =	vld.idx.msk [tilespmem:v18+s12+$0x0], $0xffff  }
0x5c: {  	v18 =	vor.u32 $0x11, v5;
	[tilespmem:$0x1FEE0] =	vst v0;
	v0 =	vld.idx.msk [tilespmem:v4+s23+$0x0], $0xffff  }
0x5d: {  	v1 =	vor.u32 $0x1, v7;
	_ =	sdelay $0x1  }
0x5e: {  	v2 =	vor.u32 $0x1, v5  }
0x5f: {  	v11 =	vor.u32 $0x5, v6  }
0x60: {  	v12 =	vor.u32 $0x12, v6;
	[tilespmem:$0x1FEF0] =	vst v0;
	v0 =	vld.idx.msk [tilespmem:v18+s23+$0x0], $0xffff  }
0x61: {  	v14 =	vld.idx.msk [tilespmem:v1+s12+$0x0], $0xffff;
	v1 =	vor.u32 $0x2, v5;
	_ =	sdelay $0x1  }
0x62: {  	v21 =	vld.idx.msk [tilespmem:v2+s23+$0x0], $0xffff;
	v2 =	vor.u32 $0x3, v6  }
0x63: {  	v9 =	vor.u32 $0x3, v7;
	v28 =	vld.idx.msk [tilespmem:v11+s23+$0x0], $0xffff  }
0x64: {  	v11 =	vor.u32 $0x12, v5;
	[tilespmem:$0x1FF00] =	vst v0;
	v0 =	vld.idx.msk [tilespmem:v12+s23+$0x0], $0xffff  }
0x65: {  	v30 =	vld.idx.msk [tilespmem:v1+s23+$0x0], $0xffff;
	v1 =	vor.u32 $0x4, v6  }
0x66: {  	v53 =	vor.u32 $0x8, v7  }
0x67: {  	v24 =	vld.idx.msk [tilespmem:v2+s23+$0x0], $0xffff;
	v2 =	vor.u32 $0x5, v7  }
0x68: {  	v38 =	vld.idx.msk [tilespmem:v9+s12+$0x0], $0xffff;
	v19 =	vor.u32 $0x12, v7  }
0x69: {  	[tilespmem:$0x1FF10] =	vst v0;
	v0 =	vld.idx.msk [tilespmem:v11+s23+$0x0], $0xffff;
	v11 =	vor.u32 $0x14, v6  }
0x6a: {  	v27 =	vld.idx.msk [tilespmem:v1+s23+$0x0], $0xffff;
	v1 =	vor.u32 $0x6, v7  }
0x6b: {  	v58 =	vld.idx.msk [tilespmem:v53+s12+$0x0], $0xffff;
	v4 =	vor.u32 $0x13, v5  }
0x6c: {  	v60 =	vor.u32 $0x9, v7;
	v40 =	vld.idx.msk [tilespmem:v2+s12+$0x0], $0xffff  }
0x6d: {  	v63 =	vor.u32 $0xA, v7;
	v18 =	vld.idx.msk [tilespmem:v19+s12+$0x0], $0xffff  }
0x6e: {  	v19 =	vor.u32 $0x14, v5;
	v2 =	vld.idx.msk [tilespmem:v11+s23+$0x0], $0xffff  }
0x6f: {  	v13 =	vld.idx.msk [tilespmem:v1+s12+$0x0], $0xffff;
	v1 =	vor.u32 $0x15, v7  }
0x70: {  	[tilespmem:$0x1FF20] =	vst v0;
	v0 =	vld.idx.msk [tilespmem:v4+s23+$0x0], $0xffff;
	v4 =	vor.u32 $0x15, v6  }
0x71: {  	v41 =	vor.u32 $0xD, v7;
	v59 =	vld.idx.msk [tilespmem:v60+s12+$0x0], $0xffff  }
0x72: {  	v53 =	vld.idx.msk [tilespmem:v63+s12+$0x0], $0xffff  }
0x73: {  	v8 =	vor.u32 $0x2, v6;
	[tilespmem:$0x1FF40] =	vst v2;
	v2 =	vld.idx.msk [tilespmem:v19+s23+$0x0], $0xffff  }
0x74: {  	v10 =	vor.u32 $0x3, v5;
	v19 =	vld.idx.msk [tilespmem:v1+s12+$0x0], $0xffff  }
0x75: {  	v45 =	vor.u32 $0x6, v6;
	v1 =	vld.idx.msk [tilespmem:v4+s23+$0x0], $0xffff  }
0x76: {  	v41 =	vld.idx.msk [tilespmem:v41+s12+$0x0], $0xffff;
	v15 =	vor.u32 $0x7, v5  }
0x77: {  	[tilespmem:$0x1FFC0] =	vst v3;
	v61 =	vor.u32 $0x9, v6;
	v3 =	vld.idx.msk [tilespmem:v6+s23+$0x0], $0xffff  }
0x78: {  	v23 =	vor.u32 $0xB, v6;
	v29 =	vld.idx.msk [tilespmem:v8+s23+$0x0], $0xffff  }
0x79: {  	v39 =	vld.idx.msk [tilespmem:v10+s23+$0x0], $0xffff;
	[tilespmem:$0x1FF30] =	vst v0;
	v0 =	vor.u32 $0x15, v5  }
0x7a: {  	v33 =	vld.idx.msk [tilespmem:v45+s23+$0x0], $0xffff;
	[tilespmem:$0x1FF60] =	vst v1;
	v1 =	vor.u32 $0x16, v7  }
0x7b: {  	v9 =	vor.u32 $0x16, v6;
	v49 =	vld.idx.msk [tilespmem:v15+s23+$0x0], $0xffff  }
0x7c: {  	v25 =	vor.u32 $0xB, v5;
	v36 =	vld.idx.msk [tilespmem:v61+s23+$0x0], $0xffff  }
0x7d: {  	v63 =	vld.idx.msk [tilespmem:v23+s23+$0x0], $0xffff;
	v8 =	vor.u32 $0x13, v7  }
0x7e: {  	v0 =	vld.idx.msk [tilespmem:v0+s23+$0x0], $0xffff  }
0x7f: {  	v17 =	vld.idx.msk [tilespmem:v1+s12+$0x0], $0xffff  }
0x80: {  	[tilespmem:$0x1FF50] =	vst v2;
	v2 =	vor.u32 $0x16, v5;
	v1 =	vld.idx.msk [tilespmem:v9+s23+$0x0], $0xffff  }
0x81: {  	v60 =	vld.idx.msk [tilespmem:v25+s23+$0x0], $0xffff;
	v23 =	vor.u32 $0xE, v5  }
0x82: {  	v15 =	vld.idx.msk [tilespmem:v8+s12+$0x0], $0xffff;
	v11 =	vor.u32 $0x17, v5  }
0x83: {  	v32 =	vor.u32 $0xC, v6;
	v8 =	vld.idx.msk [tilespmem:v5+s23+$0x0], $0xffff  }
0x84: {  	v25 =	vor.u32 $0xF, v7;
	[tilespmem:$0x1FF70] =	vst v0;
	v0 =	vld.idx.msk [tilespmem:v7+s12+$0x0], $0xffff  }
0x85: {  	v10 =	vor.u32 $0x17, v6;
	[tilespmem:$0x1FF80] =	vst v1;
	v1 =	vld.idx.msk [tilespmem:v2+s23+$0x0], $0xffff  }
0x86: {  	v45 =	vld.idx.msk [tilespmem:v23+s23+$0x0], $0xffff;
	v4 =	vor.u32 $0x17, v7  }
0x87: {  	v23 =	vor.u32 $0x11, v7;
	v11 =	vld.idx.msk [tilespmem:v11+s23+$0x0], $0xffff  }
0x88: {  	v61 =	vld.idx.msk [tilespmem:v32+s23+$0x0], $0xffff;
	v9 =	vor.u32 $0x18, v7  }
0x89: {  	v32 =	vld.idx.msk [tilespmem:v25+s12+$0x0], $0xffff;
	v2 =	vor.u32 $0x18, v6  }
0x8a: {  	v25 =	vor.u32 $0x13, v6;
	[tilespmem:$0x1FF90] =	vst v1;
	v1 =	vmul.f32 v3, v0;
	v0 =	vmul.f32 v8, v0;
	v8 =	vld.idx.msk [tilespmem:v10+s23+$0x0], $0xffff  }
0x8b: {  	v3 =	vld.idx.msk [tilespmem:v4+s12+$0x0], $0xffff;
	v4 =	vor.u32 $0x18, v5  }
0x8c: {  	v23 =	vld.idx.msk [tilespmem:v23+s12+$0x0], $0xffff;
	[tilespmem:$0x1FFB0] =	vst v11;
	v11 =	vor.u32 $0x19, v6;
	v10 =	vmul.f32 v20, v14;
	v1 =	vadd.f32 $0.0e+00, v1  }
0x8d: {  	v20 =	vmul.f32 v21, v14;
	v14 =	vld.idx.msk [tilespmem:v9+s12+$0x0], $0xffff;
	v9 =	vor.u32 $0x19, v5;
	v0 =	vadd.f32 $0.0e+00, v0  }
0x8e: {  	v1 =	vadd.f32 v10, v1;
	v10 =	vmul.f32 v29, v22;
	v29 =	vld.idx.msk [tilespmem:v2+s23+$0x0], $0xffff;
	v2 =	vor.u32 $0x1A, v7  }
0x8f: {  	v25 =	vld.idx.msk [tilespmem:v25+s23+$0x0], $0xffff;
	v0 =	vadd.f32 v20, v0;
	v20 =	vmul.f32 v30, v22;
	[tilespmem:$0x1FFA0] =	vst v8;
	v8 =	vor.u32 $0x19, v7  }
0x90: {  	v30 =	vld.idx.msk [tilespmem:v4+s23+$0x0], $0xffff;
	v4 =	vor.u32 $0x1A, v6;
	v1 =	vadd.f32 v10, v1;
	v10 =	vmul.f32 v24, v38  }
0x91: {  	v0 =	vadd.f32 v20, v0;
	v24 =	vmul.f32 v39, v38;
	v38 =	vld.idx.msk [tilespmem:v11+s23+$0x0], $0xffff;
	v11 =	vor.u32 $0x1B, v7  }
0x92: {  	v27 =	vmul.f32 v27, v31;
	v39 =	vld.idx.msk [tilespmem:v9+s23+$0x0], $0xffff;
	v9 =	vor.u32 $0x1B, v6;
	v1 =	vadd.f32 v10, v1  }
0x93: {  	v0 =	vadd.f32 v24, v0;
	v24 =	vmul.f32 v47, v31;
	v31 =	vld.idx.msk [tilespmem:v2+s12+$0x0], $0xffff;
	v2 =	vor.u32 $0x1B, v5  }
0x94: {  	v20 =	vor.u32 $0x1D, v7;
	v22 =	vld.idx.msk [tilespmem:v8+s12+$0x0], $0xffff;
	v1 =	vadd.f32 v27, v1;
	v27 =	vmul.f32 v28, v40  }
0x95: {  	v33 =	vmul.f32 v33, v13;
	v8 =	vor.u32 $0x1A, v5;
	v47 =	vld.idx.msk [tilespmem:v4+s23+$0x0], $0xffff;
	v4 =	vor.u32 $0x1C, v7  }
0x96: {  	v0 =	vadd.f32 v24, v0;
	v28 =	vmul.f32 v48, v40;
	v40 =	vld.idx.msk [tilespmem:v11+s12+$0x0], $0xffff;
	v1 =	vadd.f32 v27, v1  }
0x97: {  	v13 =	vmul.f32 v56, v13;
	v12 =	vor.u32 $0x14, v7;
	v11 =	vor.u32 $0x1C, v5;
	v56 =	vld.idx.msk [tilespmem:v9+s23+$0x0], $0xffff  }
0x98: {  	v24 =	vmul.f32 v57, v16;
	v0 =	vadd.f32 v28, v0;
	v1 =	vadd.f32 v33, v1;
	v57 =	vld.idx.msk [tilespmem:v2+s23+$0x0], $0xffff  }
0x99: {  	v2 =	vor.u32 $0x1D, v6;
	v33 =	vmul.f32 v34, v58;
	v34 =	vmul.f32 v37, v58;
	v58 =	vld.idx.msk [tilespmem:v20+s12+$0x0], $0xffff  }
0x9a: {  	v27 =	vmul.f32 v49, v16;
	v0 =	vadd.f32 v13, v0;
	v48 =	vld.idx.msk [tilespmem:v8+s23+$0x0], $0xffff;
	v8 =	vor.u32 $0x1C, v6  }
0x9b: {  	v37 =	vmul.f32 v36, v59;
	v49 =	vld.idx.msk [tilespmem:v4+s12+$0x0], $0xffff;
	v4 =	vor.u32 $0x1D, v5  }
0x9c: {  	v20 =	vor.u32 $0x1E, v5;
	v0 =	vadd.f32 v27, v0;
	v9 =	vld.idx.msk [tilespmem:v11+s23+$0x0], $0xffff;
	v11 =	vor.u32 $0x1E, v6  }
0x9d: {  	v12 =	vld.idx.msk [tilespmem:v12+s12+$0x0], $0xffff;
	v59 =	vmul.f32 v42, v59;
	v28 =	vadd.f32 v24, v1;
	v24 =	vor.u32 $0x1F, v7  }
0x9e: {  	v42 =	vmul.f32 v63, v50;
	v50 =	vmul.f32 v60, v50;
	v10 =	vadd.f32 v34, v0;
	v0 =	vld.idx.msk [tilespmem:v2+s23+$0x0], $0xffff  }
0x9f: {  	v60 =	vmul.f32 v61, v44;
	v61 =	vor.u32 $0x20, v5;
	v13 =	vadd.f32 v33, v28;
	v1 =	vld.idx.msk [tilespmem:v8+s23+$0x0], $0xffff  }
0xa0: {  	v36 =	vmul.f32 v62, v53;
	v33 =	vmul.f32 v43, v53;
	v43 =	vor.u32 $0x20, v7;
	v2 =	vld.idx.msk [tilespmem:v4+s23+$0x0], $0xffff  }
0xa1: {  	v8 =	vor.u32 $0x1E, v7;
	v13 =	vadd.f32 v37, v13;
	v34 =	vadd.f32 v59, v10;
	v10 =	vld.idx.msk [tilespmem:v11+s23+$0x0], $0xffff  }
0xa2: {  	v27 =	vor.u32 $0x1F, v6;
	v4 =	vld.idx.msk [tilespmem:v24+s12+$0x0], $0xffff  }
0xa3: {  	v59 =	vor.u32 $0x20, v6;
	v37 =	vadd.f32 v33, v13;
	v21 =	vadd.f32 v36, v34;
	v13 =	vld.idx.msk [tilespmem:v20+s23+$0x0], $0xffff  }
0xa4: {  	v62 =	vmul.f32 v54, v44;
	v63 =	vor.u32 $0x21, v7;
	v20 =	vld.idx.msk [tilespmem:v61+s23+$0x0], $0xffff  }
0xa5: {  	v44 =	vmul.f32 v55, v41;
	v21 =	vadd.f32 v50, v21;
	v50 =	vmul.f32 v51, v41;
	v41 =	vld.idx.msk [tilespmem:v43+s12+$0x0], $0xffff  }
0xa6: {  	v28 =	vor.u32 $0x1F, v5;
	v53 =	vld.idx.msk [tilespmem:v8+s12+$0x0], $0xffff  }
0xa7: {  	v8 =	vld.idx.msk [tilespmem:v27+s23+$0x0], $0xffff  }
0xa8: {  	v51 =	vor.u32 $0x21, v5;
	v11 =	vld.idx.msk [tilespmem:v59+s23+$0x0], $0xffff  }
0xa9: {  	v54 =	vmul.f32 v52, v35;
	v16 =	vadd.f32 v42, v37;
	v59 =	vmul.f32 v45, v35;
	v35 =	vld.idx.msk [tilespmem:v63+s12+$0x0], $0xffff  }
0xaa: {  	v42 =	vor.u32 $0x23, v5;
	v45 =	vld [tilespmem:$0x1FEC0]  }
0xab: {  	v34 =	vadd.f32 v60, v16;
	v16 =	vld.idx.msk [tilespmem:v28+s23+$0x0], $0xffff  }
0xac: {  	v21 =	vadd.f32 v62, v21;
	v62 =	vmul.f32 v46, v32;
	v46 =	vld [tilespmem:$0x1FED0]  }
0xad: {  	v28 =	vor.u32 $0x21, v6;
	v24 =	vld.idx.msk [tilespmem:v51+s23+$0x0], $0xffff  }
0xae: {  	v60 =	vor.u32 $0x22, v6;
	v34 =	vadd.f32 v44, v34;
	v51 =	vld [tilespmem:$0x1FEE0]  }
0xaf: {  	v21 =	vadd.f32 v50, v21;
	v27 =	vld.idx.msk [tilespmem:v42+s23+$0x0], $0xffff  }
0xb0: {  	v55 =	vor.u32 $0x22, v7;
	v61 =	vadd.f32 v54, v34;
	v54 =	vld [tilespmem:$0x1FEF0]  }
0xb1: {  	v33 =	vadd.f32 v59, v21;
	v32 =	vmul.f32 v45, v32;
	v59 =	vld [tilespmem:$0x1FF00]  }
0xb2: {  	v63 =	vor.u32 $0x22, v5;
	v21 =	vld.idx.msk [tilespmem:v28+s23+$0x0], $0xffff  }
0xb3: {  	v33 =	vadd.f32 v32, v33;
	v32 =	vld.idx.msk [tilespmem:v60+s23+$0x0], $0xffff  }
0xb4: {  	v50 =	vmul.f32 v46, v26;
	v34 =	vadd.f32 v62, v61;
	v62 =	vld [tilespmem:$0x1FF10];
	v52 =	vmul.f32 v51, v26  }
0xb5: {  	v28 =	vor.u32 $0x23, v7;
	v26 =	vld.idx.msk [tilespmem:v55+s12+$0x0], $0xffff  }
0xb6: {  	v34 =	vadd.f32 v50, v34;
	v55 =	vmul.f32 v54, v23;
	v44 =	vadd.f32 v52, v33;
	v52 =	vld [tilespmem:$0x1FF20]  }
0xb7: {  	v50 =	vor.u32 $0x24, v5;
	v33 =	vld.idx.msk [tilespmem:v63+s23+$0x0], $0xffff  }
0xb8: {  	v60 =	vmul.f32 v59, v23;
	v61 =	vadd.f32 v55, v34;
	v55 =	vld [tilespmem:$0x1FF30]  }
0xb9: {  	v63 =	vmul.f32 v62, v18;
	v62 =	vld [tilespmem:$0x1FF50]  }
0xba: {  	v54 =	vor.u32 $0x25, v7;
	v51 =	vadd.f32 v60, v44;
	v60 =	vld [tilespmem:$0x1FF40]  }
0xbb: {  	v23 =	vld.idx.msk [tilespmem:v28+s12+$0x0], $0xffff;
	v44 =	vmul.f32 v52, v18  }
0xbc: {  	v25 =	vmul.f32 v25, v15;
	v34 =	vadd.f32 v63, v61;
	v28 =	vld.idx.msk [tilespmem:v50+s23+$0x0], $0xffff  }
0xbd: {  	v63 =	vor.u32 $0x26, v6;
	v36 =	vadd.f32 v44, v51;
	v44 =	vmul.f32 v55, v15;
	v51 =	vld [tilespmem:$0x1FF60]  }
0xbe: {  	v25 =	vadd.f32 v25, v34;
	v55 =	vld [tilespmem:$0x1FF80]  }
0xbf: {  	v34 =	vmul.f32 v60, v12;
	v36 =	vadd.f32 v44, v36;
	v44 =	vmul.f32 v62, v12;
	v12 =	vld.idx.msk [tilespmem:v54+s12+$0x0], $0xffff  }
0xc0: {  	v54 =	vld [tilespmem:$0x1FF70]  }
0xc1: {  	v37 =	vor.u32 $0x23, v6;
	v60 =	vld [tilespmem:$0x1FF90]  }
0xc2: {  	v43 =	vor.u32 $0x24, v7;
	v50 =	vld.idx.msk [tilespmem:v63+s23+$0x0], $0xffff  }
0xc3: {  	v59 =	vor.u32 $0x25, v5;
	v63 =	vld [tilespmem:$0x1FFB0]  }
0xc4: {  	v42 =	vor.u32 $0x25, v6;
	v25 =	vadd.f32 v34, v25;
	v62 =	vld [tilespmem:$0x1FFA0];
	v52 =	vmul.f32 v51, v19  }
0xc5: {  	v61 =	vor.u32 $0x26, v7;
	v36 =	vadd.f32 v44, v36;
	v19 =	vmul.f32 v54, v19  }
0xc6: {  	v46 =	vor.u32 $0x24, v6;
	v18 =	vld.idx.msk [tilespmem:v37+s23+$0x0], $0xffff;
	v34 =	vmul.f32 v55, v17;
	v25 =	vadd.f32 v52, v25  }
0xc7: {  	v37 =	vor.u32 $0x26, v5;
	v15 =	vld.idx.msk [tilespmem:v43+s12+$0x0], $0xffff;
	v17 =	vmul.f32 v60, v17;
	v19 =	vadd.f32 v19, v36  }
0xc8: {  	v43 =	vld.idx.msk [tilespmem:v59+s23+$0x0], $0xffff;
	v59 =	vor.u32 $0x27, v6;
	v54 =	vor.u32 $0x28, v6;
	v25 =	vadd.f32 v34, v25  }
0xc9: {  	v42 =	vld.idx.msk [tilespmem:v42+s23+$0x0], $0xffff;
	v34 =	vmul.f32 v62, v3;
	v3 =	vmul.f32 v63, v3;
	v17 =	vadd.f32 v17, v19  }
0xca: {  	v29 =	vmul.f32 v29, v14;
	v36 =	vld.idx.msk [tilespmem:v61+s12+$0x0], $0xffff;
	v61 =	vor.u32 $0x27, v5  }
0xcb: {  	v14 =	vmul.f32 v30, v14;
	v45 =	vld.idx.msk [tilespmem:v46+s23+$0x0], $0xffff;
	v44 =	vor.u32 $0x27, v7;
	v3 =	vadd.f32 v3, v17  }
0xcc: {  	v52 =	vor.u32 $0x28, v7;
	v19 =	vld.idx.msk [tilespmem:v37+s23+$0x0], $0xffff;
	v25 =	vadd.f32 v34, v25  }
0xcd: {  	v55 =	vor.u32 $0x28, v5;
	v62 =	vmul.f32 v39, v22;
	v37 =	vld.idx.msk [tilespmem:v54+s23+$0x0], $0xffff;
	v3 =	vadd.f32 v14, v3  }
0xce: {  	v60 =	vmul.f32 v38, v22;
	v17 =	vld.idx.msk [tilespmem:v59+s23+$0x0], $0xffff;
	v59 =	vor.u32 $0x29, v7;
	v25 =	vadd.f32 v29, v25  }
0xcf: {  	v54 =	vmul.f32 v48, v31;
	v38 =	vld.idx.msk [tilespmem:v61+s23+$0x0], $0xffff;
	v61 =	vor.u32 $0x29, v6;
	v3 =	vadd.f32 v62, v3  }
0xd0: {  	v51 =	vmul.f32 v47, v31;
	v63 =	vor.u32 $0x29, v5;
	v34 =	vld.idx.msk [tilespmem:v44+s12+$0x0], $0xffff;
	v25 =	vadd.f32 v60, v25  }
0xd1: {  	v22 =	vld.idx.msk [tilespmem:v52+s12+$0x0], $0xffff;
	v52 =	vor.u32 $0x2A, v7;
	v60 =	vmul.f32 v57, v40;
	v3 =	vadd.f32 v54, v3  }
0xd2: {  	v56 =	vmul.f32 v56, v40;
	v31 =	vld.idx.msk [tilespmem:v55+s23+$0x0], $0xffff;
	v55 =	vor.u32 $0x2A, v6;
	v25 =	vadd.f32 v51, v25  }
0xd3: {  	v9 =	vmul.f32 v9, v49;
	v30 =	vld.idx.msk [tilespmem:v59+s12+$0x0], $0xffff;
	v59 =	vor.u32 $0x2A, v5;
	v3 =	vadd.f32 v60, v3  }
0xd4: {  	v1 =	vmul.f32 v1, v49;
	v40 =	vld.idx.msk [tilespmem:v61+s23+$0x0], $0xffff;
	v61 =	vor.u32 $0x2B, v7;
	v25 =	vadd.f32 v56, v25  }
0xd5: {  	v2 =	vmul.f32 v2, v58;
	v29 =	vld.idx.msk [tilespmem:v63+s23+$0x0], $0xffff;
	v62 =	vor.u32 $0x2B, v6;
	v3 =	vadd.f32 v9, v3  }
0xd6: {  	v0 =	vmul.f32 v0, v58;
	v63 =	vor.u32 $0x2B, v5;
	v14 =	vld.idx.msk [tilespmem:v52+s12+$0x0], $0xffff;
	v1 =	vadd.f32 v1, v25  }
0xd7: {  	v52 =	vor.u32 $0x2C, v7;
	v25 =	vld.idx.msk [tilespmem:v55+s23+$0x0], $0xffff;
	v2 =	vadd.f32 v2, v3;
	v3 =	vmul.f32 v13, v53  }
0xd8: {  	v54 =	vor.u32 $0x2C, v6;
	v9 =	vld.idx.msk [tilespmem:v59+s23+$0x0], $0xffff;
	v0 =	vadd.f32 v0, v1;
	v1 =	vmul.f32 v10, v53  }
0xd9: {  	v58 =	vor.u32 $0x2D, v5;
	v10 =	vld.idx.msk [tilespmem:v61+s12+$0x0], $0xffff;
	v2 =	vadd.f32 v3, v2;
	v3 =	vmul.f32 v16, v4  }
0xda: {  	v55 =	vor.u32 $0x2C, v5;
	v13 =	vld.idx.msk [tilespmem:v62+s23+$0x0], $0xffff;
	v0 =	vadd.f32 v1, v0;
	v1 =	vmul.f32 v8, v4  }
0xdb: {  	v56 =	vor.u32 $0x2D, v7;
	v8 =	vld.idx.msk [tilespmem:v63+s23+$0x0], $0xffff;
	v2 =	vadd.f32 v3, v2;
	v3 =	vmul.f32 v20, v41  }
0xdc: {  	v57 =	vor.u32 $0x2D, v6;
	v62 =	vor.u32 $0x2F, v7;
	v4 =	vld.idx.msk [tilespmem:v52+s12+$0x0], $0xffff;
	v0 =	vadd.f32 v1, v0  }
0xdd: {  	v1 =	vmul.f32 v11, v41;
	v11 =	vld.idx.msk [tilespmem:v54+s23+$0x0], $0xffff;
	v2 =	vadd.f32 v3, v2;
	v3 =	vmul.f32 v24, v35  }
0xde: {  	v46 =	vor.u32 $0x2F, v5;
	v16 =	vld.idx.msk [tilespmem:v58+s23+$0x0], $0xffff  }
0xdf: {  	v59 =	vor.u32 $0x2E, v7;
	v20 =	vld.idx.msk [tilespmem:v55+s23+$0x0], $0xffff;
	v2 =	vadd.f32 v3, v2;
	v3 =	vmul.f32 v33, v26  }
0xe0: {  	v60 =	vor.u32 $0x2E, v6;
	v0 =	vadd.f32 v1, v0;
	v1 =	vmul.f32 v21, v35;
	v21 =	vld.idx.msk [tilespmem:v56+s12+$0x0], $0xffff  }
0xe1: {  	v52 =	vor.u32 $0x31, v6;
	v24 =	vld.idx.msk [tilespmem:v57+s23+$0x0], $0xffff;
	v2 =	vadd.f32 v3, v2;
	v3 =	vmul.f32 v27, v23  }
0xe2: {  	v61 =	vor.u32 $0x2E, v5;
	v0 =	vadd.f32 v1, v0;
	v1 =	vmul.f32 v32, v26;
	v35 =	vld.idx.msk [tilespmem:v62+s12+$0x0], $0xffff  }
0xe3: {  	v48 =	vor.u32 $0x30, v6;
	v32 =	vld.idx.msk [tilespmem:v46+s23+$0x0], $0xffff;
	v2 =	vadd.f32 v3, v2;
	v3 =	vmul.f32 v28, v15  }
0xe4: {  	v63 =	vor.u32 $0x2F, v6;
	v56 =	vor.u32 $0x32, v5;
	v26 =	vld.idx.msk [tilespmem:v59+s12+$0x0], $0xffff;
	v0 =	vadd.f32 v1, v0  }
0xe5: {  	v1 =	vmul.f32 v18, v23;
	v18 =	vld.idx.msk [tilespmem:v60+s23+$0x0], $0xffff;
	v2 =	vadd.f32 v3, v2;
	v3 =	vmul.f32 v43, v12  }
0xe6: {  	v49 =	vor.u32 $0x30, v5;
	v33 =	vld.idx.msk [tilespmem:v52+s23+$0x0], $0xffff;
	v60 =	vor.u32 $0x34, v7  }
0xe7: {  	v47 =	vor.u32 $0x30, v7;
	v23 =	vld.idx.msk [tilespmem:v61+s23+$0x0], $0xffff;
	v2 =	vadd.f32 v3, v2;
	v3 =	vmul.f32 v19, v36  }
0xe8: {  	v62 =	vor.u32 $0x34, v5;
	v0 =	vadd.f32 v1, v0;
	v1 =	vmul.f32 v45, v15;
	v27 =	vld.idx.msk [tilespmem:v48+s23+$0x0], $0xffff  }
0xe9: {  	v61 =	vor.u32 $0x34, v6;
	v15 =	vld.idx.msk [tilespmem:v63+s23+$0x0], $0xffff;
	v2 =	vadd.f32 v3, v2;
	v3 =	vmul.f32 v38, v34  }
0xea: {  	v44 =	vor.u32 $0x36, v6;
	v0 =	vadd.f32 v1, v0;
	v1 =	vmul.f32 v42, v12;
	v28 =	vld.idx.msk [tilespmem:v56+s23+$0x0], $0xffff  }
0xeb: {  	v51 =	vor.u32 $0x31, v7;
	v39 =	vld.idx.msk [tilespmem:v60+s12+$0x0], $0xffff;
	v2 =	vadd.f32 v3, v2;
	v3 =	vmul.f32 v31, v22  }
0xec: {  	v55 =	vor.u32 $0x32, v6;
	v12 =	vld.idx.msk [tilespmem:v47+s12+$0x0], $0xffff;
	v0 =	vadd.f32 v1, v0;
	v1 =	vmul.f32 v50, v36  }
0xed: {  	v53 =	vor.u32 $0x31, v5;
	v43 =	vld.idx.msk [tilespmem:v62+s23+$0x0], $0xffff;
	v2 =	vadd.f32 v3, v2;
	v3 =	vmul.f32 v29, v30  }
0xee: {  	v48 =	vor.u32 $0x37, v6;
	v41 =	vld.idx.msk [tilespmem:v61+s23+$0x0], $0xffff;
	v0 =	vadd.f32 v1, v0;
	v1 =	vmul.f32 v17, v34  }
0xef: {  	v42 =	vor.u32 $0x36, v7;
	v19 =	vld.idx.msk [tilespmem:v49+s23+$0x0], $0xffff;
	v2 =	vadd.f32 v3, v2;
	v3 =	vmul.f32 v9, v14  }
0xf0: {  	v54 =	vor.u32 $0x32, v7;
	v17 =	vld.idx.msk [tilespmem:v51+s12+$0x0], $0xffff;
	v0 =	vadd.f32 v1, v0;
	v1 =	vmul.f32 v37, v22  }
0xf1: {  	v59 =	vor.u32 $0x33, v5;
	v36 =	vld.idx.msk [tilespmem:v55+s23+$0x0], $0xffff;
	v2 =	vadd.f32 v3, v2;
	v3 =	vmul.f32 v8, v10  }
0xf2: {  	v52 =	vor.u32 $0x38, v7;
	v51 =	vld.idx.msk [tilespmem:v44+s23+$0x0], $0xffff;
	v0 =	vadd.f32 v1, v0;
	v1 =	vmul.f32 v40, v30  }
0xf3: {  	v58 =	vor.u32 $0x33, v6;
	v55 =	vld.idx.msk [tilespmem:v48+s23+$0x0], $0xffff;
	v2 =	vadd.f32 v3, v2;
	v3 =	vmul.f32 v20, v4  }
0xf4: {  	v56 =	vor.u32 $0x39, v7;
	v49 =	vld.idx.msk [tilespmem:v42+s12+$0x0], $0xffff;
	v0 =	vadd.f32 v1, v0;
	v1 =	vmul.f32 v25, v14  }
0xf5: {  	v57 =	vor.u32 $0x33, v7;
	v37 =	vld.idx.msk [tilespmem:v53+s23+$0x0], $0xffff;
	v2 =	vadd.f32 v3, v2;
	v3 =	vmul.f32 v16, v21  }
0xf6: {  	v50 =	vor.u32 $0x37, v5;
	v34 =	vld.idx.msk [tilespmem:v59+s23+$0x0], $0xffff;
	v0 =	vadd.f32 v1, v0;
	v1 =	vmul.f32 v13, v10  }
0xf7: {  	v44 =	vor.u32 $0x3C, v5;
	v59 =	vld.idx.msk [tilespmem:v52+s12+$0x0], $0xffff;
	v2 =	vadd.f32 v3, v2;
	v3 =	vmul.f32 v23, v26  }
0xf8: {  	v38 =	vor.u32 $0x35, v6;
	v22 =	vld.idx.msk [tilespmem:v54+s12+$0x0], $0xffff;
	v0 =	vadd.f32 v1, v0;
	v1 =	vmul.f32 v11, v4  }
0xf9: {  	v53 =	vor.u32 $0x38, v6;
	v31 =	vld.idx.msk [tilespmem:v56+s12+$0x0], $0xffff;
	v2 =	vadd.f32 v3, v2;
	v3 =	vmul.f32 v32, v35  }
0xfa: {  	v63 =	vor.u32 $0x35, v7;
	v25 =	vld.idx.msk [tilespmem:v57+s12+$0x0], $0xffff;
	v0 =	vadd.f32 v1, v0;
	v1 =	vmul.f32 v24, v21  }
0xfb: {  	v40 =	vor.u32 $0x35, v5;
	v57 =	vld.idx.msk [tilespmem:v50+s23+$0x0], $0xffff;
	v2 =	vadd.f32 v3, v2;
	v3 =	vmul.f32 v19, v12  }
0xfc: {  	v45 =	vor.u32 $0x36, v5;
	v50 =	vld.idx.msk [tilespmem:v44+s23+$0x0], $0xffff;
	v0 =	vadd.f32 v1, v0;
	v1 =	vmul.f32 v18, v26  }
0xfd: {  	v60 =	vor.u32 $0x39, v5;
	v46 =	vld.idx.msk [tilespmem:v38+s23+$0x0], $0xffff;
	v2 =	vadd.f32 v3, v2;
	v3 =	vmul.f32 v37, v17  }
0xfe: {  	v54 =	vor.u32 $0x38, v5;
	v29 =	vld.idx.msk [tilespmem:v53+s23+$0x0], $0xffff;
	v0 =	vadd.f32 v1, v0;
	v1 =	vmul.f32 v15, v35  }
0xff: {  	v47 =	vor.u32 $0x37, v7;
	v14 =	vld.idx.msk [tilespmem:v63+s12+$0x0], $0xffff;
	v2 =	vadd.f32 v3, v2;
	v3 =	vmul.f32 v28, v22  }
0x100: {  	v38 =	vor.u32 $0x3B, v5;
	v10 =	vld.idx.msk [tilespmem:v40+s23+$0x0], $0xffff;
	v0 =	vadd.f32 v1, v0;
	v1 =	vmul.f32 v27, v12  }
0x101: {  	v9 =	vld.idx.msk [tilespmem:v58+s23+$0x0], $0xffff;
	v40 =	vor.u32 $0x3C, v7;
	v2 =	vadd.f32 v3, v2;
	v3 =	vmul.f32 v34, v25  }
0x102: {  	v24 =	vld.idx.msk [tilespmem:v45+s23+$0x0], $0xffff;
	v45 =	vor.u32 $0x3D, v7;
	v0 =	vadd.f32 v1, v0;
	v1 =	vmul.f32 v33, v17  }
0x103: {  	v61 =	vor.u32 $0x3A, v7;
	v62 =	vld.idx.msk [tilespmem:v54+s23+$0x0], $0xffff;
	v2 =	vadd.f32 v3, v2;
	v3 =	vmul.f32 v43, v39  }
0x104: {  	v48 =	vor.u32 $0x3D, v5;
	v21 =	vld.idx.msk [tilespmem:v47+s12+$0x0], $0xffff;
	v0 =	vadd.f32 v1, v0;
	v1 =	vmul.f32 v36, v22  }
0x105: {  	v8 =	vld.idx.msk [tilespmem:v38+s23+$0x0], $0xffff;
	v32 =	vor.u32 $0x3A, v5;
	v2 =	vadd.f32 v3, v2;
	v3 =	vmul.f32 v10, v14  }
0x106: {  	v58 =	vor.u32 $0x39, v6;
	v47 =	vld.idx.msk [tilespmem:v40+s12+$0x0], $0xffff;
	v0 =	vadd.f32 v1, v0;
	v1 =	vmul.f32 v9, v25  }
0x107: {  	v52 =	vld.idx.msk [tilespmem:v45+s12+$0x0], $0xffff;
	v34 =	vor.u32 $0x3B, v7;
	v2 =	vadd.f32 v3, v2;
	v3 =	vmul.f32 v24, v49  }
0x108: {  	v53 =	vor.u32 $0x3E, v5;
	v35 =	vld.idx.msk [tilespmem:v60+s23+$0x0], $0xffff;
	v0 =	vadd.f32 v1, v0;
	v1 =	vmul.f32 v41, v39  }
0x109: {  	v5 =	vor.u32 $0x3F, v5;
	v37 =	vld.idx.msk [tilespmem:v61+s12+$0x0], $0xffff;
	v2 =	vadd.f32 v3, v2;
	v3 =	vmul.f32 v57, v21  }
0x10a: {  	v63 =	vor.u32 $0x3A, v6;
	v41 =	vld.idx.msk [tilespmem:v32+s23+$0x0], $0xffff;
	v0 =	vadd.f32 v1, v0;
	v1 =	vmul.f32 v46, v14  }
0x10b: {  	v33 =	vld.idx.msk [tilespmem:v58+s23+$0x0], $0xffff;
	v2 =	vadd.f32 v3, v2;
	v3 =	vmul.f32 v62, v59  }
0x10c: {  	v36 =	vor.u32 $0x3B, v6;
	v0 =	vadd.f32 v1, v0;
	v1 =	vmul.f32 v51, v49;
	v43 =	vld.idx.msk [tilespmem:v34+s12+$0x0], $0xffff  }
0x10d: {  	v42 =	vor.u32 $0x3C, v6;
	v58 =	vld.idx.msk [tilespmem:v53+s23+$0x0], $0xffff;
	v2 =	vadd.f32 v3, v2;
	v3 =	vmul.f32 v35, v31  }
0x10e: {  	v5 =	vld.idx.msk [tilespmem:v5+s23+$0x0], $0xffff;
	v46 =	vor.u32 $0x3D, v6;
	v0 =	vadd.f32 v1, v0;
	v1 =	vmul.f32 v55, v21  }
0x10f: {  	v39 =	vld.idx.msk [tilespmem:v63+s23+$0x0], $0xffff;
	v51 =	vor.u32 $0x3E, v6;
	v2 =	vadd.f32 v3, v2;
	v3 =	vmul.f32 v41, v37  }
0x110: {  	v55 =	vld.idx.msk [tilespmem:v48+s23+$0x0], $0xffff;
	v0 =	vadd.f32 v1, v0;
	v1 =	vmul.f32 v29, v59  }
0x111: {  	v20 =	vld.idx.msk [tilespmem:v36+s23+$0x0], $0xffff;
	v49 =	vor.u32 $0x3E, v7;
	v2 =	vadd.f32 v3, v2;
	v3 =	vmul.f32 v8, v43  }
0x112: {  	v14 =	vld.idx.msk [tilespmem:v42+s23+$0x0], $0xffff;
	v0 =	vadd.f32 v1, v0;
	v1 =	vmul.f32 v33, v31  }
0x113: {  	v7 =	vor.u32 $0x3F, v7;
	v54 =	vld.idx.msk [tilespmem:v46+s23+$0x0], $0xffff;
	v2 =	vadd.f32 v3, v2;
	v3 =	vmul.f32 v50, v47  }
0x114: {  	v6 =	vor.u32 $0x3F, v6;
	v57 =	vld.idx.msk [tilespmem:v51+s23+$0x0], $0xffff;
	v0 =	vadd.f32 v1, v0;
	v1 =	vmul.f32 v39, v37  }
0x115: {  	v59 =	vld [tilespmem:$0x1FFC0];
	v2 =	vadd.f32 v3, v2;
	v3 =	vmul.f32 v55, v52  }
0x116: {  	v56 =	vld.idx.msk [tilespmem:v49+s12+$0x0], $0xffff;
	v0 =	vadd.f32 v1, v0;
	v1 =	vmul.f32 v20, v43  }
0x117: {  	v2 =	vadd.f32 v3, v2;
	v3 =	vld [tilespmem:$0x1FFF0]  }
0x118: {  	v7 =	vld.idx.msk [tilespmem:v7+s12+$0x0], $0xffff;
	v0 =	vadd.f32 v1, v0;
	v1 =	vmul.f32 v14, v47  }
0x119: {  	v6 =	vld.idx.msk [tilespmem:v6+s23+$0x0], $0xffff  }
0x11a: {  	v0 =	vadd.f32 v1, v0;
	v1 =	vmul.f32 v54, v52  }
0x11b: {  	v4 =	vmul.f32 v58, v56  }
0x11c: {  	v0 =	vadd.f32 v1, v0;
	v1 =	vmul.f32 v57, v56;
	v3 =	vand.u32 v3, v59  }
0x11d: {  	v60 =	vmul.f32 v5, v7  }
0x11e: {  	v0 =	vadd.f32 v1, v0;
	v1 =	vadd.f32 v4, v2;
	v2 =	vmul.f32 v6, v7;
	_ =	sdelay $0x1  }
0x11f: {  	v0 =	vadd.f32 v2, v0;
	v1 =	vadd.f32 v60, v1  }
0x120: {  	v2 =	vld.idx.msk [tilespmem:v3+s13+$0x0], $0xffff  }
0x121: {  	v3 =	vadd.f32 v1, v0  }
0x122: {  	v61 =	vshll.u32 v59, $0x3  }
0x123: {  	v62 =	vor.u32 $0x1, v61;
	v3 =	vmul.f32 $5.000000000e-01, v3  }
0x124: {  	p1 =	sne.s32 s31, $0x70;
	v63 =	vor.u32 $0x2, v61  }
.Ltmp0:
0x125: {  	v2 =	vadd.f32 v3, v2;
	(pc) =	sbr.rel @p1 .LBB2_2-.Ltmp0, $4  }
0x126: {  	_ = 	snop  }
0x127: {  	[tilespmem:v61+s25+$0x0] =	vst.idx.msk $0xffff, v2  }
0x128: {  	[tilespmem:v62+s25+$0x0] =	vst.idx.msk $0xffff, v0  }
0x129: {  	s31 =	sadd.s32 $0x10, s31;
	v2 =	vlaneseq.u32;
	[tilespmem:v63+s25+$0x0] =	vst.idx.msk $0xffff, v1  }
0x12a: {  	_ =	swait.ge [sflag:s26], $0x2000  }
0x12b: {  	[sflag:s26] =	ssyncset.done $0x0  }
0x12c: {  	[sflag:s26] =	ssyncadd.s32 $0xFFFFE000  }
0x12d: {  	_ =	swait.ge [sflag:s26], $0x80  }
0x12e: {  	[sflag:s26] =	ssyncset.done $0x0  }
0x12f: {  	s31 =	simm.s32 $0x0;
	[sflag:s26] =	ssyncadd.s32 $0xFFFFFF80  }
.LBB2_4:
0x130: {  	v0 =	vor.u32 $0x200, v2  }
0x131: {  	v0 =	vor.u32 s31, v0;
	_ =	sdelay $0x2  }
0x132: {  	v1 =	vor.u32 $0x280, v2  }
0x133: {  	v1 =	vor.u32 s31, v1  }
0x134: {  	v0 =	vld.idx.msk [tilespmem:v0+s3+$0x0], $0xffff  }
0x135: {  	v2 =	vlaneseq.u32  }
0x136: {  	v2 =	vor.u32 $0x80, v2  }
0x137: {  	v2 =	vor.u32 s31, v2  }
0x138: {  	v7 =	vshll.u32 v2, $0x6;
	v1 =	vld.idx.msk [tilespmem:v1+s3+$0x0], $0xffff  }
0x139: {  	v6 =	vshll.u32 v0, $0x6;
	v0 =	vor.u32 $0x1, v7  }
0x13a: {  	v4 =	vor.u32 $0x2, v7;
	_ =	sdelay $0x2  }
0x13b: {  	v19 =	vor.u32 $0xB, v7;
	v5 =	vshll.u32 v1, $0x6  }
0x13c: {  	v14 =	vld.idx.msk [tilespmem:v0+s12+$0x0], $0xffff;
	v0 =	vor.u32 $0x2, v5  }
0x13d: {  	v22 =	vld.idx.msk [tilespmem:v4+s12+$0x0], $0xffff;
	v4 =	vor.u32 $0xA, v6  }
0x13e: {  	v37 =	vor.u32 $0x5, v5  }
0x13f: {  	v55 =	vor.u32 $0x8, v5  }
0x140: {  	v50 =	vld.idx.msk [tilespmem:v19+s12+$0x0], $0xffff;
	v51 =	vor.u32 $0xD, v6  }
0x141: {  	v30 =	vld.idx.msk [tilespmem:v0+s23+$0x0], $0xffff;
	v0 =	vor.u32 $0x4, v6  }
0x142: {  	v43 =	vld.idx.msk [tilespmem:v4+s23+$0x0], $0xffff;
	v4 =	vor.u32 $0xD, v5  }
0x143: {  	v34 =	vor.u32 $0x4, v7;
	v48 =	vld.idx.msk [tilespmem:v37+s23+$0x0], $0xffff  }
0x144: {  	v52 =	vor.u32 $0x7, v6;
	v37 =	vld.idx.msk [tilespmem:v55+s23+$0x0], $0xffff  }
0x145: {  	v19 =	vor.u32 $0xE, v6;
	v55 =	vld.idx.msk [tilespmem:v51+s23+$0x0], $0xffff  }
0x146: {  	v27 =	vld.idx.msk [tilespmem:v0+s23+$0x0], $0xffff;
	v0 =	vor.u32 $0x6, v7  }
0x147: {  	v51 =	vld.idx.msk [tilespmem:v4+s23+$0x0], $0xffff;
	v4 =	vor.u32 $0xF, v5  }
0x148: {  	v31 =	vld.idx.msk [tilespmem:v34+s12+$0x0], $0xffff;
	v35 =	vor.u32 $0x4, v5  }
0x149: {  	v12 =	vor.u32 $0x6, v5;
	v57 =	vld.idx.msk [tilespmem:v52+s23+$0x0], $0xffff  }
0x14a: {  	v62 =	vor.u32 $0x9, v5;
	v52 =	vld.idx.msk [tilespmem:v19+s23+$0x0], $0xffff  }
0x14b: {  	v18 =	vor.u32 $0xA, v5;
	v13 =	vld.idx.msk [tilespmem:v0+s12+$0x0], $0xffff  }
0x14c: {  	v19 =	vor.u32 $0x10, v6;
	v0 =	vld.idx.msk [tilespmem:v4+s23+$0x0], $0xffff  }
0x14d: {  	v26 =	vor.u32 $0xC, v7;
	v47 =	vld.idx.msk [tilespmem:v35+s23+$0x0], $0xffff  }
0x14e: {  	v54 =	vor.u32 $0x8, v6;
	v56 =	vld.idx.msk [tilespmem:v12+s23+$0x0], $0xffff  }
0x14f: {  	v42 =	vld.idx.msk [tilespmem:v62+s23+$0x0], $0xffff;
	v35 =	vor.u32 $0xC, v5  }
0x150: {  	v62 =	vld.idx.msk [tilespmem:v18+s23+$0x0], $0xffff;
	v18 =	vor.u32 $0xE, v7  }
0x151: {  	v12 =	vor.u32 $0x10, v5;
	[tilespmem:$0x1FDB0] =	vst v0;
	v0 =	vld.idx.msk [tilespmem:v19+s23+$0x0], $0xffff  }
0x152: {  	v44 =	vld.idx.msk [tilespmem:v26+s12+$0x0], $0xffff  }
0x153: {  	v46 =	vor.u32 $0x7, v7;
	v34 =	vld.idx.msk [tilespmem:v54+s23+$0x0], $0xffff  }
0x154: {  	v26 =	vor.u32 $0xF, v6;
	v54 =	vld.idx.msk [tilespmem:v35+s23+$0x0], $0xffff  }
0x155: {  	v35 =	vld.idx.msk [tilespmem:v18+s12+$0x0], $0xffff;
	v18 =	vor.u32 $0x10, v7  }
0x156: {  	v4 =	vor.u32 $0x11, v6;
	[tilespmem:$0x1FDC0] =	vst v0;
	v0 =	vld.idx.msk [tilespmem:v12+s23+$0x0], $0xffff;
	_ =	sdelay $0x1  }
0x157: {  	v16 =	vld.idx.msk [tilespmem:v46+s12+$0x0], $0xffff  }
0x158: {  	v46 =	vld.idx.msk [tilespmem:v26+s23+$0x0], $0xffff  }
0x159: {  	v26 =	vld.idx.msk [tilespmem:v18+s12+$0x0], $0xffff  }
0x15a: {  	v18 =	vor.u32 $0x11, v5;
	[tilespmem:$0x1FDD0] =	vst v0;
	v0 =	vld.idx.msk [tilespmem:v4+s23+$0x0], $0xffff;
	_ =	sdelay $0x2  }
0x15b: {  	[tilespmem:$0x1FEB0] =	vst v2;
	v2 =	vor.u32 $0x1, v5  }
0x15c: {  	v11 =	vor.u32 $0x5, v6  }
0x15d: {  	v12 =	vor.u32 $0x12, v6;
	[tilespmem:$0x1FDE0] =	vst v0;
	v0 =	vld.idx.msk [tilespmem:v18+s23+$0x0], $0xffff;
	_ =	sdelay $0x2  }
0x15e: {  	v21 =	vld.idx.msk [tilespmem:v2+s23+$0x0], $0xffff;
	v2 =	vor.u32 $0x3, v6  }
0x15f: {  	v28 =	vld.idx.msk [tilespmem:v11+s23+$0x0], $0xffff  }
0x160: {  	v11 =	vor.u32 $0x12, v5;
	[tilespmem:$0x1FDF0] =	vst v0;
	v0 =	vld.idx.msk [tilespmem:v12+s23+$0x0], $0xffff  }
0x161: {  	v9 =	vor.u32 $0x3, v7  }
0x162: {  	v53 =	vor.u32 $0x8, v7  }
0x163: {  	v24 =	vld.idx.msk [tilespmem:v2+s23+$0x0], $0xffff;
	v2 =	vor.u32 $0x5, v7  }
0x164: {  	v19 =	vor.u32 $0x12, v7  }
0x165: {  	[tilespmem:$0x1FE00] =	vst v0;
	v0 =	vld.idx.msk [tilespmem:v11+s23+$0x0], $0xffff;
	v11 =	vor.u32 $0x14, v6  }
0x166: {  	v38 =	vld.idx.msk [tilespmem:v9+s12+$0x0], $0xffff;
	v1 =	vor.u32 $0x1, v6  }
0x167: {  	v58 =	vld.idx.msk [tilespmem:v53+s12+$0x0], $0xffff;
	v4 =	vor.u32 $0x13, v5  }
0x168: {  	v60 =	vor.u32 $0x9, v7;
	v40 =	vld.idx.msk [tilespmem:v2+s12+$0x0], $0xffff  }
0x169: {  	v63 =	vor.u32 $0xA, v7;
	v18 =	vld.idx.msk [tilespmem:v19+s12+$0x0], $0xffff  }
0x16a: {  	v19 =	vor.u32 $0x14, v5;
	v2 =	vld.idx.msk [tilespmem:v11+s23+$0x0], $0xffff  }
0x16b: {  	v20 =	vld.idx.msk [tilespmem:v1+s23+$0x0], $0xffff;
	v1 =	vor.u32 $0x15, v7  }
0x16c: {  	[tilespmem:$0x1FE10] =	vst v0;
	v0 =	vld.idx.msk [tilespmem:v4+s23+$0x0], $0xffff;
	v4 =	vor.u32 $0x15, v6  }
0x16d: {  	v59 =	vld.idx.msk [tilespmem:v60+s12+$0x0], $0xffff  }
0x16e: {  	v53 =	vld.idx.msk [tilespmem:v63+s12+$0x0], $0xffff;
	v8 =	vor.u32 $0x2, v6  }
0x16f: {  	v10 =	vor.u32 $0x3, v5;
	[tilespmem:$0x1FE30] =	vst v2;
	v2 =	vld.idx.msk [tilespmem:v19+s23+$0x0], $0xffff  }
0x170: {  	v45 =	vor.u32 $0x6, v6;
	v19 =	vld.idx.msk [tilespmem:v1+s12+$0x0], $0xffff  }
0x171: {  	v15 =	vor.u32 $0x7, v5;
	v1 =	vld.idx.msk [tilespmem:v4+s23+$0x0], $0xffff  }
0x172: {  	v61 =	vor.u32 $0x9, v6;
	v3 =	vld.idx.msk [tilespmem:v6+s23+$0x0], $0xffff  }
0x173: {  	v23 =	vor.u32 $0xB, v6;
	v29 =	vld.idx.msk [tilespmem:v8+s23+$0x0], $0xffff  }
0x174: {  	v25 =	vor.u32 $0xB, v5;
	v39 =	vld.idx.msk [tilespmem:v10+s23+$0x0], $0xffff  }
0x175: {  	v33 =	vld.idx.msk [tilespmem:v45+s23+$0x0], $0xffff;
	[tilespmem:$0x1FE20] =	vst v0;
	v0 =	vor.u32 $0x15, v5  }
0x176: {  	v49 =	vld.idx.msk [tilespmem:v15+s23+$0x0], $0xffff;
	[tilespmem:$0x1FE50] =	vst v1;
	v1 =	vor.u32 $0x16, v7  }
0x177: {  	v9 =	vor.u32 $0x16, v6;
	v36 =	vld.idx.msk [tilespmem:v61+s23+$0x0], $0xffff  }
0x178: {  	v32 =	vor.u32 $0xC, v6;
	v63 =	vld.idx.msk [tilespmem:v23+s23+$0x0], $0xffff  }
0x179: {  	v60 =	vld.idx.msk [tilespmem:v25+s23+$0x0], $0xffff;
	v23 =	vor.u32 $0xE, v5  }
0x17a: {  	v8 =	vor.u32 $0x13, v7;
	v0 =	vld.idx.msk [tilespmem:v0+s23+$0x0], $0xffff  }
0x17b: {  	v17 =	vld.idx.msk [tilespmem:v1+s12+$0x0], $0xffff  }
0x17c: {  	[tilespmem:$0x1FE40] =	vst v2;
	v2 =	vor.u32 $0x16, v5;
	v1 =	vld.idx.msk [tilespmem:v9+s23+$0x0], $0xffff  }
0x17d: {  	v61 =	vld.idx.msk [tilespmem:v32+s23+$0x0], $0xffff  }
0x17e: {  	v25 =	vor.u32 $0xF, v7;
	v45 =	vld.idx.msk [tilespmem:v23+s23+$0x0], $0xffff  }
0x17f: {  	v15 =	vld.idx.msk [tilespmem:v8+s12+$0x0], $0xffff;
	v11 =	vor.u32 $0x17, v5  }
0x180: {  	v41 =	vor.u32 $0xD, v7;
	[tilespmem:$0x1FE60] =	vst v0;
	v0 =	vld.idx.msk [tilespmem:v7+s12+$0x0], $0xffff  }
0x181: {  	v23 =	vor.u32 $0x11, v7;
	[tilespmem:$0x1FE70] =	vst v1;
	v1 =	vld.idx.msk [tilespmem:v2+s23+$0x0], $0xffff  }
0x182: {  	v10 =	vor.u32 $0x17, v6;
	v8 =	vld.idx.msk [tilespmem:v5+s23+$0x0], $0xffff  }
0x183: {  	v32 =	vld.idx.msk [tilespmem:v25+s12+$0x0], $0xffff;
	v4 =	vor.u32 $0x17, v7  }
0x184: {  	v25 =	vor.u32 $0x13, v6;
	v11 =	vld.idx.msk [tilespmem:v11+s23+$0x0], $0xffff  }
0x185: {  	v41 =	vld.idx.msk [tilespmem:v41+s12+$0x0], $0xffff;
	v9 =	vor.u32 $0x18, v7  }
0x186: {  	v23 =	vld.idx.msk [tilespmem:v23+s12+$0x0], $0xffff;
	v2 =	vor.u32 $0x18, v6;
	[tilespmem:$0x1FE80] =	vst v1;
	v1 =	vmul.f32 v3, v0  }
0x187: {  	v12 =	vor.u32 $0x14, v7;
	v0 =	vmul.f32 v8, v0;
	v8 =	vld.idx.msk [tilespmem:v10+s23+$0x0], $0xffff  }
0x188: {  	v3 =	vld.idx.msk [tilespmem:v4+s12+$0x0], $0xffff;
	v4 =	vor.u32 $0x18, v5;
	v10 =	vmul.f32 v20, v14;
	v1 =	vadd.f32 $0.0e+00, v1  }
0x189: {  	v25 =	vld.idx.msk [tilespmem:v25+s23+$0x0], $0xffff;
	[tilespmem:$0x1FEA0] =	vst v11;
	v11 =	vor.u32 $0x19, v6;
	v20 =	vmul.f32 v21, v14;
	v0 =	vadd.f32 $0.0e+00, v0  }
0x18a: {  	v14 =	vld.idx.msk [tilespmem:v9+s12+$0x0], $0xffff;
	v9 =	vor.u32 $0x19, v5;
	v1 =	vadd.f32 v10, v1;
	v10 =	vmul.f32 v29, v22  }
0x18b: {  	v29 =	vld.idx.msk [tilespmem:v2+s23+$0x0], $0xffff;
	v2 =	vor.u32 $0x1A, v7;
	v0 =	vadd.f32 v20, v0;
	v20 =	vmul.f32 v30, v22  }
0x18c: {  	v12 =	vld.idx.msk [tilespmem:v12+s12+$0x0], $0xffff;
	[tilespmem:$0x1FE90] =	vst v8;
	v8 =	vor.u32 $0x19, v7;
	v1 =	vadd.f32 v10, v1;
	v10 =	vmul.f32 v24, v38  }
0x18d: {  	v30 =	vld.idx.msk [tilespmem:v4+s23+$0x0], $0xffff;
	v4 =	vor.u32 $0x1A, v6;
	v0 =	vadd.f32 v20, v0;
	v24 =	vmul.f32 v39, v38  }
0x18e: {  	v27 =	vmul.f32 v27, v31;
	v38 =	vld.idx.msk [tilespmem:v11+s23+$0x0], $0xffff;
	v11 =	vor.u32 $0x1B, v7;
	v1 =	vadd.f32 v10, v1  }
0x18f: {  	v39 =	vld.idx.msk [tilespmem:v9+s23+$0x0], $0xffff;
	v9 =	vor.u32 $0x1B, v6;
	v0 =	vadd.f32 v24, v0;
	v24 =	vmul.f32 v47, v31  }
0x190: {  	v20 =	vor.u32 $0x1D, v7;
	v31 =	vld.idx.msk [tilespmem:v2+s12+$0x0], $0xffff;
	v2 =	vor.u32 $0x1B, v5;
	v1 =	vadd.f32 v27, v1  }
0x191: {  	v22 =	vld.idx.msk [tilespmem:v8+s12+$0x0], $0xffff;
	v27 =	vmul.f32 v28, v40;
	v0 =	vadd.f32 v24, v0;
	v28 =	vmul.f32 v48, v40  }
0x192: {  	v33 =	vmul.f32 v33, v13;
	v13 =	vmul.f32 v56, v13;
	v8 =	vor.u32 $0x1A, v5;
	v47 =	vld.idx.msk [tilespmem:v4+s23+$0x0], $0xffff  }
0x193: {  	v4 =	vor.u32 $0x1C, v7;
	v40 =	vld.idx.msk [tilespmem:v11+s12+$0x0], $0xffff;
	v1 =	vadd.f32 v27, v1;
	v0 =	vadd.f32 v28, v0  }
0x194: {  	v21 =	vmul.f32 v57, v16;
	v11 =	vor.u32 $0x1C, v5;
	v56 =	vld.idx.msk [tilespmem:v9+s23+$0x0], $0xffff  }
0x195: {  	v27 =	vmul.f32 v49, v16;
	v1 =	vadd.f32 v33, v1;
	v57 =	vld.idx.msk [tilespmem:v2+s23+$0x0], $0xffff;
	v24 =	vadd.f32 v13, v0  }
0x196: {  	v2 =	vor.u32 $0x1D, v6;
	v33 =	vmul.f32 v34, v58;
	v34 =	vmul.f32 v37, v58;
	v58 =	vld.idx.msk [tilespmem:v20+s12+$0x0], $0xffff  }
0x197: {  	v28 =	vor.u32 $0x1D, v5;
	v48 =	vld.idx.msk [tilespmem:v8+s23+$0x0], $0xffff;
	v10 =	vadd.f32 v27, v24  }
0x198: {  	v20 =	vor.u32 $0x1E, v5;
	v8 =	vor.u32 $0x1C, v6;
	v49 =	vld.idx.msk [tilespmem:v4+s12+$0x0], $0xffff  }
0x199: {  	v1 =	vadd.f32 v21, v1;
	v9 =	vld.idx.msk [tilespmem:v11+s23+$0x0], $0xffff;
	v10 =	vadd.f32 v34, v10;
	v34 =	vmul.f32 v62, v53  }
0x19a: {  	v11 =	vor.u32 $0x1E, v6;
	v62 =	vmul.f32 v54, v44;
	v54 =	vmul.f32 v52, v35;
	v52 =	vld [tilespmem:$0x1FDD0]  }
0x19b: {  	v37 =	vmul.f32 v36, v59;
	v24 =	vor.u32 $0x1F, v7;
	v16 =	vadd.f32 v33, v1;
	v1 =	vld.idx.msk [tilespmem:v2+s23+$0x0], $0xffff  }
0x19c: {  	v42 =	vmul.f32 v42, v59;
	v2 =	vld.idx.msk [tilespmem:v28+s23+$0x0], $0xffff  }
0x19d: {  	v59 =	vmul.f32 v43, v53;
	v0 =	vld.idx.msk [tilespmem:v8+s23+$0x0], $0xffff;
	v8 =	vor.u32 $0x1E, v7;
	v16 =	vadd.f32 v37, v16  }
0x19e: {  	v27 =	vor.u32 $0x1F, v6;
	v13 =	vld.idx.msk [tilespmem:v20+s23+$0x0], $0xffff;
	v33 =	vadd.f32 v42, v10  }
0x19f: {  	v37 =	vmul.f32 v63, v50;
	v42 =	vor.u32 $0x20, v7;
	v10 =	vld.idx.msk [tilespmem:v11+s23+$0x0], $0xffff;
	v36 =	vadd.f32 v59, v16  }
0x1a0: {  	v50 =	vmul.f32 v60, v50;
	v60 =	vmul.f32 v61, v44;
	v61 =	vor.u32 $0x20, v5;
	v4 =	vld.idx.msk [tilespmem:v24+s12+$0x0], $0xffff  }
0x1a1: {  	v43 =	vadd.f32 v34, v33;
	v16 =	vadd.f32 v37, v36;
	v36 =	vld [tilespmem:$0x1FE00]  }
0x1a2: {  	v59 =	vor.u32 $0x20, v6;
	v53 =	vld.idx.msk [tilespmem:v8+s12+$0x0], $0xffff  }
0x1a3: {  	v28 =	vor.u32 $0x1F, v5;
	v21 =	vadd.f32 v50, v43;
	v8 =	vld.idx.msk [tilespmem:v27+s23+$0x0], $0xffff  }
0x1a4: {  	v51 =	vmul.f32 v51, v41;
	v44 =	vmul.f32 v55, v41;
	v50 =	vor.u32 $0x21, v6;
	v41 =	vld.idx.msk [tilespmem:v42+s12+$0x0], $0xffff  }
0x1a5: {  	v20 =	vld.idx.msk [tilespmem:v61+s23+$0x0], $0xffff;
	v21 =	vadd.f32 v62, v21  }
0x1a6: {  	v63 =	vor.u32 $0x21, v7;
	v62 =	vmul.f32 v46, v32;
	v46 =	vld [tilespmem:$0x1FDB0]  }
0x1a7: {  	v42 =	vor.u32 $0x23, v5;
	v11 =	vld.idx.msk [tilespmem:v59+s23+$0x0], $0xffff;
	v59 =	vmul.f32 v45, v35;
	v21 =	vadd.f32 v51, v21  }
0x1a8: {  	v34 =	vadd.f32 v60, v16;
	v16 =	vld.idx.msk [tilespmem:v28+s23+$0x0], $0xffff;
	v60 =	vor.u32 $0x22, v6  }
0x1a9: {  	v33 =	vadd.f32 v59, v21;
	v21 =	vld.idx.msk [tilespmem:v50+s23+$0x0], $0xffff  }
0x1aa: {  	v55 =	vor.u32 $0x22, v7;
	v50 =	vld [tilespmem:$0x1FDC0]  }
0x1ab: {  	v35 =	vld.idx.msk [tilespmem:v63+s12+$0x0], $0xffff;
	v32 =	vmul.f32 v46, v32  }
0x1ac: {  	v37 =	vor.u32 $0x21, v5;
	v34 =	vadd.f32 v44, v34;
	v27 =	vld.idx.msk [tilespmem:v42+s23+$0x0], $0xffff  }
0x1ad: {  	v63 =	vor.u32 $0x22, v5;
	v33 =	vadd.f32 v32, v33;
	v32 =	vld.idx.msk [tilespmem:v60+s23+$0x0], $0xffff  }
0x1ae: {  	v61 =	vadd.f32 v54, v34;
	v60 =	vld [tilespmem:$0x1FDF0]  }
0x1af: {  	v54 =	vmul.f32 v52, v26;
	v42 =	vor.u32 $0x25, v6;
	v51 =	vmul.f32 v50, v26;
	v26 =	vld.idx.msk [tilespmem:v55+s12+$0x0], $0xffff  }
0x1b0: {  	v34 =	vadd.f32 v62, v61;
	v62 =	vor.u32 $0x24, v6;
	v55 =	vld [tilespmem:$0x1FDE0]  }
0x1b1: {  	v24 =	vld.idx.msk [tilespmem:v37+s23+$0x0], $0xffff  }
0x1b2: {  	v44 =	vadd.f32 v54, v33;
	v33 =	vld.idx.msk [tilespmem:v63+s23+$0x0], $0xffff  }
0x1b3: {  	v54 =	vld [tilespmem:$0x1FE10]  }
0x1b4: {  	v28 =	vor.u32 $0x23, v7;
	v42 =	vld.idx.msk [tilespmem:v42+s23+$0x0], $0xffff;
	v61 =	vmul.f32 v60, v23  }
0x1b5: {  	v37 =	vor.u32 $0x23, v6;
	v34 =	vadd.f32 v51, v34;
	v45 =	vld.idx.msk [tilespmem:v62+s23+$0x0], $0xffff;
	v59 =	vmul.f32 v55, v23  }
0x1b6: {  	v52 =	vadd.f32 v61, v44;
	v61 =	vld [tilespmem:$0x1FE30]  }
0x1b7: {  	v63 =	vadd.f32 v59, v34;
	v59 =	vld [tilespmem:$0x1FE20]  }
0x1b8: {  	v50 =	vmul.f32 v36, v18;
	v62 =	vld [tilespmem:$0x1FE40]  }
0x1b9: {  	v23 =	vld.idx.msk [tilespmem:v28+s12+$0x0], $0xffff;
	v44 =	vmul.f32 v54, v18;
	v55 =	vor.u32 $0x25, v7  }
0x1ba: {  	v25 =	vmul.f32 v25, v15;
	v18 =	vld.idx.msk [tilespmem:v37+s23+$0x0], $0xffff;
	v34 =	vadd.f32 v50, v63  }
0x1bb: {  	v36 =	vadd.f32 v44, v52;
	v52 =	vld [tilespmem:$0x1FE50];
	v63 =	vor.u32 $0x26, v6  }
0x1bc: {  	v25 =	vadd.f32 v25, v34;
	v34 =	vmul.f32 v61, v12;
	v61 =	vld [tilespmem:$0x1FE80];
	v44 =	vmul.f32 v59, v15  }
0x1bd: {  	v43 =	vor.u32 $0x24, v7;
	v59 =	vld [tilespmem:$0x1FE70]  }
0x1be: {  	v36 =	vadd.f32 v44, v36;
	v44 =	vmul.f32 v62, v12;
	v12 =	vld.idx.msk [tilespmem:v55+s12+$0x0], $0xffff  }
0x1bf: {  	v60 =	vor.u32 $0x25, v5;
	v55 =	vld [tilespmem:$0x1FE60]  }
0x1c0: {  	v51 =	vor.u32 $0x24, v5;
	v54 =	vmul.f32 v52, v19;
	v25 =	vadd.f32 v34, v25;
	v62 =	vld [tilespmem:$0x1FE90]  }
0x1c1: {  	v29 =	vmul.f32 v29, v14;
	v50 =	vld.idx.msk [tilespmem:v63+s23+$0x0], $0xffff;
	v63 =	vor.u32 $0x28, v7  }
0x1c2: {  	v46 =	vor.u32 $0x26, v7;
	v37 =	vor.u32 $0x26, v5;
	v15 =	vld.idx.msk [tilespmem:v43+s12+$0x0], $0xffff;
	v25 =	vadd.f32 v54, v25  }
0x1c3: {  	v54 =	vld [tilespmem:$0x1FEA0];
	v36 =	vadd.f32 v44, v36;
	v44 =	vor.u32 $0x27, v7;
	v34 =	vmul.f32 v59, v17  }
0x1c4: {  	v43 =	vld.idx.msk [tilespmem:v60+s23+$0x0], $0xffff;
	v60 =	vor.u32 $0x27, v6;
	v59 =	vor.u32 $0x28, v5;
	v19 =	vmul.f32 v55, v19  }
0x1c5: {  	v28 =	vld.idx.msk [tilespmem:v51+s23+$0x0], $0xffff;
	v17 =	vmul.f32 v61, v17;
	v25 =	vadd.f32 v34, v25;
	v34 =	vmul.f32 v62, v3  }
0x1c6: {  	v61 =	vmul.f32 v38, v22;
	v62 =	vmul.f32 v39, v22;
	v22 =	vld.idx.msk [tilespmem:v63+s12+$0x0], $0xffff;
	v19 =	vadd.f32 v19, v36  }
0x1c7: {  	v51 =	vmul.f32 v47, v31;
	v36 =	vld.idx.msk [tilespmem:v46+s12+$0x0], $0xffff;
	v46 =	vor.u32 $0x27, v5;
	v25 =	vadd.f32 v34, v25  }
0x1c8: {  	v55 =	vor.u32 $0x28, v6;
	v3 =	vmul.f32 v54, v3;
	v34 =	vld.idx.msk [tilespmem:v44+s12+$0x0], $0xffff;
	v17 =	vadd.f32 v17, v19  }
0x1c9: {  	v63 =	vor.u32 $0x29, v5;
	v54 =	vmul.f32 v48, v31;
	v31 =	vld.idx.msk [tilespmem:v59+s23+$0x0], $0xffff;
	v25 =	vadd.f32 v29, v25  }
0x1ca: {  	v14 =	vmul.f32 v30, v14;
	v3 =	vadd.f32 v3, v17;
	v17 =	vld.idx.msk [tilespmem:v60+s23+$0x0], $0xffff;
	v60 =	vor.u32 $0x29, v7  }
0x1cb: {  	v52 =	vor.u32 $0x2A, v7;
	v19 =	vld.idx.msk [tilespmem:v37+s23+$0x0], $0xffff;
	v25 =	vadd.f32 v61, v25  }
0x1cc: {  	v9 =	vmul.f32 v9, v49;
	v38 =	vld.idx.msk [tilespmem:v46+s23+$0x0], $0xffff;
	v46 =	vor.u32 $0x29, v6;
	v3 =	vadd.f32 v14, v3  }
0x1cd: {  	v59 =	vmul.f32 v56, v40;
	v37 =	vld.idx.msk [tilespmem:v55+s23+$0x0], $0xffff;
	v55 =	vor.u32 $0x2A, v6;
	v25 =	vadd.f32 v51, v25  }
0x1ce: {  	v1 =	vmul.f32 v1, v58;
	v29 =	vld.idx.msk [tilespmem:v63+s23+$0x0], $0xffff;
	v3 =	vadd.f32 v62, v3;
	v62 =	vor.u32 $0x2B, v7  }
0x1cf: {  	v0 =	vmul.f32 v0, v49;
	v25 =	vadd.f32 v59, v25;
	v30 =	vld.idx.msk [tilespmem:v60+s12+$0x0], $0xffff;
	v60 =	vor.u32 $0x2A, v5  }
0x1d0: {  	v61 =	vmul.f32 v57, v40;
	v14 =	vld.idx.msk [tilespmem:v52+s12+$0x0], $0xffff;
	v52 =	vor.u32 $0x2B, v5;
	v3 =	vadd.f32 v54, v3  }
0x1d1: {  	v2 =	vmul.f32 v2, v58;
	v63 =	vor.u32 $0x2B, v6;
	v40 =	vld.idx.msk [tilespmem:v46+s23+$0x0], $0xffff;
	v0 =	vadd.f32 v0, v25  }
0x1d2: {  	v58 =	vor.u32 $0x2D, v6;
	v25 =	vld.idx.msk [tilespmem:v55+s23+$0x0], $0xffff;
	v55 =	vor.u32 $0x2C, v6;
	v3 =	vadd.f32 v61, v3  }
0x1d3: {  	v54 =	vor.u32 $0x2C, v7;
	v0 =	vadd.f32 v1, v0;
	v1 =	vmul.f32 v10, v53;
	v10 =	vld.idx.msk [tilespmem:v62+s12+$0x0], $0xffff  }
0x1d4: {  	v49 =	vor.u32 $0x30, v6;
	v57 =	vor.u32 $0x2D, v7;
	v3 =	vadd.f32 v9, v3;
	v9 =	vld.idx.msk [tilespmem:v60+s23+$0x0], $0xffff  }
0x1d5: {  	v59 =	vor.u32 $0x2D, v5;
	v0 =	vadd.f32 v1, v0;
	v1 =	vmul.f32 v8, v4;
	v8 =	vld.idx.msk [tilespmem:v52+s23+$0x0], $0xffff  }
0x1d6: {  	v56 =	vor.u32 $0x2C, v5;
	v2 =	vadd.f32 v2, v3;
	v3 =	vmul.f32 v13, v53;
	v13 =	vld.idx.msk [tilespmem:v63+s23+$0x0], $0xffff  }
0x1d7: {  	v47 =	vor.u32 $0x2F, v5;
	v0 =	vadd.f32 v1, v0;
	v1 =	vmul.f32 v11, v41;
	v11 =	vld.idx.msk [tilespmem:v55+s23+$0x0], $0xffff  }
0x1d8: {  	v48 =	vor.u32 $0x30, v7;
	v2 =	vadd.f32 v3, v2;
	v3 =	vmul.f32 v16, v4;
	v4 =	vld.idx.msk [tilespmem:v54+s12+$0x0], $0xffff  }
0x1d9: {  	v61 =	vor.u32 $0x2E, v6;
	v0 =	vadd.f32 v1, v0;
	v1 =	vmul.f32 v21, v35;
	v21 =	vld.idx.msk [tilespmem:v57+s12+$0x0], $0xffff  }
0x1da: {  	v63 =	vor.u32 $0x2F, v7;
	v16 =	vld.idx.msk [tilespmem:v59+s23+$0x0], $0xffff;
	v2 =	vadd.f32 v3, v2;
	v3 =	vmul.f32 v20, v41  }
0x1db: {  	v60 =	vor.u32 $0x2E, v7;
	v20 =	vld.idx.msk [tilespmem:v56+s23+$0x0], $0xffff;
	v0 =	vadd.f32 v1, v0;
	v1 =	vmul.f32 v32, v26  }
0x1dc: {  	v53 =	vor.u32 $0x31, v6;
	v32 =	vld.idx.msk [tilespmem:v47+s23+$0x0], $0xffff;
	v2 =	vadd.f32 v3, v2;
	v3 =	vmul.f32 v24, v35  }
0x1dd: {  	v44 =	vor.u32 $0x36, v7;
	v62 =	vor.u32 $0x2E, v5;
	v24 =	vld.idx.msk [tilespmem:v58+s23+$0x0], $0xffff;
	v0 =	vadd.f32 v1, v0  }
0x1de: {  	v1 =	vmul.f32 v18, v23;
	v18 =	vld.idx.msk [tilespmem:v61+s23+$0x0], $0xffff;
	v2 =	vadd.f32 v3, v2;
	v3 =	vmul.f32 v33, v26  }
0x1df: {  	v51 =	vor.u32 $0x30, v5;
	v46 =	vor.u32 $0x2F, v6;
	v35 =	vld.idx.msk [tilespmem:v63+s12+$0x0], $0xffff;
	v61 =	vor.u32 $0x34, v7  }
0x1e0: {  	v63 =	vor.u32 $0x34, v5;
	v26 =	vld.idx.msk [tilespmem:v60+s12+$0x0], $0xffff;
	v2 =	vadd.f32 v3, v2;
	v3 =	vmul.f32 v27, v23  }
0x1e1: {  	v52 =	vor.u32 $0x31, v7;
	v0 =	vadd.f32 v1, v0;
	v1 =	vmul.f32 v45, v15;
	v33 =	vld.idx.msk [tilespmem:v53+s23+$0x0], $0xffff  }
0x1e2: {  	v57 =	vor.u32 $0x32, v5;
	v23 =	vld.idx.msk [tilespmem:v62+s23+$0x0], $0xffff;
	v2 =	vadd.f32 v3, v2;
	v3 =	vmul.f32 v28, v15  }
0x1e3: {  	v55 =	vor.u32 $0x32, v7;
	v0 =	vadd.f32 v1, v0;
	v1 =	vmul.f32 v42, v12;
	v27 =	vld.idx.msk [tilespmem:v49+s23+$0x0], $0xffff  }
0x1e4: {  	v54 =	vor.u32 $0x31, v5;
	v41 =	vld.idx.msk [tilespmem:v61+s12+$0x0], $0xffff;
	v2 =	vadd.f32 v3, v2;
	v3 =	vmul.f32 v43, v12  }
0x1e5: {  	v62 =	vor.u32 $0x34, v6;
	v45 =	vld.idx.msk [tilespmem:v63+s23+$0x0], $0xffff;
	v0 =	vadd.f32 v1, v0;
	v1 =	vmul.f32 v50, v36  }
0x1e6: {  	v59 =	vor.u32 $0x33, v6;
	v15 =	vld.idx.msk [tilespmem:v46+s23+$0x0], $0xffff;
	v2 =	vadd.f32 v3, v2;
	v3 =	vmul.f32 v19, v36  }
0x1e7: {  	v56 =	vor.u32 $0x32, v6;
	v28 =	vld.idx.msk [tilespmem:v57+s23+$0x0], $0xffff;
	v0 =	vadd.f32 v1, v0;
	v1 =	vmul.f32 v17, v34  }
0x1e8: {  	v47 =	vor.u32 $0x36, v5;
	v12 =	vld.idx.msk [tilespmem:v48+s12+$0x0], $0xffff;
	v2 =	vadd.f32 v3, v2;
	v3 =	vmul.f32 v38, v34  }
0x1e9: {  	v58 =	vor.u32 $0x33, v7;
	v17 =	vld.idx.msk [tilespmem:v52+s12+$0x0], $0xffff;
	v0 =	vadd.f32 v1, v0;
	v1 =	vmul.f32 v37, v22  }
0x1ea: {  	v63 =	vor.u32 $0x3A, v7;
	v43 =	vld.idx.msk [tilespmem:v62+s23+$0x0], $0xffff;
	v2 =	vadd.f32 v3, v2;
	v3 =	vmul.f32 v31, v22  }
0x1eb: {  	v46 =	vor.u32 $0x36, v6;
	v19 =	vld.idx.msk [tilespmem:v51+s23+$0x0], $0xffff;
	v0 =	vadd.f32 v1, v0;
	v1 =	vmul.f32 v40, v30  }
0x1ec: {  	v50 =	vor.u32 $0x37, v6;
	v37 =	vld.idx.msk [tilespmem:v54+s23+$0x0], $0xffff;
	v2 =	vadd.f32 v3, v2;
	v3 =	vmul.f32 v29, v30  }
0x1ed: {  	v60 =	vor.u32 $0x33, v5;
	v36 =	vld.idx.msk [tilespmem:v56+s23+$0x0], $0xffff;
	v0 =	vadd.f32 v1, v0;
	v1 =	vmul.f32 v25, v14  }
0x1ee: {  	v42 =	vor.u32 $0x35, v5;
	v51 =	vld.idx.msk [tilespmem:v44+s12+$0x0], $0xffff;
	v2 =	vadd.f32 v3, v2;
	v3 =	vmul.f32 v9, v14  }
0x1ef: {  	v49 =	vor.u32 $0x37, v7;
	v39 =	vld.idx.msk [tilespmem:v63+s12+$0x0], $0xffff;
	v0 =	vadd.f32 v1, v0;
	v1 =	vmul.f32 v13, v10  }
0x1f0: {  	v54 =	vor.u32 $0x38, v7;
	v53 =	vld.idx.msk [tilespmem:v46+s23+$0x0], $0xffff;
	v2 =	vadd.f32 v3, v2;
	v3 =	vmul.f32 v8, v10  }
0x1f1: {  	v56 =	vor.u32 $0x38, v5;
	v57 =	vld.idx.msk [tilespmem:v50+s23+$0x0], $0xffff;
	v0 =	vadd.f32 v1, v0;
	v1 =	vmul.f32 v11, v4  }
0x1f2: {  	v38 =	vld.idx.msk [tilespmem:v60+s23+$0x0], $0xffff;
	v40 =	vor.u32 $0x35, v6;
	v2 =	vadd.f32 v3, v2;
	v3 =	vmul.f32 v20, v4  }
0x1f3: {  	v52 =	vor.u32 $0x37, v5;
	v22 =	vld.idx.msk [tilespmem:v55+s12+$0x0], $0xffff;
	v0 =	vadd.f32 v1, v0;
	v1 =	vmul.f32 v24, v21  }
0x1f4: {  	v34 =	vor.u32 $0x35, v7;
	v25 =	vld.idx.msk [tilespmem:v58+s12+$0x0], $0xffff;
	v2 =	vadd.f32 v3, v2;
	v3 =	vmul.f32 v16, v21  }
0x1f5: {  	v62 =	vor.u32 $0x39, v5;
	v61 =	vld.idx.msk [tilespmem:v54+s12+$0x0], $0xffff;
	v0 =	vadd.f32 v1, v0;
	v1 =	vmul.f32 v18, v26  }
0x1f6: {  	v55 =	vor.u32 $0x38, v6;
	v31 =	vld.idx.msk [tilespmem:v56+s23+$0x0], $0xffff;
	v2 =	vadd.f32 v3, v2;
	v3 =	vmul.f32 v23, v26  }
0x1f7: {  	v46 =	vor.u32 $0x3C, v5;
	v48 =	vld.idx.msk [tilespmem:v40+s23+$0x0], $0xffff;
	v0 =	vadd.f32 v1, v0;
	v1 =	vmul.f32 v15, v35  }
0x1f8: {  	v50 =	vor.u32 $0x3D, v5;
	v9 =	vld.idx.msk [tilespmem:v59+s23+$0x0], $0xffff;
	v2 =	vadd.f32 v3, v2;
	v3 =	vmul.f32 v32, v35  }
0x1f9: {  	v40 =	vor.u32 $0x3B, v5;
	v14 =	vld.idx.msk [tilespmem:v34+s12+$0x0], $0xffff;
	v0 =	vadd.f32 v1, v0;
	v1 =	vmul.f32 v27, v12  }
0x1fa: {  	v59 =	vld.idx.msk [tilespmem:v52+s23+$0x0], $0xffff;
	v34 =	vor.u32 $0x3A, v5;
	v2 =	vadd.f32 v3, v2;
	v3 =	vmul.f32 v19, v12  }
0x1fb: {  	v29 =	vld.idx.msk [tilespmem:v55+s23+$0x0], $0xffff;
	v55 =	vor.u32 $0x3E, v5;
	v0 =	vadd.f32 v1, v0;
	v1 =	vmul.f32 v33, v17  }
0x1fc: {  	v52 =	vld.idx.msk [tilespmem:v46+s23+$0x0], $0xffff;
	v5 =	vor.u32 $0x3F, v5;
	v2 =	vadd.f32 v3, v2;
	v3 =	vmul.f32 v37, v17  }
0x1fd: {  	v10 =	vld.idx.msk [tilespmem:v42+s23+$0x0], $0xffff;
	v42 =	vor.u32 $0x3C, v7;
	v0 =	vadd.f32 v1, v0;
	v1 =	vmul.f32 v36, v22  }
0x1fe: {  	v24 =	vld.idx.msk [tilespmem:v47+s23+$0x0], $0xffff;
	v47 =	vor.u32 $0x3D, v7;
	v2 =	vadd.f32 v3, v2;
	v3 =	vmul.f32 v28, v22  }
0x1ff: {  	v58 =	vor.u32 $0x39, v7;
	v8 =	vld.idx.msk [tilespmem:v40+s23+$0x0], $0xffff;
	v0 =	vadd.f32 v1, v0;
	v1 =	vmul.f32 v9, v25  }
0x200: {  	v60 =	vor.u32 $0x39, v6;
	v21 =	vld.idx.msk [tilespmem:v49+s12+$0x0], $0xffff;
	v2 =	vadd.f32 v3, v2;
	v3 =	vmul.f32 v38, v25  }
0x201: {  	v5 =	vld.idx.msk [tilespmem:v5+s23+$0x0], $0xffff;
	v0 =	vadd.f32 v1, v0;
	v1 =	vmul.f32 v43, v41  }
0x202: {  	v49 =	vld.idx.msk [tilespmem:v42+s12+$0x0], $0xffff;
	v2 =	vadd.f32 v3, v2;
	v3 =	vmul.f32 v45, v41  }
0x203: {  	v54 =	vld.idx.msk [tilespmem:v47+s12+$0x0], $0xffff;
	v32 =	vor.u32 $0x3A, v6;
	v0 =	vadd.f32 v1, v0;
	v1 =	vmul.f32 v48, v14  }
0x204: {  	v33 =	vld.idx.msk [tilespmem:v58+s12+$0x0], $0xffff;
	v36 =	vor.u32 $0x3B, v7;
	v2 =	vadd.f32 v3, v2;
	v3 =	vmul.f32 v10, v14  }
0x205: {  	v35 =	vld.idx.msk [tilespmem:v60+s23+$0x0], $0xffff;
	v38 =	vor.u32 $0x3B, v6;
	v0 =	vadd.f32 v1, v0;
	v1 =	vmul.f32 v53, v51  }
0x206: {  	v37 =	vld.idx.msk [tilespmem:v62+s23+$0x0], $0xffff;
	v2 =	vadd.f32 v3, v2;
	v3 =	vmul.f32 v24, v51  }
0x207: {  	v44 =	vor.u32 $0x3C, v6;
	v43 =	vld.idx.msk [tilespmem:v34+s23+$0x0], $0xffff;
	v0 =	vadd.f32 v1, v0;
	v1 =	vmul.f32 v57, v21  }
0x208: {  	v41 =	vld.idx.msk [tilespmem:v32+s23+$0x0], $0xffff;
	v2 =	vadd.f32 v3, v2;
	v3 =	vmul.f32 v59, v21  }
0x209: {  	v48 =	vor.u32 $0x3D, v6;
	v45 =	vld.idx.msk [tilespmem:v36+s12+$0x0], $0xffff;
	v0 =	vadd.f32 v1, v0;
	v1 =	vmul.f32 v29, v61  }
0x20a: {  	v53 =	vor.u32 $0x3E, v6;
	v20 =	vld.idx.msk [tilespmem:v38+s23+$0x0], $0xffff;
	v2 =	vadd.f32 v3, v2;
	v3 =	vmul.f32 v31, v61  }
0x20b: {  	v60 =	vld.idx.msk [tilespmem:v55+s23+$0x0], $0xffff;
	v51 =	vor.u32 $0x3E, v7;
	v0 =	vadd.f32 v1, v0;
	v1 =	vmul.f32 v35, v33  }
0x20c: {  	v6 =	vor.u32 $0x3F, v6;
	v14 =	vld.idx.msk [tilespmem:v44+s23+$0x0], $0xffff;
	v2 =	vadd.f32 v3, v2;
	v3 =	vmul.f32 v37, v33  }
0x20d: {  	v57 =	vld.idx.msk [tilespmem:v50+s23+$0x0], $0xffff;
	v0 =	vadd.f32 v1, v0;
	v1 =	vmul.f32 v41, v39  }
0x20e: {  	v56 =	vld.idx.msk [tilespmem:v48+s23+$0x0], $0xffff;
	v7 =	vor.u32 $0x3F, v7;
	v2 =	vadd.f32 v3, v2;
	v3 =	vmul.f32 v43, v39  }
0x20f: {  	v59 =	vld.idx.msk [tilespmem:v53+s23+$0x0], $0xffff;
	v0 =	vadd.f32 v1, v0;
	v1 =	vmul.f32 v20, v45  }
0x210: {  	v58 =	vld.idx.msk [tilespmem:v51+s12+$0x0], $0xffff;
	v2 =	vadd.f32 v3, v2;
	v3 =	vmul.f32 v8, v45  }
0x211: {  	v6 =	vld.idx.msk [tilespmem:v6+s23+$0x0], $0xffff;
	v0 =	vadd.f32 v1, v0;
	v1 =	vmul.f32 v14, v49  }
0x212: {  	v61 =	vld [tilespmem:$0x1FEB0];
	v2 =	vadd.f32 v3, v2;
	v3 =	vmul.f32 v52, v49  }
0x213: {  	v7 =	vld.idx.msk [tilespmem:v7+s12+$0x0], $0xffff;
	v0 =	vadd.f32 v1, v0;
	v1 =	vmul.f32 v56, v54  }
0x214: {  	v2 =	vadd.f32 v3, v2;
	v3 =	vmul.f32 v57, v54  }
0x215: {  	v0 =	vadd.f32 v1, v0;
	v1 =	vmul.f32 v59, v58  }
0x216: {  	v2 =	vadd.f32 v3, v2;
	v3 =	vmul.f32 v60, v58  }
0x217: {  	v0 =	vadd.f32 v1, v0  }
0x218: {  	v1 =	vadd.f32 v3, v2;
	v2 =	vmul.f32 v6, v7;
	v3 =	vmul.f32 v5, v7;
	_ =	sdelay $0x1  }
0x219: {  	v0 =	vadd.f32 v2, v0;
	v1 =	vadd.f32 v3, v1  }
0x21a: {  	v2 =	vld.idx.msk [tilespmem:v61+s13+$0x0], $0xffff  }
0x21b: {  	v3 =	vadd.f32 v1, v0  }
0x21c: {  	v4 =	vshll.u32 v61, $0x3  }
0x21d: {  	v62 =	vor.u32 $0x1, v4;
	v3 =	vmul.f32 $5.000000000e-01, v3  }
0x21e: {  	p1 =	sne.s32 s31, $0x70;
	v63 =	vor.u32 $0x2, v4  }
.Ltmp1:
0x21f: {  	v2 =	vadd.f32 v3, v2;
	(pc) =	sbr.rel @p1 .LBB2_4-.Ltmp1, $4  }
0x220: {  	_ = 	snop  }
0x221: {  	[tilespmem:v4+s25+$0x0] =	vst.idx.msk $0xffff, v2  }
0x222: {  	[tilespmem:v62+s25+$0x0] =	vst.idx.msk $0xffff, v0  }
0x223: {  	s31 =	sadd.s32 $0x10, s31;
	v2 =	vlaneseq.u32;
	[tilespmem:v63+s25+$0x0] =	vst.idx.msk $0xffff, v1  }
0x224: {  	_ =	swait.ge [sflag:s28], $0x2000  }
0x225: {  	[sflag:s28] =	ssyncset.done $0x0  }
0x226: {  	[sflag:s28] =	ssyncadd.s32 $0xFFFFE000  }
0x227: {  	_ =	swait.ge [sflag:s28], $0x80  }
0x228: {  	[sflag:s28] =	ssyncset.done $0x0  }
0x229: {  	s31 =	simm.s32 $0x0;
	[sflag:s28] =	ssyncadd.s32 $0xFFFFFF80  }
.LBB2_6:
0x22a: {  	v0 =	vor.u32 $0x380, v2  }
0x22b: {  	v0 =	vor.u32 s31, v0;
	_ =	sdelay $0x2  }
0x22c: {  	v1 =	vor.u32 $0x400, v2  }
0x22d: {  	v1 =	vor.u32 s31, v1  }
0x22e: {  	v0 =	vld.idx.msk [tilespmem:v0+s3+$0x0], $0xffff  }
0x22f: {  	v2 =	vlaneseq.u32  }
0x230: {  	v2 =	vor.u32 $0x100, v2  }
0x231: {  	v2 =	vor.u32 s31, v2  }
0x232: {  	v7 =	vshll.u32 v2, $0x6;
	v1 =	vld.idx.msk [tilespmem:v1+s3+$0x0], $0xffff  }
0x233: {  	v6 =	vshll.u32 v0, $0x6;
	v0 =	vor.u32 $0x1, v7  }
0x234: {  	v4 =	vor.u32 $0x2, v7;
	_ =	sdelay $0x2  }
0x235: {  	v19 =	vor.u32 $0xB, v7;
	v5 =	vshll.u32 v1, $0x6  }
0x236: {  	v14 =	vld.idx.msk [tilespmem:v0+s12+$0x0], $0xffff;
	v0 =	vor.u32 $0x2, v5  }
0x237: {  	v22 =	vld.idx.msk [tilespmem:v4+s12+$0x0], $0xffff;
	v4 =	vor.u32 $0xA, v6  }
0x238: {  	v37 =	vor.u32 $0x5, v5  }
0x239: {  	v55 =	vor.u32 $0x8, v5  }
0x23a: {  	v50 =	vld.idx.msk [tilespmem:v19+s12+$0x0], $0xffff;
	v51 =	vor.u32 $0xD, v6  }
0x23b: {  	v30 =	vld.idx.msk [tilespmem:v0+s23+$0x0], $0xffff;
	v0 =	vor.u32 $0x4, v6  }
0x23c: {  	v43 =	vld.idx.msk [tilespmem:v4+s23+$0x0], $0xffff;
	v4 =	vor.u32 $0xD, v5  }
0x23d: {  	v34 =	vor.u32 $0x4, v7;
	v48 =	vld.idx.msk [tilespmem:v37+s23+$0x0], $0xffff  }
0x23e: {  	v52 =	vor.u32 $0x7, v6;
	v37 =	vld.idx.msk [tilespmem:v55+s23+$0x0], $0xffff  }
0x23f: {  	v19 =	vor.u32 $0xE, v6;
	v55 =	vld.idx.msk [tilespmem:v51+s23+$0x0], $0xffff  }
0x240: {  	v27 =	vld.idx.msk [tilespmem:v0+s23+$0x0], $0xffff;
	v0 =	vor.u32 $0x6, v7  }
0x241: {  	v51 =	vld.idx.msk [tilespmem:v4+s23+$0x0], $0xffff;
	v4 =	vor.u32 $0xF, v5  }
0x242: {  	v31 =	vld.idx.msk [tilespmem:v34+s12+$0x0], $0xffff;
	v35 =	vor.u32 $0x4, v5  }
0x243: {  	v12 =	vor.u32 $0x6, v5;
	v57 =	vld.idx.msk [tilespmem:v52+s23+$0x0], $0xffff  }
0x244: {  	v62 =	vor.u32 $0x9, v5;
	v52 =	vld.idx.msk [tilespmem:v19+s23+$0x0], $0xffff  }
0x245: {  	v18 =	vor.u32 $0xA, v5;
	v13 =	vld.idx.msk [tilespmem:v0+s12+$0x0], $0xffff  }
0x246: {  	v19 =	vor.u32 $0x10, v6;
	v0 =	vld.idx.msk [tilespmem:v4+s23+$0x0], $0xffff  }
0x247: {  	v26 =	vor.u32 $0xC, v7;
	v47 =	vld.idx.msk [tilespmem:v35+s23+$0x0], $0xffff  }
0x248: {  	v54 =	vor.u32 $0x8, v6;
	v56 =	vld.idx.msk [tilespmem:v12+s23+$0x0], $0xffff  }
0x249: {  	v42 =	vld.idx.msk [tilespmem:v62+s23+$0x0], $0xffff;
	v35 =	vor.u32 $0xC, v5  }
0x24a: {  	v62 =	vld.idx.msk [tilespmem:v18+s23+$0x0], $0xffff;
	v18 =	vor.u32 $0xE, v7  }
0x24b: {  	v12 =	vor.u32 $0x10, v5;
	[tilespmem:$0x1FCA0] =	vst v0;
	v0 =	vld.idx.msk [tilespmem:v19+s23+$0x0], $0xffff  }
0x24c: {  	v44 =	vld.idx.msk [tilespmem:v26+s12+$0x0], $0xffff  }
0x24d: {  	v46 =	vor.u32 $0x7, v7;
	v34 =	vld.idx.msk [tilespmem:v54+s23+$0x0], $0xffff  }
0x24e: {  	v26 =	vor.u32 $0xF, v6;
	v54 =	vld.idx.msk [tilespmem:v35+s23+$0x0], $0xffff  }
0x24f: {  	v35 =	vld.idx.msk [tilespmem:v18+s12+$0x0], $0xffff;
	v18 =	vor.u32 $0x10, v7  }
0x250: {  	v4 =	vor.u32 $0x11, v6;
	[tilespmem:$0x1FCB0] =	vst v0;
	v0 =	vld.idx.msk [tilespmem:v12+s23+$0x0], $0xffff;
	_ =	sdelay $0x1  }
0x251: {  	v16 =	vld.idx.msk [tilespmem:v46+s12+$0x0], $0xffff  }
0x252: {  	v46 =	vld.idx.msk [tilespmem:v26+s23+$0x0], $0xffff  }
0x253: {  	v26 =	vld.idx.msk [tilespmem:v18+s12+$0x0], $0xffff  }
0x254: {  	v18 =	vor.u32 $0x11, v5;
	[tilespmem:$0x1FCC0] =	vst v0;
	v0 =	vld.idx.msk [tilespmem:v4+s23+$0x0], $0xffff;
	_ =	sdelay $0x2  }
0x255: {  	[tilespmem:$0x1FDA0] =	vst v2;
	v2 =	vor.u32 $0x1, v5  }
0x256: {  	v11 =	vor.u32 $0x5, v6  }
0x257: {  	v12 =	vor.u32 $0x12, v6;
	[tilespmem:$0x1FCD0] =	vst v0;
	v0 =	vld.idx.msk [tilespmem:v18+s23+$0x0], $0xffff;
	_ =	sdelay $0x2  }
0x258: {  	v21 =	vld.idx.msk [tilespmem:v2+s23+$0x0], $0xffff;
	v2 =	vor.u32 $0x3, v6  }
0x259: {  	v28 =	vld.idx.msk [tilespmem:v11+s23+$0x0], $0xffff  }
0x25a: {  	v11 =	vor.u32 $0x12, v5;
	[tilespmem:$0x1FCE0] =	vst v0;
	v0 =	vld.idx.msk [tilespmem:v12+s23+$0x0], $0xffff  }
0x25b: {  	v9 =	vor.u32 $0x3, v7  }
0x25c: {  	v53 =	vor.u32 $0x8, v7  }
0x25d: {  	v24 =	vld.idx.msk [tilespmem:v2+s23+$0x0], $0xffff;
	v2 =	vor.u32 $0x5, v7  }
0x25e: {  	v19 =	vor.u32 $0x12, v7  }
0x25f: {  	[tilespmem:$0x1FCF0] =	vst v0;
	v0 =	vld.idx.msk [tilespmem:v11+s23+$0x0], $0xffff;
	v11 =	vor.u32 $0x14, v6  }
0x260: {  	v38 =	vld.idx.msk [tilespmem:v9+s12+$0x0], $0xffff;
	v1 =	vor.u32 $0x1, v6  }
0x261: {  	v58 =	vld.idx.msk [tilespmem:v53+s12+$0x0], $0xffff;
	v4 =	vor.u32 $0x13, v5  }
0x262: {  	v60 =	vor.u32 $0x9, v7;
	v40 =	vld.idx.msk [tilespmem:v2+s12+$0x0], $0xffff  }
0x263: {  	v63 =	vor.u32 $0xA, v7;
	v18 =	vld.idx.msk [tilespmem:v19+s12+$0x0], $0xffff  }
0x264: {  	v19 =	vor.u32 $0x14, v5;
	v2 =	vld.idx.msk [tilespmem:v11+s23+$0x0], $0xffff  }
0x265: {  	v20 =	vld.idx.msk [tilespmem:v1+s23+$0x0], $0xffff;
	v1 =	vor.u32 $0x15, v7  }
0x266: {  	[tilespmem:$0x1FD00] =	vst v0;
	v0 =	vld.idx.msk [tilespmem:v4+s23+$0x0], $0xffff;
	v4 =	vor.u32 $0x15, v6  }
0x267: {  	v59 =	vld.idx.msk [tilespmem:v60+s12+$0x0], $0xffff  }
0x268: {  	v53 =	vld.idx.msk [tilespmem:v63+s12+$0x0], $0xffff;
	v8 =	vor.u32 $0x2, v6  }
0x269: {  	v10 =	vor.u32 $0x3, v5;
	[tilespmem:$0x1FD20] =	vst v2;
	v2 =	vld.idx.msk [tilespmem:v19+s23+$0x0], $0xffff  }
0x26a: {  	v45 =	vor.u32 $0x6, v6;
	v19 =	vld.idx.msk [tilespmem:v1+s12+$0x0], $0xffff  }
0x26b: {  	v15 =	vor.u32 $0x7, v5;
	v1 =	vld.idx.msk [tilespmem:v4+s23+$0x0], $0xffff  }
0x26c: {  	v61 =	vor.u32 $0x9, v6;
	v3 =	vld.idx.msk [tilespmem:v6+s23+$0x0], $0xffff  }
0x26d: {  	v23 =	vor.u32 $0xB, v6;
	v29 =	vld.idx.msk [tilespmem:v8+s23+$0x0], $0xffff  }
0x26e: {  	v25 =	vor.u32 $0xB, v5;
	v39 =	vld.idx.msk [tilespmem:v10+s23+$0x0], $0xffff  }
0x26f: {  	v33 =	vld.idx.msk [tilespmem:v45+s23+$0x0], $0xffff;
	[tilespmem:$0x1FD10] =	vst v0;
	v0 =	vor.u32 $0x15, v5  }
0x270: {  	v49 =	vld.idx.msk [tilespmem:v15+s23+$0x0], $0xffff;
	[tilespmem:$0x1FD40] =	vst v1;
	v1 =	vor.u32 $0x16, v7  }
0x271: {  	v9 =	vor.u32 $0x16, v6;
	v36 =	vld.idx.msk [tilespmem:v61+s23+$0x0], $0xffff  }
0x272: {  	v32 =	vor.u32 $0xC, v6;
	v63 =	vld.idx.msk [tilespmem:v23+s23+$0x0], $0xffff  }
0x273: {  	v60 =	vld.idx.msk [tilespmem:v25+s23+$0x0], $0xffff;
	v23 =	vor.u32 $0xE, v5  }
0x274: {  	v8 =	vor.u32 $0x13, v7;
	v0 =	vld.idx.msk [tilespmem:v0+s23+$0x0], $0xffff  }
0x275: {  	v17 =	vld.idx.msk [tilespmem:v1+s12+$0x0], $0xffff  }
0x276: {  	[tilespmem:$0x1FD30] =	vst v2;
	v2 =	vor.u32 $0x16, v5;
	v1 =	vld.idx.msk [tilespmem:v9+s23+$0x0], $0xffff  }
0x277: {  	v61 =	vld.idx.msk [tilespmem:v32+s23+$0x0], $0xffff  }
0x278: {  	v25 =	vor.u32 $0xF, v7;
	v45 =	vld.idx.msk [tilespmem:v23+s23+$0x0], $0xffff  }
0x279: {  	v15 =	vld.idx.msk [tilespmem:v8+s12+$0x0], $0xffff;
	v11 =	vor.u32 $0x17, v5  }
0x27a: {  	v41 =	vor.u32 $0xD, v7;
	[tilespmem:$0x1FD50] =	vst v0;
	v0 =	vld.idx.msk [tilespmem:v7+s12+$0x0], $0xffff  }
0x27b: {  	v23 =	vor.u32 $0x11, v7;
	[tilespmem:$0x1FD60] =	vst v1;
	v1 =	vld.idx.msk [tilespmem:v2+s23+$0x0], $0xffff  }
0x27c: {  	v10 =	vor.u32 $0x17, v6;
	v8 =	vld.idx.msk [tilespmem:v5+s23+$0x0], $0xffff  }
0x27d: {  	v32 =	vld.idx.msk [tilespmem:v25+s12+$0x0], $0xffff;
	v4 =	vor.u32 $0x17, v7  }
0x27e: {  	v25 =	vor.u32 $0x13, v6;
	v11 =	vld.idx.msk [tilespmem:v11+s23+$0x0], $0xffff  }
0x27f: {  	v41 =	vld.idx.msk [tilespmem:v41+s12+$0x0], $0xffff;
	v9 =	vor.u32 $0x18, v7  }
0x280: {  	v23 =	vld.idx.msk [tilespmem:v23+s12+$0x0], $0xffff;
	v2 =	vor.u32 $0x18, v6;
	[tilespmem:$0x1FD70] =	vst v1;
	v1 =	vmul.f32 v3, v0  }
0x281: {  	v12 =	vor.u32 $0x14, v7;
	v0 =	vmul.f32 v8, v0;
	v8 =	vld.idx.msk [tilespmem:v10+s23+$0x0], $0xffff  }
0x282: {  	v3 =	vld.idx.msk [tilespmem:v4+s12+$0x0], $0xffff;
	v4 =	vor.u32 $0x18, v5;
	v10 =	vmul.f32 v20, v14;
	v1 =	vadd.f32 $0.0e+00, v1  }
0x283: {  	v25 =	vld.idx.msk [tilespmem:v25+s23+$0x0], $0xffff;
	[tilespmem:$0x1FD90] =	vst v11;
	v11 =	vor.u32 $0x19, v6;
	v20 =	vmul.f32 v21, v14;
	v0 =	vadd.f32 $0.0e+00, v0  }
0x284: {  	v14 =	vld.idx.msk [tilespmem:v9+s12+$0x0], $0xffff;
	v9 =	vor.u32 $0x19, v5;
	v1 =	vadd.f32 v10, v1;
	v10 =	vmul.f32 v29, v22  }
0x285: {  	v29 =	vld.idx.msk [tilespmem:v2+s23+$0x0], $0xffff;
	v2 =	vor.u32 $0x1A, v7;
	v0 =	vadd.f32 v20, v0;
	v20 =	vmul.f32 v30, v22  }
0x286: {  	v12 =	vld.idx.msk [tilespmem:v12+s12+$0x0], $0xffff;
	[tilespmem:$0x1FD80] =	vst v8;
	v8 =	vor.u32 $0x19, v7;
	v1 =	vadd.f32 v10, v1;
	v10 =	vmul.f32 v24, v38  }
0x287: {  	v30 =	vld.idx.msk [tilespmem:v4+s23+$0x0], $0xffff;
	v4 =	vor.u32 $0x1A, v6;
	v0 =	vadd.f32 v20, v0;
	v24 =	vmul.f32 v39, v38  }
0x288: {  	v27 =	vmul.f32 v27, v31;
	v38 =	vld.idx.msk [tilespmem:v11+s23+$0x0], $0xffff;
	v11 =	vor.u32 $0x1B, v7;
	v1 =	vadd.f32 v10, v1  }
0x289: {  	v39 =	vld.idx.msk [tilespmem:v9+s23+$0x0], $0xffff;
	v9 =	vor.u32 $0x1B, v6;
	v0 =	vadd.f32 v24, v0;
	v24 =	vmul.f32 v47, v31  }
0x28a: {  	v20 =	vor.u32 $0x1D, v7;
	v31 =	vld.idx.msk [tilespmem:v2+s12+$0x0], $0xffff;
	v2 =	vor.u32 $0x1B, v5;
	v1 =	vadd.f32 v27, v1  }
0x28b: {  	v22 =	vld.idx.msk [tilespmem:v8+s12+$0x0], $0xffff;
	v27 =	vmul.f32 v28, v40;
	v0 =	vadd.f32 v24, v0;
	v28 =	vmul.f32 v48, v40  }
0x28c: {  	v33 =	vmul.f32 v33, v13;
	v13 =	vmul.f32 v56, v13;
	v8 =	vor.u32 $0x1A, v5;
	v47 =	vld.idx.msk [tilespmem:v4+s23+$0x0], $0xffff  }
0x28d: {  	v4 =	vor.u32 $0x1C, v7;
	v40 =	vld.idx.msk [tilespmem:v11+s12+$0x0], $0xffff;
	v1 =	vadd.f32 v27, v1;
	v0 =	vadd.f32 v28, v0  }
0x28e: {  	v21 =	vmul.f32 v57, v16;
	v11 =	vor.u32 $0x1C, v5;
	v56 =	vld.idx.msk [tilespmem:v9+s23+$0x0], $0xffff  }
0x28f: {  	v27 =	vmul.f32 v49, v16;
	v1 =	vadd.f32 v33, v1;
	v57 =	vld.idx.msk [tilespmem:v2+s23+$0x0], $0xffff;
	v24 =	vadd.f32 v13, v0  }
0x290: {  	v2 =	vor.u32 $0x1D, v6;
	v33 =	vmul.f32 v34, v58;
	v34 =	vmul.f32 v37, v58;
	v58 =	vld.idx.msk [tilespmem:v20+s12+$0x0], $0xffff  }
0x291: {  	v28 =	vor.u32 $0x1D, v5;
	v48 =	vld.idx.msk [tilespmem:v8+s23+$0x0], $0xffff;
	v10 =	vadd.f32 v27, v24  }
0x292: {  	v20 =	vor.u32 $0x1E, v5;
	v8 =	vor.u32 $0x1C, v6;
	v49 =	vld.idx.msk [tilespmem:v4+s12+$0x0], $0xffff  }
0x293: {  	v1 =	vadd.f32 v21, v1;
	v9 =	vld.idx.msk [tilespmem:v11+s23+$0x0], $0xffff;
	v10 =	vadd.f32 v34, v10;
	v34 =	vmul.f32 v62, v53  }
0x294: {  	v11 =	vor.u32 $0x1E, v6;
	v62 =	vmul.f32 v54, v44;
	v54 =	vmul.f32 v52, v35;
	v52 =	vld [tilespmem:$0x1FCC0]  }
0x295: {  	v37 =	vmul.f32 v36, v59;
	v24 =	vor.u32 $0x1F, v7;
	v16 =	vadd.f32 v33, v1;
	v1 =	vld.idx.msk [tilespmem:v2+s23+$0x0], $0xffff  }
0x296: {  	v42 =	vmul.f32 v42, v59;
	v2 =	vld.idx.msk [tilespmem:v28+s23+$0x0], $0xffff  }
0x297: {  	v59 =	vmul.f32 v43, v53;
	v0 =	vld.idx.msk [tilespmem:v8+s23+$0x0], $0xffff;
	v8 =	vor.u32 $0x1E, v7;
	v16 =	vadd.f32 v37, v16  }
0x298: {  	v27 =	vor.u32 $0x1F, v6;
	v13 =	vld.idx.msk [tilespmem:v20+s23+$0x0], $0xffff;
	v33 =	vadd.f32 v42, v10  }
0x299: {  	v37 =	vmul.f32 v63, v50;
	v42 =	vor.u32 $0x20, v7;
	v10 =	vld.idx.msk [tilespmem:v11+s23+$0x0], $0xffff;
	v36 =	vadd.f32 v59, v16  }
0x29a: {  	v50 =	vmul.f32 v60, v50;
	v60 =	vmul.f32 v61, v44;
	v61 =	vor.u32 $0x20, v5;
	v4 =	vld.idx.msk [tilespmem:v24+s12+$0x0], $0xffff  }
0x29b: {  	v43 =	vadd.f32 v34, v33;
	v16 =	vadd.f32 v37, v36;
	v36 =	vld [tilespmem:$0x1FCF0]  }
0x29c: {  	v59 =	vor.u32 $0x20, v6;
	v53 =	vld.idx.msk [tilespmem:v8+s12+$0x0], $0xffff  }
0x29d: {  	v28 =	vor.u32 $0x1F, v5;
	v21 =	vadd.f32 v50, v43;
	v8 =	vld.idx.msk [tilespmem:v27+s23+$0x0], $0xffff  }
0x29e: {  	v51 =	vmul.f32 v51, v41;
	v44 =	vmul.f32 v55, v41;
	v50 =	vor.u32 $0x21, v6;
	v41 =	vld.idx.msk [tilespmem:v42+s12+$0x0], $0xffff  }
0x29f: {  	v20 =	vld.idx.msk [tilespmem:v61+s23+$0x0], $0xffff;
	v21 =	vadd.f32 v62, v21  }
0x2a0: {  	v63 =	vor.u32 $0x21, v7;
	v62 =	vmul.f32 v46, v32;
	v46 =	vld [tilespmem:$0x1FCA0]  }
0x2a1: {  	v42 =	vor.u32 $0x23, v5;
	v11 =	vld.idx.msk [tilespmem:v59+s23+$0x0], $0xffff;
	v59 =	vmul.f32 v45, v35;
	v21 =	vadd.f32 v51, v21  }
0x2a2: {  	v34 =	vadd.f32 v60, v16;
	v16 =	vld.idx.msk [tilespmem:v28+s23+$0x0], $0xffff;
	v60 =	vor.u32 $0x22, v6  }
0x2a3: {  	v33 =	vadd.f32 v59, v21;
	v21 =	vld.idx.msk [tilespmem:v50+s23+$0x0], $0xffff  }
0x2a4: {  	v55 =	vor.u32 $0x22, v7;
	v50 =	vld [tilespmem:$0x1FCB0]  }
0x2a5: {  	v35 =	vld.idx.msk [tilespmem:v63+s12+$0x0], $0xffff;
	v32 =	vmul.f32 v46, v32  }
0x2a6: {  	v37 =	vor.u32 $0x21, v5;
	v34 =	vadd.f32 v44, v34;
	v27 =	vld.idx.msk [tilespmem:v42+s23+$0x0], $0xffff  }
0x2a7: {  	v63 =	vor.u32 $0x22, v5;
	v33 =	vadd.f32 v32, v33;
	v32 =	vld.idx.msk [tilespmem:v60+s23+$0x0], $0xffff  }
0x2a8: {  	v61 =	vadd.f32 v54, v34;
	v60 =	vld [tilespmem:$0x1FCE0]  }
0x2a9: {  	v54 =	vmul.f32 v52, v26;
	v42 =	vor.u32 $0x25, v6;
	v51 =	vmul.f32 v50, v26;
	v26 =	vld.idx.msk [tilespmem:v55+s12+$0x0], $0xffff  }
0x2aa: {  	v34 =	vadd.f32 v62, v61;
	v62 =	vor.u32 $0x24, v6;
	v55 =	vld [tilespmem:$0x1FCD0]  }
0x2ab: {  	v24 =	vld.idx.msk [tilespmem:v37+s23+$0x0], $0xffff  }
0x2ac: {  	v44 =	vadd.f32 v54, v33;
	v33 =	vld.idx.msk [tilespmem:v63+s23+$0x0], $0xffff  }
0x2ad: {  	v54 =	vld [tilespmem:$0x1FD00]  }
0x2ae: {  	v28 =	vor.u32 $0x23, v7;
	v42 =	vld.idx.msk [tilespmem:v42+s23+$0x0], $0xffff;
	v61 =	vmul.f32 v60, v23  }
0x2af: {  	v37 =	vor.u32 $0x23, v6;
	v34 =	vadd.f32 v51, v34;
	v45 =	vld.idx.msk [tilespmem:v62+s23+$0x0], $0xffff;
	v59 =	vmul.f32 v55, v23  }
0x2b0: {  	v52 =	vadd.f32 v61, v44;
	v61 =	vld [tilespmem:$0x1FD20]  }
0x2b1: {  	v63 =	vadd.f32 v59, v34;
	v59 =	vld [tilespmem:$0x1FD10]  }
0x2b2: {  	v50 =	vmul.f32 v36, v18;
	v62 =	vld [tilespmem:$0x1FD30]  }
0x2b3: {  	v23 =	vld.idx.msk [tilespmem:v28+s12+$0x0], $0xffff;
	v44 =	vmul.f32 v54, v18;
	v55 =	vor.u32 $0x25, v7  }
0x2b4: {  	v25 =	vmul.f32 v25, v15;
	v18 =	vld.idx.msk [tilespmem:v37+s23+$0x0], $0xffff;
	v34 =	vadd.f32 v50, v63  }
0x2b5: {  	v36 =	vadd.f32 v44, v52;
	v52 =	vld [tilespmem:$0x1FD40];
	v63 =	vor.u32 $0x26, v6  }
0x2b6: {  	v25 =	vadd.f32 v25, v34;
	v34 =	vmul.f32 v61, v12;
	v61 =	vld [tilespmem:$0x1FD70];
	v44 =	vmul.f32 v59, v15  }
0x2b7: {  	v43 =	vor.u32 $0x24, v7;
	v59 =	vld [tilespmem:$0x1FD60]  }
0x2b8: {  	v36 =	vadd.f32 v44, v36;
	v44 =	vmul.f32 v62, v12;
	v12 =	vld.idx.msk [tilespmem:v55+s12+$0x0], $0xffff  }
0x2b9: {  	v60 =	vor.u32 $0x25, v5;
	v55 =	vld [tilespmem:$0x1FD50]  }
0x2ba: {  	v51 =	vor.u32 $0x24, v5;
	v54 =	vmul.f32 v52, v19;
	v25 =	vadd.f32 v34, v25;
	v62 =	vld [tilespmem:$0x1FD80]  }
0x2bb: {  	v29 =	vmul.f32 v29, v14;
	v50 =	vld.idx.msk [tilespmem:v63+s23+$0x0], $0xffff;
	v63 =	vor.u32 $0x28, v7  }
0x2bc: {  	v46 =	vor.u32 $0x26, v7;
	v37 =	vor.u32 $0x26, v5;
	v15 =	vld.idx.msk [tilespmem:v43+s12+$0x0], $0xffff;
	v25 =	vadd.f32 v54, v25  }
0x2bd: {  	v54 =	vld [tilespmem:$0x1FD90];
	v36 =	vadd.f32 v44, v36;
	v44 =	vor.u32 $0x27, v7;
	v34 =	vmul.f32 v59, v17  }
0x2be: {  	v43 =	vld.idx.msk [tilespmem:v60+s23+$0x0], $0xffff;
	v60 =	vor.u32 $0x27, v6;
	v59 =	vor.u32 $0x28, v5;
	v19 =	vmul.f32 v55, v19  }
0x2bf: {  	v28 =	vld.idx.msk [tilespmem:v51+s23+$0x0], $0xffff;
	v17 =	vmul.f32 v61, v17;
	v25 =	vadd.f32 v34, v25;
	v34 =	vmul.f32 v62, v3  }
0x2c0: {  	v61 =	vmul.f32 v38, v22;
	v62 =	vmul.f32 v39, v22;
	v22 =	vld.idx.msk [tilespmem:v63+s12+$0x0], $0xffff;
	v19 =	vadd.f32 v19, v36  }
0x2c1: {  	v51 =	vmul.f32 v47, v31;
	v36 =	vld.idx.msk [tilespmem:v46+s12+$0x0], $0xffff;
	v46 =	vor.u32 $0x27, v5;
	v25 =	vadd.f32 v34, v25  }
0x2c2: {  	v55 =	vor.u32 $0x28, v6;
	v3 =	vmul.f32 v54, v3;
	v34 =	vld.idx.msk [tilespmem:v44+s12+$0x0], $0xffff;
	v17 =	vadd.f32 v17, v19  }
0x2c3: {  	v63 =	vor.u32 $0x29, v5;
	v54 =	vmul.f32 v48, v31;
	v31 =	vld.idx.msk [tilespmem:v59+s23+$0x0], $0xffff;
	v25 =	vadd.f32 v29, v25  }
0x2c4: {  	v14 =	vmul.f32 v30, v14;
	v3 =	vadd.f32 v3, v17;
	v17 =	vld.idx.msk [tilespmem:v60+s23+$0x0], $0xffff;
	v60 =	vor.u32 $0x29, v7  }
0x2c5: {  	v52 =	vor.u32 $0x2A, v7;
	v19 =	vld.idx.msk [tilespmem:v37+s23+$0x0], $0xffff;
	v25 =	vadd.f32 v61, v25  }
0x2c6: {  	v9 =	vmul.f32 v9, v49;
	v38 =	vld.idx.msk [tilespmem:v46+s23+$0x0], $0xffff;
	v46 =	vor.u32 $0x29, v6;
	v3 =	vadd.f32 v14, v3  }
0x2c7: {  	v59 =	vmul.f32 v56, v40;
	v37 =	vld.idx.msk [tilespmem:v55+s23+$0x0], $0xffff;
	v55 =	vor.u32 $0x2A, v6;
	v25 =	vadd.f32 v51, v25  }
0x2c8: {  	v1 =	vmul.f32 v1, v58;
	v29 =	vld.idx.msk [tilespmem:v63+s23+$0x0], $0xffff;
	v3 =	vadd.f32 v62, v3;
	v62 =	vor.u32 $0x2B, v7  }
0x2c9: {  	v0 =	vmul.f32 v0, v49;
	v25 =	vadd.f32 v59, v25;
	v30 =	vld.idx.msk [tilespmem:v60+s12+$0x0], $0xffff;
	v60 =	vor.u32 $0x2A, v5  }
0x2ca: {  	v61 =	vmul.f32 v57, v40;
	v14 =	vld.idx.msk [tilespmem:v52+s12+$0x0], $0xffff;
	v52 =	vor.u32 $0x2B, v5;
	v3 =	vadd.f32 v54, v3  }
0x2cb: {  	v2 =	vmul.f32 v2, v58;
	v63 =	vor.u32 $0x2B, v6;
	v40 =	vld.idx.msk [tilespmem:v46+s23+$0x0], $0xffff;
	v0 =	vadd.f32 v0, v25  }
0x2cc: {  	v58 =	vor.u32 $0x2D, v6;
	v25 =	vld.idx.msk [tilespmem:v55+s23+$0x0], $0xffff;
	v55 =	vor.u32 $0x2C, v6;
	v3 =	vadd.f32 v61, v3  }
0x2cd: {  	v54 =	vor.u32 $0x2C, v7;
	v0 =	vadd.f32 v1, v0;
	v1 =	vmul.f32 v10, v53;
	v10 =	vld.idx.msk [tilespmem:v62+s12+$0x0], $0xffff  }
0x2ce: {  	v49 =	vor.u32 $0x30, v6;
	v57 =	vor.u32 $0x2D, v7;
	v3 =	vadd.f32 v9, v3;
	v9 =	vld.idx.msk [tilespmem:v60+s23+$0x0], $0xffff  }
0x2cf: {  	v59 =	vor.u32 $0x2D, v5;
	v0 =	vadd.f32 v1, v0;
	v1 =	vmul.f32 v8, v4;
	v8 =	vld.idx.msk [tilespmem:v52+s23+$0x0], $0xffff  }
0x2d0: {  	v56 =	vor.u32 $0x2C, v5;
	v2 =	vadd.f32 v2, v3;
	v3 =	vmul.f32 v13, v53;
	v13 =	vld.idx.msk [tilespmem:v63+s23+$0x0], $0xffff  }
0x2d1: {  	v47 =	vor.u32 $0x2F, v5;
	v0 =	vadd.f32 v1, v0;
	v1 =	vmul.f32 v11, v41;
	v11 =	vld.idx.msk [tilespmem:v55+s23+$0x0], $0xffff  }
0x2d2: {  	v48 =	vor.u32 $0x30, v7;
	v2 =	vadd.f32 v3, v2;
	v3 =	vmul.f32 v16, v4;
	v4 =	vld.idx.msk [tilespmem:v54+s12+$0x0], $0xffff  }
0x2d3: {  	v61 =	vor.u32 $0x2E, v6;
	v0 =	vadd.f32 v1, v0;
	v1 =	vmul.f32 v21, v35;
	v21 =	vld.idx.msk [tilespmem:v57+s12+$0x0], $0xffff  }
0x2d4: {  	v63 =	vor.u32 $0x2F, v7;
	v16 =	vld.idx.msk [tilespmem:v59+s23+$0x0], $0xffff;
	v2 =	vadd.f32 v3, v2;
	v3 =	vmul.f32 v20, v41  }
0x2d5: {  	v60 =	vor.u32 $0x2E, v7;
	v20 =	vld.idx.msk [tilespmem:v56+s23+$0x0], $0xffff;
	v0 =	vadd.f32 v1, v0;
	v1 =	vmul.f32 v32, v26  }
0x2d6: {  	v53 =	vor.u32 $0x31, v6;
	v32 =	vld.idx.msk [tilespmem:v47+s23+$0x0], $0xffff;
	v2 =	vadd.f32 v3, v2;
	v3 =	vmul.f32 v24, v35  }
0x2d7: {  	v44 =	vor.u32 $0x36, v7;
	v62 =	vor.u32 $0x2E, v5;
	v24 =	vld.idx.msk [tilespmem:v58+s23+$0x0], $0xffff;
	v0 =	vadd.f32 v1, v0  }
0x2d8: {  	v1 =	vmul.f32 v18, v23;
	v18 =	vld.idx.msk [tilespmem:v61+s23+$0x0], $0xffff;
	v2 =	vadd.f32 v3, v2;
	v3 =	vmul.f32 v33, v26  }
0x2d9: {  	v51 =	vor.u32 $0x30, v5;
	v46 =	vor.u32 $0x2F, v6;
	v35 =	vld.idx.msk [tilespmem:v63+s12+$0x0], $0xffff;
	v61 =	vor.u32 $0x34, v7  }
0x2da: {  	v63 =	vor.u32 $0x34, v5;
	v26 =	vld.idx.msk [tilespmem:v60+s12+$0x0], $0xffff;
	v2 =	vadd.f32 v3, v2;
	v3 =	vmul.f32 v27, v23  }
0x2db: {  	v52 =	vor.u32 $0x31, v7;
	v0 =	vadd.f32 v1, v0;
	v1 =	vmul.f32 v45, v15;
	v33 =	vld.idx.msk [tilespmem:v53+s23+$0x0], $0xffff  }
0x2dc: {  	v57 =	vor.u32 $0x32, v5;
	v23 =	vld.idx.msk [tilespmem:v62+s23+$0x0], $0xffff;
	v2 =	vadd.f32 v3, v2;
	v3 =	vmul.f32 v28, v15  }
0x2dd: {  	v55 =	vor.u32 $0x32, v7;
	v0 =	vadd.f32 v1, v0;
	v1 =	vmul.f32 v42, v12;
	v27 =	vld.idx.msk [tilespmem:v49+s23+$0x0], $0xffff  }
0x2de: {  	v54 =	vor.u32 $0x31, v5;
	v41 =	vld.idx.msk [tilespmem:v61+s12+$0x0], $0xffff;
	v2 =	vadd.f32 v3, v2;
	v3 =	vmul.f32 v43, v12  }
0x2df: {  	v62 =	vor.u32 $0x34, v6;
	v45 =	vld.idx.msk [tilespmem:v63+s23+$0x0], $0xffff;
	v0 =	vadd.f32 v1, v0;
	v1 =	vmul.f32 v50, v36  }
0x2e0: {  	v59 =	vor.u32 $0x33, v6;
	v15 =	vld.idx.msk [tilespmem:v46+s23+$0x0], $0xffff;
	v2 =	vadd.f32 v3, v2;
	v3 =	vmul.f32 v19, v36  }
0x2e1: {  	v56 =	vor.u32 $0x32, v6;
	v28 =	vld.idx.msk [tilespmem:v57+s23+$0x0], $0xffff;
	v0 =	vadd.f32 v1, v0;
	v1 =	vmul.f32 v17, v34  }
0x2e2: {  	v47 =	vor.u32 $0x36, v5;
	v12 =	vld.idx.msk [tilespmem:v48+s12+$0x0], $0xffff;
	v2 =	vadd.f32 v3, v2;
	v3 =	vmul.f32 v38, v34  }
0x2e3: {  	v58 =	vor.u32 $0x33, v7;
	v17 =	vld.idx.msk [tilespmem:v52+s12+$0x0], $0xffff;
	v0 =	vadd.f32 v1, v0;
	v1 =	vmul.f32 v37, v22  }
0x2e4: {  	v63 =	vor.u32 $0x3A, v7;
	v43 =	vld.idx.msk [tilespmem:v62+s23+$0x0], $0xffff;
	v2 =	vadd.f32 v3, v2;
	v3 =	vmul.f32 v31, v22  }
0x2e5: {  	v46 =	vor.u32 $0x36, v6;
	v19 =	vld.idx.msk [tilespmem:v51+s23+$0x0], $0xffff;
	v0 =	vadd.f32 v1, v0;
	v1 =	vmul.f32 v40, v30  }
0x2e6: {  	v50 =	vor.u32 $0x37, v6;
	v37 =	vld.idx.msk [tilespmem:v54+s23+$0x0], $0xffff;
	v2 =	vadd.f32 v3, v2;
	v3 =	vmul.f32 v29, v30  }
0x2e7: {  	v60 =	vor.u32 $0x33, v5;
	v36 =	vld.idx.msk [tilespmem:v56+s23+$0x0], $0xffff;
	v0 =	vadd.f32 v1, v0;
	v1 =	vmul.f32 v25, v14  }
0x2e8: {  	v42 =	vor.u32 $0x35, v5;
	v51 =	vld.idx.msk [tilespmem:v44+s12+$0x0], $0xffff;
	v2 =	vadd.f32 v3, v2;
	v3 =	vmul.f32 v9, v14  }
0x2e9: {  	v49 =	vor.u32 $0x37, v7;
	v39 =	vld.idx.msk [tilespmem:v63+s12+$0x0], $0xffff;
	v0 =	vadd.f32 v1, v0;
	v1 =	vmul.f32 v13, v10  }
0x2ea: {  	v54 =	vor.u32 $0x38, v7;
	v53 =	vld.idx.msk [tilespmem:v46+s23+$0x0], $0xffff;
	v2 =	vadd.f32 v3, v2;
	v3 =	vmul.f32 v8, v10  }
0x2eb: {  	v56 =	vor.u32 $0x38, v5;
	v57 =	vld.idx.msk [tilespmem:v50+s23+$0x0], $0xffff;
	v0 =	vadd.f32 v1, v0;
	v1 =	vmul.f32 v11, v4  }
0x2ec: {  	v38 =	vld.idx.msk [tilespmem:v60+s23+$0x0], $0xffff;
	v40 =	vor.u32 $0x35, v6;
	v2 =	vadd.f32 v3, v2;
	v3 =	vmul.f32 v20, v4  }
0x2ed: {  	v52 =	vor.u32 $0x37, v5;
	v22 =	vld.idx.msk [tilespmem:v55+s12+$0x0], $0xffff;
	v0 =	vadd.f32 v1, v0;
	v1 =	vmul.f32 v24, v21  }
0x2ee: {  	v34 =	vor.u32 $0x35, v7;
	v25 =	vld.idx.msk [tilespmem:v58+s12+$0x0], $0xffff;
	v2 =	vadd.f32 v3, v2;
	v3 =	vmul.f32 v16, v21  }
0x2ef: {  	v62 =	vor.u32 $0x39, v5;
	v61 =	vld.idx.msk [tilespmem:v54+s12+$0x0], $0xffff;
	v0 =	vadd.f32 v1, v0;
	v1 =	vmul.f32 v18, v26  }
0x2f0: {  	v55 =	vor.u32 $0x38, v6;
	v31 =	vld.idx.msk [tilespmem:v56+s23+$0x0], $0xffff;
	v2 =	vadd.f32 v3, v2;
	v3 =	vmul.f32 v23, v26  }
0x2f1: {  	v46 =	vor.u32 $0x3C, v5;
	v48 =	vld.idx.msk [tilespmem:v40+s23+$0x0], $0xffff;
	v0 =	vadd.f32 v1, v0;
	v1 =	vmul.f32 v15, v35  }
0x2f2: {  	v50 =	vor.u32 $0x3D, v5;
	v9 =	vld.idx.msk [tilespmem:v59+s23+$0x0], $0xffff;
	v2 =	vadd.f32 v3, v2;
	v3 =	vmul.f32 v32, v35  }
0x2f3: {  	v40 =	vor.u32 $0x3B, v5;
	v14 =	vld.idx.msk [tilespmem:v34+s12+$0x0], $0xffff;
	v0 =	vadd.f32 v1, v0;
	v1 =	vmul.f32 v27, v12  }
0x2f4: {  	v59 =	vld.idx.msk [tilespmem:v52+s23+$0x0], $0xffff;
	v34 =	vor.u32 $0x3A, v5;
	v2 =	vadd.f32 v3, v2;
	v3 =	vmul.f32 v19, v12  }
0x2f5: {  	v29 =	vld.idx.msk [tilespmem:v55+s23+$0x0], $0xffff;
	v55 =	vor.u32 $0x3E, v5;
	v0 =	vadd.f32 v1, v0;
	v1 =	vmul.f32 v33, v17  }
0x2f6: {  	v52 =	vld.idx.msk [tilespmem:v46+s23+$0x0], $0xffff;
	v5 =	vor.u32 $0x3F, v5;
	v2 =	vadd.f32 v3, v2;
	v3 =	vmul.f32 v37, v17  }
0x2f7: {  	v10 =	vld.idx.msk [tilespmem:v42+s23+$0x0], $0xffff;
	v42 =	vor.u32 $0x3C, v7;
	v0 =	vadd.f32 v1, v0;
	v1 =	vmul.f32 v36, v22  }
0x2f8: {  	v24 =	vld.idx.msk [tilespmem:v47+s23+$0x0], $0xffff;
	v47 =	vor.u32 $0x3D, v7;
	v2 =	vadd.f32 v3, v2;
	v3 =	vmul.f32 v28, v22  }
0x2f9: {  	v58 =	vor.u32 $0x39, v7;
	v8 =	vld.idx.msk [tilespmem:v40+s23+$0x0], $0xffff;
	v0 =	vadd.f32 v1, v0;
	v1 =	vmul.f32 v9, v25  }
0x2fa: {  	v60 =	vor.u32 $0x39, v6;
	v21 =	vld.idx.msk [tilespmem:v49+s12+$0x0], $0xffff;
	v2 =	vadd.f32 v3, v2;
	v3 =	vmul.f32 v38, v25  }
0x2fb: {  	v5 =	vld.idx.msk [tilespmem:v5+s23+$0x0], $0xffff;
	v0 =	vadd.f32 v1, v0;
	v1 =	vmul.f32 v43, v41  }
0x2fc: {  	v49 =	vld.idx.msk [tilespmem:v42+s12+$0x0], $0xffff;
	v2 =	vadd.f32 v3, v2;
	v3 =	vmul.f32 v45, v41  }
0x2fd: {  	v54 =	vld.idx.msk [tilespmem:v47+s12+$0x0], $0xffff;
	v32 =	vor.u32 $0x3A, v6;
	v0 =	vadd.f32 v1, v0;
	v1 =	vmul.f32 v48, v14  }
0x2fe: {  	v33 =	vld.idx.msk [tilespmem:v58+s12+$0x0], $0xffff;
	v36 =	vor.u32 $0x3B, v7;
	v2 =	vadd.f32 v3, v2;
	v3 =	vmul.f32 v10, v14  }
0x2ff: {  	v35 =	vld.idx.msk [tilespmem:v60+s23+$0x0], $0xffff;
	v38 =	vor.u32 $0x3B, v6;
	v0 =	vadd.f32 v1, v0;
	v1 =	vmul.f32 v53, v51  }
0x300: {  	v37 =	vld.idx.msk [tilespmem:v62+s23+$0x0], $0xffff;
	v2 =	vadd.f32 v3, v2;
	v3 =	vmul.f32 v24, v51  }
0x301: {  	v44 =	vor.u32 $0x3C, v6;
	v43 =	vld.idx.msk [tilespmem:v34+s23+$0x0], $0xffff;
	v0 =	vadd.f32 v1, v0;
	v1 =	vmul.f32 v57, v21  }
0x302: {  	v41 =	vld.idx.msk [tilespmem:v32+s23+$0x0], $0xffff;
	v2 =	vadd.f32 v3, v2;
	v3 =	vmul.f32 v59, v21  }
0x303: {  	v48 =	vor.u32 $0x3D, v6;
	v45 =	vld.idx.msk [tilespmem:v36+s12+$0x0], $0xffff;
	v0 =	vadd.f32 v1, v0;
	v1 =	vmul.f32 v29, v61  }
0x304: {  	v53 =	vor.u32 $0x3E, v6;
	v20 =	vld.idx.msk [tilespmem:v38+s23+$0x0], $0xffff;
	v2 =	vadd.f32 v3, v2;
	v3 =	vmul.f32 v31, v61  }
0x305: {  	v60 =	vld.idx.msk [tilespmem:v55+s23+$0x0], $0xffff;
	v51 =	vor.u32 $0x3E, v7;
	v0 =	vadd.f32 v1, v0;
	v1 =	vmul.f32 v35, v33  }
0x306: {  	v6 =	vor.u32 $0x3F, v6;
	v14 =	vld.idx.msk [tilespmem:v44+s23+$0x0], $0xffff;
	v2 =	vadd.f32 v3, v2;
	v3 =	vmul.f32 v37, v33  }
0x307: {  	v57 =	vld.idx.msk [tilespmem:v50+s23+$0x0], $0xffff;
	v0 =	vadd.f32 v1, v0;
	v1 =	vmul.f32 v41, v39  }
0x308: {  	v56 =	vld.idx.msk [tilespmem:v48+s23+$0x0], $0xffff;
	v7 =	vor.u32 $0x3F, v7;
	v2 =	vadd.f32 v3, v2;
	v3 =	vmul.f32 v43, v39  }
0x309: {  	v59 =	vld.idx.msk [tilespmem:v53+s23+$0x0], $0xffff;
	v0 =	vadd.f32 v1, v0;
	v1 =	vmul.f32 v20, v45  }
0x30a: {  	v58 =	vld.idx.msk [tilespmem:v51+s12+$0x0], $0xffff;
	v2 =	vadd.f32 v3, v2;
	v3 =	vmul.f32 v8, v45  }
0x30b: {  	v6 =	vld.idx.msk [tilespmem:v6+s23+$0x0], $0xffff;
	v0 =	vadd.f32 v1, v0;
	v1 =	vmul.f32 v14, v49  }
0x30c: {  	v61 =	vld [tilespmem:$0x1FDA0];
	v2 =	vadd.f32 v3, v2;
	v3 =	vmul.f32 v52, v49  }
0x30d: {  	v7 =	vld.idx.msk [tilespmem:v7+s12+$0x0], $0xffff;
	v0 =	vadd.f32 v1, v0;
	v1 =	vmul.f32 v56, v54  }
0x30e: {  	v2 =	vadd.f32 v3, v2;
	v3 =	vmul.f32 v57, v54  }
0x30f: {  	v0 =	vadd.f32 v1, v0;
	v1 =	vmul.f32 v59, v58  }
0x310: {  	v2 =	vadd.f32 v3, v2;
	v3 =	vmul.f32 v60, v58  }
0x311: {  	v0 =	vadd.f32 v1, v0  }
0x312: {  	v1 =	vadd.f32 v3, v2;
	v2 =	vmul.f32 v6, v7;
	v3 =	vmul.f32 v5, v7;
	_ =	sdelay $0x1  }
0x313: {  	v0 =	vadd.f32 v2, v0;
	v1 =	vadd.f32 v3, v1  }
0x314: {  	v2 =	vld.idx.msk [tilespmem:v61+s13+$0x0], $0xffff  }
0x315: {  	v3 =	vadd.f32 v1, v0  }
0x316: {  	v4 =	vshll.u32 v61, $0x3  }
0x317: {  	v62 =	vor.u32 $0x1, v4;
	v3 =	vmul.f32 $5.000000000e-01, v3  }
0x318: {  	p1 =	sne.s32 s31, $0x70;
	v63 =	vor.u32 $0x2, v4  }
.Ltmp2:
0x319: {  	v2 =	vadd.f32 v3, v2;
	(pc) =	sbr.rel @p1 .LBB2_6-.Ltmp2, $4  }
0x31a: {  	_ = 	snop  }
0x31b: {  	[tilespmem:v4+s25+$0x0] =	vst.idx.msk $0xffff, v2  }
0x31c: {  	[tilespmem:v62+s25+$0x0] =	vst.idx.msk $0xffff, v0  }
0x31d: {  	s31 =	sadd.s32 $0x10, s31;
	v2 =	vlaneseq.u32;
	[tilespmem:v63+s25+$0x0] =	vst.idx.msk $0xffff, v1  }
0x31e: {  	_ =	swait.ge [sflag:s29], $0x2000  }
0x31f: {  	[sflag:s29] =	ssyncset.done $0x0  }
0x320: {  	[sflag:s29] =	ssyncadd.s32 $0xFFFFE000  }
0x321: {  	_ =	swait.ge [sflag:s29], $0x80  }
0x322: {  	[sflag:s29] =	ssyncset.done $0x0  }
0x323: {  	s31 =	simm.s32 $0x0;
	[sflag:s29] =	ssyncadd.s32 $0xFFFFFF80  }
.LBB2_8:
0x324: {  	v0 =	vor.u32 $0x500, v2  }
0x325: {  	v0 =	vor.u32 s31, v0;
	_ =	sdelay $0x2  }
0x326: {  	v1 =	vor.u32 $0x580, v2  }
0x327: {  	v1 =	vor.u32 s31, v1  }
0x328: {  	v0 =	vld.idx.msk [tilespmem:v0+s3+$0x0], $0xffff  }
0x329: {  	v2 =	vlaneseq.u32  }
0x32a: {  	v2 =	vor.u32 $0x180, v2  }
0x32b: {  	v2 =	vor.u32 s31, v2  }
0x32c: {  	v7 =	vshll.u32 v2, $0x6;
	v1 =	vld.idx.msk [tilespmem:v1+s3+$0x0], $0xffff  }
0x32d: {  	v6 =	vshll.u32 v0, $0x6;
	v0 =	vor.u32 $0x1, v7  }
0x32e: {  	v4 =	vor.u32 $0x2, v7;
	_ =	sdelay $0x2  }
0x32f: {  	v19 =	vor.u32 $0xB, v7;
	v5 =	vshll.u32 v1, $0x6  }
0x330: {  	v14 =	vld.idx.msk [tilespmem:v0+s12+$0x0], $0xffff;
	v0 =	vor.u32 $0x2, v5  }
0x331: {  	v22 =	vld.idx.msk [tilespmem:v4+s12+$0x0], $0xffff;
	v4 =	vor.u32 $0xA, v6  }
0x332: {  	v37 =	vor.u32 $0x5, v5  }
0x333: {  	v55 =	vor.u32 $0x8, v5  }
0x334: {  	v50 =	vld.idx.msk [tilespmem:v19+s12+$0x0], $0xffff;
	v51 =	vor.u32 $0xD, v6  }
0x335: {  	v30 =	vld.idx.msk [tilespmem:v0+s23+$0x0], $0xffff;
	v0 =	vor.u32 $0x4, v6  }
0x336: {  	v43 =	vld.idx.msk [tilespmem:v4+s23+$0x0], $0xffff;
	v4 =	vor.u32 $0xD, v5  }
0x337: {  	v34 =	vor.u32 $0x4, v7;
	v48 =	vld.idx.msk [tilespmem:v37+s23+$0x0], $0xffff  }
0x338: {  	v52 =	vor.u32 $0x7, v6;
	v37 =	vld.idx.msk [tilespmem:v55+s23+$0x0], $0xffff  }
0x339: {  	v19 =	vor.u32 $0xE, v6;
	v55 =	vld.idx.msk [tilespmem:v51+s23+$0x0], $0xffff  }
0x33a: {  	v27 =	vld.idx.msk [tilespmem:v0+s23+$0x0], $0xffff;
	v0 =	vor.u32 $0x6, v7  }
0x33b: {  	v51 =	vld.idx.msk [tilespmem:v4+s23+$0x0], $0xffff;
	v4 =	vor.u32 $0xF, v5  }
0x33c: {  	v31 =	vld.idx.msk [tilespmem:v34+s12+$0x0], $0xffff;
	v35 =	vor.u32 $0x4, v5  }
0x33d: {  	v12 =	vor.u32 $0x6, v5;
	v57 =	vld.idx.msk [tilespmem:v52+s23+$0x0], $0xffff  }
0x33e: {  	v62 =	vor.u32 $0x9, v5;
	v52 =	vld.idx.msk [tilespmem:v19+s23+$0x0], $0xffff  }
0x33f: {  	v18 =	vor.u32 $0xA, v5;
	v13 =	vld.idx.msk [tilespmem:v0+s12+$0x0], $0xffff  }
0x340: {  	v19 =	vor.u32 $0x10, v6;
	v0 =	vld.idx.msk [tilespmem:v4+s23+$0x0], $0xffff  }
0x341: {  	v26 =	vor.u32 $0xC, v7;
	v47 =	vld.idx.msk [tilespmem:v35+s23+$0x0], $0xffff  }
0x342: {  	v54 =	vor.u32 $0x8, v6;
	v56 =	vld.idx.msk [tilespmem:v12+s23+$0x0], $0xffff  }
0x343: {  	v42 =	vld.idx.msk [tilespmem:v62+s23+$0x0], $0xffff;
	v35 =	vor.u32 $0xC, v5  }
0x344: {  	v62 =	vld.idx.msk [tilespmem:v18+s23+$0x0], $0xffff;
	v18 =	vor.u32 $0xE, v7  }
0x345: {  	v12 =	vor.u32 $0x10, v5;
	[tilespmem:$0x1FB90] =	vst v0;
	v0 =	vld.idx.msk [tilespmem:v19+s23+$0x0], $0xffff  }
0x346: {  	v44 =	vld.idx.msk [tilespmem:v26+s12+$0x0], $0xffff  }
0x347: {  	v46 =	vor.u32 $0x7, v7;
	v34 =	vld.idx.msk [tilespmem:v54+s23+$0x0], $0xffff  }
0x348: {  	v26 =	vor.u32 $0xF, v6;
	v54 =	vld.idx.msk [tilespmem:v35+s23+$0x0], $0xffff  }
0x349: {  	v35 =	vld.idx.msk [tilespmem:v18+s12+$0x0], $0xffff;
	v18 =	vor.u32 $0x10, v7  }
0x34a: {  	v4 =	vor.u32 $0x11, v6;
	[tilespmem:$0x1FBA0] =	vst v0;
	v0 =	vld.idx.msk [tilespmem:v12+s23+$0x0], $0xffff;
	_ =	sdelay $0x1  }
0x34b: {  	v16 =	vld.idx.msk [tilespmem:v46+s12+$0x0], $0xffff  }
0x34c: {  	v46 =	vld.idx.msk [tilespmem:v26+s23+$0x0], $0xffff  }
0x34d: {  	v26 =	vld.idx.msk [tilespmem:v18+s12+$0x0], $0xffff  }
0x34e: {  	v18 =	vor.u32 $0x11, v5;
	[tilespmem:$0x1FBB0] =	vst v0;
	v0 =	vld.idx.msk [tilespmem:v4+s23+$0x0], $0xffff;
	_ =	sdelay $0x2  }
0x34f: {  	[tilespmem:$0x1FC90] =	vst v2;
	v2 =	vor.u32 $0x1, v5  }
0x350: {  	v11 =	vor.u32 $0x5, v6  }
0x351: {  	v12 =	vor.u32 $0x12, v6;
	[tilespmem:$0x1FBC0] =	vst v0;
	v0 =	vld.idx.msk [tilespmem:v18+s23+$0x0], $0xffff;
	_ =	sdelay $0x2  }
0x352: {  	v21 =	vld.idx.msk [tilespmem:v2+s23+$0x0], $0xffff;
	v2 =	vor.u32 $0x3, v6  }
0x353: {  	v28 =	vld.idx.msk [tilespmem:v11+s23+$0x0], $0xffff  }
0x354: {  	v11 =	vor.u32 $0x12, v5;
	[tilespmem:$0x1FBD0] =	vst v0;
	v0 =	vld.idx.msk [tilespmem:v12+s23+$0x0], $0xffff  }
0x355: {  	v9 =	vor.u32 $0x3, v7  }
0x356: {  	v53 =	vor.u32 $0x8, v7  }
0x357: {  	v24 =	vld.idx.msk [tilespmem:v2+s23+$0x0], $0xffff;
	v2 =	vor.u32 $0x5, v7  }
0x358: {  	v19 =	vor.u32 $0x12, v7  }
0x359: {  	[tilespmem:$0x1FBE0] =	vst v0;
	v0 =	vld.idx.msk [tilespmem:v11+s23+$0x0], $0xffff;
	v11 =	vor.u32 $0x14, v6  }
0x35a: {  	v38 =	vld.idx.msk [tilespmem:v9+s12+$0x0], $0xffff;
	v1 =	vor.u32 $0x1, v6  }
0x35b: {  	v58 =	vld.idx.msk [tilespmem:v53+s12+$0x0], $0xffff;
	v4 =	vor.u32 $0x13, v5  }
0x35c: {  	v60 =	vor.u32 $0x9, v7;
	v40 =	vld.idx.msk [tilespmem:v2+s12+$0x0], $0xffff  }
0x35d: {  	v63 =	vor.u32 $0xA, v7;
	v18 =	vld.idx.msk [tilespmem:v19+s12+$0x0], $0xffff  }
0x35e: {  	v19 =	vor.u32 $0x14, v5;
	v2 =	vld.idx.msk [tilespmem:v11+s23+$0x0], $0xffff  }
0x35f: {  	v20 =	vld.idx.msk [tilespmem:v1+s23+$0x0], $0xffff;
	v1 =	vor.u32 $0x15, v7  }
0x360: {  	[tilespmem:$0x1FBF0] =	vst v0;
	v0 =	vld.idx.msk [tilespmem:v4+s23+$0x0], $0xffff;
	v4 =	vor.u32 $0x15, v6  }
0x361: {  	v59 =	vld.idx.msk [tilespmem:v60+s12+$0x0], $0xffff  }
0x362: {  	v53 =	vld.idx.msk [tilespmem:v63+s12+$0x0], $0xffff;
	v8 =	vor.u32 $0x2, v6  }
0x363: {  	v10 =	vor.u32 $0x3, v5;
	[tilespmem:$0x1FC10] =	vst v2;
	v2 =	vld.idx.msk [tilespmem:v19+s23+$0x0], $0xffff  }
0x364: {  	v45 =	vor.u32 $0x6, v6;
	v19 =	vld.idx.msk [tilespmem:v1+s12+$0x0], $0xffff  }
0x365: {  	v15 =	vor.u32 $0x7, v5;
	v1 =	vld.idx.msk [tilespmem:v4+s23+$0x0], $0xffff  }
0x366: {  	v61 =	vor.u32 $0x9, v6;
	v3 =	vld.idx.msk [tilespmem:v6+s23+$0x0], $0xffff  }
0x367: {  	v23 =	vor.u32 $0xB, v6;
	v29 =	vld.idx.msk [tilespmem:v8+s23+$0x0], $0xffff  }
0x368: {  	v25 =	vor.u32 $0xB, v5;
	v39 =	vld.idx.msk [tilespmem:v10+s23+$0x0], $0xffff  }
0x369: {  	v33 =	vld.idx.msk [tilespmem:v45+s23+$0x0], $0xffff;
	[tilespmem:$0x1FC00] =	vst v0;
	v0 =	vor.u32 $0x15, v5  }
0x36a: {  	v49 =	vld.idx.msk [tilespmem:v15+s23+$0x0], $0xffff;
	[tilespmem:$0x1FC30] =	vst v1;
	v1 =	vor.u32 $0x16, v7  }
0x36b: {  	v9 =	vor.u32 $0x16, v6;
	v36 =	vld.idx.msk [tilespmem:v61+s23+$0x0], $0xffff  }
0x36c: {  	v32 =	vor.u32 $0xC, v6;
	v63 =	vld.idx.msk [tilespmem:v23+s23+$0x0], $0xffff  }
0x36d: {  	v60 =	vld.idx.msk [tilespmem:v25+s23+$0x0], $0xffff;
	v23 =	vor.u32 $0xE, v5  }
0x36e: {  	v8 =	vor.u32 $0x13, v7;
	v0 =	vld.idx.msk [tilespmem:v0+s23+$0x0], $0xffff  }
0x36f: {  	v17 =	vld.idx.msk [tilespmem:v1+s12+$0x0], $0xffff  }
0x370: {  	[tilespmem:$0x1FC20] =	vst v2;
	v2 =	vor.u32 $0x16, v5;
	v1 =	vld.idx.msk [tilespmem:v9+s23+$0x0], $0xffff  }
0x371: {  	v61 =	vld.idx.msk [tilespmem:v32+s23+$0x0], $0xffff  }
0x372: {  	v25 =	vor.u32 $0xF, v7;
	v45 =	vld.idx.msk [tilespmem:v23+s23+$0x0], $0xffff  }
0x373: {  	v15 =	vld.idx.msk [tilespmem:v8+s12+$0x0], $0xffff;
	v11 =	vor.u32 $0x17, v5  }
0x374: {  	v41 =	vor.u32 $0xD, v7;
	[tilespmem:$0x1FC40] =	vst v0;
	v0 =	vld.idx.msk [tilespmem:v7+s12+$0x0], $0xffff  }
0x375: {  	v23 =	vor.u32 $0x11, v7;
	[tilespmem:$0x1FC50] =	vst v1;
	v1 =	vld.idx.msk [tilespmem:v2+s23+$0x0], $0xffff  }
0x376: {  	v10 =	vor.u32 $0x17, v6;
	v8 =	vld.idx.msk [tilespmem:v5+s23+$0x0], $0xffff  }
0x377: {  	v32 =	vld.idx.msk [tilespmem:v25+s12+$0x0], $0xffff;
	v4 =	vor.u32 $0x17, v7  }
0x378: {  	v25 =	vor.u32 $0x13, v6;
	v11 =	vld.idx.msk [tilespmem:v11+s23+$0x0], $0xffff  }
0x379: {  	v41 =	vld.idx.msk [tilespmem:v41+s12+$0x0], $0xffff;
	v9 =	vor.u32 $0x18, v7  }
0x37a: {  	v23 =	vld.idx.msk [tilespmem:v23+s12+$0x0], $0xffff;
	v2 =	vor.u32 $0x18, v6;
	[tilespmem:$0x1FC60] =	vst v1;
	v1 =	vmul.f32 v3, v0  }
0x37b: {  	v12 =	vor.u32 $0x14, v7;
	v0 =	vmul.f32 v8, v0;
	v8 =	vld.idx.msk [tilespmem:v10+s23+$0x0], $0xffff  }
0x37c: {  	v3 =	vld.idx.msk [tilespmem:v4+s12+$0x0], $0xffff;
	v4 =	vor.u32 $0x18, v5;
	v10 =	vmul.f32 v20, v14;
	v1 =	vadd.f32 $0.0e+00, v1  }
0x37d: {  	v25 =	vld.idx.msk [tilespmem:v25+s23+$0x0], $0xffff;
	[tilespmem:$0x1FC80] =	vst v11;
	v11 =	vor.u32 $0x19, v6;
	v20 =	vmul.f32 v21, v14;
	v0 =	vadd.f32 $0.0e+00, v0  }
0x37e: {  	v14 =	vld.idx.msk [tilespmem:v9+s12+$0x0], $0xffff;
	v9 =	vor.u32 $0x19, v5;
	v1 =	vadd.f32 v10, v1;
	v10 =	vmul.f32 v29, v22  }
0x37f: {  	v29 =	vld.idx.msk [tilespmem:v2+s23+$0x0], $0xffff;
	v2 =	vor.u32 $0x1A, v7;
	v0 =	vadd.f32 v20, v0;
	v20 =	vmul.f32 v30, v22  }
0x380: {  	v12 =	vld.idx.msk [tilespmem:v12+s12+$0x0], $0xffff;
	[tilespmem:$0x1FC70] =	vst v8;
	v8 =	vor.u32 $0x19, v7;
	v1 =	vadd.f32 v10, v1;
	v10 =	vmul.f32 v24, v38  }
0x381: {  	v30 =	vld.idx.msk [tilespmem:v4+s23+$0x0], $0xffff;
	v4 =	vor.u32 $0x1A, v6;
	v0 =	vadd.f32 v20, v0;
	v24 =	vmul.f32 v39, v38  }
0x382: {  	v27 =	vmul.f32 v27, v31;
	v38 =	vld.idx.msk [tilespmem:v11+s23+$0x0], $0xffff;
	v11 =	vor.u32 $0x1B, v7;
	v1 =	vadd.f32 v10, v1  }
0x383: {  	v39 =	vld.idx.msk [tilespmem:v9+s23+$0x0], $0xffff;
	v9 =	vor.u32 $0x1B, v6;
	v0 =	vadd.f32 v24, v0;
	v24 =	vmul.f32 v47, v31  }
0x384: {  	v20 =	vor.u32 $0x1D, v7;
	v31 =	vld.idx.msk [tilespmem:v2+s12+$0x0], $0xffff;
	v2 =	vor.u32 $0x1B, v5;
	v1 =	vadd.f32 v27, v1  }
0x385: {  	v22 =	vld.idx.msk [tilespmem:v8+s12+$0x0], $0xffff;
	v27 =	vmul.f32 v28, v40;
	v0 =	vadd.f32 v24, v0;
	v28 =	vmul.f32 v48, v40  }
0x386: {  	v33 =	vmul.f32 v33, v13;
	v13 =	vmul.f32 v56, v13;
	v8 =	vor.u32 $0x1A, v5;
	v47 =	vld.idx.msk [tilespmem:v4+s23+$0x0], $0xffff  }
0x387: {  	v4 =	vor.u32 $0x1C, v7;
	v40 =	vld.idx.msk [tilespmem:v11+s12+$0x0], $0xffff;
	v1 =	vadd.f32 v27, v1;
	v0 =	vadd.f32 v28, v0  }
0x388: {  	v21 =	vmul.f32 v57, v16;
	v11 =	vor.u32 $0x1C, v5;
	v56 =	vld.idx.msk [tilespmem:v9+s23+$0x0], $0xffff  }
0x389: {  	v27 =	vmul.f32 v49, v16;
	v1 =	vadd.f32 v33, v1;
	v57 =	vld.idx.msk [tilespmem:v2+s23+$0x0], $0xffff;
	v24 =	vadd.f32 v13, v0  }
0x38a: {  	v2 =	vor.u32 $0x1D, v6;
	v33 =	vmul.f32 v34, v58;
	v34 =	vmul.f32 v37, v58;
	v58 =	vld.idx.msk [tilespmem:v20+s12+$0x0], $0xffff  }
0x38b: {  	v28 =	vor.u32 $0x1D, v5;
	v48 =	vld.idx.msk [tilespmem:v8+s23+$0x0], $0xffff;
	v10 =	vadd.f32 v27, v24  }
0x38c: {  	v20 =	vor.u32 $0x1E, v5;
	v8 =	vor.u32 $0x1C, v6;
	v49 =	vld.idx.msk [tilespmem:v4+s12+$0x0], $0xffff  }
0x38d: {  	v1 =	vadd.f32 v21, v1;
	v9 =	vld.idx.msk [tilespmem:v11+s23+$0x0], $0xffff;
	v10 =	vadd.f32 v34, v10;
	v34 =	vmul.f32 v62, v53  }
0x38e: {  	v11 =	vor.u32 $0x1E, v6;
	v62 =	vmul.f32 v54, v44;
	v54 =	vmul.f32 v52, v35;
	v52 =	vld [tilespmem:$0x1FBB0]  }
0x38f: {  	v37 =	vmul.f32 v36, v59;
	v24 =	vor.u32 $0x1F, v7;
	v16 =	vadd.f32 v33, v1;
	v1 =	vld.idx.msk [tilespmem:v2+s23+$0x0], $0xffff  }
0x390: {  	v42 =	vmul.f32 v42, v59;
	v2 =	vld.idx.msk [tilespmem:v28+s23+$0x0], $0xffff  }
0x391: {  	v59 =	vmul.f32 v43, v53;
	v0 =	vld.idx.msk [tilespmem:v8+s23+$0x0], $0xffff;
	v8 =	vor.u32 $0x1E, v7;
	v16 =	vadd.f32 v37, v16  }
0x392: {  	v27 =	vor.u32 $0x1F, v6;
	v13 =	vld.idx.msk [tilespmem:v20+s23+$0x0], $0xffff;
	v33 =	vadd.f32 v42, v10  }
0x393: {  	v37 =	vmul.f32 v63, v50;
	v42 =	vor.u32 $0x20, v7;
	v10 =	vld.idx.msk [tilespmem:v11+s23+$0x0], $0xffff;
	v36 =	vadd.f32 v59, v16  }
0x394: {  	v50 =	vmul.f32 v60, v50;
	v60 =	vmul.f32 v61, v44;
	v61 =	vor.u32 $0x20, v5;
	v4 =	vld.idx.msk [tilespmem:v24+s12+$0x0], $0xffff  }
0x395: {  	v43 =	vadd.f32 v34, v33;
	v16 =	vadd.f32 v37, v36;
	v36 =	vld [tilespmem:$0x1FBE0]  }
0x396: {  	v59 =	vor.u32 $0x20, v6;
	v53 =	vld.idx.msk [tilespmem:v8+s12+$0x0], $0xffff  }
0x397: {  	v28 =	vor.u32 $0x1F, v5;
	v21 =	vadd.f32 v50, v43;
	v8 =	vld.idx.msk [tilespmem:v27+s23+$0x0], $0xffff  }
0x398: {  	v51 =	vmul.f32 v51, v41;
	v44 =	vmul.f32 v55, v41;
	v50 =	vor.u32 $0x21, v6;
	v41 =	vld.idx.msk [tilespmem:v42+s12+$0x0], $0xffff  }
0x399: {  	v20 =	vld.idx.msk [tilespmem:v61+s23+$0x0], $0xffff;
	v21 =	vadd.f32 v62, v21  }
0x39a: {  	v63 =	vor.u32 $0x21, v7;
	v62 =	vmul.f32 v46, v32;
	v46 =	vld [tilespmem:$0x1FB90]  }
0x39b: {  	v42 =	vor.u32 $0x23, v5;
	v11 =	vld.idx.msk [tilespmem:v59+s23+$0x0], $0xffff;
	v59 =	vmul.f32 v45, v35;
	v21 =	vadd.f32 v51, v21  }
0x39c: {  	v34 =	vadd.f32 v60, v16;
	v16 =	vld.idx.msk [tilespmem:v28+s23+$0x0], $0xffff;
	v60 =	vor.u32 $0x22, v6  }
0x39d: {  	v33 =	vadd.f32 v59, v21;
	v21 =	vld.idx.msk [tilespmem:v50+s23+$0x0], $0xffff  }
0x39e: {  	v55 =	vor.u32 $0x22, v7;
	v50 =	vld [tilespmem:$0x1FBA0]  }
0x39f: {  	v35 =	vld.idx.msk [tilespmem:v63+s12+$0x0], $0xffff;
	v32 =	vmul.f32 v46, v32  }
0x3a0: {  	v37 =	vor.u32 $0x21, v5;
	v34 =	vadd.f32 v44, v34;
	v27 =	vld.idx.msk [tilespmem:v42+s23+$0x0], $0xffff  }
0x3a1: {  	v63 =	vor.u32 $0x22, v5;
	v33 =	vadd.f32 v32, v33;
	v32 =	vld.idx.msk [tilespmem:v60+s23+$0x0], $0xffff  }
0x3a2: {  	v61 =	vadd.f32 v54, v34;
	v60 =	vld [tilespmem:$0x1FBD0]  }
0x3a3: {  	v54 =	vmul.f32 v52, v26;
	v42 =	vor.u32 $0x25, v6;
	v51 =	vmul.f32 v50, v26;
	v26 =	vld.idx.msk [tilespmem:v55+s12+$0x0], $0xffff  }
0x3a4: {  	v34 =	vadd.f32 v62, v61;
	v62 =	vor.u32 $0x24, v6;
	v55 =	vld [tilespmem:$0x1FBC0]  }
0x3a5: {  	v24 =	vld.idx.msk [tilespmem:v37+s23+$0x0], $0xffff  }
0x3a6: {  	v44 =	vadd.f32 v54, v33;
	v33 =	vld.idx.msk [tilespmem:v63+s23+$0x0], $0xffff  }
0x3a7: {  	v54 =	vld [tilespmem:$0x1FBF0]  }
0x3a8: {  	v28 =	vor.u32 $0x23, v7;
	v42 =	vld.idx.msk [tilespmem:v42+s23+$0x0], $0xffff;
	v61 =	vmul.f32 v60, v23  }
0x3a9: {  	v37 =	vor.u32 $0x23, v6;
	v34 =	vadd.f32 v51, v34;
	v45 =	vld.idx.msk [tilespmem:v62+s23+$0x0], $0xffff;
	v59 =	vmul.f32 v55, v23  }
0x3aa: {  	v52 =	vadd.f32 v61, v44;
	v61 =	vld [tilespmem:$0x1FC10]  }
0x3ab: {  	v63 =	vadd.f32 v59, v34;
	v59 =	vld [tilespmem:$0x1FC00]  }
0x3ac: {  	v50 =	vmul.f32 v36, v18;
	v62 =	vld [tilespmem:$0x1FC20]  }
0x3ad: {  	v23 =	vld.idx.msk [tilespmem:v28+s12+$0x0], $0xffff;
	v44 =	vmul.f32 v54, v18;
	v55 =	vor.u32 $0x25, v7  }
0x3ae: {  	v25 =	vmul.f32 v25, v15;
	v18 =	vld.idx.msk [tilespmem:v37+s23+$0x0], $0xffff;
	v34 =	vadd.f32 v50, v63  }
0x3af: {  	v36 =	vadd.f32 v44, v52;
	v52 =	vld [tilespmem:$0x1FC30];
	v63 =	vor.u32 $0x26, v6  }
0x3b0: {  	v25 =	vadd.f32 v25, v34;
	v34 =	vmul.f32 v61, v12;
	v61 =	vld [tilespmem:$0x1FC60];
	v44 =	vmul.f32 v59, v15  }
0x3b1: {  	v43 =	vor.u32 $0x24, v7;
	v59 =	vld [tilespmem:$0x1FC50]  }
0x3b2: {  	v36 =	vadd.f32 v44, v36;
	v44 =	vmul.f32 v62, v12;
	v12 =	vld.idx.msk [tilespmem:v55+s12+$0x0], $0xffff  }
0x3b3: {  	v60 =	vor.u32 $0x25, v5;
	v55 =	vld [tilespmem:$0x1FC40]  }
0x3b4: {  	v51 =	vor.u32 $0x24, v5;
	v54 =	vmul.f32 v52, v19;
	v25 =	vadd.f32 v34, v25;
	v62 =	vld [tilespmem:$0x1FC70]  }
0x3b5: {  	v29 =	vmul.f32 v29, v14;
	v50 =	vld.idx.msk [tilespmem:v63+s23+$0x0], $0xffff;
	v63 =	vor.u32 $0x28, v7  }
0x3b6: {  	v46 =	vor.u32 $0x26, v7;
	v37 =	vor.u32 $0x26, v5;
	v15 =	vld.idx.msk [tilespmem:v43+s12+$0x0], $0xffff;
	v25 =	vadd.f32 v54, v25  }
0x3b7: {  	v54 =	vld [tilespmem:$0x1FC80];
	v36 =	vadd.f32 v44, v36;
	v44 =	vor.u32 $0x27, v7;
	v34 =	vmul.f32 v59, v17  }
0x3b8: {  	v43 =	vld.idx.msk [tilespmem:v60+s23+$0x0], $0xffff;
	v60 =	vor.u32 $0x27, v6;
	v59 =	vor.u32 $0x28, v5;
	v19 =	vmul.f32 v55, v19  }
0x3b9: {  	v28 =	vld.idx.msk [tilespmem:v51+s23+$0x0], $0xffff;
	v17 =	vmul.f32 v61, v17;
	v25 =	vadd.f32 v34, v25;
	v34 =	vmul.f32 v62, v3  }
0x3ba: {  	v61 =	vmul.f32 v38, v22;
	v62 =	vmul.f32 v39, v22;
	v22 =	vld.idx.msk [tilespmem:v63+s12+$0x0], $0xffff;
	v19 =	vadd.f32 v19, v36  }
0x3bb: {  	v51 =	vmul.f32 v47, v31;
	v36 =	vld.idx.msk [tilespmem:v46+s12+$0x0], $0xffff;
	v46 =	vor.u32 $0x27, v5;
	v25 =	vadd.f32 v34, v25  }
0x3bc: {  	v55 =	vor.u32 $0x28, v6;
	v3 =	vmul.f32 v54, v3;
	v34 =	vld.idx.msk [tilespmem:v44+s12+$0x0], $0xffff;
	v17 =	vadd.f32 v17, v19  }
0x3bd: {  	v63 =	vor.u32 $0x29, v5;
	v54 =	vmul.f32 v48, v31;
	v31 =	vld.idx.msk [tilespmem:v59+s23+$0x0], $0xffff;
	v25 =	vadd.f32 v29, v25  }
0x3be: {  	v14 =	vmul.f32 v30, v14;
	v3 =	vadd.f32 v3, v17;
	v17 =	vld.idx.msk [tilespmem:v60+s23+$0x0], $0xffff;
	v60 =	vor.u32 $0x29, v7  }
0x3bf: {  	v52 =	vor.u32 $0x2A, v7;
	v19 =	vld.idx.msk [tilespmem:v37+s23+$0x0], $0xffff;
	v25 =	vadd.f32 v61, v25  }
0x3c0: {  	v9 =	vmul.f32 v9, v49;
	v38 =	vld.idx.msk [tilespmem:v46+s23+$0x0], $0xffff;
	v46 =	vor.u32 $0x29, v6;
	v3 =	vadd.f32 v14, v3  }
0x3c1: {  	v59 =	vmul.f32 v56, v40;
	v37 =	vld.idx.msk [tilespmem:v55+s23+$0x0], $0xffff;
	v55 =	vor.u32 $0x2A, v6;
	v25 =	vadd.f32 v51, v25  }
0x3c2: {  	v1 =	vmul.f32 v1, v58;
	v29 =	vld.idx.msk [tilespmem:v63+s23+$0x0], $0xffff;
	v3 =	vadd.f32 v62, v3;
	v62 =	vor.u32 $0x2B, v7  }
0x3c3: {  	v0 =	vmul.f32 v0, v49;
	v25 =	vadd.f32 v59, v25;
	v30 =	vld.idx.msk [tilespmem:v60+s12+$0x0], $0xffff;
	v60 =	vor.u32 $0x2A, v5  }
0x3c4: {  	v61 =	vmul.f32 v57, v40;
	v14 =	vld.idx.msk [tilespmem:v52+s12+$0x0], $0xffff;
	v52 =	vor.u32 $0x2B, v5;
	v3 =	vadd.f32 v54, v3  }
0x3c5: {  	v2 =	vmul.f32 v2, v58;
	v63 =	vor.u32 $0x2B, v6;
	v40 =	vld.idx.msk [tilespmem:v46+s23+$0x0], $0xffff;
	v0 =	vadd.f32 v0, v25  }
0x3c6: {  	v58 =	vor.u32 $0x2D, v6;
	v25 =	vld.idx.msk [tilespmem:v55+s23+$0x0], $0xffff;
	v55 =	vor.u32 $0x2C, v6;
	v3 =	vadd.f32 v61, v3  }
0x3c7: {  	v54 =	vor.u32 $0x2C, v7;
	v0 =	vadd.f32 v1, v0;
	v1 =	vmul.f32 v10, v53;
	v10 =	vld.idx.msk [tilespmem:v62+s12+$0x0], $0xffff  }
0x3c8: {  	v49 =	vor.u32 $0x30, v6;
	v57 =	vor.u32 $0x2D, v7;
	v3 =	vadd.f32 v9, v3;
	v9 =	vld.idx.msk [tilespmem:v60+s23+$0x0], $0xffff  }
0x3c9: {  	v59 =	vor.u32 $0x2D, v5;
	v0 =	vadd.f32 v1, v0;
	v1 =	vmul.f32 v8, v4;
	v8 =	vld.idx.msk [tilespmem:v52+s23+$0x0], $0xffff  }
0x3ca: {  	v56 =	vor.u32 $0x2C, v5;
	v2 =	vadd.f32 v2, v3;
	v3 =	vmul.f32 v13, v53;
	v13 =	vld.idx.msk [tilespmem:v63+s23+$0x0], $0xffff  }
0x3cb: {  	v47 =	vor.u32 $0x2F, v5;
	v0 =	vadd.f32 v1, v0;
	v1 =	vmul.f32 v11, v41;
	v11 =	vld.idx.msk [tilespmem:v55+s23+$0x0], $0xffff  }
0x3cc: {  	v48 =	vor.u32 $0x30, v7;
	v2 =	vadd.f32 v3, v2;
	v3 =	vmul.f32 v16, v4;
	v4 =	vld.idx.msk [tilespmem:v54+s12+$0x0], $0xffff  }
0x3cd: {  	v61 =	vor.u32 $0x2E, v6;
	v0 =	vadd.f32 v1, v0;
	v1 =	vmul.f32 v21, v35;
	v21 =	vld.idx.msk [tilespmem:v57+s12+$0x0], $0xffff  }
0x3ce: {  	v63 =	vor.u32 $0x2F, v7;
	v16 =	vld.idx.msk [tilespmem:v59+s23+$0x0], $0xffff;
	v2 =	vadd.f32 v3, v2;
	v3 =	vmul.f32 v20, v41  }
0x3cf: {  	v60 =	vor.u32 $0x2E, v7;
	v20 =	vld.idx.msk [tilespmem:v56+s23+$0x0], $0xffff;
	v0 =	vadd.f32 v1, v0;
	v1 =	vmul.f32 v32, v26  }
0x3d0: {  	v53 =	vor.u32 $0x31, v6;
	v32 =	vld.idx.msk [tilespmem:v47+s23+$0x0], $0xffff;
	v2 =	vadd.f32 v3, v2;
	v3 =	vmul.f32 v24, v35  }
0x3d1: {  	v44 =	vor.u32 $0x36, v7;
	v62 =	vor.u32 $0x2E, v5;
	v24 =	vld.idx.msk [tilespmem:v58+s23+$0x0], $0xffff;
	v0 =	vadd.f32 v1, v0  }
0x3d2: {  	v1 =	vmul.f32 v18, v23;
	v18 =	vld.idx.msk [tilespmem:v61+s23+$0x0], $0xffff;
	v2 =	vadd.f32 v3, v2;
	v3 =	vmul.f32 v33, v26  }
0x3d3: {  	v51 =	vor.u32 $0x30, v5;
	v46 =	vor.u32 $0x2F, v6;
	v35 =	vld.idx.msk [tilespmem:v63+s12+$0x0], $0xffff;
	v61 =	vor.u32 $0x34, v7  }
0x3d4: {  	v63 =	vor.u32 $0x34, v5;
	v26 =	vld.idx.msk [tilespmem:v60+s12+$0x0], $0xffff;
	v2 =	vadd.f32 v3, v2;
	v3 =	vmul.f32 v27, v23  }
0x3d5: {  	v52 =	vor.u32 $0x31, v7;
	v0 =	vadd.f32 v1, v0;
	v1 =	vmul.f32 v45, v15;
	v33 =	vld.idx.msk [tilespmem:v53+s23+$0x0], $0xffff  }
0x3d6: {  	v57 =	vor.u32 $0x32, v5;
	v23 =	vld.idx.msk [tilespmem:v62+s23+$0x0], $0xffff;
	v2 =	vadd.f32 v3, v2;
	v3 =	vmul.f32 v28, v15  }
0x3d7: {  	v55 =	vor.u32 $0x32, v7;
	v0 =	vadd.f32 v1, v0;
	v1 =	vmul.f32 v42, v12;
	v27 =	vld.idx.msk [tilespmem:v49+s23+$0x0], $0xffff  }
0x3d8: {  	v54 =	vor.u32 $0x31, v5;
	v41 =	vld.idx.msk [tilespmem:v61+s12+$0x0], $0xffff;
	v2 =	vadd.f32 v3, v2;
	v3 =	vmul.f32 v43, v12  }
0x3d9: {  	v62 =	vor.u32 $0x34, v6;
	v45 =	vld.idx.msk [tilespmem:v63+s23+$0x0], $0xffff;
	v0 =	vadd.f32 v1, v0;
	v1 =	vmul.f32 v50, v36  }
0x3da: {  	v59 =	vor.u32 $0x33, v6;
	v15 =	vld.idx.msk [tilespmem:v46+s23+$0x0], $0xffff;
	v2 =	vadd.f32 v3, v2;
	v3 =	vmul.f32 v19, v36  }
0x3db: {  	v56 =	vor.u32 $0x32, v6;
	v28 =	vld.idx.msk [tilespmem:v57+s23+$0x0], $0xffff;
	v0 =	vadd.f32 v1, v0;
	v1 =	vmul.f32 v17, v34  }
0x3dc: {  	v47 =	vor.u32 $0x36, v5;
	v12 =	vld.idx.msk [tilespmem:v48+s12+$0x0], $0xffff;
	v2 =	vadd.f32 v3, v2;
	v3 =	vmul.f32 v38, v34  }
0x3dd: {  	v58 =	vor.u32 $0x33, v7;
	v17 =	vld.idx.msk [tilespmem:v52+s12+$0x0], $0xffff;
	v0 =	vadd.f32 v1, v0;
	v1 =	vmul.f32 v37, v22  }
0x3de: {  	v63 =	vor.u32 $0x3A, v7;
	v43 =	vld.idx.msk [tilespmem:v62+s23+$0x0], $0xffff;
	v2 =	vadd.f32 v3, v2;
	v3 =	vmul.f32 v31, v22  }
0x3df: {  	v46 =	vor.u32 $0x36, v6;
	v19 =	vld.idx.msk [tilespmem:v51+s23+$0x0], $0xffff;
	v0 =	vadd.f32 v1, v0;
	v1 =	vmul.f32 v40, v30  }
0x3e0: {  	v50 =	vor.u32 $0x37, v6;
	v37 =	vld.idx.msk [tilespmem:v54+s23+$0x0], $0xffff;
	v2 =	vadd.f32 v3, v2;
	v3 =	vmul.f32 v29, v30  }
0x3e1: {  	v60 =	vor.u32 $0x33, v5;
	v36 =	vld.idx.msk [tilespmem:v56+s23+$0x0], $0xffff;
	v0 =	vadd.f32 v1, v0;
	v1 =	vmul.f32 v25, v14  }
0x3e2: {  	v42 =	vor.u32 $0x35, v5;
	v51 =	vld.idx.msk [tilespmem:v44+s12+$0x0], $0xffff;
	v2 =	vadd.f32 v3, v2;
	v3 =	vmul.f32 v9, v14  }
0x3e3: {  	v49 =	vor.u32 $0x37, v7;
	v39 =	vld.idx.msk [tilespmem:v63+s12+$0x0], $0xffff;
	v0 =	vadd.f32 v1, v0;
	v1 =	vmul.f32 v13, v10  }
0x3e4: {  	v54 =	vor.u32 $0x38, v7;
	v53 =	vld.idx.msk [tilespmem:v46+s23+$0x0], $0xffff;
	v2 =	vadd.f32 v3, v2;
	v3 =	vmul.f32 v8, v10  }
0x3e5: {  	v56 =	vor.u32 $0x38, v5;
	v57 =	vld.idx.msk [tilespmem:v50+s23+$0x0], $0xffff;
	v0 =	vadd.f32 v1, v0;
	v1 =	vmul.f32 v11, v4  }
0x3e6: {  	v38 =	vld.idx.msk [tilespmem:v60+s23+$0x0], $0xffff;
	v40 =	vor.u32 $0x35, v6;
	v2 =	vadd.f32 v3, v2;
	v3 =	vmul.f32 v20, v4  }
0x3e7: {  	v52 =	vor.u32 $0x37, v5;
	v22 =	vld.idx.msk [tilespmem:v55+s12+$0x0], $0xffff;
	v0 =	vadd.f32 v1, v0;
	v1 =	vmul.f32 v24, v21  }
0x3e8: {  	v34 =	vor.u32 $0x35, v7;
	v25 =	vld.idx.msk [tilespmem:v58+s12+$0x0], $0xffff;
	v2 =	vadd.f32 v3, v2;
	v3 =	vmul.f32 v16, v21  }
0x3e9: {  	v62 =	vor.u32 $0x39, v5;
	v61 =	vld.idx.msk [tilespmem:v54+s12+$0x0], $0xffff;
	v0 =	vadd.f32 v1, v0;
	v1 =	vmul.f32 v18, v26  }
0x3ea: {  	v55 =	vor.u32 $0x38, v6;
	v31 =	vld.idx.msk [tilespmem:v56+s23+$0x0], $0xffff;
	v2 =	vadd.f32 v3, v2;
	v3 =	vmul.f32 v23, v26  }
0x3eb: {  	v46 =	vor.u32 $0x3C, v5;
	v48 =	vld.idx.msk [tilespmem:v40+s23+$0x0], $0xffff;
	v0 =	vadd.f32 v1, v0;
	v1 =	vmul.f32 v15, v35  }
0x3ec: {  	v50 =	vor.u32 $0x3D, v5;
	v9 =	vld.idx.msk [tilespmem:v59+s23+$0x0], $0xffff;
	v2 =	vadd.f32 v3, v2;
	v3 =	vmul.f32 v32, v35  }
0x3ed: {  	v40 =	vor.u32 $0x3B, v5;
	v14 =	vld.idx.msk [tilespmem:v34+s12+$0x0], $0xffff;
	v0 =	vadd.f32 v1, v0;
	v1 =	vmul.f32 v27, v12  }
0x3ee: {  	v59 =	vld.idx.msk [tilespmem:v52+s23+$0x0], $0xffff;
	v34 =	vor.u32 $0x3A, v5;
	v2 =	vadd.f32 v3, v2;
	v3 =	vmul.f32 v19, v12  }
0x3ef: {  	v29 =	vld.idx.msk [tilespmem:v55+s23+$0x0], $0xffff;
	v55 =	vor.u32 $0x3E, v5;
	v0 =	vadd.f32 v1, v0;
	v1 =	vmul.f32 v33, v17  }
0x3f0: {  	v52 =	vld.idx.msk [tilespmem:v46+s23+$0x0], $0xffff;
	v5 =	vor.u32 $0x3F, v5;
	v2 =	vadd.f32 v3, v2;
	v3 =	vmul.f32 v37, v17  }
0x3f1: {  	v10 =	vld.idx.msk [tilespmem:v42+s23+$0x0], $0xffff;
	v42 =	vor.u32 $0x3C, v7;
	v0 =	vadd.f32 v1, v0;
	v1 =	vmul.f32 v36, v22  }
0x3f2: {  	v24 =	vld.idx.msk [tilespmem:v47+s23+$0x0], $0xffff;
	v47 =	vor.u32 $0x3D, v7;
	v2 =	vadd.f32 v3, v2;
	v3 =	vmul.f32 v28, v22  }
0x3f3: {  	v58 =	vor.u32 $0x39, v7;
	v8 =	vld.idx.msk [tilespmem:v40+s23+$0x0], $0xffff;
	v0 =	vadd.f32 v1, v0;
	v1 =	vmul.f32 v9, v25  }
0x3f4: {  	v60 =	vor.u32 $0x39, v6;
	v21 =	vld.idx.msk [tilespmem:v49+s12+$0x0], $0xffff;
	v2 =	vadd.f32 v3, v2;
	v3 =	vmul.f32 v38, v25  }
0x3f5: {  	v5 =	vld.idx.msk [tilespmem:v5+s23+$0x0], $0xffff;
	v0 =	vadd.f32 v1, v0;
	v1 =	vmul.f32 v43, v41  }
0x3f6: {  	v49 =	vld.idx.msk [tilespmem:v42+s12+$0x0], $0xffff;
	v2 =	vadd.f32 v3, v2;
	v3 =	vmul.f32 v45, v41  }
0x3f7: {  	v54 =	vld.idx.msk [tilespmem:v47+s12+$0x0], $0xffff;
	v32 =	vor.u32 $0x3A, v6;
	v0 =	vadd.f32 v1, v0;
	v1 =	vmul.f32 v48, v14  }
0x3f8: {  	v33 =	vld.idx.msk [tilespmem:v58+s12+$0x0], $0xffff;
	v36 =	vor.u32 $0x3B, v7;
	v2 =	vadd.f32 v3, v2;
	v3 =	vmul.f32 v10, v14  }
0x3f9: {  	v35 =	vld.idx.msk [tilespmem:v60+s23+$0x0], $0xffff;
	v38 =	vor.u32 $0x3B, v6;
	v0 =	vadd.f32 v1, v0;
	v1 =	vmul.f32 v53, v51  }
0x3fa: {  	v37 =	vld.idx.msk [tilespmem:v62+s23+$0x0], $0xffff;
	v2 =	vadd.f32 v3, v2;
	v3 =	vmul.f32 v24, v51  }
0x3fb: {  	v44 =	vor.u32 $0x3C, v6;
	v43 =	vld.idx.msk [tilespmem:v34+s23+$0x0], $0xffff;
	v0 =	vadd.f32 v1, v0;
	v1 =	vmul.f32 v57, v21  }
0x3fc: {  	v41 =	vld.idx.msk [tilespmem:v32+s23+$0x0], $0xffff;
	v2 =	vadd.f32 v3, v2;
	v3 =	vmul.f32 v59, v21  }
0x3fd: {  	v48 =	vor.u32 $0x3D, v6;
	v45 =	vld.idx.msk [tilespmem:v36+s12+$0x0], $0xffff;
	v0 =	vadd.f32 v1, v0;
	v1 =	vmul.f32 v29, v61  }
0x3fe: {  	v53 =	vor.u32 $0x3E, v6;
	v20 =	vld.idx.msk [tilespmem:v38+s23+$0x0], $0xffff;
	v2 =	vadd.f32 v3, v2;
	v3 =	vmul.f32 v31, v61  }
0x3ff: {  	v60 =	vld.idx.msk [tilespmem:v55+s23+$0x0], $0xffff;
	v51 =	vor.u32 $0x3E, v7;
	v0 =	vadd.f32 v1, v0;
	v1 =	vmul.f32 v35, v33  }
0x400: {  	v6 =	vor.u32 $0x3F, v6;
	v14 =	vld.idx.msk [tilespmem:v44+s23+$0x0], $0xffff;
	v2 =	vadd.f32 v3, v2;
	v3 =	vmul.f32 v37, v33  }
0x401: {  	v57 =	vld.idx.msk [tilespmem:v50+s23+$0x0], $0xffff;
	v0 =	vadd.f32 v1, v0;
	v1 =	vmul.f32 v41, v39  }
0x402: {  	v56 =	vld.idx.msk [tilespmem:v48+s23+$0x0], $0xffff;
	v7 =	vor.u32 $0x3F, v7;
	v2 =	vadd.f32 v3, v2;
	v3 =	vmul.f32 v43, v39  }
0x403: {  	v59 =	vld.idx.msk [tilespmem:v53+s23+$0x0], $0xffff;
	v0 =	vadd.f32 v1, v0;
	v1 =	vmul.f32 v20, v45  }
0x404: {  	v58 =	vld.idx.msk [tilespmem:v51+s12+$0x0], $0xffff;
	v2 =	vadd.f32 v3, v2;
	v3 =	vmul.f32 v8, v45  }
0x405: {  	v6 =	vld.idx.msk [tilespmem:v6+s23+$0x0], $0xffff;
	v0 =	vadd.f32 v1, v0;
	v1 =	vmul.f32 v14, v49  }
0x406: {  	v61 =	vld [tilespmem:$0x1FC90];
	v2 =	vadd.f32 v3, v2;
	v3 =	vmul.f32 v52, v49  }
0x407: {  	v7 =	vld.idx.msk [tilespmem:v7+s12+$0x0], $0xffff;
	v0 =	vadd.f32 v1, v0;
	v1 =	vmul.f32 v56, v54  }
0x408: {  	v2 =	vadd.f32 v3, v2;
	v3 =	vmul.f32 v57, v54  }
0x409: {  	v0 =	vadd.f32 v1, v0;
	v1 =	vmul.f32 v59, v58  }
0x40a: {  	v2 =	vadd.f32 v3, v2;
	v3 =	vmul.f32 v60, v58  }
0x40b: {  	v0 =	vadd.f32 v1, v0  }
0x40c: {  	v1 =	vadd.f32 v3, v2;
	v2 =	vmul.f32 v6, v7;
	v3 =	vmul.f32 v5, v7;
	_ =	sdelay $0x1  }
0x40d: {  	v0 =	vadd.f32 v2, v0;
	v1 =	vadd.f32 v3, v1  }
0x40e: {  	v2 =	vld.idx.msk [tilespmem:v61+s13+$0x0], $0xffff  }
0x40f: {  	v3 =	vadd.f32 v1, v0  }
0x410: {  	v4 =	vshll.u32 v61, $0x3  }
0x411: {  	v62 =	vor.u32 $0x1, v4;
	v3 =	vmul.f32 $5.000000000e-01, v3  }
0x412: {  	p1 =	sne.s32 s31, $0x70;
	v63 =	vor.u32 $0x2, v4  }
.Ltmp3:
0x413: {  	v2 =	vadd.f32 v3, v2;
	(pc) =	sbr.rel @p1 .LBB2_8-.Ltmp3, $4  }
0x414: {  	_ = 	snop  }
0x415: {  	[tilespmem:v4+s25+$0x0] =	vst.idx.msk $0xffff, v2  }
0x416: {  	[tilespmem:v62+s25+$0x0] =	vst.idx.msk $0xffff, v0  }
0x417: {  	s31 =	sadd.s32 $0x10, s31;
	v2 =	vlaneseq.u32;
	[tilespmem:v63+s25+$0x0] =	vst.idx.msk $0xffff, v1  }
0x418: {  	s30 =	sadd.s32 $0x1, s30  }
0x419: {  	p1 =	sne.s32 s30, s8  }
.Ltmp4:
0x41a: {  	_ = 	snop;
	(pc) =	sbr.rel @p1 .LBB2_1-.Ltmp4, $4  }
0x41b: {  	[hbm4b:s7+s3] =	stream.linear.scatter [tilespmem:s25], [sflag:$0x5], $0x1000, $0x38;
	[tilespmem:$0x1A1A0] =	vst v63  }
0x41c: {  	_ =	swait.ge [sflag:s10], $0x1000  }
0x41d: {  	[sflag:s10] =	ssyncset.done $0x0  }
0x41e: {  	[sflag:s10] =	ssyncadd.s32 $0xFFFFF000  }
0x41f: {  	_ =	sfence.sel $0x180000  }
0x420: {  	[bflag:$0x0] =	sbarrier.arrive $0xFFFF  }
0x421: {  	_ =	strace $0x90000047  }
0x422: {  	s0 =	sadd.s32 @!p0 $0x100000, s1;
	[bflag:$0x2] =	sbarrier.arrive $0xFFFF  }
0x423: {  	[sflag:s0] =	ssyncadd.tile.s32 @!p0 $0x1;
	_ =	shalt  }
.Lfunc_end2:
_tile_overlayer_lowered:
.L_overlay_start_2:
0x424: {  	(tag) =	ssettag $0x2  }
0x425: {  	s0 =	rddreg [dreg:$0x0];
	s2 =	stileid.u32  }
0x426: {  	s1 =	rddreg [dreg:$0x1];
	p0 =	sne.s32 s2, $0x0  }
0x427: {  	s3 =	rddreg [dreg:$0x2];
	[bflag:$0x3] =	sbarrier.arrive $0xFFFF;
	s2 =	simm.s32 @!p0 $0x1C05  }
0x428: {  	[timem:s3], [sflag:s2] =	dma.local @!p0 [hbm:s0], s1  }
0x429: {  	s0 =	simm.s32 @!p0 $0x5  }
0x42a: {  	_ =	swait.ge @!p0 [sflag:s0], s1  }
0x42b: {  	s1 =	ssub.s32 @!p0 $0x0, s1;
	[sflag:s0] =	ssyncset.done @!p0 $0x0  }
0x42c: {  	[sflag:s0] =	ssyncadd.s32 @!p0 s1  }
0x42d: {  	[bflag:$0x3] =	sbarrier.arrive $0xFFFF  }
0x42e: {  	_ =	shalt  }

</sc_bundles>
